<compile_context>
chip_gen: v7x
topology: tpu7x:2x2x1
jax: 0.10.2.dev20260603
libtpu: 0.0.44.dev20260713+nightly
codegen_flags: <defaults>
</compile_context>

<pallas_src>
import functools

import jax
import jax.numpy as jnp
from jax import lax
from jax.experimental import pallas as pl
from jax.experimental.pallas import tpu as pltpu
from jax.experimental.pallas import tpu_sc as plsc

NC, NS, L = 2, 16, 16
NW = NC * NS
BATCH, INPUTS, OUTPUTS = 1024, 16384, 32768
ROWS_PER_W = BATCH // NW
WORDS = OUTPUTS // 2


def _gather_body(x_hbm, idx_hbm, out_hbm, idx_v, row0_v, row1_v,
                 outa_v, outb_v, idx_sem, in_sem0, in_sem1,
                 out_sem0, out_sem1):
    wid = lax.axis_index("s") * NC + lax.axis_index("c")
    base = wid * ROWS_PER_W

    rows = (row0_v, row1_v)
    outs = (outa_v, outb_v)
    in_sems = (in_sem0, in_sem1)
    out_sems = (out_sem0, out_sem1)
    in_copies = [None, None]
    out_copies = [None, None]

    idx_copy = pltpu.async_copy(idx_hbm, idx_v, idx_sem)
    in_copies[0] = pltpu.async_copy(x_hbm.at[base], rows[0], in_sems[0])
    idx_copy.wait()
    for r in range(ROWS_PER_W):
        cur = r & 1
        if r + 1 < ROWS_PER_W:
            in_copies[1 - cur] = pltpu.async_copy(
                x_hbm.at[base + r + 1], rows[1 - cur], in_sems[1 - cur])
        in_copies[cur].wait()
        if out_copies[cur] is not None:
            out_copies[cur].wait()
        row_ref = rows[cur]
        out_ref = outs[cur]
        last = r == ROWS_PER_W - 1
        spans = ((0, WORDS // 2), (WORDS // 2, WORDS)) if last \
            else ((0, WORDS),)
        tail_copies = []
        for lo_w, hi_w in spans:
            @plsc.parallel_loop(lo_w, hi_w, step=L, unroll=8)
            def _chunk(w, row_ref=row_ref, out_ref=out_ref):
                v = idx_v[pl.ds(w, L)]
                lo = v & 0xFFFF
                hi = v >> 16
                out_ref[pl.ds(2 * w, L)] = plsc.load_gather(row_ref, [lo])
                out_ref[pl.ds(2 * w + L, L)] = plsc.load_gather(row_ref, [hi])

            if last:
                tail_copies.append(pltpu.async_copy(
                    out_ref.at[pl.ds(2 * lo_w, 2 * (hi_w - lo_w))],
                    out_hbm.at[base + r, pl.ds(2 * lo_w, 2 * (hi_w - lo_w))],
                    out_sems[cur]))
            else:
                out_copies[cur] = pltpu.async_copy(
                    out_ref, out_hbm.at[base + r], out_sems[cur])
    out_copies[1 - ((ROWS_PER_W - 1) & 1)].wait()
    for c in tail_copies:
        c.wait()


_gather_call = functools.partial(
    pl.kernel,
    out_type=jax.ShapeDtypeStruct((BATCH, OUTPUTS), jnp.float32),
    mesh=plsc.VectorSubcoreMesh(
        core_axis_name="c", subcore_axis_name="s",
        num_cores=NC, num_subcores=NS,
    ),
    scratch_types=[
        pltpu.VMEM((OUTPUTS // 2,), jnp.int32),
        pltpu.VMEM((INPUTS,), jnp.float32),
        pltpu.VMEM((INPUTS,), jnp.float32),
        pltpu.VMEM((OUTPUTS,), jnp.float32),
        pltpu.VMEM((OUTPUTS,), jnp.float32),
        pltpu.SemaphoreType.DMA,
        pltpu.SemaphoreType.DMA,
        pltpu.SemaphoreType.DMA,
        pltpu.SemaphoreType.DMA,
        pltpu.SemaphoreType.DMA,
    ],
    compiler_params=pltpu.CompilerParams(needs_layout_passes=False),
)(_gather_body)


def kernel(x, indices):
    u = indices.astype(jnp.uint32)
    blk = u.reshape(-1, 2, L)
    packed = blk[:, 0, :] | (blk[:, 1, :] << 16)
    idx_words = packed.reshape(-1).astype(jnp.int32)
    return _gather_call(x, idx_words)

# --- scband reference (transcript-rebuilt; emitter-appended) ---
"""Pipeline reference for scband-fixed-power-law-interconnect-1494648619379 (READ-ONLY COPY).

The authoritative reference and input builder live on the scoring server;
editing this copy changes nothing except your own understanding.
"""

import jax, jax.numpy as jnp
import numpy as np

INPUTS = 16384
OUTPUTS = 32768
ALPHA = 2.0
X_MIN = 1.0
BATCH = 1024

def _make_indices():
    # Replicates FixedPowerLawInterconnect.__init__ index construction (alpha > 1 branch)
    rng = np.random.default_rng(0)
    r = rng.random(OUTPUTS).astype(np.float64)
    magnitudes = X_MIN * (1.0 - r) ** (-1.0 / (ALPHA - 1.0))
    signs = rng.integers(0, 2, size=OUTPUTS) * 2 - 1
    offsets = magnitudes * signs * INPUTS
    # torch .long() truncates toward zero; numpy astype(int64) does the same for finite values
    offsets = np.clip(offsets, -2**62, 2**62)
    idx = (np.arange(OUTPUTS, dtype=np.int64) + offsets.astype(np.int64)) % INPUTS
    return idx.astype(np.int32)

def setup_inputs(seed: int = 0) -> dict:
    key = jax.random.key(seed)
    x = jax.random.normal(key, (BATCH, INPUTS), dtype=jnp.float32)
    indices = jnp.asarray(_make_indices())
    return {"x": x, "indices": indices}

def reference(x, indices):
    # forward: x[:, self.indices]  (non-binarized path) -> column gather
    return jnp.take(x, indices, axis=1)

if __name__ == "__main__":
    import jax
    _d = setup_inputs()
    print(jax.jit(kernel)(*tuple(_d.values())))

</pallas_src>

<mosaic_0001>
#map = affine_map<(d0, d1) -> (0, 0)>
#map1 = affine_map<(d0, d1) -> (0)>
module attributes {stable_mosaic.version = 14 : i64} {
  func.func @_gather_body(%arg0: i32, %arg1: i32, %arg2: memref<1024x16384xf32, #tpu.memory_space<hbm>>, %arg3: memref<16384xi32, #tpu.memory_space<hbm>>, %arg4: memref<1024x32768xf32, #tpu.memory_space<hbm>>, %arg5: memref<16384xi32, #tpu.memory_space<vmem>>, %arg6: memref<16384xf32, #tpu.memory_space<vmem>>, %arg7: memref<16384xf32, #tpu.memory_space<vmem>>, %arg8: memref<32768xf32, #tpu.memory_space<vmem>>, %arg9: memref<32768xf32, #tpu.memory_space<vmem>>, %arg10: memref<!tpu.dma_semaphore, #tpu.memory_space<semaphore_mem>>, %arg11: memref<!tpu.dma_semaphore, #tpu.memory_space<semaphore_mem>>, %arg12: memref<!tpu.dma_semaphore, #tpu.memory_space<semaphore_mem>>, %arg13: memref<!tpu.dma_semaphore, #tpu.memory_space<semaphore_mem>>, %arg14: memref<!tpu.dma_semaphore, #tpu.memory_space<semaphore_mem>>) attributes {dimension_semantics = [#tpu.dimension_semantics<core_parallel>, #tpu.dimension_semantics<subcore_parallel>], iteration_bounds = array<i64: 2, 16>, scalar_prefetch = 0 : i64, scratch_operands = 10 : i64, tpu.core_type = #tpu.core_type<sc_vector_subcore>, window_params = [{transform_indices = #map}, {transform_indices = #map1}, {transform_indices = #map}]} {
    %mul3A = arith.constant 2 : i32
    %mul3A_0 = arith.muli %arg1, %mul3A : i32
    %add3A = arith.addi %mul3A_0, %arg0 : i32
    %mul3A_1 = arith.constant 32 : i32
    %mul3A_2 = arith.muli %add3A, %mul3A_1 : i32
    tpu.enqueue_dma source(%arg3 : memref<16384xi32, #tpu.memory_space<hbm>>) target(%arg5 : memref<16384xi32, #tpu.memory_space<vmem>>) target_semaphore(%arg10 : memref<!tpu.dma_semaphore, #tpu.memory_space<semaphore_mem>>)
    %dma_start3A = arith.constant 0 : i32
    %dma_start3A_3 = tpu.memref_slice %arg2[%mul3A_2, %dma_start3A] : memref<1024x16384xf32, #tpu.memory_space<hbm>> -> memref<1x16384xf32, #tpu.memory_space<hbm>>
    %dma_start3A_4 = tpu.memref_squeeze %dma_start3A_3 : memref<1x16384xf32, #tpu.memory_space<hbm>> -> memref<16384xf32, #tpu.memory_space<hbm>>
    %dma_start3A_5 = arith.constant 0 : i32
    %dma_start3A_6 = tpu.memref_slice %arg2[%mul3A_2, %dma_start3A_5] : memref<1024x16384xf32, #tpu.memory_space<hbm>> -> memref<1x16384xf32, #tpu.memory_space<hbm>>
    %dma_start3A_7 = tpu.memref_squeeze %dma_start3A_6 : memref<1x16384xf32, #tpu.memory_space<hbm>> -> memref<16384xf32, #tpu.memory_space<hbm>>
    tpu.enqueue_dma source(%dma_start3A_7 : memref<16384xf32, #tpu.memory_space<hbm>>) target(%arg6 : memref<16384xf32, #tpu.memory_space<vmem>>) target_semaphore(%arg11 : memref<!tpu.dma_semaphore, #tpu.memory_space<semaphore_mem>>)
    tpu.wait_dma2 semaphore(%arg10 : memref<!tpu.dma_semaphore, #tpu.memory_space<semaphore_mem>>) src(%arg3 : memref<16384xi32, #tpu.memory_space<hbm>>) dst(%arg5 : memref<16384xi32, #tpu.memory_space<vmem>>)
    %add3A_8 = arith.constant 0 : i32
    %add3A_9 = arith.addi %mul3A_2, %add3A_8 : i32
    %add3A_10 = arith.constant 1 : i32
    %add3A_11 = arith.addi %add3A_9, %add3A_10 : i32
    %dma_start3A_12 = arith.constant 0 : i32
    %dma_start3A_13 = tpu.memref_slice %arg2[%add3A_11, %dma_start3A_12] : memref<1024x16384xf32, #tpu.memory_space<hbm>> -> memref<1x16384xf32, #tpu.memory_space<hbm>>
    %dma_start3A_14 = tpu.memref_squeeze %dma_start3A_13 : memref<1x16384xf32, #tpu.memory_space<hbm>> -> memref<16384xf32, #tpu.memory_space<hbm>>
    %dma_start3A_15 = arith.constant 0 : i32
    %dma_start3A_16 = tpu.memref_slice %arg2[%add3A_11, %dma_start3A_15] : memref<1024x16384xf32, #tpu.memory_space<hbm>> -> memref<1x16384xf32, #tpu.memory_space<hbm>>
    %dma_start3A_17 = tpu.memref_squeeze %dma_start3A_16 : memref<1x16384xf32, #tpu.memory_space<hbm>> -> memref<16384xf32, #tpu.memory_space<hbm>>
    tpu.enqueue_dma source(%dma_start3A_17 : memref<16384xf32, #tpu.memory_space<hbm>>) target(%arg7 : memref<16384xf32, #tpu.memory_space<vmem>>) target_semaphore(%arg12 : memref<!tpu.dma_semaphore, #tpu.memory_space<semaphore_mem>>)
    %dma_wait3A = arith.constant 0 : i32
    %dma_wait3A_18 = tpu.memref_slice %arg2[%mul3A_2, %dma_wait3A] : memref<1024x16384xf32, #tpu.memory_space<hbm>> -> memref<1x16384xf32, #tpu.memory_space<hbm>>
    %dma_wait3A_19 = tpu.memref_squeeze %dma_wait3A_18 : memref<1x16384xf32, #tpu.memory_space<hbm>> -> memref<16384xf32, #tpu.memory_space<hbm>>
    %dma_wait3A_20 = arith.constant 0 : i32
    %dma_wait3A_21 = tpu.memref_slice %arg2[%mul3A_2, %dma_wait3A_20] : memref<1024x16384xf32, #tpu.memory_space<hbm>> -> memref<1x16384xf32, #tpu.memory_space<hbm>>
    %dma_wait3A_22 = tpu.memref_squeeze %dma_wait3A_21 : memref<1x16384xf32, #tpu.memory_space<hbm>> -> memref<16384xf32, #tpu.memory_space<hbm>>
    tpu.wait_dma2 semaphore(%arg11 : memref<!tpu.dma_semaphore, #tpu.memory_space<semaphore_mem>>) src(%dma_wait3A_22 : memref<16384xf32, #tpu.memory_space<hbm>>) dst(%arg6 : memref<16384xf32, #tpu.memory_space<vmem>>)
    %parallel_loop3A = arith.constant 0 : i32
    %parallel_loop3A_23 = arith.constant 16384 : i32
    %parallel_loop3A_24 = arith.constant 16 : i32
    scf.for %parallel_loop3A_1085 = %parallel_loop3A to %parallel_loop3A_23 step %parallel_loop3A_24  : i32 {
      %parallel_loop3A_1086 = arith.index_cast %parallel_loop3A_1085 : i32 to index
      %parallel_loop3A_1087 = tpu.vector_load %arg5[%parallel_loop3A_1086] {strides = array<i32>} : memref<16384xi32, #tpu.memory_space<vmem>>, vector<16xi32>,
      %parallel_loop3A_1088 = arith.constant 65535 : i32
      %parallel_loop3A_1089 = vector.broadcast %parallel_loop3A_1088 : i32 to vector<16xi32>
      %parallel_loop3A_1090 = arith.andi %parallel_loop3A_1087, %parallel_loop3A_1089 : vector<16xi32>
      %parallel_loop3A_1091 = arith.constant 16 : i32
      %parallel_loop3A_1092 = vector.broadcast %parallel_loop3A_1091 : i32 to vector<16xi32>
      %parallel_loop3A_1093 = arith.shrsi %parallel_loop3A_1087, %parallel_loop3A_1092 : vector<16xi32>
      %parallel_loop3A_1094 = tpu.vector_load_idx %arg6[%parallel_loop3A_1090] : memref<16384xf32, #tpu.memory_space<vmem>>[vector<16xi32>], vector<16xf32>,
      %parallel_loop3A_1095 = arith.constant 2 : i32
      %parallel_loop3A_1096 = arith.muli %parallel_loop3A_1095, %parallel_loop3A_1085 : i32
      %parallel_loop3A_1097 = arith.index_cast %parallel_loop3A_1096 : i32 to index
      %parallel_loop3A_1098 = tpu.vector_load %arg8[%parallel_loop3A_1097] {strides = array<i32>} : memref<32768xf32, #tpu.memory_space<vmem>>, vector<16xf32>,
      tpu.vector_store %arg8[%parallel_loop3A_1097], %parallel_loop3A_1094 {strides = array<i32>} : memref<32768xf32, #tpu.memory_space<vmem>>, vector<16xf32>,
      %parallel_loop3A_1099 = tpu.vector_load_idx %arg6[%parallel_loop3A_1093] : memref<16384xf32, #tpu.memory_space<vmem>>[vector<16xi32>], vector<16xf32>,
      %parallel_loop3A_1100 = arith.constant 2 : i32
      %parallel_loop3A_1101 = arith.muli %parallel_loop3A_1100, %parallel_loop3A_1085 : i32
      %parallel_loop3A_1102 = arith.constant 16 : i32
      %parallel_loop3A_1103 = arith.addi %parallel_loop3A_1101, %parallel_loop3A_1102 : i32
      %parallel_loop3A_1104 = arith.index_cast %parallel_loop3A_1103 : i32 to index
      %parallel_loop3A_1105 = tpu.vector_load %arg8[%parallel_loop3A_1104] {strides = array<i32>} : memref<32768xf32, #tpu.memory_space<vmem>>, vector<16xf32>,
      tpu.vector_store %arg8[%parallel_loop3A_1104], %parallel_loop3A_1099 {strides = array<i32>} : memref<32768xf32, #tpu.memory_space<vmem>>, vector<16xf32>,
    } {sc.loop_unroll_factor = 8 : i64, sc.parallel_access}
    %add3A_25 = arith.constant 0 : i32
    %add3A_26 = arith.addi %mul3A_2, %add3A_25 : i32
    %dma_start3A_27 = arith.constant 0 : i32
    %dma_start3A_28 = tpu.memref_slice %arg4[%add3A_26, %dma_start3A_27] : memref<1024x32768xf32, #tpu.memory_space<hbm>> -> memref<1x32768xf32, #tpu.memory_space<hbm>>
    %dma_start3A_29 = tpu.memref_squeeze %dma_start3A_28 : memref<1x32768xf32, #tpu.memory_space<hbm>> -> memref<32768xf32, #tpu.memory_space<hbm>>
    %dma_start3A_30 = arith.constant 0 : i32
    %dma_start3A_31 = tpu.memref_slice %arg4[%add3A_26, %dma_start3A_30] : memref<1024x32768xf32, #tpu.memory_space<hbm>> -> memref<1x32768xf32, #tpu.memory_space<hbm>>
    %dma_start3A_32 = tpu.memref_squeeze %dma_start3A_31 : memref<1x32768xf32, #tpu.memory_space<hbm>> -> memref<32768xf32, #tpu.memory_space<hbm>>
    tpu.enqueue_dma source(%arg8 : memref<32768xf32, #tpu.memory_space<vmem>>) target(%dma_start3A_32 : memref<32768xf32, #tpu.memory_space<hbm>>) target_semaphore(%arg13 : memref<!tpu.dma_semaphore, #tpu.memory_space<semaphore_mem>>)
    %add3A_33 = arith.constant 1 : i32
    %add3A_34 = arith.addi %mul3A_2, %add3A_33 : i32
    %add3A_35 = arith.constant 1 : i32
    %add3A_36 = arith.addi %add3A_34, %add3A_35 : i32
    %dma_start3A_37 = arith.constant 0 : i32
    %dma_start3A_38 = tpu.memref_slice %arg2[%add3A_36, %dma_start3A_37] : memref<1024x16384xf32, #tpu.memory_space<hbm>> -> memref<1x16384xf32, #tpu.memory_space<hbm>>
    %dma_start3A_39 = tpu.memref_squeeze %dma_start3A_38 : memref<1x16384xf32, #tpu.memory_space<hbm>> -> memref<16384xf32, #tpu.memory_space<hbm>>
    %dma_start3A_40 = arith.constant 0 : i32
    %dma_start3A_41 = tpu.memref_slice %arg2[%add3A_36, %dma_start3A_40] : memref<1024x16384xf32, #tpu.memory_space<hbm>> -> memref<1x16384xf32, #tpu.memory_space<hbm>>
    %dma_start3A_42 = tpu.memref_squeeze %dma_start3A_41 : memref<1x16384xf32, #tpu.memory_space<hbm>> -> memref<16384xf32, #tpu.memory_space<hbm>>
    tpu.enqueue_dma source(%dma_start3A_42 : memref<16384xf32, #tpu.memory_space<hbm>>) target(%arg6 : memref<16384xf32, #tpu.memory_space<vmem>>) target_semaphore(%arg11 : memref<!tpu.dma_semaphore, #tpu.memory_space<semaphore_mem>>)
    %dma_wait3A_43 = arith.constant 0 : i32
    %dma_wait3A_44 = tpu.memref_slice %arg2[%add3A_11, %dma_wait3A_43] : memref<1024x16384xf32, #tpu.memory_space<hbm>> -> memref<1x16384xf32, #tpu.memory_space<hbm>>
    %dma_wait3A_45 = tpu.memref_squeeze %dma_wait3A_44 : memref<1x16384xf32, #tpu.memory_space<hbm>> -> memref<16384xf32, #tpu.memory_space<hbm>>
    %dma_wait3A_46 = arith.constant 0 : i32
    %dma_wait3A_47 = tpu.memref_slice %arg2[%add3A_11, %dma_wait3A_46] : memref<1024x16384xf32, #tpu.memory_space<hbm>> -> memref<1x16384xf32, #tpu.memory_space<hbm>>
    %dma_wait3A_48 = tpu.memref_squeeze %dma_wait3A_47 : memref<1x16384xf32, #tpu.memory_space<hbm>> -> memref<16384xf32, #tpu.memory_space<hbm>>
    tpu.wait_dma2 semaphore(%arg12 : memref<!tpu.dma_semaphore, #tpu.memory_space<semaphore_mem>>) src(%dma_wait3A_48 : memref<16384xf32, #tpu.memory_space<hbm>>) dst(%arg7 : memref<16384xf32, #tpu.memory_space<vmem>>)
    %parallel_loop3A_49 = arith.constant 0 : i32
    %parallel_loop3A_50 = arith.constant 16384 : i32
    %parallel_loop3A_51 = arith.constant 16 : i32
    scf.for %parallel_loop3A_1085 = %parallel_loop3A_49 to %parallel_loop3A_50 step %parallel_loop3A_51  : i32 {
      %parallel_loop3A_1086 = arith.index_cast %parallel_loop3A_1085 : i32 to index
      %parallel_loop3A_1087 = tpu.vector_load %arg5[%parallel_loop3A_1086] {strides = array<i32>} : memref<16384xi32, #tpu.memory_space<vmem>>, vector<16xi32>,
      %parallel_loop3A_1088 = arith.constant 65535 : i32
      %parallel_loop3A_1089 = vector.broadcast %parallel_loop3A_1088 : i32 to vector<16xi32>
      %parallel_loop3A_1090 = arith.andi %parallel_loop3A_1087, %parallel_loop3A_1089 : vector<16xi32>
      %parallel_loop3A_1091 = arith.constant 16 : i32
      %parallel_loop3A_1092 = vector.broadcast %parallel_loop3A_1091 : i32 to vector<16xi32>
      %parallel_loop3A_1093 = arith.shrsi %parallel_loop3A_1087, %parallel_loop3A_1092 : vector<16xi32>
      %parallel_loop3A_1094 = tpu.vector_load_idx %arg7[%parallel_loop3A_1090] : memref<16384xf32, #tpu.memory_space<vmem>>[vector<16xi32>], vector<16xf32>,
      %parallel_loop3A_1095 = arith.constant 2 : i32
      %parallel_loop3A_1096 = arith.muli %parallel_loop3A_1095, %parallel_loop3A_1085 : i32
      %parallel_loop3A_1097 = arith.index_cast %parallel_loop3A_1096 : i32 to index
      %parallel_loop3A_1098 = tpu.vector_load %arg9[%parallel_loop3A_1097] {strides = array<i32>} : memref<32768xf32, #tpu.memory_space<vmem>>, vector<16xf32>,
      tpu.vector_store %arg9[%parallel_loop3A_1097], %parallel_loop3A_1094 {strides = array<i32>} : memref<32768xf32, #tpu.memory_space<vmem>>, vector<16xf32>,
      %parallel_loop3A_1099 = tpu.vector_load_idx %arg7[%parallel_loop3A_1093] : memref<16384xf32, #tpu.memory_space<vmem>>[vector<16xi32>], vector<16xf32>,
      %parallel_loop3A_1100 = arith.constant 2 : i32
      %parallel_loop3A_1101 = arith.muli %parallel_loop3A_1100, %parallel_loop3A_1085 : i32
      %parallel_loop3A_1102 = arith.constant 16 : i32
      %parallel_loop3A_1103 = arith.addi %parallel_loop3A_1101, %parallel_loop3A_1102 : i32
      %parallel_loop3A_1104 = arith.index_cast %parallel_loop3A_1103 : i32 to index
      %parallel_loop3A_1105 = tpu.vector_load %arg9[%parallel_loop3A_1104] {strides = array<i32>} : memref<32768xf32, #tpu.memory_space<vmem>>, vector<16xf32>,
      tpu.vector_store %arg9[%parallel_loop3A_1104], %parallel_loop3A_1099 {strides = array<i32>} : memref<32768xf32, #tpu.memory_space<vmem>>, vector<16xf32>,
    } {sc.loop_unroll_factor = 8 : i64, sc.parallel_access}
    %add3A_52 = arith.constant 1 : i32
    %add3A_53 = arith.addi %mul3A_2, %add3A_52 : i32
    %dma_start3A_54 = arith.constant 0 : i32
    %dma_start3A_55 = tpu.memref_slice %arg4[%add3A_53, %dma_start3A_54] : memref<1024x32768xf32, #tpu.memory_space<hbm>> -> memref<1x32768xf32, #tpu.memory_space<hbm>>
    %dma_start3A_56 = tpu.memref_squeeze %dma_start3A_55 : memref<1x32768xf32, #tpu.memory_space<hbm>> -> memref<32768xf32, #tpu.memory_space<hbm>>
    %dma_start3A_57 = arith.constant 0 : i32
    %dma_start3A_58 = tpu.memref_slice %arg4[%add3A_53, %dma_start3A_57] : memref<1024x32768xf32, #tpu.memory_space<hbm>> -> memref<1x32768xf32, #tpu.memory_space<hbm>>
    %dma_start3A_59 = tpu.memref_squeeze %dma_start3A_58 : memref<1x32768xf32, #tpu.memory_space<hbm>> -> memref<32768xf32, #tpu.memory_space<hbm>>
    tpu.enqueue_dma source(%arg9 : memref<32768xf32, #tpu.memory_space<vmem>>) target(%dma_start3A_59 : memref<32768xf32, #tpu.memory_space<hbm>>) target_semaphore(%arg14 : memref<!tpu.dma_semaphore, #tpu.memory_space<semaphore_mem>>)
    %add3A_60 = arith.constant 2 : i32
    %add3A_61 = arith.addi %mul3A_2, %add3A_60 : i32
    %add3A_62 = arith.constant 1 : i32
    %add3A_63 = arith.addi %add3A_61, %add3A_62 : i32
    %dma_start3A_64 = arith.constant 0 : i32
    %dma_start3A_65 = tpu.memref_slice %arg2[%add3A_63, %dma_start3A_64] : memref<1024x16384xf32, #tpu.memory_space<hbm>> -> memref<1x16384xf32, #tpu.memory_space<hbm>>
    %dma_start3A_66 = tpu.memref_squeeze %dma_start3A_65 : memref<1x16384xf32, #tpu.memory_space<hbm>> -> memref<16384xf32, #tpu.memory_space<hbm>>
    %dma_start3A_67 = arith.constant 0 : i32
    %dma_start3A_68 = tpu.memref_slice %arg2[%add3A_63, %dma_start3A_67] : memref<1024x16384xf32, #tpu.memory_space<hbm>> -> memref<1x16384xf32, #tpu.memory_space<hbm>>
    %dma_start3A_69 = tpu.memref_squeeze %dma_start3A_68 : memref<1x16384xf32, #tpu.memory_space<hbm>> -> memref<16384xf32, #tpu.memory_space<hbm>>
    tpu.enqueue_dma source(%dma_start3A_69 : memref<16384xf32, #tpu.memory_space<hbm>>) target(%arg7 : memref<16384xf32, #tpu.memory_space<vmem>>) target_semaphore(%arg12 : memref<!tpu.dma_semaphore, #tpu.memory_space<semaphore_mem>>)
    %dma_wait3A_70 = arith.constant 0 : i32
    %dma_wait3A_71 = tpu.memref_slice %arg2[%add3A_36, %dma_wait3A_70] : memref<1024x16384xf32, #tpu.memory_space<hbm>> -> memref<1x16384xf32, #tpu.memory_space<hbm>>
    %dma_wait3A_72 = tpu.memref_squeeze %dma_wait3A_71 : memref<1x16384xf32, #tpu.memory_space<hbm>> -> memref<16384xf32, #tpu.memory_space<hbm>>
    %dma_wait3A_73 = arith.constant 0 : i32
    %dma_wait3A_74 = tpu.memref_slice %arg2[%add3A_36, %dma_wait3A_73] : memref<1024x16384xf32, #tpu.memory_space<hbm>> -> memref<1x16384xf32, #tpu.memory_space<hbm>>
    %dma_wait3A_75 = tpu.memref_squeeze %dma_wait3A_74 : memref<1x16384xf32, #tpu.memory_space<hbm>> -> memref<16384xf32, #tpu.memory_space<hbm>>
    tpu.wait_dma2 semaphore(%arg11 : memref<!tpu.dma_semaphore, #tpu.memory_space<semaphore_mem>>) src(%dma_wait3A_75 : memref<16384xf32, #tpu.memory_space<hbm>>) dst(%arg6 : memref<16384xf32, #tpu.memory_space<vmem>>)
    %dma_wait3A_76 = arith.constant 0 : i32
    %dma_wait3A_77 = tpu.memref_slice %arg4[%add3A_26, %dma_wait3A_76] : memref<1024x32768xf32, #tpu.memory_space<hbm>> -> memref<1x32768xf32, #tpu.memory_space<hbm>>
    %dma_wait3A_78 = tpu.memref_squeeze %dma_wait3A_77 : memref<1x32768xf32, #tpu.memory_space<hbm>> -> memref<32768xf32, #tpu.memory_space<hbm>>
    %dma_wait3A_79 = arith.constant 0 : i32
    %dma_wait3A_80 = tpu.memref_slice %arg4[%add3A_26, %dma_wait3A_79] : memref<1024x32768xf32, #tpu.memory_space<hbm>> -> memref<1x32768xf32, #tpu.memory_space<hbm>>
    %dma_wait3A_81 = tpu.memref_squeeze %dma_wait3A_80 : memref<1x32768xf32, #tpu.memory_space<hbm>> -> memref<32768xf32, #tpu.memory_space<hbm>>
    tpu.wait_dma2 semaphore(%arg13 : memref<!tpu.dma_semaphore, #tpu.memory_space<semaphore_mem>>) src(%arg8 : memref<32768xf32, #tpu.memory_space<vmem>>) dst(%dma_wait3A_81 : memref<32768xf32, #tpu.memory_space<hbm>>)
    %parallel_loop3A_82 = arith.constant 0 : i32
    %parallel_loop3A_83 = arith.constant 16384 : i32
    %parallel_loop3A_84 = arith.constant 16 : i32
    scf.for %parallel_loop3A_1085 = %parallel_loop3A_82 to %parallel_loop3A_83 step %parallel_loop3A_84  : i32 {
      %parallel_loop3A_1086 = arith.index_cast %parallel_loop3A_1085 : i32 to index
      %parallel_loop3A_1087 = tpu.vector_load %arg5[%parallel_loop3A_1086] {strides = array<i32>} : memref<16384xi32, #tpu.memory_space<vmem>>, vector<16xi32>,
      %parallel_loop3A_1088 = arith.constant 65535 : i32
      %parallel_loop3A_1089 = vector.broadcast %parallel_loop3A_1088 : i32 to vector<16xi32>
      %parallel_loop3A_1090 = arith.andi %parallel_loop3A_1087, %parallel_loop3A_1089 : vector<16xi32>
      %parallel_loop3A_1091 = arith.constant 16 : i32
      %parallel_loop3A_1092 = vector.broadcast %parallel_loop3A_1091 : i32 to vector<16xi32>
      %parallel_loop3A_1093 = arith.shrsi %parallel_loop3A_1087, %parallel_loop3A_1092 : vector<16xi32>
      %parallel_loop3A_1094 = tpu.vector_load_idx %arg6[%parallel_loop3A_1090] : memref<16384xf32, #tpu.memory_space<vmem>>[vector<16xi32>], vector<16xf32>,
      %parallel_loop3A_1095 = arith.constant 2 : i32
      %parallel_loop3A_1096 = arith.muli %parallel_loop3A_1095, %parallel_loop3A_1085 : i32
      %parallel_loop3A_1097 = arith.index_cast %parallel_loop3A_1096 : i32 to index
      %parallel_loop3A_1098 = tpu.vector_load %arg8[%parallel_loop3A_1097] {strides = array<i32>} : memref<32768xf32, #tpu.memory_space<vmem>>, vector<16xf32>,
      tpu.vector_store %arg8[%parallel_loop3A_1097], %parallel_loop3A_1094 {strides = array<i32>} : memref<32768xf32, #tpu.memory_space<vmem>>, vector<16xf32>,
      %parallel_loop3A_1099 = tpu.vector_load_idx %arg6[%parallel_loop3A_1093] : memref<16384xf32, #tpu.memory_space<vmem>>[vector<16xi32>], vector<16xf32>,
      %parallel_loop3A_1100 = arith.constant 2 : i32
      %parallel_loop3A_1101 = arith.muli %parallel_loop3A_1100, %parallel_loop3A_1085 : i32
      %parallel_loop3A_1102 = arith.constant 16 : i32
      %parallel_loop3A_1103 = arith.addi %parallel_loop3A_1101, %parallel_loop3A_1102 : i32
      %parallel_loop3A_1104 = arith.index_cast %parallel_loop3A_1103 : i32 to index
      %parallel_loop3A_1105 = tpu.vector_load %arg8[%parallel_loop3A_1104] {strides = array<i32>} : memref<32768xf32, #tpu.memory_space<vmem>>, vector<16xf32>,
      tpu.vector_store %arg8[%parallel_loop3A_1104], %parallel_loop3A_1099 {strides = array<i32>} : memref<32768xf32, #tpu.memory_space<vmem>>, vector<16xf32>,
    } {sc.loop_unroll_factor = 8 : i64, sc.parallel_access}
    %add3A_85 = arith.constant 2 : i32
    %add3A_86 = arith.addi %mul3A_2, %add3A_85 : i32
    %dma_start3A_87 = arith.constant 0 : i32
    %dma_start3A_88 = tpu.memref_slice %arg4[%add3A_86, %dma_start3A_87] : memref<1024x32768xf32, #tpu.memory_space<hbm>> -> memref<1x32768xf32, #tpu.memory_space<hbm>>
    %dma_start3A_89 = tpu.memref_squeeze %dma_start3A_88 : memref<1x32768xf32, #tpu.memory_space<hbm>> -> memref<32768xf32, #tpu.memory_space<hbm>>
    %dma_start3A_90 = arith.constant 0 : i32
    %dma_start3A_91 = tpu.memref_slice %arg4[%add3A_86, %dma_start3A_90] : memref<1024x32768xf32, #tpu.memory_space<hbm>> -> memref<1x32768xf32, #tpu.memory_space<hbm>>
    %dma_start3A_92 = tpu.memref_squeeze %dma_start3A_91 : memref<1x32768xf32, #tpu.memory_space<hbm>> -> memref<32768xf32, #tpu.memory_space<hbm>>
    tpu.enqueue_dma source(%arg8 : memref<32768xf32, #tpu.memory_space<vmem>>) target(%dma_start3A_92 : memref<32768xf32, #tpu.memory_space<hbm>>) target_semaphore(%arg13 : memref<!tpu.dma_semaphore, #tpu.memory_space<semaphore_mem>>)
    %add3A_93 = arith.constant 3 : i32
    %add3A_94 = arith.addi %mul3A_2, %add3A_93 : i32
    %add3A_95 = arith.constant 1 : i32
    %add3A_96 = arith.addi %add3A_94, %add3A_95 : i32
    %dma_start3A_97 = arith.constant 0 : i32
    %dma_start3A_98 = tpu.memref_slice %arg2[%add3A_96, %dma_start3A_97] : memref<1024x16384xf32, #tpu.memory_space<hbm>> -> memref<1x16384xf32, #tpu.memory_space<hbm>>
    %dma_start3A_99 = tpu.memref_squeeze %dma_start3A_98 : memref<1x16384xf32, #tpu.memory_space<hbm>> -> memref<16384xf32, #tpu.memory_space<hbm>>
    %dma_start3A_100 = arith.constant 0 : i32
    %dma_start3A_101 = tpu.memref_slice %arg2[%add3A_96, %dma_start3A_100] : memref<1024x16384xf32, #tpu.memory_space<hbm>> -> memref<1x16384xf32, #tpu.memory_space<hbm>>
    %dma_start3A_102 = tpu.memref_squeeze %dma_start3A_101 : memref<1x16384xf32, #tpu.memory_space<hbm>> -> memref<16384xf32, #tpu.memory_space<hbm>>
    tpu.enqueue_dma source(%dma_start3A_102 : memref<16384xf32, #tpu.memory_space<hbm>>) target(%arg6 : memref<16384xf32, #tpu.memory_space<vmem>>) target_semaphore(%arg11 : memref<!tpu.dma_semaphore, #tpu.memory_space<semaphore_mem>>)
    %dma_wait3A_103 = arith.constant 0 : i32
    %dma_wait3A_104 = tpu.memref_slice %arg2[%add3A_63, %dma_wait3A_103] : memref<1024x16384xf32, #tpu.memory_space<hbm>> -> memref<1x16384xf32, #tpu.memory_space<hbm>>
    %dma_wait3A_105 = tpu.memref_squeeze %dma_wait3A_104 : memref<1x16384xf32, #tpu.memory_space<hbm>> -> memref<16384xf32, #tpu.memory_space<hbm>>
    %dma_wait3A_106 = arith.constant 0 : i32
    %dma_wait3A_107 = tpu.memref_slice %arg2[%add3A_63, %dma_wait3A_106] : memref<1024x16384xf32, #tpu.memory_space<hbm>> -> memref<1x16384xf32, #tpu.memory_space<hbm>>
    %dma_wait3A_108 = tpu.memref_squeeze %dma_wait3A_107 : memref<1x16384xf32, #tpu.memory_space<hbm>> -> memref<16384xf32, #tpu.memory_space<hbm>>
    tpu.wait_dma2 semaphore(%arg12 : memref<!tpu.dma_semaphore, #tpu.memory_space<semaphore_mem>>) src(%dma_wait3A_108 : memref<16384xf32, #tpu.memory_space<hbm>>) dst(%arg7 : memref<16384xf32, #tpu.memory_space<vmem>>)
    %dma_wait3A_109 = arith.constant 0 : i32
    %dma_wait3A_110 = tpu.memref_slice %arg4[%add3A_53, %dma_wait3A_109] : memref<1024x32768xf32, #tpu.memory_space<hbm>> -> memref<1x32768xf32, #tpu.memory_space<hbm>>
    %dma_wait3A_111 = tpu.memref_squeeze %dma_wait3A_110 : memref<1x32768xf32, #tpu.memory_space<hbm>> -> memref<32768xf32, #tpu.memory_space<hbm>>
    %dma_wait3A_112 = arith.constant 0 : i32
    %dma_wait3A_113 = tpu.memref_slice %arg4[%add3A_53, %dma_wait3A_112] : memref<1024x32768xf32, #tpu.memory_space<hbm>> -> memref<1x32768xf32, #tpu.memory_space<hbm>>
    %dma_wait3A_114 = tpu.memref_squeeze %dma_wait3A_113 : memref<1x32768xf32, #tpu.memory_space<hbm>> -> memref<32768xf32, #tpu.memory_space<hbm>>
    tpu.wait_dma2 semaphore(%arg14 : memref<!tpu.dma_semaphore, #tpu.memory_space<semaphore_mem>>) src(%arg9 : memref<32768xf32, #tpu.memory_space<vmem>>) dst(%dma_wait3A_114 : memref<32768xf32, #tpu.memory_space<hbm>>)
    %parallel_loop3A_115 = arith.constant 0 : i32
    %parallel_loop3A_116 = arith.constant 16384 : i32
    %parallel_loop3A_117 = arith.constant 16 : i32
    scf.for %parallel_loop3A_1085 = %parallel_loop3A_115 to %parallel_loop3A_116 step %parallel_loop3A_117  : i32 {
      %parallel_loop3A_1086 = arith.index_cast %parallel_loop3A_1085 : i32 to index
      %parallel_loop3A_1087 = tpu.vector_load %arg5[%parallel_loop3A_1086] {strides = array<i32>} : memref<16384xi32, #tpu.memory_space<vmem>>, vector<16xi32>,
      %parallel_loop3A_1088 = arith.constant 65535 : i32
      %parallel_loop3A_1089 = vector.broadcast %parallel_loop3A_1088 : i32 to vector<16xi32>
      %parallel_loop3A_1090 = arith.andi %parallel_loop3A_1087, %parallel_loop3A_1089 : vector<16xi32>
      %parallel_loop3A_1091 = arith.constant 16 : i32
      %parallel_loop3A_1092 = vector.broadcast %parallel_loop3A_1091 : i32 to vector<16xi32>
      %parallel_loop3A_1093 = arith.shrsi %parallel_loop3A_1087, %parallel_loop3A_1092 : vector<16xi32>
      %parallel_loop3A_1094 = tpu.vector_load_idx %arg7[%parallel_loop3A_1090] : memref<16384xf32, #tpu.memory_space<vmem>>[vector<16xi32>], vector<16xf32>,
      %parallel_loop3A_1095 = arith.constant 2 : i32
      %parallel_loop3A_1096 = arith.muli %parallel_loop3A_1095, %parallel_loop3A_1085 : i32
      %parallel_loop3A_1097 = arith.index_cast %parallel_loop3A_1096 : i32 to index
      %parallel_loop3A_1098 = tpu.vector_load %arg9[%parallel_loop3A_1097] {strides = array<i32>} : memref<32768xf32, #tpu.memory_space<vmem>>, vector<16xf32>,
      tpu.vector_store %arg9[%parallel_loop3A_1097], %parallel_loop3A_1094 {strides = array<i32>} : memref<32768xf32, #tpu.memory_space<vmem>>, vector<16xf32>,
      %parallel_loop3A_1099 = tpu.vector_load_idx %arg7[%parallel_loop3A_1093] : memref<16384xf32, #tpu.memory_space<vmem>>[vector<16xi32>], vector<16xf32>,
      %parallel_loop3A_1100 = arith.constant 2 : i32
      %parallel_loop3A_1101 = arith.muli %parallel_loop3A_1100, %parallel_loop3A_1085 : i32
      %parallel_loop3A_1102 = arith.constant 16 : i32
      %parallel_loop3A_1103 = arith.addi %parallel_loop3A_1101, %parallel_loop3A_1102 : i32
      %parallel_loop3A_1104 = arith.index_cast %parallel_loop3A_1103 : i32 to index
      %parallel_loop3A_1105 = tpu.vector_load %arg9[%parallel_loop3A_1104] {strides = array<i32>} : memref<32768xf32, #tpu.memory_space<vmem>>, vector<16xf32>,
      tpu.vector_store %arg9[%parallel_loop3A_1104], %parallel_loop3A_1099 {strides = array<i32>} : memref<32768xf32, #tpu.memory_space<vmem>>, vector<16xf32>,
    } {sc.loop_unroll_factor = 8 : i64, sc.parallel_access}
    %add3A_118 = arith.constant 3 : i32
    %add3A_119 = arith.addi %mul3A_2, %add3A_118 : i32
    %dma_start3A_120 = arith.constant 0 : i32
    %dma_start3A_121 = tpu.memref_slice %arg4[%add3A_119, %dma_start3A_120] : memref<1024x32768xf32, #tpu.memory_space<hbm>> -> memref<1x32768xf32, #tpu.memory_space<hbm>>
    %dma_start3A_122 = tpu.memref_squeeze %dma_start3A_121 : memref<1x32768xf32, #tpu.memory_space<hbm>> -> memref<32768xf32, #tpu.memory_space<hbm>>
    %dma_start3A_123 = arith.constant 0 : i32
    %dma_start3A_124 = tpu.memref_slice %arg4[%add3A_119, %dma_start3A_123] : memref<1024x32768xf32, #tpu.memory_space<hbm>> -> memref<1x32768xf32, #tpu.memory_space<hbm>>
    %dma_start3A_125 = tpu.memref_squeeze %dma_start3A_124 : memref<1x32768xf32, #tpu.memory_space<hbm>> -> memref<32768xf32, #tpu.memory_space<hbm>>
    tpu.enqueue_dma source(%arg9 : memref<32768xf32, #tpu.memory_space<vmem>>) target(%dma_start3A_125 : memref<32768xf32, #tpu.memory_space<hbm>>) target_semaphore(%arg14 : memref<!tpu.dma_semaphore, #tpu.memory_space<semaphore_mem>>)
    %add3A_126 = arith.constant 4 : i32
    %add3A_127 = arith.addi %mul3A_2, %add3A_126 : i32
    %add3A_128 = arith.constant 1 : i32
    %add3A_129 = arith.addi %add3A_127, %add3A_128 : i32
    %dma_start3A_130 = arith.constant 0 : i32
    %dma_start3A_131 = tpu.memref_slice %arg2[%add3A_129, %dma_start3A_130] : memref<1024x16384xf32, #tpu.memory_space<hbm>> -> memref<1x16384xf32, #tpu.memory_space<hbm>>
    %dma_start3A_132 = tpu.memref_squeeze %dma_start3A_131 : memref<1x16384xf32, #tpu.memory_space<hbm>> -> memref<16384xf32, #tpu.memory_space<hbm>>
    %dma_start3A_133 = arith.constant 0 : i32
    %dma_start3A_134 = tpu.memref_slice %arg2[%add3A_129, %dma_start3A_133] : memref<1024x16384xf32, #tpu.memory_space<hbm>> -> memref<1x16384xf32, #tpu.memory_space<hbm>>
    %dma_start3A_135 = tpu.memref_squeeze %dma_start3A_134 : memref<1x16384xf32, #tpu.memory_space<hbm>> -> memref<16384xf32, #tpu.memory_space<hbm>>
    tpu.enqueue_dma source(%dma_start3A_135 : memref<16384xf32, #tpu.memory_space<hbm>>) target(%arg7 : memref<16384xf32, #tpu.memory_space<vmem>>) target_semaphore(%arg12 : memref<!tpu.dma_semaphore, #tpu.memory_space<semaphore_mem>>)
    %dma_wait3A_136 = arith.constant 0 : i32
    %dma_wait3A_137 = tpu.memref_slice %arg2[%add3A_96, %dma_wait3A_136] : memref<1024x16384xf32, #tpu.memory_space<hbm>> -> memref<1x16384xf32, #tpu.memory_space<hbm>>
    %dma_wait3A_138 = tpu.memref_squeeze %dma_wait3A_137 : memref<1x16384xf32, #tpu.memory_space<hbm>> -> memref<16384xf32, #tpu.memory_space<hbm>>
    %dma_wait3A_139 = arith.constant 0 : i32
    %dma_wait3A_140 = tpu.memref_slice %arg2[%add3A_96, %dma_wait3A_139] : memref<1024x16384xf32, #tpu.memory_space<hbm>> -> memref<1x16384xf32, #tpu.memory_space<hbm>>
    %dma_wait3A_141 = tpu.memref_squeeze %dma_wait3A_140 : memref<1x16384xf32, #tpu.memory_space<hbm>> -> memref<16384xf32, #tpu.memory_space<hbm>>
    tpu.wait_dma2 semaphore(%arg11 : memref<!tpu.dma_semaphore, #tpu.memory_space<semaphore_mem>>) src(%dma_wait3A_141 : memref<16384xf32, #tpu.memory_space<hbm>>) dst(%arg6 : memref<16384xf32, #tpu.memory_space<vmem>>)
    %dma_wait3A_142 = arith.constant 0 : i32
    %dma_wait3A_143 = tpu.memref_slice %arg4[%add3A_86, %dma_wait3A_142] : memref<1024x32768xf32, #tpu.memory_space<hbm>> -> memref<1x32768xf32, #tpu.memory_space<hbm>>
    %dma_wait3A_144 = tpu.memref_squeeze %dma_wait3A_143 : memref<1x32768xf32, #tpu.memory_space<hbm>> -> memref<32768xf32, #tpu.memory_space<hbm>>
    %dma_wait3A_145 = arith.constant 0 : i32
    %dma_wait3A_146 = tpu.memref_slice %arg4[%add3A_86, %dma_wait3A_145] : memref<1024x32768xf32, #tpu.memory_space<hbm>> -> memref<1x32768xf32, #tpu.memory_space<hbm>>
    %dma_wait3A_147 = tpu.memref_squeeze %dma_wait3A_146 : memref<1x32768xf32, #tpu.memory_space<hbm>> -> memref<32768xf32, #tpu.memory_space<hbm>>
    tpu.wait_dma2 semaphore(%arg13 : memref<!tpu.dma_semaphore, #tpu.memory_space<semaphore_mem>>) src(%arg8 : memref<32768xf32, #tpu.memory_space<vmem>>) dst(%dma_wait3A_147 : memref<32768xf32, #tpu.memory_space<hbm>>)
    %parallel_loop3A_148 = arith.constant 0 : i32
    %parallel_loop3A_149 = arith.constant 16384 : i32
    %parallel_loop3A_150 = arith.constant 16 : i32
    scf.for %parallel_loop3A_1085 = %parallel_loop3A_148 to %parallel_loop3A_149 step %parallel_loop3A_150  : i32 {
      %parallel_loop3A_1086 = arith.index_cast %parallel_loop3A_1085 : i32 to index
      %parallel_loop3A_1087 = tpu.vector_load %arg5[%parallel_loop3A_1086] {strides = array<i32>} : memref<16384xi32, #tpu.memory_space<vmem>>, vector<16xi32>,
      %parallel_loop3A_1088 = arith.constant 65535 : i32
      %parallel_loop3A_1089 = vector.broadcast %parallel_loop3A_1088 : i32 to vector<16xi32>
      %parallel_loop3A_1090 = arith.andi %parallel_loop3A_1087, %parallel_loop3A_1089 : vector<16xi32>
      %parallel_loop3A_1091 = arith.constant 16 : i32
      %parallel_loop3A_1092 = vector.broadcast %parallel_loop3A_1091 : i32 to vector<16xi32>
      %parallel_loop3A_1093 = arith.shrsi %parallel_loop3A_1087, %parallel_loop3A_1092 : vector<16xi32>
      %parallel_loop3A_1094 = tpu.vector_load_idx %arg6[%parallel_loop3A_1090] : memref<16384xf32, #tpu.memory_space<vmem>>[vector<16xi32>], vector<16xf32>,
      %parallel_loop3A_1095 = arith.constant 2 : i32
      %parallel_loop3A_1096 = arith.muli %parallel_loop3A_1095, %parallel_loop3A_1085 : i32
      %parallel_loop3A_1097 = arith.index_cast %parallel_loop3A_1096 : i32 to index
      %parallel_loop3A_1098 = tpu.vector_load %arg8[%parallel_loop3A_1097] {strides = array<i32>} : memref<32768xf32, #tpu.memory_space<vmem>>, vector<16xf32>,
      tpu.vector_store %arg8[%parallel_loop3A_1097], %parallel_loop3A_1094 {strides = array<i32>} : memref<32768xf32, #tpu.memory_space<vmem>>, vector<16xf32>,
      %parallel_loop3A_1099 = tpu.vector_load_idx %arg6[%parallel_loop3A_1093] : memref<16384xf32, #tpu.memory_space<vmem>>[vector<16xi32>], vector<16xf32>,
      %parallel_loop3A_1100 = arith.constant 2 : i32
      %parallel_loop3A_1101 = arith.muli %parallel_loop3A_1100, %parallel_loop3A_1085 : i32
      %parallel_loop3A_1102 = arith.constant 16 : i32
      %parallel_loop3A_1103 = arith.addi %parallel_loop3A_1101, %parallel_loop3A_1102 : i32
      %parallel_loop3A_1104 = arith.index_cast %parallel_loop3A_1103 : i32 to index
      %parallel_loop3A_1105 = tpu.vector_load %arg8[%parallel_loop3A_1104] {strides = array<i32>} : memref<32768xf32, #tpu.memory_space<vmem>>, vector<16xf32>,
      tpu.vector_store %arg8[%parallel_loop3A_1104], %parallel_loop3A_1099 {strides = array<i32>} : memref<32768xf32, #tpu.memory_space<vmem>>, vector<16xf32>,
    } {sc.loop_unroll_factor = 8 : i64, sc.parallel_access}
    %add3A_151 = arith.constant 4 : i32
    %add3A_152 = arith.addi %mul3A_2, %add3A_151 : i32
    %dma_start3A_153 = arith.constant 0 : i32
    %dma_start3A_154 = tpu.memref_slice %arg4[%add3A_152, %dma_start3A_153] : memref<1024x32768xf32, #tpu.memory_space<hbm>> -> memref<1x32768xf32, #tpu.memory_space<hbm>>
    %dma_start3A_155 = tpu.memref_squeeze %dma_start3A_154 : memref<1x32768xf32, #tpu.memory_space<hbm>> -> memref<32768xf32, #tpu.memory_space<hbm>>
    %dma_start3A_156 = arith.constant 0 : i32
    %dma_start3A_157 = tpu.memref_slice %arg4[%add3A_152, %dma_start3A_156] : memref<1024x32768xf32, #tpu.memory_space<hbm>> -> memref<1x32768xf32, #tpu.memory_space<hbm>>
    %dma_start3A_158 = tpu.memref_squeeze %dma_start3A_157 : memref<1x32768xf32, #tpu.memory_space<hbm>> -> memref<32768xf32, #tpu.memory_space<hbm>>
    tpu.enqueue_dma source(%arg8 : memref<32768xf32, #tpu.memory_space<vmem>>) target(%dma_start3A_158 : memref<32768xf32, #tpu.memory_space<hbm>>) target_semaphore(%arg13 : memref<!tpu.dma_semaphore, #tpu.memory_space<semaphore_mem>>)
    %add3A_159 = arith.constant 5 : i32
    %add3A_160 = arith.addi %mul3A_2, %add3A_159 : i32
    %add3A_161 = arith.constant 1 : i32
    %add3A_162 = arith.addi %add3A_160, %add3A_161 : i32
    %dma_start3A_163 = arith.constant 0 : i32
    %dma_start3A_164 = tpu.memref_slice %arg2[%add3A_162, %dma_start3A_163] : memref<1024x16384xf32, #tpu.memory_space<hbm>> -> memref<1x16384xf32, #tpu.memory_space<hbm>>
    %dma_start3A_165 = tpu.memref_squeeze %dma_start3A_164 : memref<1x16384xf32, #tpu.memory_space<hbm>> -> memref<16384xf32, #tpu.memory_space<hbm>>
    %dma_start3A_166 = arith.constant 0 : i32
    %dma_start3A_167 = tpu.memref_slice %arg2[%add3A_162, %dma_start3A_166] : memref<1024x16384xf32, #tpu.memory_space<hbm>> -> memref<1x16384xf32, #tpu.memory_space<hbm>>
    %dma_start3A_168 = tpu.memref_squeeze %dma_start3A_167 : memref<1x16384xf32, #tpu.memory_space<hbm>> -> memref<16384xf32, #tpu.memory_space<hbm>>
    tpu.enqueue_dma source(%dma_start3A_168 : memref<16384xf32, #tpu.memory_space<hbm>>) target(%arg6 : memref<16384xf32, #tpu.memory_space<vmem>>) target_semaphore(%arg11 : memref<!tpu.dma_semaphore, #tpu.memory_space<semaphore_mem>>)
    %dma_wait3A_169 = arith.constant 0 : i32
    %dma_wait3A_170 = tpu.memref_slice %arg2[%add3A_129, %dma_wait3A_169] : memref<1024x16384xf32, #tpu.memory_space<hbm>> -> memref<1x16384xf32, #tpu.memory_space<hbm>>
    %dma_wait3A_171 = tpu.memref_squeeze %dma_wait3A_170 : memref<1x16384xf32, #tpu.memory_space<hbm>> -> memref<16384xf32, #tpu.memory_space<hbm>>
    %dma_wait3A_172 = arith.constant 0 : i32
    %dma_wait3A_173 = tpu.memref_slice %arg2[%add3A_129, %dma_wait3A_172] : memref<1024x16384xf32, #tpu.memory_space<hbm>> -> memref<1x16384xf32, #tpu.memory_space<hbm>>
    %dma_wait3A_174 = tpu.memref_squeeze %dma_wait3A_173 : memref<1x16384xf32, #tpu.memory_space<hbm>> -> memref<16384xf32, #tpu.memory_space<hbm>>
    tpu.wait_dma2 semaphore(%arg12 : memref<!tpu.dma_semaphore, #tpu.memory_space<semaphore_mem>>) src(%dma_wait3A_174 : memref<16384xf32, #tpu.memory_space<hbm>>) dst(%arg7 : memref<16384xf32, #tpu.memory_space<vmem>>)
    %dma_wait3A_175 = arith.constant 0 : i32
    %dma_wait3A_176 = tpu.memref_slice %arg4[%add3A_119, %dma_wait3A_175] : memref<1024x32768xf32, #tpu.memory_space<hbm>> -> memref<1x32768xf32, #tpu.memory_space<hbm>>
    %dma_wait3A_177 = tpu.memref_squeeze %dma_wait3A_176 : memref<1x32768xf32, #tpu.memory_space<hbm>> -> memref<32768xf32, #tpu.memory_space<hbm>>
    %dma_wait3A_178 = arith.constant 0 : i32
    %dma_wait3A_179 = tpu.memref_slice %arg4[%add3A_119, %dma_wait3A_178] : memref<1024x32768xf32, #tpu.memory_space<hbm>> -> memref<1x32768xf32, #tpu.memory_space<hbm>>
    %dma_wait3A_180 = tpu.memref_squeeze %dma_wait3A_179 : memref<1x32768xf32, #tpu.memory_space<hbm>> -> memref<32768xf32, #tpu.memory_space<hbm>>
    tpu.wait_dma2 semaphore(%arg14 : memref<!tpu.dma_semaphore, #tpu.memory_space<semaphore_mem>>) src(%arg9 : memref<32768xf32, #tpu.memory_space<vmem>>) dst(%dma_wait3A_180 : memref<32768xf32, #tpu.memory_space<hbm>>)
    %parallel_loop3A_181 = arith.constant 0 : i32
    %parallel_loop3A_182 = arith.constant 16384 : i32
    %parallel_loop3A_183 = arith.constant 16 : i32
    scf.for %parallel_loop3A_1085 = %parallel_loop3A_181 to %parallel_loop3A_182 step %parallel_loop3A_183  : i32 {
      %parallel_loop3A_1086 = arith.index_cast %parallel_loop3A_1085 : i32 to index
      %parallel_loop3A_1087 = tpu.vector_load %arg5[%parallel_loop3A_1086] {strides = array<i32>} : memref<16384xi32, #tpu.memory_space<vmem>>, vector<16xi32>,
      %parallel_loop3A_1088 = arith.constant 65535 : i32
      %parallel_loop3A_1089 = vector.broadcast %parallel_loop3A_1088 : i32 to vector<16xi32>
      %parallel_loop3A_1090 = arith.andi %parallel_loop3A_1087, %parallel_loop3A_1089 : vector<16xi32>
      %parallel_loop3A_1091 = arith.constant 16 : i32
      %parallel_loop3A_1092 = vector.broadcast %parallel_loop3A_1091 : i32 to vector<16xi32>
      %parallel_loop3A_1093 = arith.shrsi %parallel_loop3A_1087, %parallel_loop3A_1092 : vector<16xi32>
      %parallel_loop3A_1094 = tpu.vector_load_idx %arg7[%parallel_loop3A_1090] : memref<16384xf32, #tpu.memory_space<vmem>>[vector<16xi32>], vector<16xf32>,
      %parallel_loop3A_1095 = arith.constant 2 : i32
      %parallel_loop3A_1096 = arith.muli %parallel_loop3A_1095, %parallel_loop3A_1085 : i32
      %parallel_loop3A_1097 = arith.index_cast %parallel_loop3A_1096 : i32 to index
      %parallel_loop3A_1098 = tpu.vector_load %arg9[%parallel_loop3A_1097] {strides = array<i32>} : memref<32768xf32, #tpu.memory_space<vmem>>, vector<16xf32>,
      tpu.vector_store %arg9[%parallel_loop3A_1097], %parallel_loop3A_1094 {strides = array<i32>} : memref<32768xf32, #tpu.memory_space<vmem>>, vector<16xf32>,
      %parallel_loop3A_1099 = tpu.vector_load_idx %arg7[%parallel_loop3A_1093] : memref<16384xf32, #tpu.memory_space<vmem>>[vector<16xi32>], vector<16xf32>,
      %parallel_loop3A_1100 = arith.constant 2 : i32
      %parallel_loop3A_1101 = arith.muli %parallel_loop3A_1100, %parallel_loop3A_1085 : i32
      %parallel_loop3A_1102 = arith.constant 16 : i32
      %parallel_loop3A_1103 = arith.addi %parallel_loop3A_1101, %parallel_loop3A_1102 : i32
      %parallel_loop3A_1104 = arith.index_cast %parallel_loop3A_1103 : i32 to index
      %parallel_loop3A_1105 = tpu.vector_load %arg9[%parallel_loop3A_1104] {strides = array<i32>} : memref<32768xf32, #tpu.memory_space<vmem>>, vector<16xf32>,
      tpu.vector_store %arg9[%parallel_loop3A_1104], %parallel_loop3A_1099 {strides = array<i32>} : memref<32768xf32, #tpu.memory_space<vmem>>, vector<16xf32>,
    } {sc.loop_unroll_factor = 8 : i64, sc.parallel_access}
    %add3A_184 = arith.constant 5 : i32
    %add3A_185 = arith.addi %mul3A_2, %add3A_184 : i32
    %dma_start3A_186 = arith.constant 0 : i32
    %dma_start3A_187 = tpu.memref_slice %arg4[%add3A_185, %dma_start3A_186] : memref<1024x32768xf32, #tpu.memory_space<hbm>> -> memref<1x32768xf32, #tpu.memory_space<hbm>>
    %dma_start3A_188 = tpu.memref_squeeze %dma_start3A_187 : memref<1x32768xf32, #tpu.memory_space<hbm>> -> memref<32768xf32, #tpu.memory_space<hbm>>
    %dma_start3A_189 = arith.constant 0 : i32
    %dma_start3A_190 = tpu.memref_slice %arg4[%add3A_185, %dma_start3A_189] : memref<1024x32768xf32, #tpu.memory_space<hbm>> -> memref<1x32768xf32, #tpu.memory_space<hbm>>
    %dma_start3A_191 = tpu.memref_squeeze %dma_start3A_190 : memref<1x32768xf32, #tpu.memory_space<hbm>> -> memref<32768xf32, #tpu.memory_space<hbm>>
    tpu.enqueue_dma source(%arg9 : memref<32768xf32, #tpu.memory_space<vmem>>) target(%dma_start3A_191 : memref<32768xf32, #tpu.memory_space<hbm>>) target_semaphore(%arg14 : memref<!tpu.dma_semaphore, #tpu.memory_space<semaphore_mem>>)
    %add3A_192 = arith.constant 6 : i32
    %add3A_193 = arith.addi %mul3A_2, %add3A_192 : i32
    %add3A_194 = arith.constant 1 : i32
    %add3A_195 = arith.addi %add3A_193, %add3A_194 : i32
    %dma_start3A_196 = arith.constant 0 : i32
    %dma_start3A_197 = tpu.memref_slice %arg2[%add3A_195, %dma_start3A_196] : memref<1024x16384xf32, #tpu.memory_space<hbm>> -> memref<1x16384xf32, #tpu.memory_space<hbm>>
    %dma_start3A_198 = tpu.memref_squeeze %dma_start3A_197 : memref<1x16384xf32, #tpu.memory_space<hbm>> -> memref<16384xf32, #tpu.memory_space<hbm>>
    %dma_start3A_199 = arith.constant 0 : i32
    %dma_start3A_200 = tpu.memref_slice %arg2[%add3A_195, %dma_start3A_199] : memref<1024x16384xf32, #tpu.memory_space<hbm>> -> memref<1x16384xf32, #tpu.memory_space<hbm>>
    %dma_start3A_201 = tpu.memref_squeeze %dma_start3A_200 : memref<1x16384xf32, #tpu.memory_space<hbm>> -> memref<16384xf32, #tpu.memory_space<hbm>>
    tpu.enqueue_dma source(%dma_start3A_201 : memref<16384xf32, #tpu.memory_space<hbm>>) target(%arg7 : memref<16384xf32, #tpu.memory_space<vmem>>) target_semaphore(%arg12 : memref<!tpu.dma_semaphore, #tpu.memory_space<semaphore_mem>>)
    %dma_wait3A_202 = arith.constant 0 : i32
    %dma_wait3A_203 = tpu.memref_slice %arg2[%add3A_162, %dma_wait3A_202] : memref<1024x16384xf32, #tpu.memory_space<hbm>> -> memref<1x16384xf32, #tpu.memory_space<hbm>>
    %dma_wait3A_204 = tpu.memref_squeeze %dma_wait3A_203 : memref<1x16384xf32, #tpu.memory_space<hbm>> -> memref<16384xf32, #tpu.memory_space<hbm>>
    %dma_wait3A_205 = arith.constant 0 : i32
    %dma_wait3A_206 = tpu.memref_slice %arg2[%add3A_162, %dma_wait3A_205] : memref<1024x16384xf32, #tpu.memory_space<hbm>> -> memref<1x16384xf32, #tpu.memory_space<hbm>>
    %dma_wait3A_207 = tpu.memref_squeeze %dma_wait3A_206 : memref<1x16384xf32, #tpu.memory_space<hbm>> -> memref<16384xf32, #tpu.memory_space<hbm>>
    tpu.wait_dma2 semaphore(%arg11 : memref<!tpu.dma_semaphore, #tpu.memory_space<semaphore_mem>>) src(%dma_wait3A_207 : memref<16384xf32, #tpu.memory_space<hbm>>) dst(%arg6 : memref<16384xf32, #tpu.memory_space<vmem>>)
    %dma_wait3A_208 = arith.constant 0 : i32
    %dma_wait3A_209 = tpu.memref_slice %arg4[%add3A_152, %dma_wait3A_208] : memref<1024x32768xf32, #tpu.memory_space<hbm>> -> memref<1x32768xf32, #tpu.memory_space<hbm>>
    %dma_wait3A_210 = tpu.memref_squeeze %dma_wait3A_209 : memref<1x32768xf32, #tpu.memory_space<hbm>> -> memref<32768xf32, #tpu.memory_space<hbm>>
    %dma_wait3A_211 = arith.constant 0 : i32
    %dma_wait3A_212 = tpu.memref_slice %arg4[%add3A_152, %dma_wait3A_211] : memref<1024x32768xf32, #tpu.memory_space<hbm>> -> memref<1x32768xf32, #tpu.memory_space<hbm>>
    %dma_wait3A_213 = tpu.memref_squeeze %dma_wait3A_212 : memref<1x32768xf32, #tpu.memory_space<hbm>> -> memref<32768xf32, #tpu.memory_space<hbm>>
    tpu.wait_dma2 semaphore(%arg13 : memref<!tpu.dma_semaphore, #tpu.memory_space<semaphore_mem>>) src(%arg8 : memref<32768xf32, #tpu.memory_space<vmem>>) dst(%dma_wait3A_213 : memref<32768xf32, #tpu.memory_space<hbm>>)
    %parallel_loop3A_214 = arith.constant 0 : i32
    %parallel_loop3A_215 = arith.constant 16384 : i32
    %parallel_loop3A_216 = arith.constant 16 : i32
    scf.for %parallel_loop3A_1085 = %parallel_loop3A_214 to %parallel_loop3A_215 step %parallel_loop3A_216  : i32 {
      %parallel_loop3A_1086 = arith.index_cast %parallel_loop3A_1085 : i32 to index
      %parallel_loop3A_1087 = tpu.vector_load %arg5[%parallel_loop3A_1086] {strides = array<i32>} : memref<16384xi32, #tpu.memory_space<vmem>>, vector<16xi32>,
      %parallel_loop3A_1088 = arith.constant 65535 : i32
      %parallel_loop3A_1089 = vector.broadcast %parallel_loop3A_1088 : i32 to vector<16xi32>
      %parallel_loop3A_1090 = arith.andi %parallel_loop3A_1087, %parallel_loop3A_1089 : vector<16xi32>
      %parallel_loop3A_1091 = arith.constant 16 : i32
      %parallel_loop3A_1092 = vector.broadcast %parallel_loop3A_1091 : i32 to vector<16xi32>
      %parallel_loop3A_1093 = arith.shrsi %parallel_loop3A_1087, %parallel_loop3A_1092 : vector<16xi32>
      %parallel_loop3A_1094 = tpu.vector_load_idx %arg6[%parallel_loop3A_1090] : memref<16384xf32, #tpu.memory_space<vmem>>[vector<16xi32>], vector<16xf32>,
      %parallel_loop3A_1095 = arith.constant 2 : i32
      %parallel_loop3A_1096 = arith.muli %parallel_loop3A_1095, %parallel_loop3A_1085 : i32
      %parallel_loop3A_1097 = arith.index_cast %parallel_loop3A_1096 : i32 to index
      %parallel_loop3A_1098 = tpu.vector_load %arg8[%parallel_loop3A_1097] {strides = array<i32>} : memref<32768xf32, #tpu.memory_space<vmem>>, vector<16xf32>,
      tpu.vector_store %arg8[%parallel_loop3A_1097], %parallel_loop3A_1094 {strides = array<i32>} : memref<32768xf32, #tpu.memory_space<vmem>>, vector<16xf32>,
      %parallel_loop3A_1099 = tpu.vector_load_idx %arg6[%parallel_loop3A_1093] : memref<16384xf32, #tpu.memory_space<vmem>>[vector<16xi32>], vector<16xf32>,
      %parallel_loop3A_1100 = arith.constant 2 : i32
      %parallel_loop3A_1101 = arith.muli %parallel_loop3A_1100, %parallel_loop3A_1085 : i32
      %parallel_loop3A_1102 = arith.constant 16 : i32
      %parallel_loop3A_1103 = arith.addi %parallel_loop3A_1101, %parallel_loop3A_1102 : i32
      %parallel_loop3A_1104 = arith.index_cast %parallel_loop3A_1103 : i32 to index
      %parallel_loop3A_1105 = tpu.vector_load %arg8[%parallel_loop3A_1104] {strides = array<i32>} : memref<32768xf32, #tpu.memory_space<vmem>>, vector<16xf32>,
      tpu.vector_store %arg8[%parallel_loop3A_1104], %parallel_loop3A_1099 {strides = array<i32>} : memref<32768xf32, #tpu.memory_space<vmem>>, vector<16xf32>,
    } {sc.loop_unroll_factor = 8 : i64, sc.parallel_access}
    %add3A_217 = arith.constant 6 : i32
    %add3A_218 = arith.addi %mul3A_2, %add3A_217 : i32
    %dma_start3A_219 = arith.constant 0 : i32
    %dma_start3A_220 = tpu.memref_slice %arg4[%add3A_218, %dma_start3A_219] : memref<1024x32768xf32, #tpu.memory_space<hbm>> -> memref<1x32768xf32, #tpu.memory_space<hbm>>
    %dma_start3A_221 = tpu.memref_squeeze %dma_start3A_220 : memref<1x32768xf32, #tpu.memory_space<hbm>> -> memref<32768xf32, #tpu.memory_space<hbm>>
    %dma_start3A_222 = arith.constant 0 : i32
    %dma_start3A_223 = tpu.memref_slice %arg4[%add3A_218, %dma_start3A_222] : memref<1024x32768xf32, #tpu.memory_space<hbm>> -> memref<1x32768xf32, #tpu.memory_space<hbm>>
    %dma_start3A_224 = tpu.memref_squeeze %dma_start3A_223 : memref<1x32768xf32, #tpu.memory_space<hbm>> -> memref<32768xf32, #tpu.memory_space<hbm>>
    tpu.enqueue_dma source(%arg8 : memref<32768xf32, #tpu.memory_space<vmem>>) target(%dma_start3A_224 : memref<32768xf32, #tpu.memory_space<hbm>>) target_semaphore(%arg13 : memref<!tpu.dma_semaphore, #tpu.memory_space<semaphore_mem>>)
    %add3A_225 = arith.constant 7 : i32
    %add3A_226 = arith.addi %mul3A_2, %add3A_225 : i32
    %add3A_227 = arith.constant 1 : i32
    %add3A_228 = arith.addi %add3A_226, %add3A_227 : i32
    %dma_start3A_229 = arith.constant 0 : i32
    %dma_start3A_230 = tpu.memref_slice %arg2[%add3A_228, %dma_start3A_229] : memref<1024x16384xf32, #tpu.memory_space<hbm>> -> memref<1x16384xf32, #tpu.memory_space<hbm>>
    %dma_start3A_231 = tpu.memref_squeeze %dma_start3A_230 : memref<1x16384xf32, #tpu.memory_space<hbm>> -> memref<16384xf32, #tpu.memory_space<hbm>>
    %dma_start3A_232 = arith.constant 0 : i32
    %dma_start3A_233 = tpu.memref_slice %arg2[%add3A_228, %dma_start3A_232] : memref<1024x16384xf32, #tpu.memory_space<hbm>> -> memref<1x16384xf32, #tpu.memory_space<hbm>>
    %dma_start3A_234 = tpu.memref_squeeze %dma_start3A_233 : memref<1x16384xf32, #tpu.memory_space<hbm>> -> memref<16384xf32, #tpu.memory_space<hbm>>
    tpu.enqueue_dma source(%dma_start3A_234 : memref<16384xf32, #tpu.memory_space<hbm>>) target(%arg6 : memref<16384xf32, #tpu.memory_space<vmem>>) target_semaphore(%arg11 : memref<!tpu.dma_semaphore, #tpu.memory_space<semaphore_mem>>)
    %dma_wait3A_235 = arith.constant 0 : i32
    %dma_wait3A_236 = tpu.memref_slice %arg2[%add3A_195, %dma_wait3A_235] : memref<1024x16384xf32, #tpu.memory_space<hbm>> -> memref<1x16384xf32, #tpu.memory_space<hbm>>
    %dma_wait3A_237 = tpu.memref_squeeze %dma_wait3A_236 : memref<1x16384xf32, #tpu.memory_space<hbm>> -> memref<16384xf32, #tpu.memory_space<hbm>>
    %dma_wait3A_238 = arith.constant 0 : i32
    %dma_wait3A_239 = tpu.memref_slice %arg2[%add3A_195, %dma_wait3A_238] : memref<1024x16384xf32, #tpu.memory_space<hbm>> -> memref<1x16384xf32, #tpu.memory_space<hbm>>
    %dma_wait3A_240 = tpu.memref_squeeze %dma_wait3A_239 : memref<1x16384xf32, #tpu.memory_space<hbm>> -> memref<16384xf32, #tpu.memory_space<hbm>>
    tpu.wait_dma2 semaphore(%arg12 : memref<!tpu.dma_semaphore, #tpu.memory_space<semaphore_mem>>) src(%dma_wait3A_240 : memref<16384xf32, #tpu.memory_space<hbm>>) dst(%arg7 : memref<16384xf32, #tpu.memory_space<vmem>>)
    %dma_wait3A_241 = arith.constant 0 : i32
    %dma_wait3A_242 = tpu.memref_slice %arg4[%add3A_185, %dma_wait3A_241] : memref<1024x32768xf32, #tpu.memory_space<hbm>> -> memref<1x32768xf32, #tpu.memory_space<hbm>>
    %dma_wait3A_243 = tpu.memref_squeeze %dma_wait3A_242 : memref<1x32768xf32, #tpu.memory_space<hbm>> -> memref<32768xf32, #tpu.memory_space<hbm>>
    %dma_wait3A_244 = arith.constant 0 : i32
    %dma_wait3A_245 = tpu.memref_slice %arg4[%add3A_185, %dma_wait3A_244] : memref<1024x32768xf32, #tpu.memory_space<hbm>> -> memref<1x32768xf32, #tpu.memory_space<hbm>>
    %dma_wait3A_246 = tpu.memref_squeeze %dma_wait3A_245 : memref<1x32768xf32, #tpu.memory_space<hbm>> -> memref<32768xf32, #tpu.memory_space<hbm>>
    tpu.wait_dma2 semaphore(%arg14 : memref<!tpu.dma_semaphore, #tpu.memory_space<semaphore_mem>>) src(%arg9 : memref<32768xf32, #tpu.memory_space<vmem>>) dst(%dma_wait3A_246 : memref<32768xf32, #tpu.memory_space<hbm>>)
    %parallel_loop3A_247 = arith.constant 0 : i32
    %parallel_loop3A_248 = arith.constant 16384 : i32
    %parallel_loop3A_249 = arith.constant 16 : i32
    scf.for %parallel_loop3A_1085 = %parallel_loop3A_247 to %parallel_loop3A_248 step %parallel_loop3A_249  : i32 {
      %parallel_loop3A_1086 = arith.index_cast %parallel_loop3A_1085 : i32 to index
      %parallel_loop3A_1087 = tpu.vector_load %arg5[%parallel_loop3A_1086] {strides = array<i32>} : memref<16384xi32, #tpu.memory_space<vmem>>, vector<16xi32>,
      %parallel_loop3A_1088 = arith.constant 65535 : i32
      %parallel_loop3A_1089 = vector.broadcast %parallel_loop3A_1088 : i32 to vector<16xi32>
      %parallel_loop3A_1090 = arith.andi %parallel_loop3A_1087, %parallel_loop3A_1089 : vector<16xi32>
      %parallel_loop3A_1091 = arith.constant 16 : i32
      %parallel_loop3A_1092 = vector.broadcast %parallel_loop3A_1091 : i32 to vector<16xi32>
      %parallel_loop3A_1093 = arith.shrsi %parallel_loop3A_1087, %parallel_loop3A_1092 : vector<16xi32>
      %parallel_loop3A_1094 = tpu.vector_load_idx %arg7[%parallel_loop3A_1090] : memref<16384xf32, #tpu.memory_space<vmem>>[vector<16xi32>], vector<16xf32>,
      %parallel_loop3A_1095 = arith.constant 2 : i32
      %parallel_loop3A_1096 = arith.muli %parallel_loop3A_1095, %parallel_loop3A_1085 : i32
      %parallel_loop3A_1097 = arith.index_cast %parallel_loop3A_1096 : i32 to index
      %parallel_loop3A_1098 = tpu.vector_load %arg9[%parallel_loop3A_1097] {strides = array<i32>} : memref<32768xf32, #tpu.memory_space<vmem>>, vector<16xf32>,
      tpu.vector_store %arg9[%parallel_loop3A_1097], %parallel_loop3A_1094 {strides = array<i32>} : memref<32768xf32, #tpu.memory_space<vmem>>, vector<16xf32>,
      %parallel_loop3A_1099 = tpu.vector_load_idx %arg7[%parallel_loop3A_1093] : memref<16384xf32, #tpu.memory_space<vmem>>[vector<16xi32>], vector<16xf32>,
      %parallel_loop3A_1100 = arith.constant 2 : i32
      %parallel_loop3A_1101 = arith.muli %parallel_loop3A_1100, %parallel_loop3A_1085 : i32
      %parallel_loop3A_1102 = arith.constant 16 : i32
      %parallel_loop3A_1103 = arith.addi %parallel_loop3A_1101, %parallel_loop3A_1102 : i32
      %parallel_loop3A_1104 = arith.index_cast %parallel_loop3A_1103 : i32 to index
      %parallel_loop3A_1105 = tpu.vector_load %arg9[%parallel_loop3A_1104] {strides = array<i32>} : memref<32768xf32, #tpu.memory_space<vmem>>, vector<16xf32>,
      tpu.vector_store %arg9[%parallel_loop3A_1104], %parallel_loop3A_1099 {strides = array<i32>} : memref<32768xf32, #tpu.memory_space<vmem>>, vector<16xf32>,
    } {sc.loop_unroll_factor = 8 : i64, sc.parallel_access}
    %add3A_250 = arith.constant 7 : i32
    %add3A_251 = arith.addi %mul3A_2, %add3A_250 : i32
    %dma_start3A_252 = arith.constant 0 : i32
    %dma_start3A_253 = tpu.memref_slice %arg4[%add3A_251, %dma_start3A_252] : memref<1024x32768xf32, #tpu.memory_space<hbm>> -> memref<1x32768xf32, #tpu.memory_space<hbm>>
    %dma_start3A_254 = tpu.memref_squeeze %dma_start3A_253 : memref<1x32768xf32, #tpu.memory_space<hbm>> -> memref<32768xf32, #tpu.memory_space<hbm>>
    %dma_start3A_255 = arith.constant 0 : i32
    %dma_start3A_256 = tpu.memref_slice %arg4[%add3A_251, %dma_start3A_255] : memref<1024x32768xf32, #tpu.memory_space<hbm>> -> memref<1x32768xf32, #tpu.memory_space<hbm>>
    %dma_start3A_257 = tpu.memref_squeeze %dma_start3A_256 : memref<1x32768xf32, #tpu.memory_space<hbm>> -> memref<32768xf32, #tpu.memory_space<hbm>>
    tpu.enqueue_dma source(%arg9 : memref<32768xf32, #tpu.memory_space<vmem>>) target(%dma_start3A_257 : memref<32768xf32, #tpu.memory_space<hbm>>) target_semaphore(%arg14 : memref<!tpu.dma_semaphore, #tpu.memory_space<semaphore_mem>>)
    %add3A_258 = arith.constant 8 : i32
    %add3A_259 = arith.addi %mul3A_2, %add3A_258 : i32
    %add3A_260 = arith.constant 1 : i32
    %add3A_261 = arith.addi %add3A_259, %add3A_260 : i32
    %dma_start3A_262 = arith.constant 0 : i32
    %dma_start3A_263 = tpu.memref_slice %arg2[%add3A_261, %dma_start3A_262] : memref<1024x16384xf32, #tpu.memory_space<hbm>> -> memref<1x16384xf32, #tpu.memory_space<hbm>>
    %dma_start3A_264 = tpu.memref_squeeze %dma_start3A_263 : memref<1x16384xf32, #tpu.memory_space<hbm>> -> memref<16384xf32, #tpu.memory_space<hbm>>
    %dma_start3A_265 = arith.constant 0 : i32
    %dma_start3A_266 = tpu.memref_slice %arg2[%add3A_261, %dma_start3A_265] : memref<1024x16384xf32, #tpu.memory_space<hbm>> -> memref<1x16384xf32, #tpu.memory_space<hbm>>
    %dma_start3A_267 = tpu.memref_squeeze %dma_start3A_266 : memref<1x16384xf32, #tpu.memory_space<hbm>> -> memref<16384xf32, #tpu.memory_space<hbm>>
    tpu.enqueue_dma source(%dma_start3A_267 : memref<16384xf32, #tpu.memory_space<hbm>>) target(%arg7 : memref<16384xf32, #tpu.memory_space<vmem>>) target_semaphore(%arg12 : memref<!tpu.dma_semaphore, #tpu.memory_space<semaphore_mem>>)
    %dma_wait3A_268 = arith.constant 0 : i32
    %dma_wait3A_269 = tpu.memref_slice %arg2[%add3A_228, %dma_wait3A_268] : memref<1024x16384xf32, #tpu.memory_space<hbm>> -> memref<1x16384xf32, #tpu.memory_space<hbm>>
    %dma_wait3A_270 = tpu.memref_squeeze %dma_wait3A_269 : memref<1x16384xf32, #tpu.memory_space<hbm>> -> memref<16384xf32, #tpu.memory_space<hbm>>
    %dma_wait3A_271 = arith.constant 0 : i32
    %dma_wait3A_272 = tpu.memref_slice %arg2[%add3A_228, %dma_wait3A_271] : memref<1024x16384xf32, #tpu.memory_space<hbm>> -> memref<1x16384xf32, #tpu.memory_space<hbm>>
    %dma_wait3A_273 = tpu.memref_squeeze %dma_wait3A_272 : memref<1x16384xf32, #tpu.memory_space<hbm>> -> memref<16384xf32, #tpu.memory_space<hbm>>
    tpu.wait_dma2 semaphore(%arg11 : memref<!tpu.dma_semaphore, #tpu.memory_space<semaphore_mem>>) src(%dma_wait3A_273 : memref<16384xf32, #tpu.memory_space<hbm>>) dst(%arg6 : memref<16384xf32, #tpu.memory_space<vmem>>)
    %dma_wait3A_274 = arith.constant 0 : i32
    %dma_wait3A_275 = tpu.memref_slice %arg4[%add3A_218, %dma_wait3A_274] : memref<1024x32768xf32, #tpu.memory_space<hbm>> -> memref<1x32768xf32, #tpu.memory_space<hbm>>
    %dma_wait3A_276 = tpu.memref_squeeze %dma_wait3A_275 : memref<1x32768xf32, #tpu.memory_space<hbm>> -> memref<32768xf32, #tpu.memory_space<hbm>>
    %dma_wait3A_277 = arith.constant 0 : i32
    %dma_wait3A_278 = tpu.memref_slice %arg4[%add3A_218, %dma_wait3A_277] : memref<1024x32768xf32, #tpu.memory_space<hbm>> -> memref<1x32768xf32, #tpu.memory_space<hbm>>
    %dma_wait3A_279 = tpu.memref_squeeze %dma_wait3A_278 : memref<1x32768xf32, #tpu.memory_space<hbm>> -> memref<32768xf32, #tpu.memory_space<hbm>>
    tpu.wait_dma2 semaphore(%arg13 : memref<!tpu.dma_semaphore, #tpu.memory_space<semaphore_mem>>) src(%arg8 : memref<32768xf32, #tpu.memory_space<vmem>>) dst(%dma_wait3A_279 : memref<32768xf32, #tpu.memory_space<hbm>>)
    %parallel_loop3A_280 = arith.constant 0 : i32
    %parallel_loop3A_281 = arith.constant 16384 : i32
    %parallel_loop3A_282 = arith.constant 16 : i32
    scf.for %parallel_loop3A_1085 = %parallel_loop3A_280 to %parallel_loop3A_281 step %parallel_loop3A_282  : i32 {
      %parallel_loop3A_1086 = arith.index_cast %parallel_loop3A_1085 : i32 to index
      %parallel_loop3A_1087 = tpu.vector_load %arg5[%parallel_loop3A_1086] {strides = array<i32>} : memref<16384xi32, #tpu.memory_space<vmem>>, vector<16xi32>,
      %parallel_loop3A_1088 = arith.constant 65535 : i32
      %parallel_loop3A_1089 = vector.broadcast %parallel_loop3A_1088 : i32 to vector<16xi32>
      %parallel_loop3A_1090 = arith.andi %parallel_loop3A_1087, %parallel_loop3A_1089 : vector<16xi32>
      %parallel_loop3A_1091 = arith.constant 16 : i32
      %parallel_loop3A_1092 = vector.broadcast %parallel_loop3A_1091 : i32 to vector<16xi32>
      %parallel_loop3A_1093 = arith.shrsi %parallel_loop3A_1087, %parallel_loop3A_1092 : vector<16xi32>
      %parallel_loop3A_1094 = tpu.vector_load_idx %arg6[%parallel_loop3A_1090] : memref<16384xf32, #tpu.memory_space<vmem>>[vector<16xi32>], vector<16xf32>,
      %parallel_loop3A_1095 = arith.constant 2 : i32
      %parallel_loop3A_1096 = arith.muli %parallel_loop3A_1095, %parallel_loop3A_1085 : i32
      %parallel_loop3A_1097 = arith.index_cast %parallel_loop3A_1096 : i32 to index
      %parallel_loop3A_1098 = tpu.vector_load %arg8[%parallel_loop3A_1097] {strides = array<i32>} : memref<32768xf32, #tpu.memory_space<vmem>>, vector<16xf32>,
      tpu.vector_store %arg8[%parallel_loop3A_1097], %parallel_loop3A_1094 {strides = array<i32>} : memref<32768xf32, #tpu.memory_space<vmem>>, vector<16xf32>,
      %parallel_loop3A_1099 = tpu.vector_load_idx %arg6[%parallel_loop3A_1093] : memref<16384xf32, #tpu.memory_space<vmem>>[vector<16xi32>], vector<16xf32>,
      %parallel_loop3A_1100 = arith.constant 2 : i32
      %parallel_loop3A_1101 = arith.muli %parallel_loop3A_1100, %parallel_loop3A_1085 : i32
      %parallel_loop3A_1102 = arith.constant 16 : i32
      %parallel_loop3A_1103 = arith.addi %parallel_loop3A_1101, %parallel_loop3A_1102 : i32
      %parallel_loop3A_1104 = arith.index_cast %parallel_loop3A_1103 : i32 to index
      %parallel_loop3A_1105 = tpu.vector_load %arg8[%parallel_loop3A_1104] {strides = array<i32>} : memref<32768xf32, #tpu.memory_space<vmem>>, vector<16xf32>,
      tpu.vector_store %arg8[%parallel_loop3A_1104], %parallel_loop3A_1099 {strides = array<i32>} : memref<32768xf32, #tpu.memory_space<vmem>>, vector<16xf32>,
    } {sc.loop_unroll_factor = 8 : i64, sc.parallel_access}
    %add3A_283 = arith.constant 8 : i32
    %add3A_284 = arith.addi %mul3A_2, %add3A_283 : i32
    %dma_start3A_285 = arith.constant 0 : i32
    %dma_start3A_286 = tpu.memref_slice %arg4[%add3A_284, %dma_start3A_285] : memref<1024x32768xf32, #tpu.memory_space<hbm>> -> memref<1x32768xf32, #tpu.memory_space<hbm>>
    %dma_start3A_287 = tpu.memref_squeeze %dma_start3A_286 : memref<1x32768xf32, #tpu.memory_space<hbm>> -> memref<32768xf32, #tpu.memory_space<hbm>>
    %dma_start3A_288 = arith.constant 0 : i32
    %dma_start3A_289 = tpu.memref_slice %arg4[%add3A_284, %dma_start3A_288] : memref<1024x32768xf32, #tpu.memory_space<hbm>> -> memref<1x32768xf32, #tpu.memory_space<hbm>>
    %dma_start3A_290 = tpu.memref_squeeze %dma_start3A_289 : memref<1x32768xf32, #tpu.memory_space<hbm>> -> memref<32768xf32, #tpu.memory_space<hbm>>
    tpu.enqueue_dma source(%arg8 : memref<32768xf32, #tpu.memory_space<vmem>>) target(%dma_start3A_290 : memref<32768xf32, #tpu.memory_space<hbm>>) target_semaphore(%arg13 : memref<!tpu.dma_semaphore, #tpu.memory_space<semaphore_mem>>)
    %add3A_291 = arith.constant 9 : i32
    %add3A_292 = arith.addi %mul3A_2, %add3A_291 : i32
    %add3A_293 = arith.constant 1 : i32
    %add3A_294 = arith.addi %add3A_292, %add3A_293 : i32
    %dma_start3A_295 = arith.constant 0 : i32
    %dma_start3A_296 = tpu.memref_slice %arg2[%add3A_294, %dma_start3A_295] : memref<1024x16384xf32, #tpu.memory_space<hbm>> -> memref<1x16384xf32, #tpu.memory_space<hbm>>
    %dma_start3A_297 = tpu.memref_squeeze %dma_start3A_296 : memref<1x16384xf32, #tpu.memory_space<hbm>> -> memref<16384xf32, #tpu.memory_space<hbm>>
    %dma_start3A_298 = arith.constant 0 : i32
    %dma_start3A_299 = tpu.memref_slice %arg2[%add3A_294, %dma_start3A_298] : memref<1024x16384xf32, #tpu.memory_space<hbm>> -> memref<1x16384xf32, #tpu.memory_space<hbm>>
    %dma_start3A_300 = tpu.memref_squeeze %dma_start3A_299 : memref<1x16384xf32, #tpu.memory_space<hbm>> -> memref<16384xf32, #tpu.memory_space<hbm>>
    tpu.enqueue_dma source(%dma_start3A_300 : memref<16384xf32, #tpu.memory_space<hbm>>) target(%arg6 : memref<16384xf32, #tpu.memory_space<vmem>>) target_semaphore(%arg11 : memref<!tpu.dma_semaphore, #tpu.memory_space<semaphore_mem>>)
    %dma_wait3A_301 = arith.constant 0 : i32
    %dma_wait3A_302 = tpu.memref_slice %arg2[%add3A_261, %dma_wait3A_301] : memref<1024x16384xf32, #tpu.memory_space<hbm>> -> memref<1x16384xf32, #tpu.memory_space<hbm>>
    %dma_wait3A_303 = tpu.memref_squeeze %dma_wait3A_302 : memref<1x16384xf32, #tpu.memory_space<hbm>> -> memref<16384xf32, #tpu.memory_space<hbm>>
    %dma_wait3A_304 = arith.constant 0 : i32
    %dma_wait3A_305 = tpu.memref_slice %arg2[%add3A_261, %dma_wait3A_304] : memref<1024x16384xf32, #tpu.memory_space<hbm>> -> memref<1x16384xf32, #tpu.memory_space<hbm>>
    %dma_wait3A_306 = tpu.memref_squeeze %dma_wait3A_305 : memref<1x16384xf32, #tpu.memory_space<hbm>> -> memref<16384xf32, #tpu.memory_space<hbm>>
    tpu.wait_dma2 semaphore(%arg12 : memref<!tpu.dma_semaphore, #tpu.memory_space<semaphore_mem>>) src(%dma_wait3A_306 : memref<16384xf32, #tpu.memory_space<hbm>>) dst(%arg7 : memref<16384xf32, #tpu.memory_space<vmem>>)
    %dma_wait3A_307 = arith.constant 0 : i32
    %dma_wait3A_308 = tpu.memref_slice %arg4[%add3A_251, %dma_wait3A_307] : memref<1024x32768xf32, #tpu.memory_space<hbm>> -> memref<1x32768xf32, #tpu.memory_space<hbm>>
    %dma_wait3A_309 = tpu.memref_squeeze %dma_wait3A_308 : memref<1x32768xf32, #tpu.memory_space<hbm>> -> memref<32768xf32, #tpu.memory_space<hbm>>
    %dma_wait3A_310 = arith.constant 0 : i32
    %dma_wait3A_311 = tpu.memref_slice %arg4[%add3A_251, %dma_wait3A_310] : memref<1024x32768xf32, #tpu.memory_space<hbm>> -> memref<1x32768xf32, #tpu.memory_space<hbm>>
    %dma_wait3A_312 = tpu.memref_squeeze %dma_wait3A_311 : memref<1x32768xf32, #tpu.memory_space<hbm>> -> memref<32768xf32, #tpu.memory_space<hbm>>
    tpu.wait_dma2 semaphore(%arg14 : memref<!tpu.dma_semaphore, #tpu.memory_space<semaphore_mem>>) src(%arg9 : memref<32768xf32, #tpu.memory_space<vmem>>) dst(%dma_wait3A_312 : memref<32768xf32, #tpu.memory_space<hbm>>)
    %parallel_loop3A_313 = arith.constant 0 : i32
    %parallel_loop3A_314 = arith.constant 16384 : i32
    %parallel_loop3A_315 = arith.constant 16 : i32
    scf.for %parallel_loop3A_1085 = %parallel_loop3A_313 to %parallel_loop3A_314 step %parallel_loop3A_315  : i32 {
      %parallel_loop3A_1086 = arith.index_cast %parallel_loop3A_1085 : i32 to index
      %parallel_loop3A_1087 = tpu.vector_load %arg5[%parallel_loop3A_1086] {strides = array<i32>} : memref<16384xi32, #tpu.memory_space<vmem>>, vector<16xi32>,
      %parallel_loop3A_1088 = arith.constant 65535 : i32
      %parallel_loop3A_1089 = vector.broadcast %parallel_loop3A_1088 : i32 to vector<16xi32>
      %parallel_loop3A_1090 = arith.andi %parallel_loop3A_1087, %parallel_loop3A_1089 : vector<16xi32>
      %parallel_loop3A_1091 = arith.constant 16 : i32
      %parallel_loop3A_1092 = vector.broadcast %parallel_loop3A_1091 : i32 to vector<16xi32>
      %parallel_loop3A_1093 = arith.shrsi %parallel_loop3A_1087, %parallel_loop3A_1092 : vector<16xi32>
      %parallel_loop3A_1094 = tpu.vector_load_idx %arg7[%parallel_loop3A_1090] : memref<16384xf32, #tpu.memory_space<vmem>>[vector<16xi32>], vector<16xf32>,
      %parallel_loop3A_1095 = arith.constant 2 : i32
      %parallel_loop3A_1096 = arith.muli %parallel_loop3A_1095, %parallel_loop3A_1085 : i32
      %parallel_loop3A_1097 = arith.index_cast %parallel_loop3A_1096 : i32 to index
      %parallel_loop3A_1098 = tpu.vector_load %arg9[%parallel_loop3A_1097] {strides = array<i32>} : memref<32768xf32, #tpu.memory_space<vmem>>, vector<16xf32>,
      tpu.vector_store %arg9[%parallel_loop3A_1097], %parallel_loop3A_1094 {strides = array<i32>} : memref<32768xf32, #tpu.memory_space<vmem>>, vector<16xf32>,
      %parallel_loop3A_1099 = tpu.vector_load_idx %arg7[%parallel_loop3A_1093] : memref<16384xf32, #tpu.memory_space<vmem>>[vector<16xi32>], vector<16xf32>,
      %parallel_loop3A_1100 = arith.constant 2 : i32
      %parallel_loop3A_1101 = arith.muli %parallel_loop3A_1100, %parallel_loop3A_1085 : i32
      %parallel_loop3A_1102 = arith.constant 16 : i32
      %parallel_loop3A_1103 = arith.addi %parallel_loop3A_1101, %parallel_loop3A_1102 : i32
      %parallel_loop3A_1104 = arith.index_cast %parallel_loop3A_1103 : i32 to index
      %parallel_loop3A_1105 = tpu.vector_load %arg9[%parallel_loop3A_1104] {strides = array<i32>} : memref<32768xf32, #tpu.memory_space<vmem>>, vector<16xf32>,
      tpu.vector_store %arg9[%parallel_loop3A_1104], %parallel_loop3A_1099 {strides = array<i32>} : memref<32768xf32, #tpu.memory_space<vmem>>, vector<16xf32>,
    } {sc.loop_unroll_factor = 8 : i64, sc.parallel_access}
    %add3A_316 = arith.constant 9 : i32
    %add3A_317 = arith.addi %mul3A_2, %add3A_316 : i32
    %dma_start3A_318 = arith.constant 0 : i32
    %dma_start3A_319 = tpu.memref_slice %arg4[%add3A_317, %dma_start3A_318] : memref<1024x32768xf32, #tpu.memory_space<hbm>> -> memref<1x32768xf32, #tpu.memory_space<hbm>>
    %dma_start3A_320 = tpu.memref_squeeze %dma_start3A_319 : memref<1x32768xf32, #tpu.memory_space<hbm>> -> memref<32768xf32, #tpu.memory_space<hbm>>
    %dma_start3A_321 = arith.constant 0 : i32
    %dma_start3A_322 = tpu.memref_slice %arg4[%add3A_317, %dma_start3A_321] : memref<1024x32768xf32, #tpu.memory_space<hbm>> -> memref<1x32768xf32, #tpu.memory_space<hbm>>
    %dma_start3A_323 = tpu.memref_squeeze %dma_start3A_322 : memref<1x32768xf32, #tpu.memory_space<hbm>> -> memref<32768xf32, #tpu.memory_space<hbm>>
    tpu.enqueue_dma source(%arg9 : memref<32768xf32, #tpu.memory_space<vmem>>) target(%dma_start3A_323 : memref<32768xf32, #tpu.memory_space<hbm>>) target_semaphore(%arg14 : memref<!tpu.dma_semaphore, #tpu.memory_space<semaphore_mem>>)
    %add3A_324 = arith.constant 10 : i32
    %add3A_325 = arith.addi %mul3A_2, %add3A_324 : i32
    %add3A_326 = arith.constant 1 : i32
    %add3A_327 = arith.addi %add3A_325, %add3A_326 : i32
    %dma_start3A_328 = arith.constant 0 : i32
    %dma_start3A_329 = tpu.memref_slice %arg2[%add3A_327, %dma_start3A_328] : memref<1024x16384xf32, #tpu.memory_space<hbm>> -> memref<1x16384xf32, #tpu.memory_space<hbm>>
    %dma_start3A_330 = tpu.memref_squeeze %dma_start3A_329 : memref<1x16384xf32, #tpu.memory_space<hbm>> -> memref<16384xf32, #tpu.memory_space<hbm>>
    %dma_start3A_331 = arith.constant 0 : i32
    %dma_start3A_332 = tpu.memref_slice %arg2[%add3A_327, %dma_start3A_331] : memref<1024x16384xf32, #tpu.memory_space<hbm>> -> memref<1x16384xf32, #tpu.memory_space<hbm>>
    %dma_start3A_333 = tpu.memref_squeeze %dma_start3A_332 : memref<1x16384xf32, #tpu.memory_space<hbm>> -> memref<16384xf32, #tpu.memory_space<hbm>>
    tpu.enqueue_dma source(%dma_start3A_333 : memref<16384xf32, #tpu.memory_space<hbm>>) target(%arg7 : memref<16384xf32, #tpu.memory_space<vmem>>) target_semaphore(%arg12 : memref<!tpu.dma_semaphore, #tpu.memory_space<semaphore_mem>>)
    %dma_wait3A_334 = arith.constant 0 : i32
    %dma_wait3A_335 = tpu.memref_slice %arg2[%add3A_294, %dma_wait3A_334] : memref<1024x16384xf32, #tpu.memory_space<hbm>> -> memref<1x16384xf32, #tpu.memory_space<hbm>>
    %dma_wait3A_336 = tpu.memref_squeeze %dma_wait3A_335 : memref<1x16384xf32, #tpu.memory_space<hbm>> -> memref<16384xf32, #tpu.memory_space<hbm>>
    %dma_wait3A_337 = arith.constant 0 : i32
    %dma_wait3A_338 = tpu.memref_slice %arg2[%add3A_294, %dma_wait3A_337] : memref<1024x16384xf32, #tpu.memory_space<hbm>> -> memref<1x16384xf32, #tpu.memory_space<hbm>>
    %dma_wait3A_339 = tpu.memref_squeeze %dma_wait3A_338 : memref<1x16384xf32, #tpu.memory_space<hbm>> -> memref<16384xf32, #tpu.memory_space<hbm>>
    tpu.wait_dma2 semaphore(%arg11 : memref<!tpu.dma_semaphore, #tpu.memory_space<semaphore_mem>>) src(%dma_wait3A_339 : memref<16384xf32, #tpu.memory_space<hbm>>) dst(%arg6 : memref<16384xf32, #tpu.memory_space<vmem>>)
    %dma_wait3A_340 = arith.constant 0 : i32
    %dma_wait3A_341 = tpu.memref_slice %arg4[%add3A_284, %dma_wait3A_340] : memref<1024x32768xf32, #tpu.memory_space<hbm>> -> memref<1x32768xf32, #tpu.memory_space<hbm>>
    %dma_wait3A_342 = tpu.memref_squeeze %dma_wait3A_341 : memref<1x32768xf32, #tpu.memory_space<hbm>> -> memref<32768xf32, #tpu.memory_space<hbm>>
    %dma_wait3A_343 = arith.constant 0 : i32
    %dma_wait3A_344 = tpu.memref_slice %arg4[%add3A_284, %dma_wait3A_343] : memref<1024x32768xf32, #tpu.memory_space<hbm>> -> memref<1x32768xf32, #tpu.memory_space<hbm>>
    %dma_wait3A_345 = tpu.memref_squeeze %dma_wait3A_344 : memref<1x32768xf32, #tpu.memory_space<hbm>> -> memref<32768xf32, #tpu.memory_space<hbm>>
    tpu.wait_dma2 semaphore(%arg13 : memref<!tpu.dma_semaphore, #tpu.memory_space<semaphore_mem>>) src(%arg8 : memref<32768xf32, #tpu.memory_space<vmem>>) dst(%dma_wait3A_345 : memref<32768xf32, #tpu.memory_space<hbm>>)
    %parallel_loop3A_346 = arith.constant 0 : i32
    %parallel_loop3A_347 = arith.constant 16384 : i32
    %parallel_loop3A_348 = arith.constant 16 : i32
    scf.for %parallel_loop3A_1085 = %parallel_loop3A_346 to %parallel_loop3A_347 step %parallel_loop3A_348  : i32 {
      %parallel_loop3A_1086 = arith.index_cast %parallel_loop3A_1085 : i32 to index
      %parallel_loop3A_1087 = tpu.vector_load %arg5[%parallel_loop3A_1086] {strides = array<i32>} : memref<16384xi32, #tpu.memory_space<vmem>>, vector<16xi32>,
      %parallel_loop3A_1088 = arith.constant 65535 : i32
      %parallel_loop3A_1089 = vector.broadcast %parallel_loop3A_1088 : i32 to vector<16xi32>
      %parallel_loop3A_1090 = arith.andi %parallel_loop3A_1087, %parallel_loop3A_1089 : vector<16xi32>
      %parallel_loop3A_1091 = arith.constant 16 : i32
      %parallel_loop3A_1092 = vector.broadcast %parallel_loop3A_1091 : i32 to vector<16xi32>
      %parallel_loop3A_1093 = arith.shrsi %parallel_loop3A_1087, %parallel_loop3A_1092 : vector<16xi32>
      %parallel_loop3A_1094 = tpu.vector_load_idx %arg6[%parallel_loop3A_1090] : memref<16384xf32, #tpu.memory_space<vmem>>[vector<16xi32>], vector<16xf32>,
      %parallel_loop3A_1095 = arith.constant 2 : i32
      %parallel_loop3A_1096 = arith.muli %parallel_loop3A_1095, %parallel_loop3A_1085 : i32
      %parallel_loop3A_1097 = arith.index_cast %parallel_loop3A_1096 : i32 to index
      %parallel_loop3A_1098 = tpu.vector_load %arg8[%parallel_loop3A_1097] {strides = array<i32>} : memref<32768xf32, #tpu.memory_space<vmem>>, vector<16xf32>,
      tpu.vector_store %arg8[%parallel_loop3A_1097], %parallel_loop3A_1094 {strides = array<i32>} : memref<32768xf32, #tpu.memory_space<vmem>>, vector<16xf32>,
      %parallel_loop3A_1099 = tpu.vector_load_idx %arg6[%parallel_loop3A_1093] : memref<16384xf32, #tpu.memory_space<vmem>>[vector<16xi32>], vector<16xf32>,
      %parallel_loop3A_1100 = arith.constant 2 : i32
      %parallel_loop3A_1101 = arith.muli %parallel_loop3A_1100, %parallel_loop3A_1085 : i32
      %parallel_loop3A_1102 = arith.constant 16 : i32
      %parallel_loop3A_1103 = arith.addi %parallel_loop3A_1101, %parallel_loop3A_1102 : i32
      %parallel_loop3A_1104 = arith.index_cast %parallel_loop3A_1103 : i32 to index
      %parallel_loop3A_1105 = tpu.vector_load %arg8[%parallel_loop3A_1104] {strides = array<i32>} : memref<32768xf32, #tpu.memory_space<vmem>>, vector<16xf32>,
      tpu.vector_store %arg8[%parallel_loop3A_1104], %parallel_loop3A_1099 {strides = array<i32>} : memref<32768xf32, #tpu.memory_space<vmem>>, vector<16xf32>,
    } {sc.loop_unroll_factor = 8 : i64, sc.parallel_access}
    %add3A_349 = arith.constant 10 : i32
    %add3A_350 = arith.addi %mul3A_2, %add3A_349 : i32
    %dma_start3A_351 = arith.constant 0 : i32
    %dma_start3A_352 = tpu.memref_slice %arg4[%add3A_350, %dma_start3A_351] : memref<1024x32768xf32, #tpu.memory_space<hbm>> -> memref<1x32768xf32, #tpu.memory_space<hbm>>
    %dma_start3A_353 = tpu.memref_squeeze %dma_start3A_352 : memref<1x32768xf32, #tpu.memory_space<hbm>> -> memref<32768xf32, #tpu.memory_space<hbm>>
    %dma_start3A_354 = arith.constant 0 : i32
    %dma_start3A_355 = tpu.memref_slice %arg4[%add3A_350, %dma_start3A_354] : memref<1024x32768xf32, #tpu.memory_space<hbm>> -> memref<1x32768xf32, #tpu.memory_space<hbm>>
    %dma_start3A_356 = tpu.memref_squeeze %dma_start3A_355 : memref<1x32768xf32, #tpu.memory_space<hbm>> -> memref<32768xf32, #tpu.memory_space<hbm>>
    tpu.enqueue_dma source(%arg8 : memref<32768xf32, #tpu.memory_space<vmem>>) target(%dma_start3A_356 : memref<32768xf32, #tpu.memory_space<hbm>>) target_semaphore(%arg13 : memref<!tpu.dma_semaphore, #tpu.memory_space<semaphore_mem>>)
    %add3A_357 = arith.constant 11 : i32
    %add3A_358 = arith.addi %mul3A_2, %add3A_357 : i32
    %add3A_359 = arith.constant 1 : i32
    %add3A_360 = arith.addi %add3A_358, %add3A_359 : i32
    %dma_start3A_361 = arith.constant 0 : i32
    %dma_start3A_362 = tpu.memref_slice %arg2[%add3A_360, %dma_start3A_361] : memref<1024x16384xf32, #tpu.memory_space<hbm>> -> memref<1x16384xf32, #tpu.memory_space<hbm>>
    %dma_start3A_363 = tpu.memref_squeeze %dma_start3A_362 : memref<1x16384xf32, #tpu.memory_space<hbm>> -> memref<16384xf32, #tpu.memory_space<hbm>>
    %dma_start3A_364 = arith.constant 0 : i32
    %dma_start3A_365 = tpu.memref_slice %arg2[%add3A_360, %dma_start3A_364] : memref<1024x16384xf32, #tpu.memory_space<hbm>> -> memref<1x16384xf32, #tpu.memory_space<hbm>>
    %dma_start3A_366 = tpu.memref_squeeze %dma_start3A_365 : memref<1x16384xf32, #tpu.memory_space<hbm>> -> memref<16384xf32, #tpu.memory_space<hbm>>
    tpu.enqueue_dma source(%dma_start3A_366 : memref<16384xf32, #tpu.memory_space<hbm>>) target(%arg6 : memref<16384xf32, #tpu.memory_space<vmem>>) target_semaphore(%arg11 : memref<!tpu.dma_semaphore, #tpu.memory_space<semaphore_mem>>)
    %dma_wait3A_367 = arith.constant 0 : i32
    %dma_wait3A_368 = tpu.memref_slice %arg2[%add3A_327, %dma_wait3A_367] : memref<1024x16384xf32, #tpu.memory_space<hbm>> -> memref<1x16384xf32, #tpu.memory_space<hbm>>
    %dma_wait3A_369 = tpu.memref_squeeze %dma_wait3A_368 : memref<1x16384xf32, #tpu.memory_space<hbm>> -> memref<16384xf32, #tpu.memory_space<hbm>>
    %dma_wait3A_370 = arith.constant 0 : i32
    %dma_wait3A_371 = tpu.memref_slice %arg2[%add3A_327, %dma_wait3A_370] : memref<1024x16384xf32, #tpu.memory_space<hbm>> -> memref<1x16384xf32, #tpu.memory_space<hbm>>
    %dma_wait3A_372 = tpu.memref_squeeze %dma_wait3A_371 : memref<1x16384xf32, #tpu.memory_space<hbm>> -> memref<16384xf32, #tpu.memory_space<hbm>>
    tpu.wait_dma2 semaphore(%arg12 : memref<!tpu.dma_semaphore, #tpu.memory_space<semaphore_mem>>) src(%dma_wait3A_372 : memref<16384xf32, #tpu.memory_space<hbm>>) dst(%arg7 : memref<16384xf32, #tpu.memory_space<vmem>>)
    %dma_wait3A_373 = arith.constant 0 : i32
    %dma_wait3A_374 = tpu.memref_slice %arg4[%add3A_317, %dma_wait3A_373] : memref<1024x32768xf32, #tpu.memory_space<hbm>> -> memref<1x32768xf32, #tpu.memory_space<hbm>>
    %dma_wait3A_375 = tpu.memref_squeeze %dma_wait3A_374 : memref<1x32768xf32, #tpu.memory_space<hbm>> -> memref<32768xf32, #tpu.memory_space<hbm>>
    %dma_wait3A_376 = arith.constant 0 : i32
    %dma_wait3A_377 = tpu.memref_slice %arg4[%add3A_317, %dma_wait3A_376] : memref<1024x32768xf32, #tpu.memory_space<hbm>> -> memref<1x32768xf32, #tpu.memory_space<hbm>>
    %dma_wait3A_378 = tpu.memref_squeeze %dma_wait3A_377 : memref<1x32768xf32, #tpu.memory_space<hbm>> -> memref<32768xf32, #tpu.memory_space<hbm>>
    tpu.wait_dma2 semaphore(%arg14 : memref<!tpu.dma_semaphore, #tpu.memory_space<semaphore_mem>>) src(%arg9 : memref<32768xf32, #tpu.memory_space<vmem>>) dst(%dma_wait3A_378 : memref<32768xf32, #tpu.memory_space<hbm>>)
    %parallel_loop3A_379 = arith.constant 0 : i32
    %parallel_loop3A_380 = arith.constant 16384 : i32
    %parallel_loop3A_381 = arith.constant 16 : i32
    scf.for %parallel_loop3A_1085 = %parallel_loop3A_379 to %parallel_loop3A_380 step %parallel_loop3A_381  : i32 {
      %parallel_loop3A_1086 = arith.index_cast %parallel_loop3A_1085 : i32 to index
      %parallel_loop3A_1087 = tpu.vector_load %arg5[%parallel_loop3A_1086] {strides = array<i32>} : memref<16384xi32, #tpu.memory_space<vmem>>, vector<16xi32>,
      %parallel_loop3A_1088 = arith.constant 65535 : i32
      %parallel_loop3A_1089 = vector.broadcast %parallel_loop3A_1088 : i32 to vector<16xi32>
      %parallel_loop3A_1090 = arith.andi %parallel_loop3A_1087, %parallel_loop3A_1089 : vector<16xi32>
      %parallel_loop3A_1091 = arith.constant 16 : i32
      %parallel_loop3A_1092 = vector.broadcast %parallel_loop3A_1091 : i32 to vector<16xi32>
      %parallel_loop3A_1093 = arith.shrsi %parallel_loop3A_1087, %parallel_loop3A_1092 : vector<16xi32>
      %parallel_loop3A_1094 = tpu.vector_load_idx %arg7[%parallel_loop3A_1090] : memref<16384xf32, #tpu.memory_space<vmem>>[vector<16xi32>], vector<16xf32>,
      %parallel_loop3A_1095 = arith.constant 2 : i32
      %parallel_loop3A_1096 = arith.muli %parallel_loop3A_1095, %parallel_loop3A_1085 : i32
      %parallel_loop3A_1097 = arith.index_cast %parallel_loop3A_1096 : i32 to index
      %parallel_loop3A_1098 = tpu.vector_load %arg9[%parallel_loop3A_1097] {strides = array<i32>} : memref<32768xf32, #tpu.memory_space<vmem>>, vector<16xf32>,
      tpu.vector_store %arg9[%parallel_loop3A_1097], %parallel_loop3A_1094 {strides = array<i32>} : memref<32768xf32, #tpu.memory_space<vmem>>, vector<16xf32>,
      %parallel_loop3A_1099 = tpu.vector_load_idx %arg7[%parallel_loop3A_1093] : memref<16384xf32, #tpu.memory_space<vmem>>[vector<16xi32>], vector<16xf32>,
      %parallel_loop3A_1100 = arith.constant 2 : i32
      %parallel_loop3A_1101 = arith.muli %parallel_loop3A_1100, %parallel_loop3A_1085 : i32
      %parallel_loop3A_1102 = arith.constant 16 : i32
      %parallel_loop3A_1103 = arith.addi %parallel_loop3A_1101, %parallel_loop3A_1102 : i32
      %parallel_loop3A_1104 = arith.index_cast %parallel_loop3A_1103 : i32 to index
      %parallel_loop3A_1105 = tpu.vector_load %arg9[%parallel_loop3A_1104] {strides = array<i32>} : memref<32768xf32, #tpu.memory_space<vmem>>, vector<16xf32>,
      tpu.vector_store %arg9[%parallel_loop3A_1104], %parallel_loop3A_1099 {strides = array<i32>} : memref<32768xf32, #tpu.memory_space<vmem>>, vector<16xf32>,
    } {sc.loop_unroll_factor = 8 : i64, sc.parallel_access}
    %add3A_382 = arith.constant 11 : i32
    %add3A_383 = arith.addi %mul3A_2, %add3A_382 : i32
    %dma_start3A_384 = arith.constant 0 : i32
    %dma_start3A_385 = tpu.memref_slice %arg4[%add3A_383, %dma_start3A_384] : memref<1024x32768xf32, #tpu.memory_space<hbm>> -> memref<1x32768xf32, #tpu.memory_space<hbm>>
    %dma_start3A_386 = tpu.memref_squeeze %dma_start3A_385 : memref<1x32768xf32, #tpu.memory_space<hbm>> -> memref<32768xf32, #tpu.memory_space<hbm>>
    %dma_start3A_387 = arith.constant 0 : i32
    %dma_start3A_388 = tpu.memref_slice %arg4[%add3A_383, %dma_start3A_387] : memref<1024x32768xf32, #tpu.memory_space<hbm>> -> memref<1x32768xf32, #tpu.memory_space<hbm>>
    %dma_start3A_389 = tpu.memref_squeeze %dma_start3A_388 : memref<1x32768xf32, #tpu.memory_space<hbm>> -> memref<32768xf32, #tpu.memory_space<hbm>>
    tpu.enqueue_dma source(%arg9 : memref<32768xf32, #tpu.memory_space<vmem>>) target(%dma_start3A_389 : memref<32768xf32, #tpu.memory_space<hbm>>) target_semaphore(%arg14 : memref<!tpu.dma_semaphore, #tpu.memory_space<semaphore_mem>>)
    %add3A_390 = arith.constant 12 : i32
    %add3A_391 = arith.addi %mul3A_2, %add3A_390 : i32
    %add3A_392 = arith.constant 1 : i32
    %add3A_393 = arith.addi %add3A_391, %add3A_392 : i32
    %dma_start3A_394 = arith.constant 0 : i32
    %dma_start3A_395 = tpu.memref_slice %arg2[%add3A_393, %dma_start3A_394] : memref<1024x16384xf32, #tpu.memory_space<hbm>> -> memref<1x16384xf32, #tpu.memory_space<hbm>>
    %dma_start3A_396 = tpu.memref_squeeze %dma_start3A_395 : memref<1x16384xf32, #tpu.memory_space<hbm>> -> memref<16384xf32, #tpu.memory_space<hbm>>
    %dma_start3A_397 = arith.constant 0 : i32
    %dma_start3A_398 = tpu.memref_slice %arg2[%add3A_393, %dma_start3A_397] : memref<1024x16384xf32, #tpu.memory_space<hbm>> -> memref<1x16384xf32, #tpu.memory_space<hbm>>
    %dma_start3A_399 = tpu.memref_squeeze %dma_start3A_398 : memref<1x16384xf32, #tpu.memory_space<hbm>> -> memref<16384xf32, #tpu.memory_space<hbm>>
    tpu.enqueue_dma source(%dma_start3A_399 : memref<16384xf32, #tpu.memory_space<hbm>>) target(%arg7 : memref<16384xf32, #tpu.memory_space<vmem>>) target_semaphore(%arg12 : memref<!tpu.dma_semaphore, #tpu.memory_space<semaphore_mem>>)
    %dma_wait3A_400 = arith.constant 0 : i32
    %dma_wait3A_401 = tpu.memref_slice %arg2[%add3A_360, %dma_wait3A_400] : memref<1024x16384xf32, #tpu.memory_space<hbm>> -> memref<1x16384xf32, #tpu.memory_space<hbm>>
    %dma_wait3A_402 = tpu.memref_squeeze %dma_wait3A_401 : memref<1x16384xf32, #tpu.memory_space<hbm>> -> memref<16384xf32, #tpu.memory_space<hbm>>
    %dma_wait3A_403 = arith.constant 0 : i32
    %dma_wait3A_404 = tpu.memref_slice %arg2[%add3A_360, %dma_wait3A_403] : memref<1024x16384xf32, #tpu.memory_space<hbm>> -> memref<1x16384xf32, #tpu.memory_space<hbm>>
    %dma_wait3A_405 = tpu.memref_squeeze %dma_wait3A_404 : memref<1x16384xf32, #tpu.memory_space<hbm>> -> memref<16384xf32, #tpu.memory_space<hbm>>
    tpu.wait_dma2 semaphore(%arg11 : memref<!tpu.dma_semaphore, #tpu.memory_space<semaphore_mem>>) src(%dma_wait3A_405 : memref<16384xf32, #tpu.memory_space<hbm>>) dst(%arg6 : memref<16384xf32, #tpu.memory_space<vmem>>)
    %dma_wait3A_406 = arith.constant 0 : i32
    %dma_wait3A_407 = tpu.memref_slice %arg4[%add3A_350, %dma_wait3A_406] : memref<1024x32768xf32, #tpu.memory_space<hbm>> -> memref<1x32768xf32, #tpu.memory_space<hbm>>
    %dma_wait3A_408 = tpu.memref_squeeze %dma_wait3A_407 : memref<1x32768xf32, #tpu.memory_space<hbm>> -> memref<32768xf32, #tpu.memory_space<hbm>>
    %dma_wait3A_409 = arith.constant 0 : i32
    %dma_wait3A_410 = tpu.memref_slice %arg4[%add3A_350, %dma_wait3A_409] : memref<1024x32768xf32, #tpu.memory_space<hbm>> -> memref<1x32768xf32, #tpu.memory_space<hbm>>
    %dma_wait3A_411 = tpu.memref_squeeze %dma_wait3A_410 : memref<1x32768xf32, #tpu.memory_space<hbm>> -> memref<32768xf32, #tpu.memory_space<hbm>>
    tpu.wait_dma2 semaphore(%arg13 : memref<!tpu.dma_semaphore, #tpu.memory_space<semaphore_mem>>) src(%arg8 : memref<32768xf32, #tpu.memory_space<vmem>>) dst(%dma_wait3A_411 : memref<32768xf32, #tpu.memory_space<hbm>>)
    %parallel_loop3A_412 = arith.constant 0 : i32
    %parallel_loop3A_413 = arith.constant 16384 : i32
    %parallel_loop3A_414 = arith.constant 16 : i32
    scf.for %parallel_loop3A_1085 = %parallel_loop3A_412 to %parallel_loop3A_413 step %parallel_loop3A_414  : i32 {
      %parallel_loop3A_1086 = arith.index_cast %parallel_loop3A_1085 : i32 to index
      %parallel_loop3A_1087 = tpu.vector_load %arg5[%parallel_loop3A_1086] {strides = array<i32>} : memref<16384xi32, #tpu.memory_space<vmem>>, vector<16xi32>,
      %parallel_loop3A_1088 = arith.constant 65535 : i32
      %parallel_loop3A_1089 = vector.broadcast %parallel_loop3A_1088 : i32 to vector<16xi32>
      %parallel_loop3A_1090 = arith.andi %parallel_loop3A_1087, %parallel_loop3A_1089 : vector<16xi32>
      %parallel_loop3A_1091 = arith.constant 16 : i32
      %parallel_loop3A_1092 = vector.broadcast %parallel_loop3A_1091 : i32 to vector<16xi32>
      %parallel_loop3A_1093 = arith.shrsi %parallel_loop3A_1087, %parallel_loop3A_1092 : vector<16xi32>
      %parallel_loop3A_1094 = tpu.vector_load_idx %arg6[%parallel_loop3A_1090] : memref<16384xf32, #tpu.memory_space<vmem>>[vector<16xi32>], vector<16xf32>,
      %parallel_loop3A_1095 = arith.constant 2 : i32
      %parallel_loop3A_1096 = arith.muli %parallel_loop3A_1095, %parallel_loop3A_1085 : i32
      %parallel_loop3A_1097 = arith.index_cast %parallel_loop3A_1096 : i32 to index
      %parallel_loop3A_1098 = tpu.vector_load %arg8[%parallel_loop3A_1097] {strides = array<i32>} : memref<32768xf32, #tpu.memory_space<vmem>>, vector<16xf32>,
      tpu.vector_store %arg8[%parallel_loop3A_1097], %parallel_loop3A_1094 {strides = array<i32>} : memref<32768xf32, #tpu.memory_space<vmem>>, vector<16xf32>,
      %parallel_loop3A_1099 = tpu.vector_load_idx %arg6[%parallel_loop3A_1093] : memref<16384xf32, #tpu.memory_space<vmem>>[vector<16xi32>], vector<16xf32>,
      %parallel_loop3A_1100 = arith.constant 2 : i32
      %parallel_loop3A_1101 = arith.muli %parallel_loop3A_1100, %parallel_loop3A_1085 : i32
      %parallel_loop3A_1102 = arith.constant 16 : i32
      %parallel_loop3A_1103 = arith.addi %parallel_loop3A_1101, %parallel_loop3A_1102 : i32
      %parallel_loop3A_1104 = arith.index_cast %parallel_loop3A_1103 : i32 to index
      %parallel_loop3A_1105 = tpu.vector_load %arg8[%parallel_loop3A_1104] {strides = array<i32>} : memref<32768xf32, #tpu.memory_space<vmem>>, vector<16xf32>,
      tpu.vector_store %arg8[%parallel_loop3A_1104], %parallel_loop3A_1099 {strides = array<i32>} : memref<32768xf32, #tpu.memory_space<vmem>>, vector<16xf32>,
    } {sc.loop_unroll_factor = 8 : i64, sc.parallel_access}
    %add3A_415 = arith.constant 12 : i32
    %add3A_416 = arith.addi %mul3A_2, %add3A_415 : i32
    %dma_start3A_417 = arith.constant 0 : i32
    %dma_start3A_418 = tpu.memref_slice %arg4[%add3A_416, %dma_start3A_417] : memref<1024x32768xf32, #tpu.memory_space<hbm>> -> memref<1x32768xf32, #tpu.memory_space<hbm>>
    %dma_start3A_419 = tpu.memref_squeeze %dma_start3A_418 : memref<1x32768xf32, #tpu.memory_space<hbm>> -> memref<32768xf32, #tpu.memory_space<hbm>>
    %dma_start3A_420 = arith.constant 0 : i32
    %dma_start3A_421 = tpu.memref_slice %arg4[%add3A_416, %dma_start3A_420] : memref<1024x32768xf32, #tpu.memory_space<hbm>> -> memref<1x32768xf32, #tpu.memory_space<hbm>>
    %dma_start3A_422 = tpu.memref_squeeze %dma_start3A_421 : memref<1x32768xf32, #tpu.memory_space<hbm>> -> memref<32768xf32, #tpu.memory_space<hbm>>
    tpu.enqueue_dma source(%arg8 : memref<32768xf32, #tpu.memory_space<vmem>>) target(%dma_start3A_422 : memref<32768xf32, #tpu.memory_space<hbm>>) target_semaphore(%arg13 : memref<!tpu.dma_semaphore, #tpu.memory_space<semaphore_mem>>)
    %add3A_423 = arith.constant 13 : i32
    %add3A_424 = arith.addi %mul3A_2, %add3A_423 : i32
    %add3A_425 = arith.constant 1 : i32
    %add3A_426 = arith.addi %add3A_424, %add3A_425 : i32
    %dma_start3A_427 = arith.constant 0 : i32
    %dma_start3A_428 = tpu.memref_slice %arg2[%add3A_426, %dma_start3A_427] : memref<1024x16384xf32, #tpu.memory_space<hbm>> -> memref<1x16384xf32, #tpu.memory_space<hbm>>
    %dma_start3A_429 = tpu.memref_squeeze %dma_start3A_428 : memref<1x16384xf32, #tpu.memory_space<hbm>> -> memref<16384xf32, #tpu.memory_space<hbm>>
    %dma_start3A_430 = arith.constant 0 : i32
    %dma_start3A_431 = tpu.memref_slice %arg2[%add3A_426, %dma_start3A_430] : memref<1024x16384xf32, #tpu.memory_space<hbm>> -> memref<1x16384xf32, #tpu.memory_space<hbm>>
    %dma_start3A_432 = tpu.memref_squeeze %dma_start3A_431 : memref<1x16384xf32, #tpu.memory_space<hbm>> -> memref<16384xf32, #tpu.memory_space<hbm>>
    tpu.enqueue_dma source(%dma_start3A_432 : memref<16384xf32, #tpu.memory_space<hbm>>) target(%arg6 : memref<16384xf32, #tpu.memory_space<vmem>>) target_semaphore(%arg11 : memref<!tpu.dma_semaphore, #tpu.memory_space<semaphore_mem>>)
    %dma_wait3A_433 = arith.constant 0 : i32
    %dma_wait3A_434 = tpu.memref_slice %arg2[%add3A_393, %dma_wait3A_433] : memref<1024x16384xf32, #tpu.memory_space<hbm>> -> memref<1x16384xf32, #tpu.memory_space<hbm>>
    %dma_wait3A_435 = tpu.memref_squeeze %dma_wait3A_434 : memref<1x16384xf32, #tpu.memory_space<hbm>> -> memref<16384xf32, #tpu.memory_space<hbm>>
    %dma_wait3A_436 = arith.constant 0 : i32
    %dma_wait3A_437 = tpu.memref_slice %arg2[%add3A_393, %dma_wait3A_436] : memref<1024x16384xf32, #tpu.memory_space<hbm>> -> memref<1x16384xf32, #tpu.memory_space<hbm>>
    %dma_wait3A_438 = tpu.memref_squeeze %dma_wait3A_437 : memref<1x16384xf32, #tpu.memory_space<hbm>> -> memref<16384xf32, #tpu.memory_space<hbm>>
    tpu.wait_dma2 semaphore(%arg12 : memref<!tpu.dma_semaphore, #tpu.memory_space<semaphore_mem>>) src(%dma_wait3A_438 : memref<16384xf32, #tpu.memory_space<hbm>>) dst(%arg7 : memref<16384xf32, #tpu.memory_space<vmem>>)
    %dma_wait3A_439 = arith.constant 0 : i32
    %dma_wait3A_440 = tpu.memref_slice %arg4[%add3A_383, %dma_wait3A_439] : memref<1024x32768xf32, #tpu.memory_space<hbm>> -> memref<1x32768xf32, #tpu.memory_space<hbm>>
    %dma_wait3A_441 = tpu.memref_squeeze %dma_wait3A_440 : memref<1x32768xf32, #tpu.memory_space<hbm>> -> memref<32768xf32, #tpu.memory_space<hbm>>
    %dma_wait3A_442 = arith.constant 0 : i32
    %dma_wait3A_443 = tpu.memref_slice %arg4[%add3A_383, %dma_wait3A_442] : memref<1024x32768xf32, #tpu.memory_space<hbm>> -> memref<1x32768xf32, #tpu.memory_space<hbm>>
    %dma_wait3A_444 = tpu.memref_squeeze %dma_wait3A_443 : memref<1x32768xf32, #tpu.memory_space<hbm>> -> memref<32768xf32, #tpu.memory_space<hbm>>
    tpu.wait_dma2 semaphore(%arg14 : memref<!tpu.dma_semaphore, #tpu.memory_space<semaphore_mem>>) src(%arg9 : memref<32768xf32, #tpu.memory_space<vmem>>) dst(%dma_wait3A_444 : memref<32768xf32, #tpu.memory_space<hbm>>)
    %parallel_loop3A_445 = arith.constant 0 : i32
    %parallel_loop3A_446 = arith.constant 16384 : i32
    %parallel_loop3A_447 = arith.constant 16 : i32
    scf.for %parallel_loop3A_1085 = %parallel_loop3A_445 to %parallel_loop3A_446 step %parallel_loop3A_447  : i32 {
      %parallel_loop3A_1086 = arith.index_cast %parallel_loop3A_1085 : i32 to index
      %parallel_loop3A_1087 = tpu.vector_load %arg5[%parallel_loop3A_1086] {strides = array<i32>} : memref<16384xi32, #tpu.memory_space<vmem>>, vector<16xi32>,
      %parallel_loop3A_1088 = arith.constant 65535 : i32
      %parallel_loop3A_1089 = vector.broadcast %parallel_loop3A_1088 : i32 to vector<16xi32>
      %parallel_loop3A_1090 = arith.andi %parallel_loop3A_1087, %parallel_loop3A_1089 : vector<16xi32>
      %parallel_loop3A_1091 = arith.constant 16 : i32
      %parallel_loop3A_1092 = vector.broadcast %parallel_loop3A_1091 : i32 to vector<16xi32>
      %parallel_loop3A_1093 = arith.shrsi %parallel_loop3A_1087, %parallel_loop3A_1092 : vector<16xi32>
      %parallel_loop3A_1094 = tpu.vector_load_idx %arg7[%parallel_loop3A_1090] : memref<16384xf32, #tpu.memory_space<vmem>>[vector<16xi32>], vector<16xf32>,
      %parallel_loop3A_1095 = arith.constant 2 : i32
      %parallel_loop3A_1096 = arith.muli %parallel_loop3A_1095, %parallel_loop3A_1085 : i32
      %parallel_loop3A_1097 = arith.index_cast %parallel_loop3A_1096 : i32 to index
      %parallel_loop3A_1098 = tpu.vector_load %arg9[%parallel_loop3A_1097] {strides = array<i32>} : memref<32768xf32, #tpu.memory_space<vmem>>, vector<16xf32>,
      tpu.vector_store %arg9[%parallel_loop3A_1097], %parallel_loop3A_1094 {strides = array<i32>} : memref<32768xf32, #tpu.memory_space<vmem>>, vector<16xf32>,
      %parallel_loop3A_1099 = tpu.vector_load_idx %arg7[%parallel_loop3A_1093] : memref<16384xf32, #tpu.memory_space<vmem>>[vector<16xi32>], vector<16xf32>,
      %parallel_loop3A_1100 = arith.constant 2 : i32
      %parallel_loop3A_1101 = arith.muli %parallel_loop3A_1100, %parallel_loop3A_1085 : i32
      %parallel_loop3A_1102 = arith.constant 16 : i32
      %parallel_loop3A_1103 = arith.addi %parallel_loop3A_1101, %parallel_loop3A_1102 : i32
      %parallel_loop3A_1104 = arith.index_cast %parallel_loop3A_1103 : i32 to index
      %parallel_loop3A_1105 = tpu.vector_load %arg9[%parallel_loop3A_1104] {strides = array<i32>} : memref<32768xf32, #tpu.memory_space<vmem>>, vector<16xf32>,
      tpu.vector_store %arg9[%parallel_loop3A_1104], %parallel_loop3A_1099 {strides = array<i32>} : memref<32768xf32, #tpu.memory_space<vmem>>, vector<16xf32>,
    } {sc.loop_unroll_factor = 8 : i64, sc.parallel_access}
    %add3A_448 = arith.constant 13 : i32
    %add3A_449 = arith.addi %mul3A_2, %add3A_448 : i32
    %dma_start3A_450 = arith.constant 0 : i32
    %dma_start3A_451 = tpu.memref_slice %arg4[%add3A_449, %dma_start3A_450] : memref<1024x32768xf32, #tpu.memory_space<hbm>> -> memref<1x32768xf32, #tpu.memory_space<hbm>>
    %dma_start3A_452 = tpu.memref_squeeze %dma_start3A_451 : memref<1x32768xf32, #tpu.memory_space<hbm>> -> memref<32768xf32, #tpu.memory_space<hbm>>
    %dma_start3A_453 = arith.constant 0 : i32
    %dma_start3A_454 = tpu.memref_slice %arg4[%add3A_449, %dma_start3A_453] : memref<1024x32768xf32, #tpu.memory_space<hbm>> -> memref<1x32768xf32, #tpu.memory_space<hbm>>
    %dma_start3A_455 = tpu.memref_squeeze %dma_start3A_454 : memref<1x32768xf32, #tpu.memory_space<hbm>> -> memref<32768xf32, #tpu.memory_space<hbm>>
    tpu.enqueue_dma source(%arg9 : memref<32768xf32, #tpu.memory_space<vmem>>) target(%dma_start3A_455 : memref<32768xf32, #tpu.memory_space<hbm>>) target_semaphore(%arg14 : memref<!tpu.dma_semaphore, #tpu.memory_space<semaphore_mem>>)
    %add3A_456 = arith.constant 14 : i32
    %add3A_457 = arith.addi %mul3A_2, %add3A_456 : i32
    %add3A_458 = arith.constant 1 : i32
    %add3A_459 = arith.addi %add3A_457, %add3A_458 : i32
    %dma_start3A_460 = arith.constant 0 : i32
    %dma_start3A_461 = tpu.memref_slice %arg2[%add3A_459, %dma_start3A_460] : memref<1024x16384xf32, #tpu.memory_space<hbm>> -> memref<1x16384xf32, #tpu.memory_space<hbm>>
    %dma_start3A_462 = tpu.memref_squeeze %dma_start3A_461 : memref<1x16384xf32, #tpu.memory_space<hbm>> -> memref<16384xf32, #tpu.memory_space<hbm>>
    %dma_start3A_463 = arith.constant 0 : i32
    %dma_start3A_464 = tpu.memref_slice %arg2[%add3A_459, %dma_start3A_463] : memref<1024x16384xf32, #tpu.memory_space<hbm>> -> memref<1x16384xf32, #tpu.memory_space<hbm>>
    %dma_start3A_465 = tpu.memref_squeeze %dma_start3A_464 : memref<1x16384xf32, #tpu.memory_space<hbm>> -> memref<16384xf32, #tpu.memory_space<hbm>>
    tpu.enqueue_dma source(%dma_start3A_465 : memref<16384xf32, #tpu.memory_space<hbm>>) target(%arg7 : memref<16384xf32, #tpu.memory_space<vmem>>) target_semaphore(%arg12 : memref<!tpu.dma_semaphore, #tpu.memory_space<semaphore_mem>>)
    %dma_wait3A_466 = arith.constant 0 : i32
    %dma_wait3A_467 = tpu.memref_slice %arg2[%add3A_426, %dma_wait3A_466] : memref<1024x16384xf32, #tpu.memory_space<hbm>> -> memref<1x16384xf32, #tpu.memory_space<hbm>>
    %dma_wait3A_468 = tpu.memref_squeeze %dma_wait3A_467 : memref<1x16384xf32, #tpu.memory_space<hbm>> -> memref<16384xf32, #tpu.memory_space<hbm>>
    %dma_wait3A_469 = arith.constant 0 : i32
    %dma_wait3A_470 = tpu.memref_slice %arg2[%add3A_426, %dma_wait3A_469] : memref<1024x16384xf32, #tpu.memory_space<hbm>> -> memref<1x16384xf32, #tpu.memory_space<hbm>>
    %dma_wait3A_471 = tpu.memref_squeeze %dma_wait3A_470 : memref<1x16384xf32, #tpu.memory_space<hbm>> -> memref<16384xf32, #tpu.memory_space<hbm>>
    tpu.wait_dma2 semaphore(%arg11 : memref<!tpu.dma_semaphore, #tpu.memory_space<semaphore_mem>>) src(%dma_wait3A_471 : memref<16384xf32, #tpu.memory_space<hbm>>) dst(%arg6 : memref<16384xf32, #tpu.memory_space<vmem>>)
    %dma_wait3A_472 = arith.constant 0 : i32
    %dma_wait3A_473 = tpu.memref_slice %arg4[%add3A_416, %dma_wait3A_472] : memref<1024x32768xf32, #tpu.memory_space<hbm>> -> memref<1x32768xf32, #tpu.memory_space<hbm>>
    %dma_wait3A_474 = tpu.memref_squeeze %dma_wait3A_473 : memref<1x32768xf32, #tpu.memory_space<hbm>> -> memref<32768xf32, #tpu.memory_space<hbm>>
    %dma_wait3A_475 = arith.constant 0 : i32
    %dma_wait3A_476 = tpu.memref_slice %arg4[%add3A_416, %dma_wait3A_475] : memref<1024x32768xf32, #tpu.memory_space<hbm>> -> memref<1x32768xf32, #tpu.memory_space<hbm>>
    %dma_wait3A_477 = tpu.memref_squeeze %dma_wait3A_476 : memref<1x32768xf32, #tpu.memory_space<hbm>> -> memref<32768xf32, #tpu.memory_space<hbm>>
    tpu.wait_dma2 semaphore(%arg13 : memref<!tpu.dma_semaphore, #tpu.memory_space<semaphore_mem>>) src(%arg8 : memref<32768xf32, #tpu.memory_space<vmem>>) dst(%dma_wait3A_477 : memref<32768xf32, #tpu.memory_space<hbm>>)
    %parallel_loop3A_478 = arith.constant 0 : i32
    %parallel_loop3A_479 = arith.constant 16384 : i32
    %parallel_loop3A_480 = arith.constant 16 : i32
    scf.for %parallel_loop3A_1085 = %parallel_loop3A_478 to %parallel_loop3A_479 step %parallel_loop3A_480  : i32 {
      %parallel_loop3A_1086 = arith.index_cast %parallel_loop3A_1085 : i32 to index
      %parallel_loop3A_1087 = tpu.vector_load %arg5[%parallel_loop3A_1086] {strides = array<i32>} : memref<16384xi32, #tpu.memory_space<vmem>>, vector<16xi32>,
      %parallel_loop3A_1088 = arith.constant 65535 : i32
      %parallel_loop3A_1089 = vector.broadcast %parallel_loop3A_1088 : i32 to vector<16xi32>
      %parallel_loop3A_1090 = arith.andi %parallel_loop3A_1087, %parallel_loop3A_1089 : vector<16xi32>
      %parallel_loop3A_1091 = arith.constant 16 : i32
      %parallel_loop3A_1092 = vector.broadcast %parallel_loop3A_1091 : i32 to vector<16xi32>
      %parallel_loop3A_1093 = arith.shrsi %parallel_loop3A_1087, %parallel_loop3A_1092 : vector<16xi32>
      %parallel_loop3A_1094 = tpu.vector_load_idx %arg6[%parallel_loop3A_1090] : memref<16384xf32, #tpu.memory_space<vmem>>[vector<16xi32>], vector<16xf32>,
      %parallel_loop3A_1095 = arith.constant 2 : i32
      %parallel_loop3A_1096 = arith.muli %parallel_loop3A_1095, %parallel_loop3A_1085 : i32
      %parallel_loop3A_1097 = arith.index_cast %parallel_loop3A_1096 : i32 to index
      %parallel_loop3A_1098 = tpu.vector_load %arg8[%parallel_loop3A_1097] {strides = array<i32>} : memref<32768xf32, #tpu.memory_space<vmem>>, vector<16xf32>,
      tpu.vector_store %arg8[%parallel_loop3A_1097], %parallel_loop3A_1094 {strides = array<i32>} : memref<32768xf32, #tpu.memory_space<vmem>>, vector<16xf32>,
      %parallel_loop3A_1099 = tpu.vector_load_idx %arg6[%parallel_loop3A_1093] : memref<16384xf32, #tpu.memory_space<vmem>>[vector<16xi32>], vector<16xf32>,
      %parallel_loop3A_1100 = arith.constant 2 : i32
      %parallel_loop3A_1101 = arith.muli %parallel_loop3A_1100, %parallel_loop3A_1085 : i32
      %parallel_loop3A_1102 = arith.constant 16 : i32
      %parallel_loop3A_1103 = arith.addi %parallel_loop3A_1101, %parallel_loop3A_1102 : i32
      %parallel_loop3A_1104 = arith.index_cast %parallel_loop3A_1103 : i32 to index
      %parallel_loop3A_1105 = tpu.vector_load %arg8[%parallel_loop3A_1104] {strides = array<i32>} : memref<32768xf32, #tpu.memory_space<vmem>>, vector<16xf32>,
      tpu.vector_store %arg8[%parallel_loop3A_1104], %parallel_loop3A_1099 {strides = array<i32>} : memref<32768xf32, #tpu.memory_space<vmem>>, vector<16xf32>,
    } {sc.loop_unroll_factor = 8 : i64, sc.parallel_access}
    %add3A_481 = arith.constant 14 : i32
    %add3A_482 = arith.addi %mul3A_2, %add3A_481 : i32
    %dma_start3A_483 = arith.constant 0 : i32
    %dma_start3A_484 = tpu.memref_slice %arg4[%add3A_482, %dma_start3A_483] : memref<1024x32768xf32, #tpu.memory_space<hbm>> -> memref<1x32768xf32, #tpu.memory_space<hbm>>
    %dma_start3A_485 = tpu.memref_squeeze %dma_start3A_484 : memref<1x32768xf32, #tpu.memory_space<hbm>> -> memref<32768xf32, #tpu.memory_space<hbm>>
    %dma_start3A_486 = arith.constant 0 : i32
    %dma_start3A_487 = tpu.memref_slice %arg4[%add3A_482, %dma_start3A_486] : memref<1024x32768xf32, #tpu.memory_space<hbm>> -> memref<1x32768xf32, #tpu.memory_space<hbm>>
    %dma_start3A_488 = tpu.memref_squeeze %dma_start3A_487 : memref<1x32768xf32, #tpu.memory_space<hbm>> -> memref<32768xf32, #tpu.memory_space<hbm>>
    tpu.enqueue_dma source(%arg8 : memref<32768xf32, #tpu.memory_space<vmem>>) target(%dma_start3A_488 : memref<32768xf32, #tpu.memory_space<hbm>>) target_semaphore(%arg13 : memref<!tpu.dma_semaphore, #tpu.memory_space<semaphore_mem>>)
    %add3A_489 = arith.constant 15 : i32
    %add3A_490 = arith.addi %mul3A_2, %add3A_489 : i32
    %add3A_491 = arith.constant 1 : i32
    %add3A_492 = arith.addi %add3A_490, %add3A_491 : i32
    %dma_start3A_493 = arith.constant 0 : i32
    %dma_start3A_494 = tpu.memref_slice %arg2[%add3A_492, %dma_start3A_493] : memref<1024x16384xf32, #tpu.memory_space<hbm>> -> memref<1x16384xf32, #tpu.memory_space<hbm>>
    %dma_start3A_495 = tpu.memref_squeeze %dma_start3A_494 : memref<1x16384xf32, #tpu.memory_space<hbm>> -> memref<16384xf32, #tpu.memory_space<hbm>>
    %dma_start3A_496 = arith.constant 0 : i32
    %dma_start3A_497 = tpu.memref_slice %arg2[%add3A_492, %dma_start3A_496] : memref<1024x16384xf32, #tpu.memory_space<hbm>> -> memref<1x16384xf32, #tpu.memory_space<hbm>>
    %dma_start3A_498 = tpu.memref_squeeze %dma_start3A_497 : memref<1x16384xf32, #tpu.memory_space<hbm>> -> memref<16384xf32, #tpu.memory_space<hbm>>
    tpu.enqueue_dma source(%dma_start3A_498 : memref<16384xf32, #tpu.memory_space<hbm>>) target(%arg6 : memref<16384xf32, #tpu.memory_space<vmem>>) target_semaphore(%arg11 : memref<!tpu.dma_semaphore, #tpu.memory_space<semaphore_mem>>)
    %dma_wait3A_499 = arith.constant 0 : i32
    %dma_wait3A_500 = tpu.memref_slice %arg2[%add3A_459, %dma_wait3A_499] : memref<1024x16384xf32, #tpu.memory_space<hbm>> -> memref<1x16384xf32, #tpu.memory_space<hbm>>
    %dma_wait3A_501 = tpu.memref_squeeze %dma_wait3A_500 : memref<1x16384xf32, #tpu.memory_space<hbm>> -> memref<16384xf32, #tpu.memory_space<hbm>>
    %dma_wait3A_502 = arith.constant 0 : i32
    %dma_wait3A_503 = tpu.memref_slice %arg2[%add3A_459, %dma_wait3A_502] : memref<1024x16384xf32, #tpu.memory_space<hbm>> -> memref<1x16384xf32, #tpu.memory_space<hbm>>
    %dma_wait3A_504 = tpu.memref_squeeze %dma_wait3A_503 : memref<1x16384xf32, #tpu.memory_space<hbm>> -> memref<16384xf32, #tpu.memory_space<hbm>>
    tpu.wait_dma2 semaphore(%arg12 : memref<!tpu.dma_semaphore, #tpu.memory_space<semaphore_mem>>) src(%dma_wait3A_504 : memref<16384xf32, #tpu.memory_space<hbm>>) dst(%arg7 : memref<16384xf32, #tpu.memory_space<vmem>>)
    %dma_wait3A_505 = arith.constant 0 : i32
    %dma_wait3A_506 = tpu.memref_slice %arg4[%add3A_449, %dma_wait3A_505] : memref<1024x32768xf32, #tpu.memory_space<hbm>> -> memref<1x32768xf32, #tpu.memory_space<hbm>>
    %dma_wait3A_507 = tpu.memref_squeeze %dma_wait3A_506 : memref<1x32768xf32, #tpu.memory_space<hbm>> -> memref<32768xf32, #tpu.memory_space<hbm>>
    %dma_wait3A_508 = arith.constant 0 : i32
    %dma_wait3A_509 = tpu.memref_slice %arg4[%add3A_449, %dma_wait3A_508] : memref<1024x32768xf32, #tpu.memory_space<hbm>> -> memref<1x32768xf32, #tpu.memory_space<hbm>>
    %dma_wait3A_510 = tpu.memref_squeeze %dma_wait3A_509 : memref<1x32768xf32, #tpu.memory_space<hbm>> -> memref<32768xf32, #tpu.memory_space<hbm>>
    tpu.wait_dma2 semaphore(%arg14 : memref<!tpu.dma_semaphore, #tpu.memory_space<semaphore_mem>>) src(%arg9 : memref<32768xf32, #tpu.memory_space<vmem>>) dst(%dma_wait3A_510 : memref<32768xf32, #tpu.memory_space<hbm>>)
    %parallel_loop3A_511 = arith.constant 0 : i32
    %parallel_loop3A_512 = arith.constant 16384 : i32
    %parallel_loop3A_513 = arith.constant 16 : i32
    scf.for %parallel_loop3A_1085 = %parallel_loop3A_511 to %parallel_loop3A_512 step %parallel_loop3A_513  : i32 {
      %parallel_loop3A_1086 = arith.index_cast %parallel_loop3A_1085 : i32 to index
      %parallel_loop3A_1087 = tpu.vector_load %arg5[%parallel_loop3A_1086] {strides = array<i32>} : memref<16384xi32, #tpu.memory_space<vmem>>, vector<16xi32>,
      %parallel_loop3A_1088 = arith.constant 65535 : i32
      %parallel_loop3A_1089 = vector.broadcast %parallel_loop3A_1088 : i32 to vector<16xi32>
      %parallel_loop3A_1090 = arith.andi %parallel_loop3A_1087, %parallel_loop3A_1089 : vector<16xi32>
      %parallel_loop3A_1091 = arith.constant 16 : i32
      %parallel_loop3A_1092 = vector.broadcast %parallel_loop3A_1091 : i32 to vector<16xi32>
      %parallel_loop3A_1093 = arith.shrsi %parallel_loop3A_1087, %parallel_loop3A_1092 : vector<16xi32>
      %parallel_loop3A_1094 = tpu.vector_load_idx %arg7[%parallel_loop3A_1090] : memref<16384xf32, #tpu.memory_space<vmem>>[vector<16xi32>], vector<16xf32>,
      %parallel_loop3A_1095 = arith.constant 2 : i32
      %parallel_loop3A_1096 = arith.muli %parallel_loop3A_1095, %parallel_loop3A_1085 : i32
      %parallel_loop3A_1097 = arith.index_cast %parallel_loop3A_1096 : i32 to index
      %parallel_loop3A_1098 = tpu.vector_load %arg9[%parallel_loop3A_1097] {strides = array<i32>} : memref<32768xf32, #tpu.memory_space<vmem>>, vector<16xf32>,
      tpu.vector_store %arg9[%parallel_loop3A_1097], %parallel_loop3A_1094 {strides = array<i32>} : memref<32768xf32, #tpu.memory_space<vmem>>, vector<16xf32>,
      %parallel_loop3A_1099 = tpu.vector_load_idx %arg7[%parallel_loop3A_1093] : memref<16384xf32, #tpu.memory_space<vmem>>[vector<16xi32>], vector<16xf32>,
      %parallel_loop3A_1100 = arith.constant 2 : i32
      %parallel_loop3A_1101 = arith.muli %parallel_loop3A_1100, %parallel_loop3A_1085 : i32
      %parallel_loop3A_1102 = arith.constant 16 : i32
      %parallel_loop3A_1103 = arith.addi %parallel_loop3A_1101, %parallel_loop3A_1102 : i32
      %parallel_loop3A_1104 = arith.index_cast %parallel_loop3A_1103 : i32 to index
      %parallel_loop3A_1105 = tpu.vector_load %arg9[%parallel_loop3A_1104] {strides = array<i32>} : memref<32768xf32, #tpu.memory_space<vmem>>, vector<16xf32>,
      tpu.vector_store %arg9[%parallel_loop3A_1104], %parallel_loop3A_1099 {strides = array<i32>} : memref<32768xf32, #tpu.memory_space<vmem>>, vector<16xf32>,
    } {sc.loop_unroll_factor = 8 : i64, sc.parallel_access}
    %add3A_514 = arith.constant 15 : i32
    %add3A_515 = arith.addi %mul3A_2, %add3A_514 : i32
    %dma_start3A_516 = arith.constant 0 : i32
    %dma_start3A_517 = tpu.memref_slice %arg4[%add3A_515, %dma_start3A_516] : memref<1024x32768xf32, #tpu.memory_space<hbm>> -> memref<1x32768xf32, #tpu.memory_space<hbm>>
    %dma_start3A_518 = tpu.memref_squeeze %dma_start3A_517 : memref<1x32768xf32, #tpu.memory_space<hbm>> -> memref<32768xf32, #tpu.memory_space<hbm>>
    %dma_start3A_519 = arith.constant 0 : i32
    %dma_start3A_520 = tpu.memref_slice %arg4[%add3A_515, %dma_start3A_519] : memref<1024x32768xf32, #tpu.memory_space<hbm>> -> memref<1x32768xf32, #tpu.memory_space<hbm>>
    %dma_start3A_521 = tpu.memref_squeeze %dma_start3A_520 : memref<1x32768xf32, #tpu.memory_space<hbm>> -> memref<32768xf32, #tpu.memory_space<hbm>>
    tpu.enqueue_dma source(%arg9 : memref<32768xf32, #tpu.memory_space<vmem>>) target(%dma_start3A_521 : memref<32768xf32, #tpu.memory_space<hbm>>) target_semaphore(%arg14 : memref<!tpu.dma_semaphore, #tpu.memory_space<semaphore_mem>>)
    %add3A_522 = arith.constant 16 : i32
    %add3A_523 = arith.addi %mul3A_2, %add3A_522 : i32
    %add3A_524 = arith.constant 1 : i32
    %add3A_525 = arith.addi %add3A_523, %add3A_524 : i32
    %dma_start3A_526 = arith.constant 0 : i32
    %dma_start3A_527 = tpu.memref_slice %arg2[%add3A_525, %dma_start3A_526] : memref<1024x16384xf32, #tpu.memory_space<hbm>> -> memref<1x16384xf32, #tpu.memory_space<hbm>>
    %dma_start3A_528 = tpu.memref_squeeze %dma_start3A_527 : memref<1x16384xf32, #tpu.memory_space<hbm>> -> memref<16384xf32, #tpu.memory_space<hbm>>
    %dma_start3A_529 = arith.constant 0 : i32
    %dma_start3A_530 = tpu.memref_slice %arg2[%add3A_525, %dma_start3A_529] : memref<1024x16384xf32, #tpu.memory_space<hbm>> -> memref<1x16384xf32, #tpu.memory_space<hbm>>
    %dma_start3A_531 = tpu.memref_squeeze %dma_start3A_530 : memref<1x16384xf32, #tpu.memory_space<hbm>> -> memref<16384xf32, #tpu.memory_space<hbm>>
    tpu.enqueue_dma source(%dma_start3A_531 : memref<16384xf32, #tpu.memory_space<hbm>>) target(%arg7 : memref<16384xf32, #tpu.memory_space<vmem>>) target_semaphore(%arg12 : memref<!tpu.dma_semaphore, #tpu.memory_space<semaphore_mem>>)
    %dma_wait3A_532 = arith.constant 0 : i32
    %dma_wait3A_533 = tpu.memref_slice %arg2[%add3A_492, %dma_wait3A_532] : memref<1024x16384xf32, #tpu.memory_space<hbm>> -> memref<1x16384xf32, #tpu.memory_space<hbm>>
    %dma_wait3A_534 = tpu.memref_squeeze %dma_wait3A_533 : memref<1x16384xf32, #tpu.memory_space<hbm>> -> memref<16384xf32, #tpu.memory_space<hbm>>
    %dma_wait3A_535 = arith.constant 0 : i32
    %dma_wait3A_536 = tpu.memref_slice %arg2[%add3A_492, %dma_wait3A_535] : memref<1024x16384xf32, #tpu.memory_space<hbm>> -> memref<1x16384xf32, #tpu.memory_space<hbm>>
    %dma_wait3A_537 = tpu.memref_squeeze %dma_wait3A_536 : memref<1x16384xf32, #tpu.memory_space<hbm>> -> memref<16384xf32, #tpu.memory_space<hbm>>
    tpu.wait_dma2 semaphore(%arg11 : memref<!tpu.dma_semaphore, #tpu.memory_space<semaphore_mem>>) src(%dma_wait3A_537 : memref<16384xf32, #tpu.memory_space<hbm>>) dst(%arg6 : memref<16384xf32, #tpu.memory_space<vmem>>)
    %dma_wait3A_538 = arith.constant 0 : i32
    %dma_wait3A_539 = tpu.memref_slice %arg4[%add3A_482, %dma_wait3A_538] : memref<1024x32768xf32, #tpu.memory_space<hbm>> -> memref<1x32768xf32, #tpu.memory_space<hbm>>
    %dma_wait3A_540 = tpu.memref_squeeze %dma_wait3A_539 : memref<1x32768xf32, #tpu.memory_space<hbm>> -> memref<32768xf32, #tpu.memory_space<hbm>>
    %dma_wait3A_541 = arith.constant 0 : i32
    %dma_wait3A_542 = tpu.memref_slice %arg4[%add3A_482, %dma_wait3A_541] : memref<1024x32768xf32, #tpu.memory_space<hbm>> -> memref<1x32768xf32, #tpu.memory_space<hbm>>
    %dma_wait3A_543 = tpu.memref_squeeze %dma_wait3A_542 : memref<1x32768xf32, #tpu.memory_space<hbm>> -> memref<32768xf32, #tpu.memory_space<hbm>>
    tpu.wait_dma2 semaphore(%arg13 : memref<!tpu.dma_semaphore, #tpu.memory_space<semaphore_mem>>) src(%arg8 : memref<32768xf32, #tpu.memory_space<vmem>>) dst(%dma_wait3A_543 : memref<32768xf32, #tpu.memory_space<hbm>>)
    %parallel_loop3A_544 = arith.constant 0 : i32
    %parallel_loop3A_545 = arith.constant 16384 : i32
    %parallel_loop3A_546 = arith.constant 16 : i32
    scf.for %parallel_loop3A_1085 = %parallel_loop3A_544 to %parallel_loop3A_545 step %parallel_loop3A_546  : i32 {
      %parallel_loop3A_1086 = arith.index_cast %parallel_loop3A_1085 : i32 to index
      %parallel_loop3A_1087 = tpu.vector_load %arg5[%parallel_loop3A_1086] {strides = array<i32>} : memref<16384xi32, #tpu.memory_space<vmem>>, vector<16xi32>,
      %parallel_loop3A_1088 = arith.constant 65535 : i32
      %parallel_loop3A_1089 = vector.broadcast %parallel_loop3A_1088 : i32 to vector<16xi32>
      %parallel_loop3A_1090 = arith.andi %parallel_loop3A_1087, %parallel_loop3A_1089 : vector<16xi32>
      %parallel_loop3A_1091 = arith.constant 16 : i32
      %parallel_loop3A_1092 = vector.broadcast %parallel_loop3A_1091 : i32 to vector<16xi32>
      %parallel_loop3A_1093 = arith.shrsi %parallel_loop3A_1087, %parallel_loop3A_1092 : vector<16xi32>
      %parallel_loop3A_1094 = tpu.vector_load_idx %arg6[%parallel_loop3A_1090] : memref<16384xf32, #tpu.memory_space<vmem>>[vector<16xi32>], vector<16xf32>,
      %parallel_loop3A_1095 = arith.constant 2 : i32
      %parallel_loop3A_1096 = arith.muli %parallel_loop3A_1095, %parallel_loop3A_1085 : i32
      %parallel_loop3A_1097 = arith.index_cast %parallel_loop3A_1096 : i32 to index
      %parallel_loop3A_1098 = tpu.vector_load %arg8[%parallel_loop3A_1097] {strides = array<i32>} : memref<32768xf32, #tpu.memory_space<vmem>>, vector<16xf32>,
      tpu.vector_store %arg8[%parallel_loop3A_1097], %parallel_loop3A_1094 {strides = array<i32>} : memref<32768xf32, #tpu.memory_space<vmem>>, vector<16xf32>,
      %parallel_loop3A_1099 = tpu.vector_load_idx %arg6[%parallel_loop3A_1093] : memref<16384xf32, #tpu.memory_space<vmem>>[vector<16xi32>], vector<16xf32>,
      %parallel_loop3A_1100 = arith.constant 2 : i32
      %parallel_loop3A_1101 = arith.muli %parallel_loop3A_1100, %parallel_loop3A_1085 : i32
      %parallel_loop3A_1102 = arith.constant 16 : i32
      %parallel_loop3A_1103 = arith.addi %parallel_loop3A_1101, %parallel_loop3A_1102 : i32
      %parallel_loop3A_1104 = arith.index_cast %parallel_loop3A_1103 : i32 to index
      %parallel_loop3A_1105 = tpu.vector_load %arg8[%parallel_loop3A_1104] {strides = array<i32>} : memref<32768xf32, #tpu.memory_space<vmem>>, vector<16xf32>,
      tpu.vector_store %arg8[%parallel_loop3A_1104], %parallel_loop3A_1099 {strides = array<i32>} : memref<32768xf32, #tpu.memory_space<vmem>>, vector<16xf32>,
    } {sc.loop_unroll_factor = 8 : i64, sc.parallel_access}
    %add3A_547 = arith.constant 16 : i32
    %add3A_548 = arith.addi %mul3A_2, %add3A_547 : i32
    %dma_start3A_549 = arith.constant 0 : i32
    %dma_start3A_550 = tpu.memref_slice %arg4[%add3A_548, %dma_start3A_549] : memref<1024x32768xf32, #tpu.memory_space<hbm>> -> memref<1x32768xf32, #tpu.memory_space<hbm>>
    %dma_start3A_551 = tpu.memref_squeeze %dma_start3A_550 : memref<1x32768xf32, #tpu.memory_space<hbm>> -> memref<32768xf32, #tpu.memory_space<hbm>>
    %dma_start3A_552 = arith.constant 0 : i32
    %dma_start3A_553 = tpu.memref_slice %arg4[%add3A_548, %dma_start3A_552] : memref<1024x32768xf32, #tpu.memory_space<hbm>> -> memref<1x32768xf32, #tpu.memory_space<hbm>>
    %dma_start3A_554 = tpu.memref_squeeze %dma_start3A_553 : memref<1x32768xf32, #tpu.memory_space<hbm>> -> memref<32768xf32, #tpu.memory_space<hbm>>
    tpu.enqueue_dma source(%arg8 : memref<32768xf32, #tpu.memory_space<vmem>>) target(%dma_start3A_554 : memref<32768xf32, #tpu.memory_space<hbm>>) target_semaphore(%arg13 : memref<!tpu.dma_semaphore, #tpu.memory_space<semaphore_mem>>)
    %add3A_555 = arith.constant 17 : i32
    %add3A_556 = arith.addi %mul3A_2, %add3A_555 : i32
    %add3A_557 = arith.constant 1 : i32
    %add3A_558 = arith.addi %add3A_556, %add3A_557 : i32
    %dma_start3A_559 = arith.constant 0 : i32
    %dma_start3A_560 = tpu.memref_slice %arg2[%add3A_558, %dma_start3A_559] : memref<1024x16384xf32, #tpu.memory_space<hbm>> -> memref<1x16384xf32, #tpu.memory_space<hbm>>
    %dma_start3A_561 = tpu.memref_squeeze %dma_start3A_560 : memref<1x16384xf32, #tpu.memory_space<hbm>> -> memref<16384xf32, #tpu.memory_space<hbm>>
    %dma_start3A_562 = arith.constant 0 : i32
    %dma_start3A_563 = tpu.memref_slice %arg2[%add3A_558, %dma_start3A_562] : memref<1024x16384xf32, #tpu.memory_space<hbm>> -> memref<1x16384xf32, #tpu.memory_space<hbm>>
    %dma_start3A_564 = tpu.memref_squeeze %dma_start3A_563 : memref<1x16384xf32, #tpu.memory_space<hbm>> -> memref<16384xf32, #tpu.memory_space<hbm>>
    tpu.enqueue_dma source(%dma_start3A_564 : memref<16384xf32, #tpu.memory_space<hbm>>) target(%arg6 : memref<16384xf32, #tpu.memory_space<vmem>>) target_semaphore(%arg11 : memref<!tpu.dma_semaphore, #tpu.memory_space<semaphore_mem>>)
    %dma_wait3A_565 = arith.constant 0 : i32
    %dma_wait3A_566 = tpu.memref_slice %arg2[%add3A_525, %dma_wait3A_565] : memref<1024x16384xf32, #tpu.memory_space<hbm>> -> memref<1x16384xf32, #tpu.memory_space<hbm>>
    %dma_wait3A_567 = tpu.memref_squeeze %dma_wait3A_566 : memref<1x16384xf32, #tpu.memory_space<hbm>> -> memref<16384xf32, #tpu.memory_space<hbm>>
    %dma_wait3A_568 = arith.constant 0 : i32
    %dma_wait3A_569 = tpu.memref_slice %arg2[%add3A_525, %dma_wait3A_568] : memref<1024x16384xf32, #tpu.memory_space<hbm>> -> memref<1x16384xf32, #tpu.memory_space<hbm>>
    %dma_wait3A_570 = tpu.memref_squeeze %dma_wait3A_569 : memref<1x16384xf32, #tpu.memory_space<hbm>> -> memref<16384xf32, #tpu.memory_space<hbm>>
    tpu.wait_dma2 semaphore(%arg12 : memref<!tpu.dma_semaphore, #tpu.memory_space<semaphore_mem>>) src(%dma_wait3A_570 : memref<16384xf32, #tpu.memory_space<hbm>>) dst(%arg7 : memref<16384xf32, #tpu.memory_space<vmem>>)
    %dma_wait3A_571 = arith.constant 0 : i32
    %dma_wait3A_572 = tpu.memref_slice %arg4[%add3A_515, %dma_wait3A_571] : memref<1024x32768xf32, #tpu.memory_space<hbm>> -> memref<1x32768xf32, #tpu.memory_space<hbm>>
    %dma_wait3A_573 = tpu.memref_squeeze %dma_wait3A_572 : memref<1x32768xf32, #tpu.memory_space<hbm>> -> memref<32768xf32, #tpu.memory_space<hbm>>
    %dma_wait3A_574 = arith.constant 0 : i32
    %dma_wait3A_575 = tpu.memref_slice %arg4[%add3A_515, %dma_wait3A_574] : memref<1024x32768xf32, #tpu.memory_space<hbm>> -> memref<1x32768xf32, #tpu.memory_space<hbm>>
    %dma_wait3A_576 = tpu.memref_squeeze %dma_wait3A_575 : memref<1x32768xf32, #tpu.memory_space<hbm>> -> memref<32768xf32, #tpu.memory_space<hbm>>
    tpu.wait_dma2 semaphore(%arg14 : memref<!tpu.dma_semaphore, #tpu.memory_space<semaphore_mem>>) src(%arg9 : memref<32768xf32, #tpu.memory_space<vmem>>) dst(%dma_wait3A_576 : memref<32768xf32, #tpu.memory_space<hbm>>)
    %parallel_loop3A_577 = arith.constant 0 : i32
    %parallel_loop3A_578 = arith.constant 16384 : i32
    %parallel_loop3A_579 = arith.constant 16 : i32
    scf.for %parallel_loop3A_1085 = %parallel_loop3A_577 to %parallel_loop3A_578 step %parallel_loop3A_579  : i32 {
      %parallel_loop3A_1086 = arith.index_cast %parallel_loop3A_1085 : i32 to index
      %parallel_loop3A_1087 = tpu.vector_load %arg5[%parallel_loop3A_1086] {strides = array<i32>} : memref<16384xi32, #tpu.memory_space<vmem>>, vector<16xi32>,
      %parallel_loop3A_1088 = arith.constant 65535 : i32
      %parallel_loop3A_1089 = vector.broadcast %parallel_loop3A_1088 : i32 to vector<16xi32>
      %parallel_loop3A_1090 = arith.andi %parallel_loop3A_1087, %parallel_loop3A_1089 : vector<16xi32>
      %parallel_loop3A_1091 = arith.constant 16 : i32
      %parallel_loop3A_1092 = vector.broadcast %parallel_loop3A_1091 : i32 to vector<16xi32>
      %parallel_loop3A_1093 = arith.shrsi %parallel_loop3A_1087, %parallel_loop3A_1092 : vector<16xi32>
      %parallel_loop3A_1094 = tpu.vector_load_idx %arg7[%parallel_loop3A_1090] : memref<16384xf32, #tpu.memory_space<vmem>>[vector<16xi32>], vector<16xf32>,
      %parallel_loop3A_1095 = arith.constant 2 : i32
      %parallel_loop3A_1096 = arith.muli %parallel_loop3A_1095, %parallel_loop3A_1085 : i32
      %parallel_loop3A_1097 = arith.index_cast %parallel_loop3A_1096 : i32 to index
      %parallel_loop3A_1098 = tpu.vector_load %arg9[%parallel_loop3A_1097] {strides = array<i32>} : memref<32768xf32, #tpu.memory_space<vmem>>, vector<16xf32>,
      tpu.vector_store %arg9[%parallel_loop3A_1097], %parallel_loop3A_1094 {strides = array<i32>} : memref<32768xf32, #tpu.memory_space<vmem>>, vector<16xf32>,
      %parallel_loop3A_1099 = tpu.vector_load_idx %arg7[%parallel_loop3A_1093] : memref<16384xf32, #tpu.memory_space<vmem>>[vector<16xi32>], vector<16xf32>,
      %parallel_loop3A_1100 = arith.constant 2 : i32
      %parallel_loop3A_1101 = arith.muli %parallel_loop3A_1100, %parallel_loop3A_1085 : i32
      %parallel_loop3A_1102 = arith.constant 16 : i32
      %parallel_loop3A_1103 = arith.addi %parallel_loop3A_1101, %parallel_loop3A_1102 : i32
      %parallel_loop3A_1104 = arith.index_cast %parallel_loop3A_1103 : i32 to index
      %parallel_loop3A_1105 = tpu.vector_load %arg9[%parallel_loop3A_1104] {strides = array<i32>} : memref<32768xf32, #tpu.memory_space<vmem>>, vector<16xf32>,
      tpu.vector_store %arg9[%parallel_loop3A_1104], %parallel_loop3A_1099 {strides = array<i32>} : memref<32768xf32, #tpu.memory_space<vmem>>, vector<16xf32>,
    } {sc.loop_unroll_factor = 8 : i64, sc.parallel_access}
    %add3A_580 = arith.constant 17 : i32
    %add3A_581 = arith.addi %mul3A_2, %add3A_580 : i32
    %dma_start3A_582 = arith.constant 0 : i32
    %dma_start3A_583 = tpu.memref_slice %arg4[%add3A_581, %dma_start3A_582] : memref<1024x32768xf32, #tpu.memory_space<hbm>> -> memref<1x32768xf32, #tpu.memory_space<hbm>>
    %dma_start3A_584 = tpu.memref_squeeze %dma_start3A_583 : memref<1x32768xf32, #tpu.memory_space<hbm>> -> memref<32768xf32, #tpu.memory_space<hbm>>
    %dma_start3A_585 = arith.constant 0 : i32
    %dma_start3A_586 = tpu.memref_slice %arg4[%add3A_581, %dma_start3A_585] : memref<1024x32768xf32, #tpu.memory_space<hbm>> -> memref<1x32768xf32, #tpu.memory_space<hbm>>
    %dma_start3A_587 = tpu.memref_squeeze %dma_start3A_586 : memref<1x32768xf32, #tpu.memory_space<hbm>> -> memref<32768xf32, #tpu.memory_space<hbm>>
    tpu.enqueue_dma source(%arg9 : memref<32768xf32, #tpu.memory_space<vmem>>) target(%dma_start3A_587 : memref<32768xf32, #tpu.memory_space<hbm>>) target_semaphore(%arg14 : memref<!tpu.dma_semaphore, #tpu.memory_space<semaphore_mem>>)
    %add3A_588 = arith.constant 18 : i32
    %add3A_589 = arith.addi %mul3A_2, %add3A_588 : i32
    %add3A_590 = arith.constant 1 : i32
    %add3A_591 = arith.addi %add3A_589, %add3A_590 : i32
    %dma_start3A_592 = arith.constant 0 : i32
    %dma_start3A_593 = tpu.memref_slice %arg2[%add3A_591, %dma_start3A_592] : memref<1024x16384xf32, #tpu.memory_space<hbm>> -> memref<1x16384xf32, #tpu.memory_space<hbm>>
    %dma_start3A_594 = tpu.memref_squeeze %dma_start3A_593 : memref<1x16384xf32, #tpu.memory_space<hbm>> -> memref<16384xf32, #tpu.memory_space<hbm>>
    %dma_start3A_595 = arith.constant 0 : i32
    %dma_start3A_596 = tpu.memref_slice %arg2[%add3A_591, %dma_start3A_595] : memref<1024x16384xf32, #tpu.memory_space<hbm>> -> memref<1x16384xf32, #tpu.memory_space<hbm>>
    %dma_start3A_597 = tpu.memref_squeeze %dma_start3A_596 : memref<1x16384xf32, #tpu.memory_space<hbm>> -> memref<16384xf32, #tpu.memory_space<hbm>>
    tpu.enqueue_dma source(%dma_start3A_597 : memref<16384xf32, #tpu.memory_space<hbm>>) target(%arg7 : memref<16384xf32, #tpu.memory_space<vmem>>) target_semaphore(%arg12 : memref<!tpu.dma_semaphore, #tpu.memory_space<semaphore_mem>>)
    %dma_wait3A_598 = arith.constant 0 : i32
    %dma_wait3A_599 = tpu.memref_slice %arg2[%add3A_558, %dma_wait3A_598] : memref<1024x16384xf32, #tpu.memory_space<hbm>> -> memref<1x16384xf32, #tpu.memory_space<hbm>>
    %dma_wait3A_600 = tpu.memref_squeeze %dma_wait3A_599 : memref<1x16384xf32, #tpu.memory_space<hbm>> -> memref<16384xf32, #tpu.memory_space<hbm>>
    %dma_wait3A_601 = arith.constant 0 : i32
    %dma_wait3A_602 = tpu.memref_slice %arg2[%add3A_558, %dma_wait3A_601] : memref<1024x16384xf32, #tpu.memory_space<hbm>> -> memref<1x16384xf32, #tpu.memory_space<hbm>>
    %dma_wait3A_603 = tpu.memref_squeeze %dma_wait3A_602 : memref<1x16384xf32, #tpu.memory_space<hbm>> -> memref<16384xf32, #tpu.memory_space<hbm>>
    tpu.wait_dma2 semaphore(%arg11 : memref<!tpu.dma_semaphore, #tpu.memory_space<semaphore_mem>>) src(%dma_wait3A_603 : memref<16384xf32, #tpu.memory_space<hbm>>) dst(%arg6 : memref<16384xf32, #tpu.memory_space<vmem>>)
    %dma_wait3A_604 = arith.constant 0 : i32
    %dma_wait3A_605 = tpu.memref_slice %arg4[%add3A_548, %dma_wait3A_604] : memref<1024x32768xf32, #tpu.memory_space<hbm>> -> memref<1x32768xf32, #tpu.memory_space<hbm>>
    %dma_wait3A_606 = tpu.memref_squeeze %dma_wait3A_605 : memref<1x32768xf32, #tpu.memory_space<hbm>> -> memref<32768xf32, #tpu.memory_space<hbm>>
    %dma_wait3A_607 = arith.constant 0 : i32
    %dma_wait3A_608 = tpu.memref_slice %arg4[%add3A_548, %dma_wait3A_607] : memref<1024x32768xf32, #tpu.memory_space<hbm>> -> memref<1x32768xf32, #tpu.memory_space<hbm>>
    %dma_wait3A_609 = tpu.memref_squeeze %dma_wait3A_608 : memref<1x32768xf32, #tpu.memory_space<hbm>> -> memref<32768xf32, #tpu.memory_space<hbm>>
    tpu.wait_dma2 semaphore(%arg13 : memref<!tpu.dma_semaphore, #tpu.memory_space<semaphore_mem>>) src(%arg8 : memref<32768xf32, #tpu.memory_space<vmem>>) dst(%dma_wait3A_609 : memref<32768xf32, #tpu.memory_space<hbm>>)
    %parallel_loop3A_610 = arith.constant 0 : i32
    %parallel_loop3A_611 = arith.constant 16384 : i32
    %parallel_loop3A_612 = arith.constant 16 : i32
    scf.for %parallel_loop3A_1085 = %parallel_loop3A_610 to %parallel_loop3A_611 step %parallel_loop3A_612  : i32 {
      %parallel_loop3A_1086 = arith.index_cast %parallel_loop3A_1085 : i32 to index
      %parallel_loop3A_1087 = tpu.vector_load %arg5[%parallel_loop3A_1086] {strides = array<i32>} : memref<16384xi32, #tpu.memory_space<vmem>>, vector<16xi32>,
      %parallel_loop3A_1088 = arith.constant 65535 : i32
      %parallel_loop3A_1089 = vector.broadcast %parallel_loop3A_1088 : i32 to vector<16xi32>
      %parallel_loop3A_1090 = arith.andi %parallel_loop3A_1087, %parallel_loop3A_1089 : vector<16xi32>
      %parallel_loop3A_1091 = arith.constant 16 : i32
      %parallel_loop3A_1092 = vector.broadcast %parallel_loop3A_1091 : i32 to vector<16xi32>
      %parallel_loop3A_1093 = arith.shrsi %parallel_loop3A_1087, %parallel_loop3A_1092 : vector<16xi32>
      %parallel_loop3A_1094 = tpu.vector_load_idx %arg6[%parallel_loop3A_1090] : memref<16384xf32, #tpu.memory_space<vmem>>[vector<16xi32>], vector<16xf32>,
      %parallel_loop3A_1095 = arith.constant 2 : i32
      %parallel_loop3A_1096 = arith.muli %parallel_loop3A_1095, %parallel_loop3A_1085 : i32
      %parallel_loop3A_1097 = arith.index_cast %parallel_loop3A_1096 : i32 to index
      %parallel_loop3A_1098 = tpu.vector_load %arg8[%parallel_loop3A_1097] {strides = array<i32>} : memref<32768xf32, #tpu.memory_space<vmem>>, vector<16xf32>,
      tpu.vector_store %arg8[%parallel_loop3A_1097], %parallel_loop3A_1094 {strides = array<i32>} : memref<32768xf32, #tpu.memory_space<vmem>>, vector<16xf32>,
      %parallel_loop3A_1099 = tpu.vector_load_idx %arg6[%parallel_loop3A_1093] : memref<16384xf32, #tpu.memory_space<vmem>>[vector<16xi32>], vector<16xf32>,
      %parallel_loop3A_1100 = arith.constant 2 : i32
      %parallel_loop3A_1101 = arith.muli %parallel_loop3A_1100, %parallel_loop3A_1085 : i32
      %parallel_loop3A_1102 = arith.constant 16 : i32
      %parallel_loop3A_1103 = arith.addi %parallel_loop3A_1101, %parallel_loop3A_1102 : i32
      %parallel_loop3A_1104 = arith.index_cast %parallel_loop3A_1103 : i32 to index
      %parallel_loop3A_1105 = tpu.vector_load %arg8[%parallel_loop3A_1104] {strides = array<i32>} : memref<32768xf32, #tpu.memory_space<vmem>>, vector<16xf32>,
      tpu.vector_store %arg8[%parallel_loop3A_1104], %parallel_loop3A_1099 {strides = array<i32>} : memref<32768xf32, #tpu.memory_space<vmem>>, vector<16xf32>,
    } {sc.loop_unroll_factor = 8 : i64, sc.parallel_access}
    %add3A_613 = arith.constant 18 : i32
    %add3A_614 = arith.addi %mul3A_2, %add3A_613 : i32
    %dma_start3A_615 = arith.constant 0 : i32
    %dma_start3A_616 = tpu.memref_slice %arg4[%add3A_614, %dma_start3A_615] : memref<1024x32768xf32, #tpu.memory_space<hbm>> -> memref<1x32768xf32, #tpu.memory_space<hbm>>
    %dma_start3A_617 = tpu.memref_squeeze %dma_start3A_616 : memref<1x32768xf32, #tpu.memory_space<hbm>> -> memref<32768xf32, #tpu.memory_space<hbm>>
    %dma_start3A_618 = arith.constant 0 : i32
    %dma_start3A_619 = tpu.memref_slice %arg4[%add3A_614, %dma_start3A_618] : memref<1024x32768xf32, #tpu.memory_space<hbm>> -> memref<1x32768xf32, #tpu.memory_space<hbm>>
    %dma_start3A_620 = tpu.memref_squeeze %dma_start3A_619 : memref<1x32768xf32, #tpu.memory_space<hbm>> -> memref<32768xf32, #tpu.memory_space<hbm>>
    tpu.enqueue_dma source(%arg8 : memref<32768xf32, #tpu.memory_space<vmem>>) target(%dma_start3A_620 : memref<32768xf32, #tpu.memory_space<hbm>>) target_semaphore(%arg13 : memref<!tpu.dma_semaphore, #tpu.memory_space<semaphore_mem>>)
    %add3A_621 = arith.constant 19 : i32
    %add3A_622 = arith.addi %mul3A_2, %add3A_621 : i32
    %add3A_623 = arith.constant 1 : i32
    %add3A_624 = arith.addi %add3A_622, %add3A_623 : i32
    %dma_start3A_625 = arith.constant 0 : i32
    %dma_start3A_626 = tpu.memref_slice %arg2[%add3A_624, %dma_start3A_625] : memref<1024x16384xf32, #tpu.memory_space<hbm>> -> memref<1x16384xf32, #tpu.memory_space<hbm>>
    %dma_start3A_627 = tpu.memref_squeeze %dma_start3A_626 : memref<1x16384xf32, #tpu.memory_space<hbm>> -> memref<16384xf32, #tpu.memory_space<hbm>>
    %dma_start3A_628 = arith.constant 0 : i32
    %dma_start3A_629 = tpu.memref_slice %arg2[%add3A_624, %dma_start3A_628] : memref<1024x16384xf32, #tpu.memory_space<hbm>> -> memref<1x16384xf32, #tpu.memory_space<hbm>>
    %dma_start3A_630 = tpu.memref_squeeze %dma_start3A_629 : memref<1x16384xf32, #tpu.memory_space<hbm>> -> memref<16384xf32, #tpu.memory_space<hbm>>
    tpu.enqueue_dma source(%dma_start3A_630 : memref<16384xf32, #tpu.memory_space<hbm>>) target(%arg6 : memref<16384xf32, #tpu.memory_space<vmem>>) target_semaphore(%arg11 : memref<!tpu.dma_semaphore, #tpu.memory_space<semaphore_mem>>)
    %dma_wait3A_631 = arith.constant 0 : i32
    %dma_wait3A_632 = tpu.memref_slice %arg2[%add3A_591, %dma_wait3A_631] : memref<1024x16384xf32, #tpu.memory_space<hbm>> -> memref<1x16384xf32, #tpu.memory_space<hbm>>
    %dma_wait3A_633 = tpu.memref_squeeze %dma_wait3A_632 : memref<1x16384xf32, #tpu.memory_space<hbm>> -> memref<16384xf32, #tpu.memory_space<hbm>>
    %dma_wait3A_634 = arith.constant 0 : i32
    %dma_wait3A_635 = tpu.memref_slice %arg2[%add3A_591, %dma_wait3A_634] : memref<1024x16384xf32, #tpu.memory_space<hbm>> -> memref<1x16384xf32, #tpu.memory_space<hbm>>
    %dma_wait3A_636 = tpu.memref_squeeze %dma_wait3A_635 : memref<1x16384xf32, #tpu.memory_space<hbm>> -> memref<16384xf32, #tpu.memory_space<hbm>>
    tpu.wait_dma2 semaphore(%arg12 : memref<!tpu.dma_semaphore, #tpu.memory_space<semaphore_mem>>) src(%dma_wait3A_636 : memref<16384xf32, #tpu.memory_space<hbm>>) dst(%arg7 : memref<16384xf32, #tpu.memory_space<vmem>>)
    %dma_wait3A_637 = arith.constant 0 : i32
    %dma_wait3A_638 = tpu.memref_slice %arg4[%add3A_581, %dma_wait3A_637] : memref<1024x32768xf32, #tpu.memory_space<hbm>> -> memref<1x32768xf32, #tpu.memory_space<hbm>>
    %dma_wait3A_639 = tpu.memref_squeeze %dma_wait3A_638 : memref<1x32768xf32, #tpu.memory_space<hbm>> -> memref<32768xf32, #tpu.memory_space<hbm>>
    %dma_wait3A_640 = arith.constant 0 : i32
    %dma_wait3A_641 = tpu.memref_slice %arg4[%add3A_581, %dma_wait3A_640] : memref<1024x32768xf32, #tpu.memory_space<hbm>> -> memref<1x32768xf32, #tpu.memory_space<hbm>>
    %dma_wait3A_642 = tpu.memref_squeeze %dma_wait3A_641 : memref<1x32768xf32, #tpu.memory_space<hbm>> -> memref<32768xf32, #tpu.memory_space<hbm>>
    tpu.wait_dma2 semaphore(%arg14 : memref<!tpu.dma_semaphore, #tpu.memory_space<semaphore_mem>>) src(%arg9 : memref<32768xf32, #tpu.memory_space<vmem>>) dst(%dma_wait3A_642 : memref<32768xf32, #tpu.memory_space<hbm>>)
    %parallel_loop3A_643 = arith.constant 0 : i32
    %parallel_loop3A_644 = arith.constant 16384 : i32
    %parallel_loop3A_645 = arith.constant 16 : i32
    scf.for %parallel_loop3A_1085 = %parallel_loop3A_643 to %parallel_loop3A_644 step %parallel_loop3A_645  : i32 {
      %parallel_loop3A_1086 = arith.index_cast %parallel_loop3A_1085 : i32 to index
      %parallel_loop3A_1087 = tpu.vector_load %arg5[%parallel_loop3A_1086] {strides = array<i32>} : memref<16384xi32, #tpu.memory_space<vmem>>, vector<16xi32>,
      %parallel_loop3A_1088 = arith.constant 65535 : i32
      %parallel_loop3A_1089 = vector.broadcast %parallel_loop3A_1088 : i32 to vector<16xi32>
      %parallel_loop3A_1090 = arith.andi %parallel_loop3A_1087, %parallel_loop3A_1089 : vector<16xi32>
      %parallel_loop3A_1091 = arith.constant 16 : i32
      %parallel_loop3A_1092 = vector.broadcast %parallel_loop3A_1091 : i32 to vector<16xi32>
      %parallel_loop3A_1093 = arith.shrsi %parallel_loop3A_1087, %parallel_loop3A_1092 : vector<16xi32>
      %parallel_loop3A_1094 = tpu.vector_load_idx %arg7[%parallel_loop3A_1090] : memref<16384xf32, #tpu.memory_space<vmem>>[vector<16xi32>], vector<16xf32>,
      %parallel_loop3A_1095 = arith.constant 2 : i32
      %parallel_loop3A_1096 = arith.muli %parallel_loop3A_1095, %parallel_loop3A_1085 : i32
      %parallel_loop3A_1097 = arith.index_cast %parallel_loop3A_1096 : i32 to index
      %parallel_loop3A_1098 = tpu.vector_load %arg9[%parallel_loop3A_1097] {strides = array<i32>} : memref<32768xf32, #tpu.memory_space<vmem>>, vector<16xf32>,
      tpu.vector_store %arg9[%parallel_loop3A_1097], %parallel_loop3A_1094 {strides = array<i32>} : memref<32768xf32, #tpu.memory_space<vmem>>, vector<16xf32>,
      %parallel_loop3A_1099 = tpu.vector_load_idx %arg7[%parallel_loop3A_1093] : memref<16384xf32, #tpu.memory_space<vmem>>[vector<16xi32>], vector<16xf32>,
      %parallel_loop3A_1100 = arith.constant 2 : i32
      %parallel_loop3A_1101 = arith.muli %parallel_loop3A_1100, %parallel_loop3A_1085 : i32
      %parallel_loop3A_1102 = arith.constant 16 : i32
      %parallel_loop3A_1103 = arith.addi %parallel_loop3A_1101, %parallel_loop3A_1102 : i32
      %parallel_loop3A_1104 = arith.index_cast %parallel_loop3A_1103 : i32 to index
      %parallel_loop3A_1105 = tpu.vector_load %arg9[%parallel_loop3A_1104] {strides = array<i32>} : memref<32768xf32, #tpu.memory_space<vmem>>, vector<16xf32>,
      tpu.vector_store %arg9[%parallel_loop3A_1104], %parallel_loop3A_1099 {strides = array<i32>} : memref<32768xf32, #tpu.memory_space<vmem>>, vector<16xf32>,
    } {sc.loop_unroll_factor = 8 : i64, sc.parallel_access}
    %add3A_646 = arith.constant 19 : i32
    %add3A_647 = arith.addi %mul3A_2, %add3A_646 : i32
    %dma_start3A_648 = arith.constant 0 : i32
    %dma_start3A_649 = tpu.memref_slice %arg4[%add3A_647, %dma_start3A_648] : memref<1024x32768xf32, #tpu.memory_space<hbm>> -> memref<1x32768xf32, #tpu.memory_space<hbm>>
    %dma_start3A_650 = tpu.memref_squeeze %dma_start3A_649 : memref<1x32768xf32, #tpu.memory_space<hbm>> -> memref<32768xf32, #tpu.memory_space<hbm>>
    %dma_start3A_651 = arith.constant 0 : i32
    %dma_start3A_652 = tpu.memref_slice %arg4[%add3A_647, %dma_start3A_651] : memref<1024x32768xf32, #tpu.memory_space<hbm>> -> memref<1x32768xf32, #tpu.memory_space<hbm>>
    %dma_start3A_653 = tpu.memref_squeeze %dma_start3A_652 : memref<1x32768xf32, #tpu.memory_space<hbm>> -> memref<32768xf32, #tpu.memory_space<hbm>>
    tpu.enqueue_dma source(%arg9 : memref<32768xf32, #tpu.memory_space<vmem>>) target(%dma_start3A_653 : memref<32768xf32, #tpu.memory_space<hbm>>) target_semaphore(%arg14 : memref<!tpu.dma_semaphore, #tpu.memory_space<semaphore_mem>>)
    %add3A_654 = arith.constant 20 : i32
    %add3A_655 = arith.addi %mul3A_2, %add3A_654 : i32
    %add3A_656 = arith.constant 1 : i32
    %add3A_657 = arith.addi %add3A_655, %add3A_656 : i32
    %dma_start3A_658 = arith.constant 0 : i32
    %dma_start3A_659 = tpu.memref_slice %arg2[%add3A_657, %dma_start3A_658] : memref<1024x16384xf32, #tpu.memory_space<hbm>> -> memref<1x16384xf32, #tpu.memory_space<hbm>>
    %dma_start3A_660 = tpu.memref_squeeze %dma_start3A_659 : memref<1x16384xf32, #tpu.memory_space<hbm>> -> memref<16384xf32, #tpu.memory_space<hbm>>
    %dma_start3A_661 = arith.constant 0 : i32
    %dma_start3A_662 = tpu.memref_slice %arg2[%add3A_657, %dma_start3A_661] : memref<1024x16384xf32, #tpu.memory_space<hbm>> -> memref<1x16384xf32, #tpu.memory_space<hbm>>
    %dma_start3A_663 = tpu.memref_squeeze %dma_start3A_662 : memref<1x16384xf32, #tpu.memory_space<hbm>> -> memref<16384xf32, #tpu.memory_space<hbm>>
    tpu.enqueue_dma source(%dma_start3A_663 : memref<16384xf32, #tpu.memory_space<hbm>>) target(%arg7 : memref<16384xf32, #tpu.memory_space<vmem>>) target_semaphore(%arg12 : memref<!tpu.dma_semaphore, #tpu.memory_space<semaphore_mem>>)
    %dma_wait3A_664 = arith.constant 0 : i32
    %dma_wait3A_665 = tpu.memref_slice %arg2[%add3A_624, %dma_wait3A_664] : memref<1024x16384xf32, #tpu.memory_space<hbm>> -> memref<1x16384xf32, #tpu.memory_space<hbm>>
    %dma_wait3A_666 = tpu.memref_squeeze %dma_wait3A_665 : memref<1x16384xf32, #tpu.memory_space<hbm>> -> memref<16384xf32, #tpu.memory_space<hbm>>
    %dma_wait3A_667 = arith.constant 0 : i32
    %dma_wait3A_668 = tpu.memref_slice %arg2[%add3A_624, %dma_wait3A_667] : memref<1024x16384xf32, #tpu.memory_space<hbm>> -> memref<1x16384xf32, #tpu.memory_space<hbm>>
    %dma_wait3A_669 = tpu.memref_squeeze %dma_wait3A_668 : memref<1x16384xf32, #tpu.memory_space<hbm>> -> memref<16384xf32, #tpu.memory_space<hbm>>
    tpu.wait_dma2 semaphore(%arg11 : memref<!tpu.dma_semaphore, #tpu.memory_space<semaphore_mem>>) src(%dma_wait3A_669 : memref<16384xf32, #tpu.memory_space<hbm>>) dst(%arg6 : memref<16384xf32, #tpu.memory_space<vmem>>)
    %dma_wait3A_670 = arith.constant 0 : i32
    %dma_wait3A_671 = tpu.memref_slice %arg4[%add3A_614, %dma_wait3A_670] : memref<1024x32768xf32, #tpu.memory_space<hbm>> -> memref<1x32768xf32, #tpu.memory_space<hbm>>
    %dma_wait3A_672 = tpu.memref_squeeze %dma_wait3A_671 : memref<1x32768xf32, #tpu.memory_space<hbm>> -> memref<32768xf32, #tpu.memory_space<hbm>>
    %dma_wait3A_673 = arith.constant 0 : i32
    %dma_wait3A_674 = tpu.memref_slice %arg4[%add3A_614, %dma_wait3A_673] : memref<1024x32768xf32, #tpu.memory_space<hbm>> -> memref<1x32768xf32, #tpu.memory_space<hbm>>
    %dma_wait3A_675 = tpu.memref_squeeze %dma_wait3A_674 : memref<1x32768xf32, #tpu.memory_space<hbm>> -> memref<32768xf32, #tpu.memory_space<hbm>>
    tpu.wait_dma2 semaphore(%arg13 : memref<!tpu.dma_semaphore, #tpu.memory_space<semaphore_mem>>) src(%arg8 : memref<32768xf32, #tpu.memory_space<vmem>>) dst(%dma_wait3A_675 : memref<32768xf32, #tpu.memory_space<hbm>>)
    %parallel_loop3A_676 = arith.constant 0 : i32
    %parallel_loop3A_677 = arith.constant 16384 : i32
    %parallel_loop3A_678 = arith.constant 16 : i32
    scf.for %parallel_loop3A_1085 = %parallel_loop3A_676 to %parallel_loop3A_677 step %parallel_loop3A_678  : i32 {
      %parallel_loop3A_1086 = arith.index_cast %parallel_loop3A_1085 : i32 to index
      %parallel_loop3A_1087 = tpu.vector_load %arg5[%parallel_loop3A_1086] {strides = array<i32>} : memref<16384xi32, #tpu.memory_space<vmem>>, vector<16xi32>,
      %parallel_loop3A_1088 = arith.constant 65535 : i32
      %parallel_loop3A_1089 = vector.broadcast %parallel_loop3A_1088 : i32 to vector<16xi32>
      %parallel_loop3A_1090 = arith.andi %parallel_loop3A_1087, %parallel_loop3A_1089 : vector<16xi32>
      %parallel_loop3A_1091 = arith.constant 16 : i32
      %parallel_loop3A_1092 = vector.broadcast %parallel_loop3A_1091 : i32 to vector<16xi32>
      %parallel_loop3A_1093 = arith.shrsi %parallel_loop3A_1087, %parallel_loop3A_1092 : vector<16xi32>
      %parallel_loop3A_1094 = tpu.vector_load_idx %arg6[%parallel_loop3A_1090] : memref<16384xf32, #tpu.memory_space<vmem>>[vector<16xi32>], vector<16xf32>,
      %parallel_loop3A_1095 = arith.constant 2 : i32
      %parallel_loop3A_1096 = arith.muli %parallel_loop3A_1095, %parallel_loop3A_1085 : i32
      %parallel_loop3A_1097 = arith.index_cast %parallel_loop3A_1096 : i32 to index
      %parallel_loop3A_1098 = tpu.vector_load %arg8[%parallel_loop3A_1097] {strides = array<i32>} : memref<32768xf32, #tpu.memory_space<vmem>>, vector<16xf32>,
      tpu.vector_store %arg8[%parallel_loop3A_1097], %parallel_loop3A_1094 {strides = array<i32>} : memref<32768xf32, #tpu.memory_space<vmem>>, vector<16xf32>,
      %parallel_loop3A_1099 = tpu.vector_load_idx %arg6[%parallel_loop3A_1093] : memref<16384xf32, #tpu.memory_space<vmem>>[vector<16xi32>], vector<16xf32>,
      %parallel_loop3A_1100 = arith.constant 2 : i32
      %parallel_loop3A_1101 = arith.muli %parallel_loop3A_1100, %parallel_loop3A_1085 : i32
      %parallel_loop3A_1102 = arith.constant 16 : i32
      %parallel_loop3A_1103 = arith.addi %parallel_loop3A_1101, %parallel_loop3A_1102 : i32
      %parallel_loop3A_1104 = arith.index_cast %parallel_loop3A_1103 : i32 to index
      %parallel_loop3A_1105 = tpu.vector_load %arg8[%parallel_loop3A_1104] {strides = array<i32>} : memref<32768xf32, #tpu.memory_space<vmem>>, vector<16xf32>,
      tpu.vector_store %arg8[%parallel_loop3A_1104], %parallel_loop3A_1099 {strides = array<i32>} : memref<32768xf32, #tpu.memory_space<vmem>>, vector<16xf32>,
    } {sc.loop_unroll_factor = 8 : i64, sc.parallel_access}
    %add3A_679 = arith.constant 20 : i32
    %add3A_680 = arith.addi %mul3A_2, %add3A_679 : i32
    %dma_start3A_681 = arith.constant 0 : i32
    %dma_start3A_682 = tpu.memref_slice %arg4[%add3A_680, %dma_start3A_681] : memref<1024x32768xf32, #tpu.memory_space<hbm>> -> memref<1x32768xf32, #tpu.memory_space<hbm>>
    %dma_start3A_683 = tpu.memref_squeeze %dma_start3A_682 : memref<1x32768xf32, #tpu.memory_space<hbm>> -> memref<32768xf32, #tpu.memory_space<hbm>>
    %dma_start3A_684 = arith.constant 0 : i32
    %dma_start3A_685 = tpu.memref_slice %arg4[%add3A_680, %dma_start3A_684] : memref<1024x32768xf32, #tpu.memory_space<hbm>> -> memref<1x32768xf32, #tpu.memory_space<hbm>>
    %dma_start3A_686 = tpu.memref_squeeze %dma_start3A_685 : memref<1x32768xf32, #tpu.memory_space<hbm>> -> memref<32768xf32, #tpu.memory_space<hbm>>
    tpu.enqueue_dma source(%arg8 : memref<32768xf32, #tpu.memory_space<vmem>>) target(%dma_start3A_686 : memref<32768xf32, #tpu.memory_space<hbm>>) target_semaphore(%arg13 : memref<!tpu.dma_semaphore, #tpu.memory_space<semaphore_mem>>)
    %add3A_687 = arith.constant 21 : i32
    %add3A_688 = arith.addi %mul3A_2, %add3A_687 : i32
    %add3A_689 = arith.constant 1 : i32
    %add3A_690 = arith.addi %add3A_688, %add3A_689 : i32
    %dma_start3A_691 = arith.constant 0 : i32
    %dma_start3A_692 = tpu.memref_slice %arg2[%add3A_690, %dma_start3A_691] : memref<1024x16384xf32, #tpu.memory_space<hbm>> -> memref<1x16384xf32, #tpu.memory_space<hbm>>
    %dma_start3A_693 = tpu.memref_squeeze %dma_start3A_692 : memref<1x16384xf32, #tpu.memory_space<hbm>> -> memref<16384xf32, #tpu.memory_space<hbm>>
    %dma_start3A_694 = arith.constant 0 : i32
    %dma_start3A_695 = tpu.memref_slice %arg2[%add3A_690, %dma_start3A_694] : memref<1024x16384xf32, #tpu.memory_space<hbm>> -> memref<1x16384xf32, #tpu.memory_space<hbm>>
    %dma_start3A_696 = tpu.memref_squeeze %dma_start3A_695 : memref<1x16384xf32, #tpu.memory_space<hbm>> -> memref<16384xf32, #tpu.memory_space<hbm>>
    tpu.enqueue_dma source(%dma_start3A_696 : memref<16384xf32, #tpu.memory_space<hbm>>) target(%arg6 : memref<16384xf32, #tpu.memory_space<vmem>>) target_semaphore(%arg11 : memref<!tpu.dma_semaphore, #tpu.memory_space<semaphore_mem>>)
    %dma_wait3A_697 = arith.constant 0 : i32
    %dma_wait3A_698 = tpu.memref_slice %arg2[%add3A_657, %dma_wait3A_697] : memref<1024x16384xf32, #tpu.memory_space<hbm>> -> memref<1x16384xf32, #tpu.memory_space<hbm>>
    %dma_wait3A_699 = tpu.memref_squeeze %dma_wait3A_698 : memref<1x16384xf32, #tpu.memory_space<hbm>> -> memref<16384xf32, #tpu.memory_space<hbm>>
    %dma_wait3A_700 = arith.constant 0 : i32
    %dma_wait3A_701 = tpu.memref_slice %arg2[%add3A_657, %dma_wait3A_700] : memref<1024x16384xf32, #tpu.memory_space<hbm>> -> memref<1x16384xf32, #tpu.memory_space<hbm>>
    %dma_wait3A_702 = tpu.memref_squeeze %dma_wait3A_701 : memref<1x16384xf32, #tpu.memory_space<hbm>> -> memref<16384xf32, #tpu.memory_space<hbm>>
    tpu.wait_dma2 semaphore(%arg12 : memref<!tpu.dma_semaphore, #tpu.memory_space<semaphore_mem>>) src(%dma_wait3A_702 : memref<16384xf32, #tpu.memory_space<hbm>>) dst(%arg7 : memref<16384xf32, #tpu.memory_space<vmem>>)
    %dma_wait3A_703 = arith.constant 0 : i32
    %dma_wait3A_704 = tpu.memref_slice %arg4[%add3A_647, %dma_wait3A_703] : memref<1024x32768xf32, #tpu.memory_space<hbm>> -> memref<1x32768xf32, #tpu.memory_space<hbm>>
    %dma_wait3A_705 = tpu.memref_squeeze %dma_wait3A_704 : memref<1x32768xf32, #tpu.memory_space<hbm>> -> memref<32768xf32, #tpu.memory_space<hbm>>
    %dma_wait3A_706 = arith.constant 0 : i32
    %dma_wait3A_707 = tpu.memref_slice %arg4[%add3A_647, %dma_wait3A_706] : memref<1024x32768xf32, #tpu.memory_space<hbm>> -> memref<1x32768xf32, #tpu.memory_space<hbm>>
    %dma_wait3A_708 = tpu.memref_squeeze %dma_wait3A_707 : memref<1x32768xf32, #tpu.memory_space<hbm>> -> memref<32768xf32, #tpu.memory_space<hbm>>
    tpu.wait_dma2 semaphore(%arg14 : memref<!tpu.dma_semaphore, #tpu.memory_space<semaphore_mem>>) src(%arg9 : memref<32768xf32, #tpu.memory_space<vmem>>) dst(%dma_wait3A_708 : memref<32768xf32, #tpu.memory_space<hbm>>)
    %parallel_loop3A_709 = arith.constant 0 : i32
    %parallel_loop3A_710 = arith.constant 16384 : i32
    %parallel_loop3A_711 = arith.constant 16 : i32
    scf.for %parallel_loop3A_1085 = %parallel_loop3A_709 to %parallel_loop3A_710 step %parallel_loop3A_711  : i32 {
      %parallel_loop3A_1086 = arith.index_cast %parallel_loop3A_1085 : i32 to index
      %parallel_loop3A_1087 = tpu.vector_load %arg5[%parallel_loop3A_1086] {strides = array<i32>} : memref<16384xi32, #tpu.memory_space<vmem>>, vector<16xi32>,
      %parallel_loop3A_1088 = arith.constant 65535 : i32
      %parallel_loop3A_1089 = vector.broadcast %parallel_loop3A_1088 : i32 to vector<16xi32>
      %parallel_loop3A_1090 = arith.andi %parallel_loop3A_1087, %parallel_loop3A_1089 : vector<16xi32>
      %parallel_loop3A_1091 = arith.constant 16 : i32
      %parallel_loop3A_1092 = vector.broadcast %parallel_loop3A_1091 : i32 to vector<16xi32>
      %parallel_loop3A_1093 = arith.shrsi %parallel_loop3A_1087, %parallel_loop3A_1092 : vector<16xi32>
      %parallel_loop3A_1094 = tpu.vector_load_idx %arg7[%parallel_loop3A_1090] : memref<16384xf32, #tpu.memory_space<vmem>>[vector<16xi32>], vector<16xf32>,
      %parallel_loop3A_1095 = arith.constant 2 : i32
      %parallel_loop3A_1096 = arith.muli %parallel_loop3A_1095, %parallel_loop3A_1085 : i32
      %parallel_loop3A_1097 = arith.index_cast %parallel_loop3A_1096 : i32 to index
      %parallel_loop3A_1098 = tpu.vector_load %arg9[%parallel_loop3A_1097] {strides = array<i32>} : memref<32768xf32, #tpu.memory_space<vmem>>, vector<16xf32>,
      tpu.vector_store %arg9[%parallel_loop3A_1097], %parallel_loop3A_1094 {strides = array<i32>} : memref<32768xf32, #tpu.memory_space<vmem>>, vector<16xf32>,
      %parallel_loop3A_1099 = tpu.vector_load_idx %arg7[%parallel_loop3A_1093] : memref<16384xf32, #tpu.memory_space<vmem>>[vector<16xi32>], vector<16xf32>,
      %parallel_loop3A_1100 = arith.constant 2 : i32
      %parallel_loop3A_1101 = arith.muli %parallel_loop3A_1100, %parallel_loop3A_1085 : i32
      %parallel_loop3A_1102 = arith.constant 16 : i32
      %parallel_loop3A_1103 = arith.addi %parallel_loop3A_1101, %parallel_loop3A_1102 : i32
      %parallel_loop3A_1104 = arith.index_cast %parallel_loop3A_1103 : i32 to index
      %parallel_loop3A_1105 = tpu.vector_load %arg9[%parallel_loop3A_1104] {strides = array<i32>} : memref<32768xf32, #tpu.memory_space<vmem>>, vector<16xf32>,
      tpu.vector_store %arg9[%parallel_loop3A_1104], %parallel_loop3A_1099 {strides = array<i32>} : memref<32768xf32, #tpu.memory_space<vmem>>, vector<16xf32>,
    } {sc.loop_unroll_factor = 8 : i64, sc.parallel_access}
    %add3A_712 = arith.constant 21 : i32
    %add3A_713 = arith.addi %mul3A_2, %add3A_712 : i32
    %dma_start3A_714 = arith.constant 0 : i32
    %dma_start3A_715 = tpu.memref_slice %arg4[%add3A_713, %dma_start3A_714] : memref<1024x32768xf32, #tpu.memory_space<hbm>> -> memref<1x32768xf32, #tpu.memory_space<hbm>>
    %dma_start3A_716 = tpu.memref_squeeze %dma_start3A_715 : memref<1x32768xf32, #tpu.memory_space<hbm>> -> memref<32768xf32, #tpu.memory_space<hbm>>
    %dma_start3A_717 = arith.constant 0 : i32
    %dma_start3A_718 = tpu.memref_slice %arg4[%add3A_713, %dma_start3A_717] : memref<1024x32768xf32, #tpu.memory_space<hbm>> -> memref<1x32768xf32, #tpu.memory_space<hbm>>
    %dma_start3A_719 = tpu.memref_squeeze %dma_start3A_718 : memref<1x32768xf32, #tpu.memory_space<hbm>> -> memref<32768xf32, #tpu.memory_space<hbm>>
    tpu.enqueue_dma source(%arg9 : memref<32768xf32, #tpu.memory_space<vmem>>) target(%dma_start3A_719 : memref<32768xf32, #tpu.memory_space<hbm>>) target_semaphore(%arg14 : memref<!tpu.dma_semaphore, #tpu.memory_space<semaphore_mem>>)
    %add3A_720 = arith.constant 22 : i32
    %add3A_721 = arith.addi %mul3A_2, %add3A_720 : i32
    %add3A_722 = arith.constant 1 : i32
    %add3A_723 = arith.addi %add3A_721, %add3A_722 : i32
    %dma_start3A_724 = arith.constant 0 : i32
    %dma_start3A_725 = tpu.memref_slice %arg2[%add3A_723, %dma_start3A_724] : memref<1024x16384xf32, #tpu.memory_space<hbm>> -> memref<1x16384xf32, #tpu.memory_space<hbm>>
    %dma_start3A_726 = tpu.memref_squeeze %dma_start3A_725 : memref<1x16384xf32, #tpu.memory_space<hbm>> -> memref<16384xf32, #tpu.memory_space<hbm>>
    %dma_start3A_727 = arith.constant 0 : i32
    %dma_start3A_728 = tpu.memref_slice %arg2[%add3A_723, %dma_start3A_727] : memref<1024x16384xf32, #tpu.memory_space<hbm>> -> memref<1x16384xf32, #tpu.memory_space<hbm>>
    %dma_start3A_729 = tpu.memref_squeeze %dma_start3A_728 : memref<1x16384xf32, #tpu.memory_space<hbm>> -> memref<16384xf32, #tpu.memory_space<hbm>>
    tpu.enqueue_dma source(%dma_start3A_729 : memref<16384xf32, #tpu.memory_space<hbm>>) target(%arg7 : memref<16384xf32, #tpu.memory_space<vmem>>) target_semaphore(%arg12 : memref<!tpu.dma_semaphore, #tpu.memory_space<semaphore_mem>>)
    %dma_wait3A_730 = arith.constant 0 : i32
    %dma_wait3A_731 = tpu.memref_slice %arg2[%add3A_690, %dma_wait3A_730] : memref<1024x16384xf32, #tpu.memory_space<hbm>> -> memref<1x16384xf32, #tpu.memory_space<hbm>>
    %dma_wait3A_732 = tpu.memref_squeeze %dma_wait3A_731 : memref<1x16384xf32, #tpu.memory_space<hbm>> -> memref<16384xf32, #tpu.memory_space<hbm>>
    %dma_wait3A_733 = arith.constant 0 : i32
    %dma_wait3A_734 = tpu.memref_slice %arg2[%add3A_690, %dma_wait3A_733] : memref<1024x16384xf32, #tpu.memory_space<hbm>> -> memref<1x16384xf32, #tpu.memory_space<hbm>>
    %dma_wait3A_735 = tpu.memref_squeeze %dma_wait3A_734 : memref<1x16384xf32, #tpu.memory_space<hbm>> -> memref<16384xf32, #tpu.memory_space<hbm>>
    tpu.wait_dma2 semaphore(%arg11 : memref<!tpu.dma_semaphore, #tpu.memory_space<semaphore_mem>>) src(%dma_wait3A_735 : memref<16384xf32, #tpu.memory_space<hbm>>) dst(%arg6 : memref<16384xf32, #tpu.memory_space<vmem>>)
    %dma_wait3A_736 = arith.constant 0 : i32
    %dma_wait3A_737 = tpu.memref_slice %arg4[%add3A_680, %dma_wait3A_736] : memref<1024x32768xf32, #tpu.memory_space<hbm>> -> memref<1x32768xf32, #tpu.memory_space<hbm>>
    %dma_wait3A_738 = tpu.memref_squeeze %dma_wait3A_737 : memref<1x32768xf32, #tpu.memory_space<hbm>> -> memref<32768xf32, #tpu.memory_space<hbm>>
    %dma_wait3A_739 = arith.constant 0 : i32
    %dma_wait3A_740 = tpu.memref_slice %arg4[%add3A_680, %dma_wait3A_739] : memref<1024x32768xf32, #tpu.memory_space<hbm>> -> memref<1x32768xf32, #tpu.memory_space<hbm>>
    %dma_wait3A_741 = tpu.memref_squeeze %dma_wait3A_740 : memref<1x32768xf32, #tpu.memory_space<hbm>> -> memref<32768xf32, #tpu.memory_space<hbm>>
    tpu.wait_dma2 semaphore(%arg13 : memref<!tpu.dma_semaphore, #tpu.memory_space<semaphore_mem>>) src(%arg8 : memref<32768xf32, #tpu.memory_space<vmem>>) dst(%dma_wait3A_741 : memref<32768xf32, #tpu.memory_space<hbm>>)
    %parallel_loop3A_742 = arith.constant 0 : i32
    %parallel_loop3A_743 = arith.constant 16384 : i32
    %parallel_loop3A_744 = arith.constant 16 : i32
    scf.for %parallel_loop3A_1085 = %parallel_loop3A_742 to %parallel_loop3A_743 step %parallel_loop3A_744  : i32 {
      %parallel_loop3A_1086 = arith.index_cast %parallel_loop3A_1085 : i32 to index
      %parallel_loop3A_1087 = tpu.vector_load %arg5[%parallel_loop3A_1086] {strides = array<i32>} : memref<16384xi32, #tpu.memory_space<vmem>>, vector<16xi32>,
      %parallel_loop3A_1088 = arith.constant 65535 : i32
      %parallel_loop3A_1089 = vector.broadcast %parallel_loop3A_1088 : i32 to vector<16xi32>
      %parallel_loop3A_1090 = arith.andi %parallel_loop3A_1087, %parallel_loop3A_1089 : vector<16xi32>
      %parallel_loop3A_1091 = arith.constant 16 : i32
      %parallel_loop3A_1092 = vector.broadcast %parallel_loop3A_1091 : i32 to vector<16xi32>
      %parallel_loop3A_1093 = arith.shrsi %parallel_loop3A_1087, %parallel_loop3A_1092 : vector<16xi32>
      %parallel_loop3A_1094 = tpu.vector_load_idx %arg6[%parallel_loop3A_1090] : memref<16384xf32, #tpu.memory_space<vmem>>[vector<16xi32>], vector<16xf32>,
      %parallel_loop3A_1095 = arith.constant 2 : i32
      %parallel_loop3A_1096 = arith.muli %parallel_loop3A_1095, %parallel_loop3A_1085 : i32
      %parallel_loop3A_1097 = arith.index_cast %parallel_loop3A_1096 : i32 to index
      %parallel_loop3A_1098 = tpu.vector_load %arg8[%parallel_loop3A_1097] {strides = array<i32>} : memref<32768xf32, #tpu.memory_space<vmem>>, vector<16xf32>,
      tpu.vector_store %arg8[%parallel_loop3A_1097], %parallel_loop3A_1094 {strides = array<i32>} : memref<32768xf32, #tpu.memory_space<vmem>>, vector<16xf32>,
      %parallel_loop3A_1099 = tpu.vector_load_idx %arg6[%parallel_loop3A_1093] : memref<16384xf32, #tpu.memory_space<vmem>>[vector<16xi32>], vector<16xf32>,
      %parallel_loop3A_1100 = arith.constant 2 : i32
      %parallel_loop3A_1101 = arith.muli %parallel_loop3A_1100, %parallel_loop3A_1085 : i32
      %parallel_loop3A_1102 = arith.constant 16 : i32
      %parallel_loop3A_1103 = arith.addi %parallel_loop3A_1101, %parallel_loop3A_1102 : i32
      %parallel_loop3A_1104 = arith.index_cast %parallel_loop3A_1103 : i32 to index
      %parallel_loop3A_1105 = tpu.vector_load %arg8[%parallel_loop3A_1104] {strides = array<i32>} : memref<32768xf32, #tpu.memory_space<vmem>>, vector<16xf32>,
      tpu.vector_store %arg8[%parallel_loop3A_1104], %parallel_loop3A_1099 {strides = array<i32>} : memref<32768xf32, #tpu.memory_space<vmem>>, vector<16xf32>,
    } {sc.loop_unroll_factor = 8 : i64, sc.parallel_access}
    %add3A_745 = arith.constant 22 : i32
    %add3A_746 = arith.addi %mul3A_2, %add3A_745 : i32
    %dma_start3A_747 = arith.constant 0 : i32
    %dma_start3A_748 = tpu.memref_slice %arg4[%add3A_746, %dma_start3A_747] : memref<1024x32768xf32, #tpu.memory_space<hbm>> -> memref<1x32768xf32, #tpu.memory_space<hbm>>
    %dma_start3A_749 = tpu.memref_squeeze %dma_start3A_748 : memref<1x32768xf32, #tpu.memory_space<hbm>> -> memref<32768xf32, #tpu.memory_space<hbm>>
    %dma_start3A_750 = arith.constant 0 : i32
    %dma_start3A_751 = tpu.memref_slice %arg4[%add3A_746, %dma_start3A_750] : memref<1024x32768xf32, #tpu.memory_space<hbm>> -> memref<1x32768xf32, #tpu.memory_space<hbm>>
    %dma_start3A_752 = tpu.memref_squeeze %dma_start3A_751 : memref<1x32768xf32, #tpu.memory_space<hbm>> -> memref<32768xf32, #tpu.memory_space<hbm>>
    tpu.enqueue_dma source(%arg8 : memref<32768xf32, #tpu.memory_space<vmem>>) target(%dma_start3A_752 : memref<32768xf32, #tpu.memory_space<hbm>>) target_semaphore(%arg13 : memref<!tpu.dma_semaphore, #tpu.memory_space<semaphore_mem>>)
    %add3A_753 = arith.constant 23 : i32
    %add3A_754 = arith.addi %mul3A_2, %add3A_753 : i32
    %add3A_755 = arith.constant 1 : i32
    %add3A_756 = arith.addi %add3A_754, %add3A_755 : i32
    %dma_start3A_757 = arith.constant 0 : i32
    %dma_start3A_758 = tpu.memref_slice %arg2[%add3A_756, %dma_start3A_757] : memref<1024x16384xf32, #tpu.memory_space<hbm>> -> memref<1x16384xf32, #tpu.memory_space<hbm>>
    %dma_start3A_759 = tpu.memref_squeeze %dma_start3A_758 : memref<1x16384xf32, #tpu.memory_space<hbm>> -> memref<16384xf32, #tpu.memory_space<hbm>>
    %dma_start3A_760 = arith.constant 0 : i32
    %dma_start3A_761 = tpu.memref_slice %arg2[%add3A_756, %dma_start3A_760] : memref<1024x16384xf32, #tpu.memory_space<hbm>> -> memref<1x16384xf32, #tpu.memory_space<hbm>>
    %dma_start3A_762 = tpu.memref_squeeze %dma_start3A_761 : memref<1x16384xf32, #tpu.memory_space<hbm>> -> memref<16384xf32, #tpu.memory_space<hbm>>
    tpu.enqueue_dma source(%dma_start3A_762 : memref<16384xf32, #tpu.memory_space<hbm>>) target(%arg6 : memref<16384xf32, #tpu.memory_space<vmem>>) target_semaphore(%arg11 : memref<!tpu.dma_semaphore, #tpu.memory_space<semaphore_mem>>)
    %dma_wait3A_763 = arith.constant 0 : i32
    %dma_wait3A_764 = tpu.memref_slice %arg2[%add3A_723, %dma_wait3A_763] : memref<1024x16384xf32, #tpu.memory_space<hbm>> -> memref<1x16384xf32, #tpu.memory_space<hbm>>
    %dma_wait3A_765 = tpu.memref_squeeze %dma_wait3A_764 : memref<1x16384xf32, #tpu.memory_space<hbm>> -> memref<16384xf32, #tpu.memory_space<hbm>>
    %dma_wait3A_766 = arith.constant 0 : i32
    %dma_wait3A_767 = tpu.memref_slice %arg2[%add3A_723, %dma_wait3A_766] : memref<1024x16384xf32, #tpu.memory_space<hbm>> -> memref<1x16384xf32, #tpu.memory_space<hbm>>
    %dma_wait3A_768 = tpu.memref_squeeze %dma_wait3A_767 : memref<1x16384xf32, #tpu.memory_space<hbm>> -> memref<16384xf32, #tpu.memory_space<hbm>>
    tpu.wait_dma2 semaphore(%arg12 : memref<!tpu.dma_semaphore, #tpu.memory_space<semaphore_mem>>) src(%dma_wait3A_768 : memref<16384xf32, #tpu.memory_space<hbm>>) dst(%arg7 : memref<16384xf32, #tpu.memory_space<vmem>>)
    %dma_wait3A_769 = arith.constant 0 : i32
    %dma_wait3A_770 = tpu.memref_slice %arg4[%add3A_713, %dma_wait3A_769] : memref<1024x32768xf32, #tpu.memory_space<hbm>> -> memref<1x32768xf32, #tpu.memory_space<hbm>>
    %dma_wait3A_771 = tpu.memref_squeeze %dma_wait3A_770 : memref<1x32768xf32, #tpu.memory_space<hbm>> -> memref<32768xf32, #tpu.memory_space<hbm>>
    %dma_wait3A_772 = arith.constant 0 : i32
    %dma_wait3A_773 = tpu.memref_slice %arg4[%add3A_713, %dma_wait3A_772] : memref<1024x32768xf32, #tpu.memory_space<hbm>> -> memref<1x32768xf32, #tpu.memory_space<hbm>>
    %dma_wait3A_774 = tpu.memref_squeeze %dma_wait3A_773 : memref<1x32768xf32, #tpu.memory_space<hbm>> -> memref<32768xf32, #tpu.memory_space<hbm>>
    tpu.wait_dma2 semaphore(%arg14 : memref<!tpu.dma_semaphore, #tpu.memory_space<semaphore_mem>>) src(%arg9 : memref<32768xf32, #tpu.memory_space<vmem>>) dst(%dma_wait3A_774 : memref<32768xf32, #tpu.memory_space<hbm>>)
    %parallel_loop3A_775 = arith.constant 0 : i32
    %parallel_loop3A_776 = arith.constant 16384 : i32
    %parallel_loop3A_777 = arith.constant 16 : i32
    scf.for %parallel_loop3A_1085 = %parallel_loop3A_775 to %parallel_loop3A_776 step %parallel_loop3A_777  : i32 {
      %parallel_loop3A_1086 = arith.index_cast %parallel_loop3A_1085 : i32 to index
      %parallel_loop3A_1087 = tpu.vector_load %arg5[%parallel_loop3A_1086] {strides = array<i32>} : memref<16384xi32, #tpu.memory_space<vmem>>, vector<16xi32>,
      %parallel_loop3A_1088 = arith.constant 65535 : i32
      %parallel_loop3A_1089 = vector.broadcast %parallel_loop3A_1088 : i32 to vector<16xi32>
      %parallel_loop3A_1090 = arith.andi %parallel_loop3A_1087, %parallel_loop3A_1089 : vector<16xi32>
      %parallel_loop3A_1091 = arith.constant 16 : i32
      %parallel_loop3A_1092 = vector.broadcast %parallel_loop3A_1091 : i32 to vector<16xi32>
      %parallel_loop3A_1093 = arith.shrsi %parallel_loop3A_1087, %parallel_loop3A_1092 : vector<16xi32>
      %parallel_loop3A_1094 = tpu.vector_load_idx %arg7[%parallel_loop3A_1090] : memref<16384xf32, #tpu.memory_space<vmem>>[vector<16xi32>], vector<16xf32>,
      %parallel_loop3A_1095 = arith.constant 2 : i32
      %parallel_loop3A_1096 = arith.muli %parallel_loop3A_1095, %parallel_loop3A_1085 : i32
      %parallel_loop3A_1097 = arith.index_cast %parallel_loop3A_1096 : i32 to index
      %parallel_loop3A_1098 = tpu.vector_load %arg9[%parallel_loop3A_1097] {strides = array<i32>} : memref<32768xf32, #tpu.memory_space<vmem>>, vector<16xf32>,
      tpu.vector_store %arg9[%parallel_loop3A_1097], %parallel_loop3A_1094 {strides = array<i32>} : memref<32768xf32, #tpu.memory_space<vmem>>, vector<16xf32>,
      %parallel_loop3A_1099 = tpu.vector_load_idx %arg7[%parallel_loop3A_1093] : memref<16384xf32, #tpu.memory_space<vmem>>[vector<16xi32>], vector<16xf32>,
      %parallel_loop3A_1100 = arith.constant 2 : i32
      %parallel_loop3A_1101 = arith.muli %parallel_loop3A_1100, %parallel_loop3A_1085 : i32
      %parallel_loop3A_1102 = arith.constant 16 : i32
      %parallel_loop3A_1103 = arith.addi %parallel_loop3A_1101, %parallel_loop3A_1102 : i32
      %parallel_loop3A_1104 = arith.index_cast %parallel_loop3A_1103 : i32 to index
      %parallel_loop3A_1105 = tpu.vector_load %arg9[%parallel_loop3A_1104] {strides = array<i32>} : memref<32768xf32, #tpu.memory_space<vmem>>, vector<16xf32>,
      tpu.vector_store %arg9[%parallel_loop3A_1104], %parallel_loop3A_1099 {strides = array<i32>} : memref<32768xf32, #tpu.memory_space<vmem>>, vector<16xf32>,
    } {sc.loop_unroll_factor = 8 : i64, sc.parallel_access}
    %add3A_778 = arith.constant 23 : i32
    %add3A_779 = arith.addi %mul3A_2, %add3A_778 : i32
    %dma_start3A_780 = arith.constant 0 : i32
    %dma_start3A_781 = tpu.memref_slice %arg4[%add3A_779, %dma_start3A_780] : memref<1024x32768xf32, #tpu.memory_space<hbm>> -> memref<1x32768xf32, #tpu.memory_space<hbm>>
    %dma_start3A_782 = tpu.memref_squeeze %dma_start3A_781 : memref<1x32768xf32, #tpu.memory_space<hbm>> -> memref<32768xf32, #tpu.memory_space<hbm>>
    %dma_start3A_783 = arith.constant 0 : i32
    %dma_start3A_784 = tpu.memref_slice %arg4[%add3A_779, %dma_start3A_783] : memref<1024x32768xf32, #tpu.memory_space<hbm>> -> memref<1x32768xf32, #tpu.memory_space<hbm>>
    %dma_start3A_785 = tpu.memref_squeeze %dma_start3A_784 : memref<1x32768xf32, #tpu.memory_space<hbm>> -> memref<32768xf32, #tpu.memory_space<hbm>>
    tpu.enqueue_dma source(%arg9 : memref<32768xf32, #tpu.memory_space<vmem>>) target(%dma_start3A_785 : memref<32768xf32, #tpu.memory_space<hbm>>) target_semaphore(%arg14 : memref<!tpu.dma_semaphore, #tpu.memory_space<semaphore_mem>>)
    %add3A_786 = arith.constant 24 : i32
    %add3A_787 = arith.addi %mul3A_2, %add3A_786 : i32
    %add3A_788 = arith.constant 1 : i32
    %add3A_789 = arith.addi %add3A_787, %add3A_788 : i32
    %dma_start3A_790 = arith.constant 0 : i32
    %dma_start3A_791 = tpu.memref_slice %arg2[%add3A_789, %dma_start3A_790] : memref<1024x16384xf32, #tpu.memory_space<hbm>> -> memref<1x16384xf32, #tpu.memory_space<hbm>>
    %dma_start3A_792 = tpu.memref_squeeze %dma_start3A_791 : memref<1x16384xf32, #tpu.memory_space<hbm>> -> memref<16384xf32, #tpu.memory_space<hbm>>
    %dma_start3A_793 = arith.constant 0 : i32
    %dma_start3A_794 = tpu.memref_slice %arg2[%add3A_789, %dma_start3A_793] : memref<1024x16384xf32, #tpu.memory_space<hbm>> -> memref<1x16384xf32, #tpu.memory_space<hbm>>
    %dma_start3A_795 = tpu.memref_squeeze %dma_start3A_794 : memref<1x16384xf32, #tpu.memory_space<hbm>> -> memref<16384xf32, #tpu.memory_space<hbm>>
    tpu.enqueue_dma source(%dma_start3A_795 : memref<16384xf32, #tpu.memory_space<hbm>>) target(%arg7 : memref<16384xf32, #tpu.memory_space<vmem>>) target_semaphore(%arg12 : memref<!tpu.dma_semaphore, #tpu.memory_space<semaphore_mem>>)
    %dma_wait3A_796 = arith.constant 0 : i32
    %dma_wait3A_797 = tpu.memref_slice %arg2[%add3A_756, %dma_wait3A_796] : memref<1024x16384xf32, #tpu.memory_space<hbm>> -> memref<1x16384xf32, #tpu.memory_space<hbm>>
    %dma_wait3A_798 = tpu.memref_squeeze %dma_wait3A_797 : memref<1x16384xf32, #tpu.memory_space<hbm>> -> memref<16384xf32, #tpu.memory_space<hbm>>
    %dma_wait3A_799 = arith.constant 0 : i32
    %dma_wait3A_800 = tpu.memref_slice %arg2[%add3A_756, %dma_wait3A_799] : memref<1024x16384xf32, #tpu.memory_space<hbm>> -> memref<1x16384xf32, #tpu.memory_space<hbm>>
    %dma_wait3A_801 = tpu.memref_squeeze %dma_wait3A_800 : memref<1x16384xf32, #tpu.memory_space<hbm>> -> memref<16384xf32, #tpu.memory_space<hbm>>
    tpu.wait_dma2 semaphore(%arg11 : memref<!tpu.dma_semaphore, #tpu.memory_space<semaphore_mem>>) src(%dma_wait3A_801 : memref<16384xf32, #tpu.memory_space<hbm>>) dst(%arg6 : memref<16384xf32, #tpu.memory_space<vmem>>)
    %dma_wait3A_802 = arith.constant 0 : i32
    %dma_wait3A_803 = tpu.memref_slice %arg4[%add3A_746, %dma_wait3A_802] : memref<1024x32768xf32, #tpu.memory_space<hbm>> -> memref<1x32768xf32, #tpu.memory_space<hbm>>
    %dma_wait3A_804 = tpu.memref_squeeze %dma_wait3A_803 : memref<1x32768xf32, #tpu.memory_space<hbm>> -> memref<32768xf32, #tpu.memory_space<hbm>>
    %dma_wait3A_805 = arith.constant 0 : i32
    %dma_wait3A_806 = tpu.memref_slice %arg4[%add3A_746, %dma_wait3A_805] : memref<1024x32768xf32, #tpu.memory_space<hbm>> -> memref<1x32768xf32, #tpu.memory_space<hbm>>
    %dma_wait3A_807 = tpu.memref_squeeze %dma_wait3A_806 : memref<1x32768xf32, #tpu.memory_space<hbm>> -> memref<32768xf32, #tpu.memory_space<hbm>>
    tpu.wait_dma2 semaphore(%arg13 : memref<!tpu.dma_semaphore, #tpu.memory_space<semaphore_mem>>) src(%arg8 : memref<32768xf32, #tpu.memory_space<vmem>>) dst(%dma_wait3A_807 : memref<32768xf32, #tpu.memory_space<hbm>>)
    %parallel_loop3A_808 = arith.constant 0 : i32
    %parallel_loop3A_809 = arith.constant 16384 : i32
    %parallel_loop3A_810 = arith.constant 16 : i32
    scf.for %parallel_loop3A_1085 = %parallel_loop3A_808 to %parallel_loop3A_809 step %parallel_loop3A_810  : i32 {
      %parallel_loop3A_1086 = arith.index_cast %parallel_loop3A_1085 : i32 to index
      %parallel_loop3A_1087 = tpu.vector_load %arg5[%parallel_loop3A_1086] {strides = array<i32>} : memref<16384xi32, #tpu.memory_space<vmem>>, vector<16xi32>,
      %parallel_loop3A_1088 = arith.constant 65535 : i32
      %parallel_loop3A_1089 = vector.broadcast %parallel_loop3A_1088 : i32 to vector<16xi32>
      %parallel_loop3A_1090 = arith.andi %parallel_loop3A_1087, %parallel_loop3A_1089 : vector<16xi32>
      %parallel_loop3A_1091 = arith.constant 16 : i32
      %parallel_loop3A_1092 = vector.broadcast %parallel_loop3A_1091 : i32 to vector<16xi32>
      %parallel_loop3A_1093 = arith.shrsi %parallel_loop3A_1087, %parallel_loop3A_1092 : vector<16xi32>
      %parallel_loop3A_1094 = tpu.vector_load_idx %arg6[%parallel_loop3A_1090] : memref<16384xf32, #tpu.memory_space<vmem>>[vector<16xi32>], vector<16xf32>,
      %parallel_loop3A_1095 = arith.constant 2 : i32
      %parallel_loop3A_1096 = arith.muli %parallel_loop3A_1095, %parallel_loop3A_1085 : i32
      %parallel_loop3A_1097 = arith.index_cast %parallel_loop3A_1096 : i32 to index
      %parallel_loop3A_1098 = tpu.vector_load %arg8[%parallel_loop3A_1097] {strides = array<i32>} : memref<32768xf32, #tpu.memory_space<vmem>>, vector<16xf32>,
      tpu.vector_store %arg8[%parallel_loop3A_1097], %parallel_loop3A_1094 {strides = array<i32>} : memref<32768xf32, #tpu.memory_space<vmem>>, vector<16xf32>,
      %parallel_loop3A_1099 = tpu.vector_load_idx %arg6[%parallel_loop3A_1093] : memref<16384xf32, #tpu.memory_space<vmem>>[vector<16xi32>], vector<16xf32>,
      %parallel_loop3A_1100 = arith.constant 2 : i32
      %parallel_loop3A_1101 = arith.muli %parallel_loop3A_1100, %parallel_loop3A_1085 : i32
      %parallel_loop3A_1102 = arith.constant 16 : i32
      %parallel_loop3A_1103 = arith.addi %parallel_loop3A_1101, %parallel_loop3A_1102 : i32
      %parallel_loop3A_1104 = arith.index_cast %parallel_loop3A_1103 : i32 to index
      %parallel_loop3A_1105 = tpu.vector_load %arg8[%parallel_loop3A_1104] {strides = array<i32>} : memref<32768xf32, #tpu.memory_space<vmem>>, vector<16xf32>,
      tpu.vector_store %arg8[%parallel_loop3A_1104], %parallel_loop3A_1099 {strides = array<i32>} : memref<32768xf32, #tpu.memory_space<vmem>>, vector<16xf32>,
    } {sc.loop_unroll_factor = 8 : i64, sc.parallel_access}
    %add3A_811 = arith.constant 24 : i32
    %add3A_812 = arith.addi %mul3A_2, %add3A_811 : i32
    %dma_start3A_813 = arith.constant 0 : i32
    %dma_start3A_814 = tpu.memref_slice %arg4[%add3A_812, %dma_start3A_813] : memref<1024x32768xf32, #tpu.memory_space<hbm>> -> memref<1x32768xf32, #tpu.memory_space<hbm>>
    %dma_start3A_815 = tpu.memref_squeeze %dma_start3A_814 : memref<1x32768xf32, #tpu.memory_space<hbm>> -> memref<32768xf32, #tpu.memory_space<hbm>>
    %dma_start3A_816 = arith.constant 0 : i32
    %dma_start3A_817 = tpu.memref_slice %arg4[%add3A_812, %dma_start3A_816] : memref<1024x32768xf32, #tpu.memory_space<hbm>> -> memref<1x32768xf32, #tpu.memory_space<hbm>>
    %dma_start3A_818 = tpu.memref_squeeze %dma_start3A_817 : memref<1x32768xf32, #tpu.memory_space<hbm>> -> memref<32768xf32, #tpu.memory_space<hbm>>
    tpu.enqueue_dma source(%arg8 : memref<32768xf32, #tpu.memory_space<vmem>>) target(%dma_start3A_818 : memref<32768xf32, #tpu.memory_space<hbm>>) target_semaphore(%arg13 : memref<!tpu.dma_semaphore, #tpu.memory_space<semaphore_mem>>)
    %add3A_819 = arith.constant 25 : i32
    %add3A_820 = arith.addi %mul3A_2, %add3A_819 : i32
    %add3A_821 = arith.constant 1 : i32
    %add3A_822 = arith.addi %add3A_820, %add3A_821 : i32
    %dma_start3A_823 = arith.constant 0 : i32
    %dma_start3A_824 = tpu.memref_slice %arg2[%add3A_822, %dma_start3A_823] : memref<1024x16384xf32, #tpu.memory_space<hbm>> -> memref<1x16384xf32, #tpu.memory_space<hbm>>
    %dma_start3A_825 = tpu.memref_squeeze %dma_start3A_824 : memref<1x16384xf32, #tpu.memory_space<hbm>> -> memref<16384xf32, #tpu.memory_space<hbm>>
    %dma_start3A_826 = arith.constant 0 : i32
    %dma_start3A_827 = tpu.memref_slice %arg2[%add3A_822, %dma_start3A_826] : memref<1024x16384xf32, #tpu.memory_space<hbm>> -> memref<1x16384xf32, #tpu.memory_space<hbm>>
    %dma_start3A_828 = tpu.memref_squeeze %dma_start3A_827 : memref<1x16384xf32, #tpu.memory_space<hbm>> -> memref<16384xf32, #tpu.memory_space<hbm>>
    tpu.enqueue_dma source(%dma_start3A_828 : memref<16384xf32, #tpu.memory_space<hbm>>) target(%arg6 : memref<16384xf32, #tpu.memory_space<vmem>>) target_semaphore(%arg11 : memref<!tpu.dma_semaphore, #tpu.memory_space<semaphore_mem>>)
    %dma_wait3A_829 = arith.constant 0 : i32
    %dma_wait3A_830 = tpu.memref_slice %arg2[%add3A_789, %dma_wait3A_829] : memref<1024x16384xf32, #tpu.memory_space<hbm>> -> memref<1x16384xf32, #tpu.memory_space<hbm>>
    %dma_wait3A_831 = tpu.memref_squeeze %dma_wait3A_830 : memref<1x16384xf32, #tpu.memory_space<hbm>> -> memref<16384xf32, #tpu.memory_space<hbm>>
    %dma_wait3A_832 = arith.constant 0 : i32
    %dma_wait3A_833 = tpu.memref_slice %arg2[%add3A_789, %dma_wait3A_832] : memref<1024x16384xf32, #tpu.memory_space<hbm>> -> memref<1x16384xf32, #tpu.memory_space<hbm>>
    %dma_wait3A_834 = tpu.memref_squeeze %dma_wait3A_833 : memref<1x16384xf32, #tpu.memory_space<hbm>> -> memref<16384xf32, #tpu.memory_space<hbm>>
    tpu.wait_dma2 semaphore(%arg12 : memref<!tpu.dma_semaphore, #tpu.memory_space<semaphore_mem>>) src(%dma_wait3A_834 : memref<16384xf32, #tpu.memory_space<hbm>>) dst(%arg7 : memref<16384xf32, #tpu.memory_space<vmem>>)
    %dma_wait3A_835 = arith.constant 0 : i32
    %dma_wait3A_836 = tpu.memref_slice %arg4[%add3A_779, %dma_wait3A_835] : memref<1024x32768xf32, #tpu.memory_space<hbm>> -> memref<1x32768xf32, #tpu.memory_space<hbm>>
    %dma_wait3A_837 = tpu.memref_squeeze %dma_wait3A_836 : memref<1x32768xf32, #tpu.memory_space<hbm>> -> memref<32768xf32, #tpu.memory_space<hbm>>
    %dma_wait3A_838 = arith.constant 0 : i32
    %dma_wait3A_839 = tpu.memref_slice %arg4[%add3A_779, %dma_wait3A_838] : memref<1024x32768xf32, #tpu.memory_space<hbm>> -> memref<1x32768xf32, #tpu.memory_space<hbm>>
    %dma_wait3A_840 = tpu.memref_squeeze %dma_wait3A_839 : memref<1x32768xf32, #tpu.memory_space<hbm>> -> memref<32768xf32, #tpu.memory_space<hbm>>
    tpu.wait_dma2 semaphore(%arg14 : memref<!tpu.dma_semaphore, #tpu.memory_space<semaphore_mem>>) src(%arg9 : memref<32768xf32, #tpu.memory_space<vmem>>) dst(%dma_wait3A_840 : memref<32768xf32, #tpu.memory_space<hbm>>)
    %parallel_loop3A_841 = arith.constant 0 : i32
    %parallel_loop3A_842 = arith.constant 16384 : i32
    %parallel_loop3A_843 = arith.constant 16 : i32
    scf.for %parallel_loop3A_1085 = %parallel_loop3A_841 to %parallel_loop3A_842 step %parallel_loop3A_843  : i32 {
      %parallel_loop3A_1086 = arith.index_cast %parallel_loop3A_1085 : i32 to index
      %parallel_loop3A_1087 = tpu.vector_load %arg5[%parallel_loop3A_1086] {strides = array<i32>} : memref<16384xi32, #tpu.memory_space<vmem>>, vector<16xi32>,
      %parallel_loop3A_1088 = arith.constant 65535 : i32
      %parallel_loop3A_1089 = vector.broadcast %parallel_loop3A_1088 : i32 to vector<16xi32>
      %parallel_loop3A_1090 = arith.andi %parallel_loop3A_1087, %parallel_loop3A_1089 : vector<16xi32>
      %parallel_loop3A_1091 = arith.constant 16 : i32
      %parallel_loop3A_1092 = vector.broadcast %parallel_loop3A_1091 : i32 to vector<16xi32>
      %parallel_loop3A_1093 = arith.shrsi %parallel_loop3A_1087, %parallel_loop3A_1092 : vector<16xi32>
      %parallel_loop3A_1094 = tpu.vector_load_idx %arg7[%parallel_loop3A_1090] : memref<16384xf32, #tpu.memory_space<vmem>>[vector<16xi32>], vector<16xf32>,
      %parallel_loop3A_1095 = arith.constant 2 : i32
      %parallel_loop3A_1096 = arith.muli %parallel_loop3A_1095, %parallel_loop3A_1085 : i32
      %parallel_loop3A_1097 = arith.index_cast %parallel_loop3A_1096 : i32 to index
      %parallel_loop3A_1098 = tpu.vector_load %arg9[%parallel_loop3A_1097] {strides = array<i32>} : memref<32768xf32, #tpu.memory_space<vmem>>, vector<16xf32>,
      tpu.vector_store %arg9[%parallel_loop3A_1097], %parallel_loop3A_1094 {strides = array<i32>} : memref<32768xf32, #tpu.memory_space<vmem>>, vector<16xf32>,
      %parallel_loop3A_1099 = tpu.vector_load_idx %arg7[%parallel_loop3A_1093] : memref<16384xf32, #tpu.memory_space<vmem>>[vector<16xi32>], vector<16xf32>,
      %parallel_loop3A_1100 = arith.constant 2 : i32
      %parallel_loop3A_1101 = arith.muli %parallel_loop3A_1100, %parallel_loop3A_1085 : i32
      %parallel_loop3A_1102 = arith.constant 16 : i32
      %parallel_loop3A_1103 = arith.addi %parallel_loop3A_1101, %parallel_loop3A_1102 : i32
      %parallel_loop3A_1104 = arith.index_cast %parallel_loop3A_1103 : i32 to index
      %parallel_loop3A_1105 = tpu.vector_load %arg9[%parallel_loop3A_1104] {strides = array<i32>} : memref<32768xf32, #tpu.memory_space<vmem>>, vector<16xf32>,
      tpu.vector_store %arg9[%parallel_loop3A_1104], %parallel_loop3A_1099 {strides = array<i32>} : memref<32768xf32, #tpu.memory_space<vmem>>, vector<16xf32>,
    } {sc.loop_unroll_factor = 8 : i64, sc.parallel_access}
    %add3A_844 = arith.constant 25 : i32
    %add3A_845 = arith.addi %mul3A_2, %add3A_844 : i32
    %dma_start3A_846 = arith.constant 0 : i32
    %dma_start3A_847 = tpu.memref_slice %arg4[%add3A_845, %dma_start3A_846] : memref<1024x32768xf32, #tpu.memory_space<hbm>> -> memref<1x32768xf32, #tpu.memory_space<hbm>>
    %dma_start3A_848 = tpu.memref_squeeze %dma_start3A_847 : memref<1x32768xf32, #tpu.memory_space<hbm>> -> memref<32768xf32, #tpu.memory_space<hbm>>
    %dma_start3A_849 = arith.constant 0 : i32
    %dma_start3A_850 = tpu.memref_slice %arg4[%add3A_845, %dma_start3A_849] : memref<1024x32768xf32, #tpu.memory_space<hbm>> -> memref<1x32768xf32, #tpu.memory_space<hbm>>
    %dma_start3A_851 = tpu.memref_squeeze %dma_start3A_850 : memref<1x32768xf32, #tpu.memory_space<hbm>> -> memref<32768xf32, #tpu.memory_space<hbm>>
    tpu.enqueue_dma source(%arg9 : memref<32768xf32, #tpu.memory_space<vmem>>) target(%dma_start3A_851 : memref<32768xf32, #tpu.memory_space<hbm>>) target_semaphore(%arg14 : memref<!tpu.dma_semaphore, #tpu.memory_space<semaphore_mem>>)
    %add3A_852 = arith.constant 26 : i32
    %add3A_853 = arith.addi %mul3A_2, %add3A_852 : i32
    %add3A_854 = arith.constant 1 : i32
    %add3A_855 = arith.addi %add3A_853, %add3A_854 : i32
    %dma_start3A_856 = arith.constant 0 : i32
    %dma_start3A_857 = tpu.memref_slice %arg2[%add3A_855, %dma_start3A_856] : memref<1024x16384xf32, #tpu.memory_space<hbm>> -> memref<1x16384xf32, #tpu.memory_space<hbm>>
    %dma_start3A_858 = tpu.memref_squeeze %dma_start3A_857 : memref<1x16384xf32, #tpu.memory_space<hbm>> -> memref<16384xf32, #tpu.memory_space<hbm>>
    %dma_start3A_859 = arith.constant 0 : i32
    %dma_start3A_860 = tpu.memref_slice %arg2[%add3A_855, %dma_start3A_859] : memref<1024x16384xf32, #tpu.memory_space<hbm>> -> memref<1x16384xf32, #tpu.memory_space<hbm>>
    %dma_start3A_861 = tpu.memref_squeeze %dma_start3A_860 : memref<1x16384xf32, #tpu.memory_space<hbm>> -> memref<16384xf32, #tpu.memory_space<hbm>>
    tpu.enqueue_dma source(%dma_start3A_861 : memref<16384xf32, #tpu.memory_space<hbm>>) target(%arg7 : memref<16384xf32, #tpu.memory_space<vmem>>) target_semaphore(%arg12 : memref<!tpu.dma_semaphore, #tpu.memory_space<semaphore_mem>>)
    %dma_wait3A_862 = arith.constant 0 : i32
    %dma_wait3A_863 = tpu.memref_slice %arg2[%add3A_822, %dma_wait3A_862] : memref<1024x16384xf32, #tpu.memory_space<hbm>> -> memref<1x16384xf32, #tpu.memory_space<hbm>>
    %dma_wait3A_864 = tpu.memref_squeeze %dma_wait3A_863 : memref<1x16384xf32, #tpu.memory_space<hbm>> -> memref<16384xf32, #tpu.memory_space<hbm>>
    %dma_wait3A_865 = arith.constant 0 : i32
    %dma_wait3A_866 = tpu.memref_slice %arg2[%add3A_822, %dma_wait3A_865] : memref<1024x16384xf32, #tpu.memory_space<hbm>> -> memref<1x16384xf32, #tpu.memory_space<hbm>>
    %dma_wait3A_867 = tpu.memref_squeeze %dma_wait3A_866 : memref<1x16384xf32, #tpu.memory_space<hbm>> -> memref<16384xf32, #tpu.memory_space<hbm>>
    tpu.wait_dma2 semaphore(%arg11 : memref<!tpu.dma_semaphore, #tpu.memory_space<semaphore_mem>>) src(%dma_wait3A_867 : memref<16384xf32, #tpu.memory_space<hbm>>) dst(%arg6 : memref<16384xf32, #tpu.memory_space<vmem>>)
    %dma_wait3A_868 = arith.constant 0 : i32
    %dma_wait3A_869 = tpu.memref_slice %arg4[%add3A_812, %dma_wait3A_868] : memref<1024x32768xf32, #tpu.memory_space<hbm>> -> memref<1x32768xf32, #tpu.memory_space<hbm>>
    %dma_wait3A_870 = tpu.memref_squeeze %dma_wait3A_869 : memref<1x32768xf32, #tpu.memory_space<hbm>> -> memref<32768xf32, #tpu.memory_space<hbm>>
    %dma_wait3A_871 = arith.constant 0 : i32
    %dma_wait3A_872 = tpu.memref_slice %arg4[%add3A_812, %dma_wait3A_871] : memref<1024x32768xf32, #tpu.memory_space<hbm>> -> memref<1x32768xf32, #tpu.memory_space<hbm>>
    %dma_wait3A_873 = tpu.memref_squeeze %dma_wait3A_872 : memref<1x32768xf32, #tpu.memory_space<hbm>> -> memref<32768xf32, #tpu.memory_space<hbm>>
    tpu.wait_dma2 semaphore(%arg13 : memref<!tpu.dma_semaphore, #tpu.memory_space<semaphore_mem>>) src(%arg8 : memref<32768xf32, #tpu.memory_space<vmem>>) dst(%dma_wait3A_873 : memref<32768xf32, #tpu.memory_space<hbm>>)
    %parallel_loop3A_874 = arith.constant 0 : i32
    %parallel_loop3A_875 = arith.constant 16384 : i32
    %parallel_loop3A_876 = arith.constant 16 : i32
    scf.for %parallel_loop3A_1085 = %parallel_loop3A_874 to %parallel_loop3A_875 step %parallel_loop3A_876  : i32 {
      %parallel_loop3A_1086 = arith.index_cast %parallel_loop3A_1085 : i32 to index
      %parallel_loop3A_1087 = tpu.vector_load %arg5[%parallel_loop3A_1086] {strides = array<i32>} : memref<16384xi32, #tpu.memory_space<vmem>>, vector<16xi32>,
      %parallel_loop3A_1088 = arith.constant 65535 : i32
      %parallel_loop3A_1089 = vector.broadcast %parallel_loop3A_1088 : i32 to vector<16xi32>
      %parallel_loop3A_1090 = arith.andi %parallel_loop3A_1087, %parallel_loop3A_1089 : vector<16xi32>
      %parallel_loop3A_1091 = arith.constant 16 : i32
      %parallel_loop3A_1092 = vector.broadcast %parallel_loop3A_1091 : i32 to vector<16xi32>
      %parallel_loop3A_1093 = arith.shrsi %parallel_loop3A_1087, %parallel_loop3A_1092 : vector<16xi32>
      %parallel_loop3A_1094 = tpu.vector_load_idx %arg6[%parallel_loop3A_1090] : memref<16384xf32, #tpu.memory_space<vmem>>[vector<16xi32>], vector<16xf32>,
      %parallel_loop3A_1095 = arith.constant 2 : i32
      %parallel_loop3A_1096 = arith.muli %parallel_loop3A_1095, %parallel_loop3A_1085 : i32
      %parallel_loop3A_1097 = arith.index_cast %parallel_loop3A_1096 : i32 to index
      %parallel_loop3A_1098 = tpu.vector_load %arg8[%parallel_loop3A_1097] {strides = array<i32>} : memref<32768xf32, #tpu.memory_space<vmem>>, vector<16xf32>,
      tpu.vector_store %arg8[%parallel_loop3A_1097], %parallel_loop3A_1094 {strides = array<i32>} : memref<32768xf32, #tpu.memory_space<vmem>>, vector<16xf32>,
      %parallel_loop3A_1099 = tpu.vector_load_idx %arg6[%parallel_loop3A_1093] : memref<16384xf32, #tpu.memory_space<vmem>>[vector<16xi32>], vector<16xf32>,
      %parallel_loop3A_1100 = arith.constant 2 : i32
      %parallel_loop3A_1101 = arith.muli %parallel_loop3A_1100, %parallel_loop3A_1085 : i32
      %parallel_loop3A_1102 = arith.constant 16 : i32
      %parallel_loop3A_1103 = arith.addi %parallel_loop3A_1101, %parallel_loop3A_1102 : i32
      %parallel_loop3A_1104 = arith.index_cast %parallel_loop3A_1103 : i32 to index
      %parallel_loop3A_1105 = tpu.vector_load %arg8[%parallel_loop3A_1104] {strides = array<i32>} : memref<32768xf32, #tpu.memory_space<vmem>>, vector<16xf32>,
      tpu.vector_store %arg8[%parallel_loop3A_1104], %parallel_loop3A_1099 {strides = array<i32>} : memref<32768xf32, #tpu.memory_space<vmem>>, vector<16xf32>,
    } {sc.loop_unroll_factor = 8 : i64, sc.parallel_access}
    %add3A_877 = arith.constant 26 : i32
    %add3A_878 = arith.addi %mul3A_2, %add3A_877 : i32
    %dma_start3A_879 = arith.constant 0 : i32
    %dma_start3A_880 = tpu.memref_slice %arg4[%add3A_878, %dma_start3A_879] : memref<1024x32768xf32, #tpu.memory_space<hbm>> -> memref<1x32768xf32, #tpu.memory_space<hbm>>
    %dma_start3A_881 = tpu.memref_squeeze %dma_start3A_880 : memref<1x32768xf32, #tpu.memory_space<hbm>> -> memref<32768xf32, #tpu.memory_space<hbm>>
    %dma_start3A_882 = arith.constant 0 : i32
    %dma_start3A_883 = tpu.memref_slice %arg4[%add3A_878, %dma_start3A_882] : memref<1024x32768xf32, #tpu.memory_space<hbm>> -> memref<1x32768xf32, #tpu.memory_space<hbm>>
    %dma_start3A_884 = tpu.memref_squeeze %dma_start3A_883 : memref<1x32768xf32, #tpu.memory_space<hbm>> -> memref<32768xf32, #tpu.memory_space<hbm>>
    tpu.enqueue_dma source(%arg8 : memref<32768xf32, #tpu.memory_space<vmem>>) target(%dma_start3A_884 : memref<32768xf32, #tpu.memory_space<hbm>>) target_semaphore(%arg13 : memref<!tpu.dma_semaphore, #tpu.memory_space<semaphore_mem>>)
    %add3A_885 = arith.constant 27 : i32
    %add3A_886 = arith.addi %mul3A_2, %add3A_885 : i32
    %add3A_887 = arith.constant 1 : i32
    %add3A_888 = arith.addi %add3A_886, %add3A_887 : i32
    %dma_start3A_889 = arith.constant 0 : i32
    %dma_start3A_890 = tpu.memref_slice %arg2[%add3A_888, %dma_start3A_889] : memref<1024x16384xf32, #tpu.memory_space<hbm>> -> memref<1x16384xf32, #tpu.memory_space<hbm>>
    %dma_start3A_891 = tpu.memref_squeeze %dma_start3A_890 : memref<1x16384xf32, #tpu.memory_space<hbm>> -> memref<16384xf32, #tpu.memory_space<hbm>>
    %dma_start3A_892 = arith.constant 0 : i32
    %dma_start3A_893 = tpu.memref_slice %arg2[%add3A_888, %dma_start3A_892] : memref<1024x16384xf32, #tpu.memory_space<hbm>> -> memref<1x16384xf32, #tpu.memory_space<hbm>>
    %dma_start3A_894 = tpu.memref_squeeze %dma_start3A_893 : memref<1x16384xf32, #tpu.memory_space<hbm>> -> memref<16384xf32, #tpu.memory_space<hbm>>
    tpu.enqueue_dma source(%dma_start3A_894 : memref<16384xf32, #tpu.memory_space<hbm>>) target(%arg6 : memref<16384xf32, #tpu.memory_space<vmem>>) target_semaphore(%arg11 : memref<!tpu.dma_semaphore, #tpu.memory_space<semaphore_mem>>)
    %dma_wait3A_895 = arith.constant 0 : i32
    %dma_wait3A_896 = tpu.memref_slice %arg2[%add3A_855, %dma_wait3A_895] : memref<1024x16384xf32, #tpu.memory_space<hbm>> -> memref<1x16384xf32, #tpu.memory_space<hbm>>
    %dma_wait3A_897 = tpu.memref_squeeze %dma_wait3A_896 : memref<1x16384xf32, #tpu.memory_space<hbm>> -> memref<16384xf32, #tpu.memory_space<hbm>>
    %dma_wait3A_898 = arith.constant 0 : i32
    %dma_wait3A_899 = tpu.memref_slice %arg2[%add3A_855, %dma_wait3A_898] : memref<1024x16384xf32, #tpu.memory_space<hbm>> -> memref<1x16384xf32, #tpu.memory_space<hbm>>
    %dma_wait3A_900 = tpu.memref_squeeze %dma_wait3A_899 : memref<1x16384xf32, #tpu.memory_space<hbm>> -> memref<16384xf32, #tpu.memory_space<hbm>>
    tpu.wait_dma2 semaphore(%arg12 : memref<!tpu.dma_semaphore, #tpu.memory_space<semaphore_mem>>) src(%dma_wait3A_900 : memref<16384xf32, #tpu.memory_space<hbm>>) dst(%arg7 : memref<16384xf32, #tpu.memory_space<vmem>>)
    %dma_wait3A_901 = arith.constant 0 : i32
    %dma_wait3A_902 = tpu.memref_slice %arg4[%add3A_845, %dma_wait3A_901] : memref<1024x32768xf32, #tpu.memory_space<hbm>> -> memref<1x32768xf32, #tpu.memory_space<hbm>>
    %dma_wait3A_903 = tpu.memref_squeeze %dma_wait3A_902 : memref<1x32768xf32, #tpu.memory_space<hbm>> -> memref<32768xf32, #tpu.memory_space<hbm>>
    %dma_wait3A_904 = arith.constant 0 : i32
    %dma_wait3A_905 = tpu.memref_slice %arg4[%add3A_845, %dma_wait3A_904] : memref<1024x32768xf32, #tpu.memory_space<hbm>> -> memref<1x32768xf32, #tpu.memory_space<hbm>>
    %dma_wait3A_906 = tpu.memref_squeeze %dma_wait3A_905 : memref<1x32768xf32, #tpu.memory_space<hbm>> -> memref<32768xf32, #tpu.memory_space<hbm>>
    tpu.wait_dma2 semaphore(%arg14 : memref<!tpu.dma_semaphore, #tpu.memory_space<semaphore_mem>>) src(%arg9 : memref<32768xf32, #tpu.memory_space<vmem>>) dst(%dma_wait3A_906 : memref<32768xf32, #tpu.memory_space<hbm>>)
    %parallel_loop3A_907 = arith.constant 0 : i32
    %parallel_loop3A_908 = arith.constant 16384 : i32
    %parallel_loop3A_909 = arith.constant 16 : i32
    scf.for %parallel_loop3A_1085 = %parallel_loop3A_907 to %parallel_loop3A_908 step %parallel_loop3A_909  : i32 {
      %parallel_loop3A_1086 = arith.index_cast %parallel_loop3A_1085 : i32 to index
      %parallel_loop3A_1087 = tpu.vector_load %arg5[%parallel_loop3A_1086] {strides = array<i32>} : memref<16384xi32, #tpu.memory_space<vmem>>, vector<16xi32>,
      %parallel_loop3A_1088 = arith.constant 65535 : i32
      %parallel_loop3A_1089 = vector.broadcast %parallel_loop3A_1088 : i32 to vector<16xi32>
      %parallel_loop3A_1090 = arith.andi %parallel_loop3A_1087, %parallel_loop3A_1089 : vector<16xi32>
      %parallel_loop3A_1091 = arith.constant 16 : i32
      %parallel_loop3A_1092 = vector.broadcast %parallel_loop3A_1091 : i32 to vector<16xi32>
      %parallel_loop3A_1093 = arith.shrsi %parallel_loop3A_1087, %parallel_loop3A_1092 : vector<16xi32>
      %parallel_loop3A_1094 = tpu.vector_load_idx %arg7[%parallel_loop3A_1090] : memref<16384xf32, #tpu.memory_space<vmem>>[vector<16xi32>], vector<16xf32>,
      %parallel_loop3A_1095 = arith.constant 2 : i32
      %parallel_loop3A_1096 = arith.muli %parallel_loop3A_1095, %parallel_loop3A_1085 : i32
      %parallel_loop3A_1097 = arith.index_cast %parallel_loop3A_1096 : i32 to index
      %parallel_loop3A_1098 = tpu.vector_load %arg9[%parallel_loop3A_1097] {strides = array<i32>} : memref<32768xf32, #tpu.memory_space<vmem>>, vector<16xf32>,
      tpu.vector_store %arg9[%parallel_loop3A_1097], %parallel_loop3A_1094 {strides = array<i32>} : memref<32768xf32, #tpu.memory_space<vmem>>, vector<16xf32>,
      %parallel_loop3A_1099 = tpu.vector_load_idx %arg7[%parallel_loop3A_1093] : memref<16384xf32, #tpu.memory_space<vmem>>[vector<16xi32>], vector<16xf32>,
      %parallel_loop3A_1100 = arith.constant 2 : i32
      %parallel_loop3A_1101 = arith.muli %parallel_loop3A_1100, %parallel_loop3A_1085 : i32
      %parallel_loop3A_1102 = arith.constant 16 : i32
      %parallel_loop3A_1103 = arith.addi %parallel_loop3A_1101, %parallel_loop3A_1102 : i32
      %parallel_loop3A_1104 = arith.index_cast %parallel_loop3A_1103 : i32 to index
      %parallel_loop3A_1105 = tpu.vector_load %arg9[%parallel_loop3A_1104] {strides = array<i32>} : memref<32768xf32, #tpu.memory_space<vmem>>, vector<16xf32>,
      tpu.vector_store %arg9[%parallel_loop3A_1104], %parallel_loop3A_1099 {strides = array<i32>} : memref<32768xf32, #tpu.memory_space<vmem>>, vector<16xf32>,
    } {sc.loop_unroll_factor = 8 : i64, sc.parallel_access}
    %add3A_910 = arith.constant 27 : i32
    %add3A_911 = arith.addi %mul3A_2, %add3A_910 : i32
    %dma_start3A_912 = arith.constant 0 : i32
    %dma_start3A_913 = tpu.memref_slice %arg4[%add3A_911, %dma_start3A_912] : memref<1024x32768xf32, #tpu.memory_space<hbm>> -> memref<1x32768xf32, #tpu.memory_space<hbm>>
    %dma_start3A_914 = tpu.memref_squeeze %dma_start3A_913 : memref<1x32768xf32, #tpu.memory_space<hbm>> -> memref<32768xf32, #tpu.memory_space<hbm>>
    %dma_start3A_915 = arith.constant 0 : i32
    %dma_start3A_916 = tpu.memref_slice %arg4[%add3A_911, %dma_start3A_915] : memref<1024x32768xf32, #tpu.memory_space<hbm>> -> memref<1x32768xf32, #tpu.memory_space<hbm>>
    %dma_start3A_917 = tpu.memref_squeeze %dma_start3A_916 : memref<1x32768xf32, #tpu.memory_space<hbm>> -> memref<32768xf32, #tpu.memory_space<hbm>>
    tpu.enqueue_dma source(%arg9 : memref<32768xf32, #tpu.memory_space<vmem>>) target(%dma_start3A_917 : memref<32768xf32, #tpu.memory_space<hbm>>) target_semaphore(%arg14 : memref<!tpu.dma_semaphore, #tpu.memory_space<semaphore_mem>>)
    %add3A_918 = arith.constant 28 : i32
    %add3A_919 = arith.addi %mul3A_2, %add3A_918 : i32
    %add3A_920 = arith.constant 1 : i32
    %add3A_921 = arith.addi %add3A_919, %add3A_920 : i32
    %dma_start3A_922 = arith.constant 0 : i32
    %dma_start3A_923 = tpu.memref_slice %arg2[%add3A_921, %dma_start3A_922] : memref<1024x16384xf32, #tpu.memory_space<hbm>> -> memref<1x16384xf32, #tpu.memory_space<hbm>>
    %dma_start3A_924 = tpu.memref_squeeze %dma_start3A_923 : memref<1x16384xf32, #tpu.memory_space<hbm>> -> memref<16384xf32, #tpu.memory_space<hbm>>
    %dma_start3A_925 = arith.constant 0 : i32
    %dma_start3A_926 = tpu.memref_slice %arg2[%add3A_921, %dma_start3A_925] : memref<1024x16384xf32, #tpu.memory_space<hbm>> -> memref<1x16384xf32, #tpu.memory_space<hbm>>
    %dma_start3A_927 = tpu.memref_squeeze %dma_start3A_926 : memref<1x16384xf32, #tpu.memory_space<hbm>> -> memref<16384xf32, #tpu.memory_space<hbm>>
    tpu.enqueue_dma source(%dma_start3A_927 : memref<16384xf32, #tpu.memory_space<hbm>>) target(%arg7 : memref<16384xf32, #tpu.memory_space<vmem>>) target_semaphore(%arg12 : memref<!tpu.dma_semaphore, #tpu.memory_space<semaphore_mem>>)
    %dma_wait3A_928 = arith.constant 0 : i32
    %dma_wait3A_929 = tpu.memref_slice %arg2[%add3A_888, %dma_wait3A_928] : memref<1024x16384xf32, #tpu.memory_space<hbm>> -> memref<1x16384xf32, #tpu.memory_space<hbm>>
    %dma_wait3A_930 = tpu.memref_squeeze %dma_wait3A_929 : memref<1x16384xf32, #tpu.memory_space<hbm>> -> memref<16384xf32, #tpu.memory_space<hbm>>
    %dma_wait3A_931 = arith.constant 0 : i32
    %dma_wait3A_932 = tpu.memref_slice %arg2[%add3A_888, %dma_wait3A_931] : memref<1024x16384xf32, #tpu.memory_space<hbm>> -> memref<1x16384xf32, #tpu.memory_space<hbm>>
    %dma_wait3A_933 = tpu.memref_squeeze %dma_wait3A_932 : memref<1x16384xf32, #tpu.memory_space<hbm>> -> memref<16384xf32, #tpu.memory_space<hbm>>
    tpu.wait_dma2 semaphore(%arg11 : memref<!tpu.dma_semaphore, #tpu.memory_space<semaphore_mem>>) src(%dma_wait3A_933 : memref<16384xf32, #tpu.memory_space<hbm>>) dst(%arg6 : memref<16384xf32, #tpu.memory_space<vmem>>)
    %dma_wait3A_934 = arith.constant 0 : i32
    %dma_wait3A_935 = tpu.memref_slice %arg4[%add3A_878, %dma_wait3A_934] : memref<1024x32768xf32, #tpu.memory_space<hbm>> -> memref<1x32768xf32, #tpu.memory_space<hbm>>
    %dma_wait3A_936 = tpu.memref_squeeze %dma_wait3A_935 : memref<1x32768xf32, #tpu.memory_space<hbm>> -> memref<32768xf32, #tpu.memory_space<hbm>>
    %dma_wait3A_937 = arith.constant 0 : i32
    %dma_wait3A_938 = tpu.memref_slice %arg4[%add3A_878, %dma_wait3A_937] : memref<1024x32768xf32, #tpu.memory_space<hbm>> -> memref<1x32768xf32, #tpu.memory_space<hbm>>
    %dma_wait3A_939 = tpu.memref_squeeze %dma_wait3A_938 : memref<1x32768xf32, #tpu.memory_space<hbm>> -> memref<32768xf32, #tpu.memory_space<hbm>>
    tpu.wait_dma2 semaphore(%arg13 : memref<!tpu.dma_semaphore, #tpu.memory_space<semaphore_mem>>) src(%arg8 : memref<32768xf32, #tpu.memory_space<vmem>>) dst(%dma_wait3A_939 : memref<32768xf32, #tpu.memory_space<hbm>>)
    %parallel_loop3A_940 = arith.constant 0 : i32
    %parallel_loop3A_941 = arith.constant 16384 : i32
    %parallel_loop3A_942 = arith.constant 16 : i32
    scf.for %parallel_loop3A_1085 = %parallel_loop3A_940 to %parallel_loop3A_941 step %parallel_loop3A_942  : i32 {
      %parallel_loop3A_1086 = arith.index_cast %parallel_loop3A_1085 : i32 to index
      %parallel_loop3A_1087 = tpu.vector_load %arg5[%parallel_loop3A_1086] {strides = array<i32>} : memref<16384xi32, #tpu.memory_space<vmem>>, vector<16xi32>,
      %parallel_loop3A_1088 = arith.constant 65535 : i32
      %parallel_loop3A_1089 = vector.broadcast %parallel_loop3A_1088 : i32 to vector<16xi32>
      %parallel_loop3A_1090 = arith.andi %parallel_loop3A_1087, %parallel_loop3A_1089 : vector<16xi32>
      %parallel_loop3A_1091 = arith.constant 16 : i32
      %parallel_loop3A_1092 = vector.broadcast %parallel_loop3A_1091 : i32 to vector<16xi32>
      %parallel_loop3A_1093 = arith.shrsi %parallel_loop3A_1087, %parallel_loop3A_1092 : vector<16xi32>
      %parallel_loop3A_1094 = tpu.vector_load_idx %arg6[%parallel_loop3A_1090] : memref<16384xf32, #tpu.memory_space<vmem>>[vector<16xi32>], vector<16xf32>,
      %parallel_loop3A_1095 = arith.constant 2 : i32
      %parallel_loop3A_1096 = arith.muli %parallel_loop3A_1095, %parallel_loop3A_1085 : i32
      %parallel_loop3A_1097 = arith.index_cast %parallel_loop3A_1096 : i32 to index
      %parallel_loop3A_1098 = tpu.vector_load %arg8[%parallel_loop3A_1097] {strides = array<i32>} : memref<32768xf32, #tpu.memory_space<vmem>>, vector<16xf32>,
      tpu.vector_store %arg8[%parallel_loop3A_1097], %parallel_loop3A_1094 {strides = array<i32>} : memref<32768xf32, #tpu.memory_space<vmem>>, vector<16xf32>,
      %parallel_loop3A_1099 = tpu.vector_load_idx %arg6[%parallel_loop3A_1093] : memref<16384xf32, #tpu.memory_space<vmem>>[vector<16xi32>], vector<16xf32>,
      %parallel_loop3A_1100 = arith.constant 2 : i32
      %parallel_loop3A_1101 = arith.muli %parallel_loop3A_1100, %parallel_loop3A_1085 : i32
      %parallel_loop3A_1102 = arith.constant 16 : i32
      %parallel_loop3A_1103 = arith.addi %parallel_loop3A_1101, %parallel_loop3A_1102 : i32
      %parallel_loop3A_1104 = arith.index_cast %parallel_loop3A_1103 : i32 to index
      %parallel_loop3A_1105 = tpu.vector_load %arg8[%parallel_loop3A_1104] {strides = array<i32>} : memref<32768xf32, #tpu.memory_space<vmem>>, vector<16xf32>,
      tpu.vector_store %arg8[%parallel_loop3A_1104], %parallel_loop3A_1099 {strides = array<i32>} : memref<32768xf32, #tpu.memory_space<vmem>>, vector<16xf32>,
    } {sc.loop_unroll_factor = 8 : i64, sc.parallel_access}
    %add3A_943 = arith.constant 28 : i32
    %add3A_944 = arith.addi %mul3A_2, %add3A_943 : i32
    %dma_start3A_945 = arith.constant 0 : i32
    %dma_start3A_946 = tpu.memref_slice %arg4[%add3A_944, %dma_start3A_945] : memref<1024x32768xf32, #tpu.memory_space<hbm>> -> memref<1x32768xf32, #tpu.memory_space<hbm>>
    %dma_start3A_947 = tpu.memref_squeeze %dma_start3A_946 : memref<1x32768xf32, #tpu.memory_space<hbm>> -> memref<32768xf32, #tpu.memory_space<hbm>>
    %dma_start3A_948 = arith.constant 0 : i32
    %dma_start3A_949 = tpu.memref_slice %arg4[%add3A_944, %dma_start3A_948] : memref<1024x32768xf32, #tpu.memory_space<hbm>> -> memref<1x32768xf32, #tpu.memory_space<hbm>>
    %dma_start3A_950 = tpu.memref_squeeze %dma_start3A_949 : memref<1x32768xf32, #tpu.memory_space<hbm>> -> memref<32768xf32, #tpu.memory_space<hbm>>
    tpu.enqueue_dma source(%arg8 : memref<32768xf32, #tpu.memory_space<vmem>>) target(%dma_start3A_950 : memref<32768xf32, #tpu.memory_space<hbm>>) target_semaphore(%arg13 : memref<!tpu.dma_semaphore, #tpu.memory_space<semaphore_mem>>)
    %add3A_951 = arith.constant 29 : i32
    %add3A_952 = arith.addi %mul3A_2, %add3A_951 : i32
    %add3A_953 = arith.constant 1 : i32
    %add3A_954 = arith.addi %add3A_952, %add3A_953 : i32
    %dma_start3A_955 = arith.constant 0 : i32
    %dma_start3A_956 = tpu.memref_slice %arg2[%add3A_954, %dma_start3A_955] : memref<1024x16384xf32, #tpu.memory_space<hbm>> -> memref<1x16384xf32, #tpu.memory_space<hbm>>
    %dma_start3A_957 = tpu.memref_squeeze %dma_start3A_956 : memref<1x16384xf32, #tpu.memory_space<hbm>> -> memref<16384xf32, #tpu.memory_space<hbm>>
    %dma_start3A_958 = arith.constant 0 : i32
    %dma_start3A_959 = tpu.memref_slice %arg2[%add3A_954, %dma_start3A_958] : memref<1024x16384xf32, #tpu.memory_space<hbm>> -> memref<1x16384xf32, #tpu.memory_space<hbm>>
    %dma_start3A_960 = tpu.memref_squeeze %dma_start3A_959 : memref<1x16384xf32, #tpu.memory_space<hbm>> -> memref<16384xf32, #tpu.memory_space<hbm>>
    tpu.enqueue_dma source(%dma_start3A_960 : memref<16384xf32, #tpu.memory_space<hbm>>) target(%arg6 : memref<16384xf32, #tpu.memory_space<vmem>>) target_semaphore(%arg11 : memref<!tpu.dma_semaphore, #tpu.memory_space<semaphore_mem>>)
    %dma_wait3A_961 = arith.constant 0 : i32
    %dma_wait3A_962 = tpu.memref_slice %arg2[%add3A_921, %dma_wait3A_961] : memref<1024x16384xf32, #tpu.memory_space<hbm>> -> memref<1x16384xf32, #tpu.memory_space<hbm>>
    %dma_wait3A_963 = tpu.memref_squeeze %dma_wait3A_962 : memref<1x16384xf32, #tpu.memory_space<hbm>> -> memref<16384xf32, #tpu.memory_space<hbm>>
    %dma_wait3A_964 = arith.constant 0 : i32
    %dma_wait3A_965 = tpu.memref_slice %arg2[%add3A_921, %dma_wait3A_964] : memref<1024x16384xf32, #tpu.memory_space<hbm>> -> memref<1x16384xf32, #tpu.memory_space<hbm>>
    %dma_wait3A_966 = tpu.memref_squeeze %dma_wait3A_965 : memref<1x16384xf32, #tpu.memory_space<hbm>> -> memref<16384xf32, #tpu.memory_space<hbm>>
    tpu.wait_dma2 semaphore(%arg12 : memref<!tpu.dma_semaphore, #tpu.memory_space<semaphore_mem>>) src(%dma_wait3A_966 : memref<16384xf32, #tpu.memory_space<hbm>>) dst(%arg7 : memref<16384xf32, #tpu.memory_space<vmem>>)
    %dma_wait3A_967 = arith.constant 0 : i32
    %dma_wait3A_968 = tpu.memref_slice %arg4[%add3A_911, %dma_wait3A_967] : memref<1024x32768xf32, #tpu.memory_space<hbm>> -> memref<1x32768xf32, #tpu.memory_space<hbm>>
    %dma_wait3A_969 = tpu.memref_squeeze %dma_wait3A_968 : memref<1x32768xf32, #tpu.memory_space<hbm>> -> memref<32768xf32, #tpu.memory_space<hbm>>
    %dma_wait3A_970 = arith.constant 0 : i32
    %dma_wait3A_971 = tpu.memref_slice %arg4[%add3A_911, %dma_wait3A_970] : memref<1024x32768xf32, #tpu.memory_space<hbm>> -> memref<1x32768xf32, #tpu.memory_space<hbm>>
    %dma_wait3A_972 = tpu.memref_squeeze %dma_wait3A_971 : memref<1x32768xf32, #tpu.memory_space<hbm>> -> memref<32768xf32, #tpu.memory_space<hbm>>
    tpu.wait_dma2 semaphore(%arg14 : memref<!tpu.dma_semaphore, #tpu.memory_space<semaphore_mem>>) src(%arg9 : memref<32768xf32, #tpu.memory_space<vmem>>) dst(%dma_wait3A_972 : memref<32768xf32, #tpu.memory_space<hbm>>)
    %parallel_loop3A_973 = arith.constant 0 : i32
    %parallel_loop3A_974 = arith.constant 16384 : i32
    %parallel_loop3A_975 = arith.constant 16 : i32
    scf.for %parallel_loop3A_1085 = %parallel_loop3A_973 to %parallel_loop3A_974 step %parallel_loop3A_975  : i32 {
      %parallel_loop3A_1086 = arith.index_cast %parallel_loop3A_1085 : i32 to index
      %parallel_loop3A_1087 = tpu.vector_load %arg5[%parallel_loop3A_1086] {strides = array<i32>} : memref<16384xi32, #tpu.memory_space<vmem>>, vector<16xi32>,
      %parallel_loop3A_1088 = arith.constant 65535 : i32
      %parallel_loop3A_1089 = vector.broadcast %parallel_loop3A_1088 : i32 to vector<16xi32>
      %parallel_loop3A_1090 = arith.andi %parallel_loop3A_1087, %parallel_loop3A_1089 : vector<16xi32>
      %parallel_loop3A_1091 = arith.constant 16 : i32
      %parallel_loop3A_1092 = vector.broadcast %parallel_loop3A_1091 : i32 to vector<16xi32>
      %parallel_loop3A_1093 = arith.shrsi %parallel_loop3A_1087, %parallel_loop3A_1092 : vector<16xi32>
      %parallel_loop3A_1094 = tpu.vector_load_idx %arg7[%parallel_loop3A_1090] : memref<16384xf32, #tpu.memory_space<vmem>>[vector<16xi32>], vector<16xf32>,
      %parallel_loop3A_1095 = arith.constant 2 : i32
      %parallel_loop3A_1096 = arith.muli %parallel_loop3A_1095, %parallel_loop3A_1085 : i32
      %parallel_loop3A_1097 = arith.index_cast %parallel_loop3A_1096 : i32 to index
      %parallel_loop3A_1098 = tpu.vector_load %arg9[%parallel_loop3A_1097] {strides = array<i32>} : memref<32768xf32, #tpu.memory_space<vmem>>, vector<16xf32>,
      tpu.vector_store %arg9[%parallel_loop3A_1097], %parallel_loop3A_1094 {strides = array<i32>} : memref<32768xf32, #tpu.memory_space<vmem>>, vector<16xf32>,
      %parallel_loop3A_1099 = tpu.vector_load_idx %arg7[%parallel_loop3A_1093] : memref<16384xf32, #tpu.memory_space<vmem>>[vector<16xi32>], vector<16xf32>,
      %parallel_loop3A_1100 = arith.constant 2 : i32
      %parallel_loop3A_1101 = arith.muli %parallel_loop3A_1100, %parallel_loop3A_1085 : i32
      %parallel_loop3A_1102 = arith.constant 16 : i32
      %parallel_loop3A_1103 = arith.addi %parallel_loop3A_1101, %parallel_loop3A_1102 : i32
      %parallel_loop3A_1104 = arith.index_cast %parallel_loop3A_1103 : i32 to index
      %parallel_loop3A_1105 = tpu.vector_load %arg9[%parallel_loop3A_1104] {strides = array<i32>} : memref<32768xf32, #tpu.memory_space<vmem>>, vector<16xf32>,
      tpu.vector_store %arg9[%parallel_loop3A_1104], %parallel_loop3A_1099 {strides = array<i32>} : memref<32768xf32, #tpu.memory_space<vmem>>, vector<16xf32>,
    } {sc.loop_unroll_factor = 8 : i64, sc.parallel_access}
    %add3A_976 = arith.constant 29 : i32
    %add3A_977 = arith.addi %mul3A_2, %add3A_976 : i32
    %dma_start3A_978 = arith.constant 0 : i32
    %dma_start3A_979 = tpu.memref_slice %arg4[%add3A_977, %dma_start3A_978] : memref<1024x32768xf32, #tpu.memory_space<hbm>> -> memref<1x32768xf32, #tpu.memory_space<hbm>>
    %dma_start3A_980 = tpu.memref_squeeze %dma_start3A_979 : memref<1x32768xf32, #tpu.memory_space<hbm>> -> memref<32768xf32, #tpu.memory_space<hbm>>
    %dma_start3A_981 = arith.constant 0 : i32
    %dma_start3A_982 = tpu.memref_slice %arg4[%add3A_977, %dma_start3A_981] : memref<1024x32768xf32, #tpu.memory_space<hbm>> -> memref<1x32768xf32, #tpu.memory_space<hbm>>
    %dma_start3A_983 = tpu.memref_squeeze %dma_start3A_982 : memref<1x32768xf32, #tpu.memory_space<hbm>> -> memref<32768xf32, #tpu.memory_space<hbm>>
    tpu.enqueue_dma source(%arg9 : memref<32768xf32, #tpu.memory_space<vmem>>) target(%dma_start3A_983 : memref<32768xf32, #tpu.memory_space<hbm>>) target_semaphore(%arg14 : memref<!tpu.dma_semaphore, #tpu.memory_space<semaphore_mem>>)
    %add3A_984 = arith.constant 30 : i32
    %add3A_985 = arith.addi %mul3A_2, %add3A_984 : i32
    %add3A_986 = arith.constant 1 : i32
    %add3A_987 = arith.addi %add3A_985, %add3A_986 : i32
    %dma_start3A_988 = arith.constant 0 : i32
    %dma_start3A_989 = tpu.memref_slice %arg2[%add3A_987, %dma_start3A_988] : memref<1024x16384xf32, #tpu.memory_space<hbm>> -> memref<1x16384xf32, #tpu.memory_space<hbm>>
    %dma_start3A_990 = tpu.memref_squeeze %dma_start3A_989 : memref<1x16384xf32, #tpu.memory_space<hbm>> -> memref<16384xf32, #tpu.memory_space<hbm>>
    %dma_start3A_991 = arith.constant 0 : i32
    %dma_start3A_992 = tpu.memref_slice %arg2[%add3A_987, %dma_start3A_991] : memref<1024x16384xf32, #tpu.memory_space<hbm>> -> memref<1x16384xf32, #tpu.memory_space<hbm>>
    %dma_start3A_993 = tpu.memref_squeeze %dma_start3A_992 : memref<1x16384xf32, #tpu.memory_space<hbm>> -> memref<16384xf32, #tpu.memory_space<hbm>>
    tpu.enqueue_dma source(%dma_start3A_993 : memref<16384xf32, #tpu.memory_space<hbm>>) target(%arg7 : memref<16384xf32, #tpu.memory_space<vmem>>) target_semaphore(%arg12 : memref<!tpu.dma_semaphore, #tpu.memory_space<semaphore_mem>>)
    %dma_wait3A_994 = arith.constant 0 : i32
    %dma_wait3A_995 = tpu.memref_slice %arg2[%add3A_954, %dma_wait3A_994] : memref<1024x16384xf32, #tpu.memory_space<hbm>> -> memref<1x16384xf32, #tpu.memory_space<hbm>>
    %dma_wait3A_996 = tpu.memref_squeeze %dma_wait3A_995 : memref<1x16384xf32, #tpu.memory_space<hbm>> -> memref<16384xf32, #tpu.memory_space<hbm>>
    %dma_wait3A_997 = arith.constant 0 : i32
    %dma_wait3A_998 = tpu.memref_slice %arg2[%add3A_954, %dma_wait3A_997] : memref<1024x16384xf32, #tpu.memory_space<hbm>> -> memref<1x16384xf32, #tpu.memory_space<hbm>>
    %dma_wait3A_999 = tpu.memref_squeeze %dma_wait3A_998 : memref<1x16384xf32, #tpu.memory_space<hbm>> -> memref<16384xf32, #tpu.memory_space<hbm>>
    tpu.wait_dma2 semaphore(%arg11 : memref<!tpu.dma_semaphore, #tpu.memory_space<semaphore_mem>>) src(%dma_wait3A_999 : memref<16384xf32, #tpu.memory_space<hbm>>) dst(%arg6 : memref<16384xf32, #tpu.memory_space<vmem>>)
    %dma_wait3A_1000 = arith.constant 0 : i32
    %dma_wait3A_1001 = tpu.memref_slice %arg4[%add3A_944, %dma_wait3A_1000] : memref<1024x32768xf32, #tpu.memory_space<hbm>> -> memref<1x32768xf32, #tpu.memory_space<hbm>>
    %dma_wait3A_1002 = tpu.memref_squeeze %dma_wait3A_1001 : memref<1x32768xf32, #tpu.memory_space<hbm>> -> memref<32768xf32, #tpu.memory_space<hbm>>
    %dma_wait3A_1003 = arith.constant 0 : i32
    %dma_wait3A_1004 = tpu.memref_slice %arg4[%add3A_944, %dma_wait3A_1003] : memref<1024x32768xf32, #tpu.memory_space<hbm>> -> memref<1x32768xf32, #tpu.memory_space<hbm>>
    %dma_wait3A_1005 = tpu.memref_squeeze %dma_wait3A_1004 : memref<1x32768xf32, #tpu.memory_space<hbm>> -> memref<32768xf32, #tpu.memory_space<hbm>>
    tpu.wait_dma2 semaphore(%arg13 : memref<!tpu.dma_semaphore, #tpu.memory_space<semaphore_mem>>) src(%arg8 : memref<32768xf32, #tpu.memory_space<vmem>>) dst(%dma_wait3A_1005 : memref<32768xf32, #tpu.memory_space<hbm>>)
    %parallel_loop3A_1006 = arith.constant 0 : i32
    %parallel_loop3A_1007 = arith.constant 16384 : i32
    %parallel_loop3A_1008 = arith.constant 16 : i32
    scf.for %parallel_loop3A_1085 = %parallel_loop3A_1006 to %parallel_loop3A_1007 step %parallel_loop3A_1008  : i32 {
      %parallel_loop3A_1086 = arith.index_cast %parallel_loop3A_1085 : i32 to index
      %parallel_loop3A_1087 = tpu.vector_load %arg5[%parallel_loop3A_1086] {strides = array<i32>} : memref<16384xi32, #tpu.memory_space<vmem>>, vector<16xi32>,
      %parallel_loop3A_1088 = arith.constant 65535 : i32
      %parallel_loop3A_1089 = vector.broadcast %parallel_loop3A_1088 : i32 to vector<16xi32>
      %parallel_loop3A_1090 = arith.andi %parallel_loop3A_1087, %parallel_loop3A_1089 : vector<16xi32>
      %parallel_loop3A_1091 = arith.constant 16 : i32
      %parallel_loop3A_1092 = vector.broadcast %parallel_loop3A_1091 : i32 to vector<16xi32>
      %parallel_loop3A_1093 = arith.shrsi %parallel_loop3A_1087, %parallel_loop3A_1092 : vector<16xi32>
      %parallel_loop3A_1094 = tpu.vector_load_idx %arg6[%parallel_loop3A_1090] : memref<16384xf32, #tpu.memory_space<vmem>>[vector<16xi32>], vector<16xf32>,
      %parallel_loop3A_1095 = arith.constant 2 : i32
      %parallel_loop3A_1096 = arith.muli %parallel_loop3A_1095, %parallel_loop3A_1085 : i32
      %parallel_loop3A_1097 = arith.index_cast %parallel_loop3A_1096 : i32 to index
      %parallel_loop3A_1098 = tpu.vector_load %arg8[%parallel_loop3A_1097] {strides = array<i32>} : memref<32768xf32, #tpu.memory_space<vmem>>, vector<16xf32>,
      tpu.vector_store %arg8[%parallel_loop3A_1097], %parallel_loop3A_1094 {strides = array<i32>} : memref<32768xf32, #tpu.memory_space<vmem>>, vector<16xf32>,
      %parallel_loop3A_1099 = tpu.vector_load_idx %arg6[%parallel_loop3A_1093] : memref<16384xf32, #tpu.memory_space<vmem>>[vector<16xi32>], vector<16xf32>,
      %parallel_loop3A_1100 = arith.constant 2 : i32
      %parallel_loop3A_1101 = arith.muli %parallel_loop3A_1100, %parallel_loop3A_1085 : i32
      %parallel_loop3A_1102 = arith.constant 16 : i32
      %parallel_loop3A_1103 = arith.addi %parallel_loop3A_1101, %parallel_loop3A_1102 : i32
      %parallel_loop3A_1104 = arith.index_cast %parallel_loop3A_1103 : i32 to index
      %parallel_loop3A_1105 = tpu.vector_load %arg8[%parallel_loop3A_1104] {strides = array<i32>} : memref<32768xf32, #tpu.memory_space<vmem>>, vector<16xf32>,
      tpu.vector_store %arg8[%parallel_loop3A_1104], %parallel_loop3A_1099 {strides = array<i32>} : memref<32768xf32, #tpu.memory_space<vmem>>, vector<16xf32>,
    } {sc.loop_unroll_factor = 8 : i64, sc.parallel_access}
    %add3A_1009 = arith.constant 30 : i32
    %add3A_1010 = arith.addi %mul3A_2, %add3A_1009 : i32
    %dma_start3A_1011 = arith.constant 0 : i32
    %dma_start3A_1012 = tpu.memref_slice %arg4[%add3A_1010, %dma_start3A_1011] : memref<1024x32768xf32, #tpu.memory_space<hbm>> -> memref<1x32768xf32, #tpu.memory_space<hbm>>
    %dma_start3A_1013 = tpu.memref_squeeze %dma_start3A_1012 : memref<1x32768xf32, #tpu.memory_space<hbm>> -> memref<32768xf32, #tpu.memory_space<hbm>>
    %dma_start3A_1014 = arith.constant 0 : i32
    %dma_start3A_1015 = tpu.memref_slice %arg4[%add3A_1010, %dma_start3A_1014] : memref<1024x32768xf32, #tpu.memory_space<hbm>> -> memref<1x32768xf32, #tpu.memory_space<hbm>>
    %dma_start3A_1016 = tpu.memref_squeeze %dma_start3A_1015 : memref<1x32768xf32, #tpu.memory_space<hbm>> -> memref<32768xf32, #tpu.memory_space<hbm>>
    tpu.enqueue_dma source(%arg8 : memref<32768xf32, #tpu.memory_space<vmem>>) target(%dma_start3A_1016 : memref<32768xf32, #tpu.memory_space<hbm>>) target_semaphore(%arg13 : memref<!tpu.dma_semaphore, #tpu.memory_space<semaphore_mem>>)
    %dma_wait3A_1017 = arith.constant 0 : i32
    %dma_wait3A_1018 = tpu.memref_slice %arg2[%add3A_987, %dma_wait3A_1017] : memref<1024x16384xf32, #tpu.memory_space<hbm>> -> memref<1x16384xf32, #tpu.memory_space<hbm>>
    %dma_wait3A_1019 = tpu.memref_squeeze %dma_wait3A_1018 : memref<1x16384xf32, #tpu.memory_space<hbm>> -> memref<16384xf32, #tpu.memory_space<hbm>>
    %dma_wait3A_1020 = arith.constant 0 : i32
    %dma_wait3A_1021 = tpu.memref_slice %arg2[%add3A_987, %dma_wait3A_1020] : memref<1024x16384xf32, #tpu.memory_space<hbm>> -> memref<1x16384xf32, #tpu.memory_space<hbm>>
    %dma_wait3A_1022 = tpu.memref_squeeze %dma_wait3A_1021 : memref<1x16384xf32, #tpu.memory_space<hbm>> -> memref<16384xf32, #tpu.memory_space<hbm>>
    tpu.wait_dma2 semaphore(%arg12 : memref<!tpu.dma_semaphore, #tpu.memory_space<semaphore_mem>>) src(%dma_wait3A_1022 : memref<16384xf32, #tpu.memory_space<hbm>>) dst(%arg7 : memref<16384xf32, #tpu.memory_space<vmem>>)
    %dma_wait3A_1023 = arith.constant 0 : i32
    %dma_wait3A_1024 = tpu.memref_slice %arg4[%add3A_977, %dma_wait3A_1023] : memref<1024x32768xf32, #tpu.memory_space<hbm>> -> memref<1x32768xf32, #tpu.memory_space<hbm>>
    %dma_wait3A_1025 = tpu.memref_squeeze %dma_wait3A_1024 : memref<1x32768xf32, #tpu.memory_space<hbm>> -> memref<32768xf32, #tpu.memory_space<hbm>>
    %dma_wait3A_1026 = arith.constant 0 : i32
    %dma_wait3A_1027 = tpu.memref_slice %arg4[%add3A_977, %dma_wait3A_1026] : memref<1024x32768xf32, #tpu.memory_space<hbm>> -> memref<1x32768xf32, #tpu.memory_space<hbm>>
    %dma_wait3A_1028 = tpu.memref_squeeze %dma_wait3A_1027 : memref<1x32768xf32, #tpu.memory_space<hbm>> -> memref<32768xf32, #tpu.memory_space<hbm>>
    tpu.wait_dma2 semaphore(%arg14 : memref<!tpu.dma_semaphore, #tpu.memory_space<semaphore_mem>>) src(%arg9 : memref<32768xf32, #tpu.memory_space<vmem>>) dst(%dma_wait3A_1028 : memref<32768xf32, #tpu.memory_space<hbm>>)
    %parallel_loop3A_1029 = arith.constant 0 : i32
    %parallel_loop3A_1030 = arith.constant 8192 : i32
    %parallel_loop3A_1031 = arith.constant 16 : i32
    scf.for %parallel_loop3A_1085 = %parallel_loop3A_1029 to %parallel_loop3A_1030 step %parallel_loop3A_1031  : i32 {
      %parallel_loop3A_1086 = arith.index_cast %parallel_loop3A_1085 : i32 to index
      %parallel_loop3A_1087 = tpu.vector_load %arg5[%parallel_loop3A_1086] {strides = array<i32>} : memref<16384xi32, #tpu.memory_space<vmem>>, vector<16xi32>,
      %parallel_loop3A_1088 = arith.constant 65535 : i32
      %parallel_loop3A_1089 = vector.broadcast %parallel_loop3A_1088 : i32 to vector<16xi32>
      %parallel_loop3A_1090 = arith.andi %parallel_loop3A_1087, %parallel_loop3A_1089 : vector<16xi32>
      %parallel_loop3A_1091 = arith.constant 16 : i32
      %parallel_loop3A_1092 = vector.broadcast %parallel_loop3A_1091 : i32 to vector<16xi32>
      %parallel_loop3A_1093 = arith.shrsi %parallel_loop3A_1087, %parallel_loop3A_1092 : vector<16xi32>
      %parallel_loop3A_1094 = tpu.vector_load_idx %arg7[%parallel_loop3A_1090] : memref<16384xf32, #tpu.memory_space<vmem>>[vector<16xi32>], vector<16xf32>,
      %parallel_loop3A_1095 = arith.constant 2 : i32
      %parallel_loop3A_1096 = arith.muli %parallel_loop3A_1095, %parallel_loop3A_1085 : i32
      %parallel_loop3A_1097 = arith.index_cast %parallel_loop3A_1096 : i32 to index
      %parallel_loop3A_1098 = tpu.vector_load %arg9[%parallel_loop3A_1097] {strides = array<i32>} : memref<32768xf32, #tpu.memory_space<vmem>>, vector<16xf32>,
      tpu.vector_store %arg9[%parallel_loop3A_1097], %parallel_loop3A_1094 {strides = array<i32>} : memref<32768xf32, #tpu.memory_space<vmem>>, vector<16xf32>,
      %parallel_loop3A_1099 = tpu.vector_load_idx %arg7[%parallel_loop3A_1093] : memref<16384xf32, #tpu.memory_space<vmem>>[vector<16xi32>], vector<16xf32>,
      %parallel_loop3A_1100 = arith.constant 2 : i32
      %parallel_loop3A_1101 = arith.muli %parallel_loop3A_1100, %parallel_loop3A_1085 : i32
      %parallel_loop3A_1102 = arith.constant 16 : i32
      %parallel_loop3A_1103 = arith.addi %parallel_loop3A_1101, %parallel_loop3A_1102 : i32
      %parallel_loop3A_1104 = arith.index_cast %parallel_loop3A_1103 : i32 to index
      %parallel_loop3A_1105 = tpu.vector_load %arg9[%parallel_loop3A_1104] {strides = array<i32>} : memref<32768xf32, #tpu.memory_space<vmem>>, vector<16xf32>,
      tpu.vector_store %arg9[%parallel_loop3A_1104], %parallel_loop3A_1099 {strides = array<i32>} : memref<32768xf32, #tpu.memory_space<vmem>>, vector<16xf32>,
    } {sc.loop_unroll_factor = 8 : i64, sc.parallel_access}
    %add3A_1032 = arith.constant 31 : i32
    %add3A_1033 = arith.addi %mul3A_2, %add3A_1032 : i32
    %dma_start3A_1034 = arith.constant 0 : i32
    %dma_start3A_1035 = tpu.memref_slice %arg9[%dma_start3A_1034] : memref<32768xf32, #tpu.memory_space<vmem>> -> memref<16384xf32, #tpu.memory_space<vmem>>
    %dma_start3A_1036 = arith.constant 0 : i32
    %dma_start3A_1037 = tpu.memref_slice %arg4[%add3A_1033, %dma_start3A_1036] : memref<1024x32768xf32, #tpu.memory_space<hbm>> -> memref<1x16384xf32, #tpu.memory_space<hbm>>
    %dma_start3A_1038 = tpu.memref_squeeze %dma_start3A_1037 : memref<1x16384xf32, #tpu.memory_space<hbm>> -> memref<16384xf32, #tpu.memory_space<hbm>>
    %dma_start3A_1039 = arith.constant 0 : i32
    %dma_start3A_1040 = tpu.memref_slice %arg4[%add3A_1033, %dma_start3A_1039] : memref<1024x32768xf32, #tpu.memory_space<hbm>> -> memref<1x16384xf32, #tpu.memory_space<hbm>>
    %dma_start3A_1041 = tpu.memref_squeeze %dma_start3A_1040 : memref<1x16384xf32, #tpu.memory_space<hbm>> -> memref<16384xf32, #tpu.memory_space<hbm>>
    %dma_start3A_1042 = arith.constant 0 : i32
    %dma_start3A_1043 = tpu.memref_slice %arg9[%dma_start3A_1042] : memref<32768xf32, #tpu.memory_space<vmem>> -> memref<16384xf32, #tpu.memory_space<vmem>>
    tpu.enqueue_dma source(%dma_start3A_1043 : memref<16384xf32, #tpu.memory_space<vmem>>) target(%dma_start3A_1041 : memref<16384xf32, #tpu.memory_space<hbm>>) target_semaphore(%arg14 : memref<!tpu.dma_semaphore, #tpu.memory_space<semaphore_mem>>)
    %parallel_loop3A_1044 = arith.constant 8192 : i32
    %parallel_loop3A_1045 = arith.constant 16384 : i32
    %parallel_loop3A_1046 = arith.constant 16 : i32
    scf.for %parallel_loop3A_1085 = %parallel_loop3A_1044 to %parallel_loop3A_1045 step %parallel_loop3A_1046  : i32 {
      %parallel_loop3A_1086 = arith.index_cast %parallel_loop3A_1085 : i32 to index
      %parallel_loop3A_1087 = tpu.vector_load %arg5[%parallel_loop3A_1086] {strides = array<i32>} : memref<16384xi32, #tpu.memory_space<vmem>>, vector<16xi32>,
      %parallel_loop3A_1088 = arith.constant 65535 : i32
      %parallel_loop3A_1089 = vector.broadcast %parallel_loop3A_1088 : i32 to vector<16xi32>
      %parallel_loop3A_1090 = arith.andi %parallel_loop3A_1087, %parallel_loop3A_1089 : vector<16xi32>
      %parallel_loop3A_1091 = arith.constant 16 : i32
      %parallel_loop3A_1092 = vector.broadcast %parallel_loop3A_1091 : i32 to vector<16xi32>
      %parallel_loop3A_1093 = arith.shrsi %parallel_loop3A_1087, %parallel_loop3A_1092 : vector<16xi32>
      %parallel_loop3A_1094 = tpu.vector_load_idx %arg7[%parallel_loop3A_1090] : memref<16384xf32, #tpu.memory_space<vmem>>[vector<16xi32>], vector<16xf32>,
      %parallel_loop3A_1095 = arith.constant 2 : i32
      %parallel_loop3A_1096 = arith.muli %parallel_loop3A_1095, %parallel_loop3A_1085 : i32
      %parallel_loop3A_1097 = arith.index_cast %parallel_loop3A_1096 : i32 to index
      %parallel_loop3A_1098 = tpu.vector_load %arg9[%parallel_loop3A_1097] {strides = array<i32>} : memref<32768xf32, #tpu.memory_space<vmem>>, vector<16xf32>,
      tpu.vector_store %arg9[%parallel_loop3A_1097], %parallel_loop3A_1094 {strides = array<i32>} : memref<32768xf32, #tpu.memory_space<vmem>>, vector<16xf32>,
      %parallel_loop3A_1099 = tpu.vector_load_idx %arg7[%parallel_loop3A_1093] : memref<16384xf32, #tpu.memory_space<vmem>>[vector<16xi32>], vector<16xf32>,
      %parallel_loop3A_1100 = arith.constant 2 : i32
      %parallel_loop3A_1101 = arith.muli %parallel_loop3A_1100, %parallel_loop3A_1085 : i32
      %parallel_loop3A_1102 = arith.constant 16 : i32
      %parallel_loop3A_1103 = arith.addi %parallel_loop3A_1101, %parallel_loop3A_1102 : i32
      %parallel_loop3A_1104 = arith.index_cast %parallel_loop3A_1103 : i32 to index
      %parallel_loop3A_1105 = tpu.vector_load %arg9[%parallel_loop3A_1104] {strides = array<i32>} : memref<32768xf32, #tpu.memory_space<vmem>>, vector<16xf32>,
      tpu.vector_store %arg9[%parallel_loop3A_1104], %parallel_loop3A_1099 {strides = array<i32>} : memref<32768xf32, #tpu.memory_space<vmem>>, vector<16xf32>,
    } {sc.loop_unroll_factor = 8 : i64, sc.parallel_access}
    %add3A_1047 = arith.constant 31 : i32
    %add3A_1048 = arith.addi %mul3A_2, %add3A_1047 : i32
    %dma_start3A_1049 = arith.constant 16384 : i32
    %dma_start3A_1050 = tpu.memref_slice %arg9[%dma_start3A_1049] : memref<32768xf32, #tpu.memory_space<vmem>> -> memref<16384xf32, #tpu.memory_space<vmem>>
    %dma_start3A_1051 = arith.constant 16384 : i32
    %dma_start3A_1052 = tpu.memref_slice %arg4[%add3A_1048, %dma_start3A_1051] : memref<1024x32768xf32, #tpu.memory_space<hbm>> -> memref<1x16384xf32, #tpu.memory_space<hbm>>
    %dma_start3A_1053 = tpu.memref_squeeze %dma_start3A_1052 : memref<1x16384xf32, #tpu.memory_space<hbm>> -> memref<16384xf32, #tpu.memory_space<hbm>>
    %dma_start3A_1054 = arith.constant 16384 : i32
    %dma_start3A_1055 = tpu.memref_slice %arg4[%add3A_1048, %dma_start3A_1054] : memref<1024x32768xf32, #tpu.memory_space<hbm>> -> memref<1x16384xf32, #tpu.memory_space<hbm>>
    %dma_start3A_1056 = tpu.memref_squeeze %dma_start3A_1055 : memref<1x16384xf32, #tpu.memory_space<hbm>> -> memref<16384xf32, #tpu.memory_space<hbm>>
    %dma_start3A_1057 = arith.constant 16384 : i32
    %dma_start3A_1058 = tpu.memref_slice %arg9[%dma_start3A_1057] : memref<32768xf32, #tpu.memory_space<vmem>> -> memref<16384xf32, #tpu.memory_space<vmem>>
    tpu.enqueue_dma source(%dma_start3A_1058 : memref<16384xf32, #tpu.memory_space<vmem>>) target(%dma_start3A_1056 : memref<16384xf32, #tpu.memory_space<hbm>>) target_semaphore(%arg14 : memref<!tpu.dma_semaphore, #tpu.memory_space<semaphore_mem>>)
    %dma_wait3A_1059 = arith.constant 0 : i32
    %dma_wait3A_1060 = tpu.memref_slice %arg4[%add3A_1010, %dma_wait3A_1059] : memref<1024x32768xf32, #tpu.memory_space<hbm>> -> memref<1x32768xf32, #tpu.memory_space<hbm>>
    %dma_wait3A_1061 = tpu.memref_squeeze %dma_wait3A_1060 : memref<1x32768xf32, #tpu.memory_space<hbm>> -> memref<32768xf32, #tpu.memory_space<hbm>>
    %dma_wait3A_1062 = arith.constant 0 : i32
    %dma_wait3A_1063 = tpu.memref_slice %arg4[%add3A_1010, %dma_wait3A_1062] : memref<1024x32768xf32, #tpu.memory_space<hbm>> -> memref<1x32768xf32, #tpu.memory_space<hbm>>
    %dma_wait3A_1064 = tpu.memref_squeeze %dma_wait3A_1063 : memref<1x32768xf32, #tpu.memory_space<hbm>> -> memref<32768xf32, #tpu.memory_space<hbm>>
    tpu.wait_dma2 semaphore(%arg13 : memref<!tpu.dma_semaphore, #tpu.memory_space<semaphore_mem>>) src(%arg8 : memref<32768xf32, #tpu.memory_space<vmem>>) dst(%dma_wait3A_1064 : memref<32768xf32, #tpu.memory_space<hbm>>)
    %dma_wait3A_1065 = arith.constant 0 : i32
    %dma_wait3A_1066 = tpu.memref_slice %arg9[%dma_wait3A_1065] : memref<32768xf32, #tpu.memory_space<vmem>> -> memref<16384xf32, #tpu.memory_space<vmem>>
    %dma_wait3A_1067 = arith.constant 0 : i32
    %dma_wait3A_1068 = tpu.memref_slice %arg4[%add3A_1033, %dma_wait3A_1067] : memref<1024x32768xf32, #tpu.memory_space<hbm>> -> memref<1x16384xf32, #tpu.memory_space<hbm>>
    %dma_wait3A_1069 = tpu.memref_squeeze %dma_wait3A_1068 : memref<1x16384xf32, #tpu.memory_space<hbm>> -> memref<16384xf32, #tpu.memory_space<hbm>>
    %dma_wait3A_1070 = arith.constant 0 : i32
    %dma_wait3A_1071 = tpu.memref_slice %arg4[%add3A_1033, %dma_wait3A_1070] : memref<1024x32768xf32, #tpu.memory_space<hbm>> -> memref<1x16384xf32, #tpu.memory_space<hbm>>
    %dma_wait3A_1072 = tpu.memref_squeeze %dma_wait3A_1071 : memref<1x16384xf32, #tpu.memory_space<hbm>> -> memref<16384xf32, #tpu.memory_space<hbm>>
    %dma_wait3A_1073 = arith.constant 0 : i32
    %dma_wait3A_1074 = tpu.memref_slice %arg9[%dma_wait3A_1073] : memref<32768xf32, #tpu.memory_space<vmem>> -> memref<16384xf32, #tpu.memory_space<vmem>>
    tpu.wait_dma2 semaphore(%arg14 : memref<!tpu.dma_semaphore, #tpu.memory_space<semaphore_mem>>) src(%dma_wait3A_1074 : memref<16384xf32, #tpu.memory_space<vmem>>) dst(%dma_wait3A_1072 : memref<16384xf32, #tpu.memory_space<hbm>>)
    %dma_wait3A_1075 = arith.constant 16384 : i32
    %dma_wait3A_1076 = tpu.memref_slice %arg9[%dma_wait3A_1075] : memref<32768xf32, #tpu.memory_space<vmem>> -> memref<16384xf32, #tpu.memory_space<vmem>>
    %dma_wait3A_1077 = arith.constant 16384 : i32
    %dma_wait3A_1078 = tpu.memref_slice %arg4[%add3A_1048, %dma_wait3A_1077] : memref<1024x32768xf32, #tpu.memory_space<hbm>> -> memref<1x16384xf32, #tpu.memory_space<hbm>>
    %dma_wait3A_1079 = tpu.memref_squeeze %dma_wait3A_1078 : memref<1x16384xf32, #tpu.memory_space<hbm>> -> memref<16384xf32, #tpu.memory_space<hbm>>
    %dma_wait3A_1080 = arith.constant 16384 : i32
    %dma_wait3A_1081 = tpu.memref_slice %arg4[%add3A_1048, %dma_wait3A_1080] : memref<1024x32768xf32, #tpu.memory_space<hbm>> -> memref<1x16384xf32, #tpu.memory_space<hbm>>
    %dma_wait3A_1082 = tpu.memref_squeeze %dma_wait3A_1081 : memref<1x16384xf32, #tpu.memory_space<hbm>> -> memref<16384xf32, #tpu.memory_space<hbm>>
    %dma_wait3A_1083 = arith.constant 16384 : i32
    %dma_wait3A_1084 = tpu.memref_slice %arg9[%dma_wait3A_1083] : memref<32768xf32, #tpu.memory_space<vmem>> -> memref<16384xf32, #tpu.memory_space<vmem>>
    tpu.wait_dma2 semaphore(%arg14 : memref<!tpu.dma_semaphore, #tpu.memory_space<semaphore_mem>>) src(%dma_wait3A_1084 : memref<16384xf32, #tpu.memory_space<vmem>>) dst(%dma_wait3A_1082 : memref<16384xf32, #tpu.memory_space<hbm>>)
    return
  }
}

</mosaic_0001>

<sc_bundles>
// kernel: kernel.3.cloned.1.call-start
scs
__scs_entry_jumppad:
0x0: {  	(pc) =	sbr.rel $0x88, $3  }
0x1: {  	(tag) =	ssettag $0x0;
	lr =	simm.s32 $0x1  }
0x2: {  	[smem:$0x3F9F] =	sst lr;
	_ =	strace $0xD0000000  }
0x3: {  	_ = 	snop  }
0x4: {  	_ = 	snop  }
0x5: {  	_ = 	snop  }
0x6: {  	_ = 	snop  }
0x7: {  	_ = 	snop  }
__scs_overlays_trampoline_lowered:
0x8: {  	[smem:$0x3FAE] =	sst s0  }
0x9: {  	[smem:$0x3FAF] =	sst s1  }
0xa: {  	[smem:$0x3FB0] =	sst s2  }
0xb: {  	[smem:$0x3FB1] =	sst s3  }
0xc: {  	[smem:$0x3FB2] =	sst s4  }
0xd: {  	[smem:$0x3FB3] =	sst s5  }
0xe: {  	[smem:$0x3FB4] =	sst s6  }
0xf: {  	[smem:$0x3FB5] =	sst s7  }
0x10: {  	[smem:$0x3FB6] =	sst s8  }
0x11: {  	[smem:$0x3FB7] =	sst s9;
	s0 =	simm.s32 @!p0 $0x0  }
0x12: {  	s1 =	sld [smem:$0x3F9D];
	s0 =	simm.s32 @p0 $0x1  }
0x13: {  	[smem:$0x3FB8] =	sst s0;
	s0 =	simm.s32 @!p1 $0x0  }
0x14: {  	s2 =	sld [smem:$0x3F9C];
	s0 =	simm.s32 @p1 $0x1  }
0x15: {  	[smem:$0x3FB9] =	sst s0;
	s0 =	simm.s32 @!p2 $0x0  }
0x16: {  	s3 =	sld [smem:$0x3FDB];
	s0 =	simm.s32 @p2 $0x1  }
0x17: {  	s4 =	simm.s32 $0x1BF5;
	[smem:$0x3FBB] =	sst s0  }
0x18: {  	s0 =	sld [smem:$0x3F9E];
	_ =	swait.ge [sflag:s4], $0x0  }
0x19: {  	s7 =	sld [smem:$0x3F9F]  }
0x1a: {  	s8 =	sadd.s32 $0xFFFFE003, lr  }
0x1b: {  	s9 =	sadd.s32 $0xFFFFFEF7, lr;
	s5 =	simm.s32 $0xFFFFFFFF;
	p2 =	slt.u32 s8, $0xFFFFF086  }
0x1c: {  	p1 =	slt.u32 s9, $0xF7A;
	s5 =	simm.s32 @!p2 $0x0  }
0x1d: {  	s5 =	simm.s32 @p1 $0x1;
	p0 =	seq.s32 s7, s2  }
0x1e: {  	s7 =	smul.u32 @!p0 $0xF7A, s2;
	p2 =	seq.s32 @!p0 s5, $0x0  }
0x1f: {  	s9 =	smul.u32 $0xF7A, s1;
	s8 =	simm.s32 @!p0 $0x1BF5;
	p2 =	por !p2, p0  }
0x20: {  	[sflag:s8] =	ssyncset.s32 @!p0 $0xFFFFF086;
	s6 =	sadd.s32 @!p0 s3, s7;
	s7 =	simm.s32 @!p0 $0x108  }
0x21: {  	s3 =	sadd.s32 s3, s9;
	s6 =	sadd.s32 @!p0 $0x88, s6;
	s7 =	simm.s32 @p2 $0x1082  }
0x22: {  	[simem:s7], [sflag:s8] =	dma.local @!p0 [hbm:s6], $0xF7A  }
0x23: {  	s9 =	sor.u32 $0xD0000000, s2;
	s6 =	simm.s32 $0x108;
	_ =	swait.ge @!p0 [sflag:s8], $0x0  }
0x24: {  	s3 =	sadd.s32 $0x88, s3;
	s6 =	simm.s32 @!p1 $0x1082;
	[sflag:s4] =	ssyncset.s32 $0xFFFFF086  }
0x25: {  	[simem:s6], [sflag:s4] =	dma.local [hbm:s3], $0xF7A  }
0x26: {  	[smem:$0x3F9F] =	sst s1;
	(tag) =	ssettag s2;
	_ =	strace s9  }
0x27: {  	s1 =	sld [smem:$0x3FAF]  }
0x28: {  	s2 =	sld [smem:$0x3FB0]  }
0x29: {  	s4 =	sld [smem:$0x3FB2]  }
0x2a: {  	p0 =	seq.s32 s5, $0x0;
	s5 =	sld [smem:$0x3FB3]  }
0x2b: {  	s6 =	sld [smem:$0x3FB4]  }
0x2c: {  	s7 =	sld [smem:$0x3FB5]  }
0x2d: {  	s3 =	simm.s32 $0x108;
	s8 =	sld [smem:$0x3FB6]  }
0x2e: {  	s3 =	simm.s32 @!p0 $0x1082;
	s9 =	sld [smem:$0x3FB7]  }
0x2f: {  	lr =	sadd.s32 s0, s3;
	s0 =	sld [smem:$0x3FAE]  }
0x30: {  	s3 =	sld [smem:$0x3FB1]  }
0x31: {  	[smem:$0x3FBA] =	sst s10  }
0x32: {  	s10 =	sld [smem:$0x3FB8];
	_ =	sdelay $0x3  }
0x33: {  	p0 =	seq.s32 s10, $0x1;
	s10 =	sld [smem:$0x3FBA];
	_ =	sdelay $0x3  }
0x34: {  	[smem:$0x3FBA] =	sst s10  }
0x35: {  	s10 =	sld [smem:$0x3FB9];
	_ =	sdelay $0x3  }
0x36: {  	p1 =	seq.s32 s10, $0x1;
	s10 =	sld [smem:$0x3FBA];
	_ =	sdelay $0x3  }
0x37: {  	[smem:$0x3FBA] =	sst s10  }
0x38: {  	s10 =	sld [smem:$0x3FBB]  }
0x39: {  	_ = 	snop;
	(pc) =	sbr.ind lr, $3  }
0x3a: {  	_ = 	snop  }
0x3b: {  	_ = 	snop  }
0x3c: {  	p2 =	seq.s32 s10, $0x1;
	s10 =	sld [smem:$0x3FBA]  }
0x3d: {  	_ =	shalt  }
0x3e: {  	_ =	shalt  }
0x3f: {  	_ =	shalt  }
0x40: {  	_ =	shalt  }
0x41: {  	_ =	shalt  }
0x42: {  	_ =	shalt  }
0x43: {  	_ =	shalt  }
0x44: {  	_ =	shalt  }
0x45: {  	_ =	shalt  }
0x46: {  	_ =	shalt  }
0x47: {  	_ =	shalt  }
0x48: {  	_ =	shalt  }
0x49: {  	_ =	shalt  }
0x4a: {  	_ =	shalt  }
0x4b: {  	_ =	shalt  }
0x4c: {  	_ =	shalt  }
0x4d: {  	_ =	shalt  }
0x4e: {  	_ =	shalt  }
0x4f: {  	_ =	shalt  }
0x50: {  	_ =	shalt  }
0x51: {  	_ =	shalt  }
0x52: {  	_ =	shalt  }
0x53: {  	_ =	shalt  }
0x54: {  	_ =	shalt  }
0x55: {  	_ =	shalt  }
0x56: {  	_ =	shalt  }
0x57: {  	_ =	shalt  }
0x58: {  	_ =	shalt  }
0x59: {  	_ =	shalt  }
0x5a: {  	_ =	shalt  }
0x5b: {  	_ =	shalt  }
0x5c: {  	_ =	shalt  }
0x5d: {  	_ =	shalt  }
0x5e: {  	_ =	shalt  }
0x5f: {  	_ =	shalt  }
0x60: {  	_ =	shalt  }
0x61: {  	_ =	shalt  }
0x62: {  	_ =	shalt  }
0x63: {  	_ =	shalt  }
0x64: {  	_ =	shalt  }
0x65: {  	_ =	shalt  }
0x66: {  	_ =	shalt  }
0x67: {  	_ =	shalt  }
0x68: {  	_ =	shalt  }
0x69: {  	_ =	shalt  }
0x6a: {  	_ =	shalt  }
0x6b: {  	_ =	shalt  }
0x6c: {  	_ =	shalt  }
0x6d: {  	_ =	shalt  }
0x6e: {  	_ =	shalt  }
0x6f: {  	_ =	shalt  }
0x70: {  	_ =	shalt  }
0x71: {  	_ =	shalt  }
0x72: {  	_ =	shalt  }
0x73: {  	_ =	shalt  }
0x74: {  	_ =	shalt  }
0x75: {  	_ =	shalt  }
0x76: {  	_ =	shalt  }
0x77: {  	_ =	shalt  }
0x78: {  	_ =	shalt  }
0x79: {  	_ =	shalt  }
0x7a: {  	_ =	shalt  }
0x7b: {  	_ =	shalt  }
0x7c: {  	_ =	shalt  }
0x7d: {  	_ =	shalt  }
0x7e: {  	_ =	shalt  }
0x7f: {  	_ =	shalt  }
0x80: {  	_ =	shalt  }
0x81: {  	_ =	shalt  }
0x82: {  	_ =	shalt  }
0x83: {  	_ =	shalt  }
0x84: {  	_ =	shalt  }
0x85: {  	_ =	shalt  }
0x86: {  	_ =	shalt  }
0x87: {  	_ =	shalt  }
.Lfunc_end0:
.L_simem_size_0:
called_computation_lowered:
.L_overlay_start_0:
0x88: {  	s2 =	sld [smem:$0x3FD9]  }
0x89: {  	s3 =	sld [smem:$0x3FFE];
	_ =	sdelay $0x1  }
0x8a: {  	s1 =	srdreg.scid  }
0x8b: {  	s0 =	sand.u32 $0x1, s1  }
0x8c: {  	s17 =	sshll.u32 s0, $0xA;
	s2 =	sadd.s32 s3, s2  }
0x8d: {  	s2 =	sadd.s32 s2, s17  }
0x8e: {  	[smem:$0x3FC6] =	sst s2  }
0x8f: {  	_ = 	snop  }
0x90: {  	s2 =	sld [smem:$0x3FC9]  }
0x91: {  	s18 =	sld [smem:$0x3FD0];
	(tm) =	ssettm $0x1  }
0x92: {  	s4 =	sld [smem:$0x3FFB];
	_ =	sdelay $0x3  }
0x93: {  	_ =	strace s4  }
0x94: {  	s4 =	sld [smem:$0x3FFC];
	_ =	sdelay $0x3  }
0x95: {  	_ =	strace s4  }
0x96: {  	s4 =	sld [smem:$0x3FFD];
	_ =	sdelay $0x3  }
0x97: {  	_ =	strace s4  }
0x98: {  	_ =	strace $0x8FFFFFFF  }
0x99: {  	s19 =	sld [smem:$0x3FDB];
	_ =	sdelay $0x1  }
0x9a: {  	s5 =	simm.s32 $_scs_section_size  }
0x9b: {  	s6 =	simm.s32 $_size__tile_overlayer_lowered;
	s7 =	simm.s32 $_tile_overlayer_lowered  }
0x9c: {  	s22 =	simm.s32 $0x1BFF;
	s21 =	sshll.u32 s7, $0x1;
	s4 =	sadd.s32 s5, s19  }
0x9d: {  	s8 =	simm.s32 $0x0;
	s20 =	sshll.u32 s6, $0x1;
	s6 =	sadd.s32 s21, s4  }
0x9e: {  	[timem:s8], [sflag:s22] =	dma.local [hbm:s6], s20  }
0x9f: {  	_ =	swait.ge [sflag:s22], s20  }
0xa0: {  	s5 =	ssub.s32 $0x0, s20;
	[sflag:s22] =	ssyncset.done $0x0  }
0xa1: {  	[sflag:s22] =	ssyncadd.s32 s5;
	_ =	sdelay $0x1  }
0xa2: {  	s23 =	simm.s32 $0x1B8B  }
0xa3: {  	_ =	swait.ge [sflag:s23], $0x1  }
0xa4: {  	[sflag:s23] =	ssyncset.done $0x0  }
0xa5: {  	s25 =	simm.s32 $0x1B8E;
	s24 =	sld [smem:$0x3FFE];
	[sflag:s23] =	ssyncadd.s32 $0xFFFFFFFF  }
0xa6: {  	s26 =	simm.s32 $execute0_lowered;
	[smem:$0x3FD2] =	sst s25  }
0xa7: {  	s6 =	sshll.u32 s26, $0x1;
	_ =	strace $0x80000046;
	[dreg:$0x1] =	wrdreg $0xFFFFFFFF  }
0xa8: {  	s28 =	simm.s32 $_size_execute0_lowered;
	s4 =	sadd.s32 s4, s6;
	[dreg:$0x0] =	wrdreg $0x0  }
0xa9: {  	s6 =	sshll.u32 s28, $0x1;
	[dreg:$0x2] =	wrdreg s4  }
0xaa: {  	[dreg:$0x3] =	wrdreg s6  }
0xab: {  	[dreg:$0x4] =	wrdreg $0xC0  }
0xac: {  	_ =	task [dreg:s8], $0x5FFFF  }
0xad: {  	[dreg:$0x1] =	wrdreg $0xFFFFFFFF  }
0xae: {  	[dreg:$0x0] =	wrdreg $0x60  }
0xaf: {  	[dreg:$0x2] =	wrdreg s2  }
0xb0: {  	[dreg:$0x3] =	wrdreg s24  }
0xb1: {  	[dreg:$0x4] =	wrdreg s18  }
0xb2: {  	[dreg:$0x5] =	wrdreg $0x9  }
0xb3: {  	_ =	task.clear_ibuf [dreg:s8], $0x6FFFF;
	_ =	strace $0x90000046  }
0xb4: {  	s29 =	simm.s32 $0x9;
	_ =	strace $0x80000048  }
0xb5: {  	_ =	swait.ge [sflag:s29], $0x1  }
0xb6: {  	[sflag:s29] =	ssyncadd.s32 $0xFFFFFFFF  }
0xb7: {  	_ =	strace $0x90000048  }
0xb8: {  	_ =	sfence  }
0xb9: {  	s30 =	sld [smem:$0x0];
	_ =	sdelay $0x2  }
0xba: {  	s31 =	sshll.u32 s1, $0xD;
	s1 =	sshrl.u32 s1, $0x2  }
0xbb: {  	s3 =	sand.u32 $0x4000, s31;
	s1 =	sadd.s32 s1, s30  }
0xbc: {  	s0 =	sor.u32 s3, s0;
	s1 =	sshll.u32 s1, $0x11  }
0xbd: {  	s0 =	sor.u32 s1, s0  }
0xbe: {  	s0 =	sadd.s32 $0x8F2B, s0  }
0xbf: {  	[sflag:s0] =	ssyncadd.remote.s32 $0x1  }
0xc0: {  	_ =	sfence.sel $0xFFFF  }
0xc1: {  	[dreg:$0x0] =	wrdreg $0xFFFFFFFF;
	(pc) =	sbr.abs _section_cstart, $3  }
0xc2: {  	[dreg:$0x1] =	wrdreg $0xFFFFFFFF  }
0xc3: {  	_ =	task.clear_ibuf [dreg:s8], $0x2FFFF;
	_ =	strace $0x9FFFFFFF  }
0xc4: {  	(tm) =	ssettm $0x7FFFFFFF  }
0xc5: {  	_ =	shalt  }
tec
execute0_lowered:
.L_overlay_start_1:
0x0: {  	(tag) =	ssettag $0x1  }
0x1: {  	s0 =	srdreg.scid;
	s1 =	rddreg [dreg:$0x0]  }
0x2: {  	s3 =	stileid.u32;
	s5 =	simm.s32 $0x0;
	s0 =	sand.u32 $0x1, s0  }
0x3: {  	s3 =	sshll.u32 s3, $0x6;
	s2 =	ssub.s32 $0x2, s0;
	s0 =	sshll.u32 s0, $0x5  }
0x4: {  	[smem:$0x7FF] =	sst s5;
	s5 =	sadd.s32 $0x20, s1;
	s0 =	sor.u32 s0, s3  }
0x5: {  	s8 =	sadd.s32 $0x50, s1;
	s10 =	sadd.s32 $0x60, s1;
	s20 =	sshll.u32 s0, $0xB  }
0x6: {  	s11 =	sadd.s32 $0x70, s1;
	s3 =	sadd.s32 $0x10, s1;
	s21 =	sadd.s32 s1, s20  }
0x7: {  	s4 =	sshrl.u32 s2, $0x1;
	s6 =	sadd.s32 s20, s3;
	[dreg:$0x4] =	wrdreg s21  }
0x8: {  	s4 =	ssub.s32 s2, s4;
	s22 =	sadd.s32 s20, s5;
	[dreg:$0x5] =	wrdreg s6  }
0x9: {  	s24 =	sshrl.u32 s0, $0x3;
	s23 =	sadd.s32 s20, s8;
	[dreg:$0x6] =	wrdreg s22  }
0xa: {  	s12 =	sor.u32 $0x1, s24;
	s13 =	sadd.s32 s20, s10;
	[dreg:$0x9] =	wrdreg s23  }
0xb: {  	s2 =	sadd.s32 s20, s11;
	s6 =	sadd.s32 $0x30, s1;
	[dreg:$0xa] =	wrdreg s13  }
0xc: {  	[dreg:$0xb] =	wrdreg s2;
	s25 =	sshll.u32 s12, $0xE;
	s7 =	sadd.s32 s20, s6  }
0xd: {  	s26 =	sadd.s32 s1, s25;
	[dreg:$0x7] =	wrdreg s7  }
0xe: {  	s14 =	sadd.s32 s25, s3;
	[dreg:$0xc] =	wrdreg s26  }
0xf: {  	s15 =	sadd.s32 s25, s5;
	[dreg:$0xd] =	wrdreg s14  }
0x10: {  	s16 =	sadd.s32 s25, s6;
	[dreg:$0xe] =	wrdreg s15  }
0x11: {  	s18 =	sadd.s32 s25, s10;
	[dreg:$0xf] =	wrdreg s16  }
0x12: {  	s13 =	sor.u32 $0x2, s24;
	s2 =	sadd.s32 s25, s11;
	[dreg:$0x12] =	wrdreg s18  }
0x13: {  	s19 =	sshll.u32 s13, $0xE;
	s14 =	sadd.s32 s25, s8;
	[dreg:$0x13] =	wrdreg s2  }
0x14: {  	s21 =	sadd.s32 s19, s3;
	[dreg:$0x11] =	wrdreg s14  }
0x15: {  	s22 =	sadd.s32 s19, s5;
	[dreg:$0x15] =	wrdreg s21  }
0x16: {  	s23 =	sadd.s32 s19, s6;
	[dreg:$0x16] =	wrdreg s22  }
0x17: {  	s7 =	sadd.s32 $0x40, s1;
	s15 =	sadd.s32 s19, s10;
	[dreg:$0x17] =	wrdreg s23  }
0x18: {  	s9 =	sadd.s32 s20, s7;
	[dreg:$0x1a] =	wrdreg s15  }
0x19: {  	s17 =	sadd.s32 s25, s7;
	[dreg:$0x8] =	wrdreg s9  }
0x1a: {  	s20 =	sadd.s32 s1, s19;
	[dreg:$0x10] =	wrdreg s17  }
0x1b: {  	s2 =	sor.u32 $0x3, s24;
	s24 =	sadd.s32 s19, s7;
	[dreg:$0x14] =	wrdreg s20  }
0x1c: {  	s25 =	sadd.s32 s19, s8;
	[dreg:$0x18] =	wrdreg s24  }
0x1d: {  	s26 =	sshll.u32 s2, $0xE;
	s14 =	sadd.s32 s19, s11;
	[dreg:$0x19] =	wrdreg s25  }
0x1e: {  	[dreg:$0x1b] =	wrdreg s14;
	s1 =	sadd.s32 s1, s26  }
0x1f: {  	s3 =	sadd.s32 s26, s3;
	[dreg:$0x1c] =	wrdreg s1  }
0x20: {  	s14 =	sadd.s32 s26, s5;
	[dreg:$0x1d] =	wrdreg s3  }
0x21: {  	s15 =	sadd.s32 s26, s6;
	[dreg:$0x1e] =	wrdreg s14  }
0x22: {  	s16 =	sadd.s32 s26, s7;
	[dreg:$0x1f] =	wrdreg s15  }
0x23: {  	s17 =	sadd.s32 s26, s8;
	[smem:$0x7E8] =	sst s16  }
0x24: {  	s18 =	sadd.s32 s26, s10;
	[smem:$0x7E9] =	sst s17  }
0x25: {  	s0 =	sshll.u32 s0, $0xC;
	[smem:$0x7EA] =	sst s18  }
0x26: {  	s19 =	sadd.s32 s26, s11;
	s20 =	sshll.u32 s12, $0xF;
	s1 =	rddreg [dreg:$0x2]  }
0x27: {  	[smem:$0x7EB] =	sst s19;
	s21 =	sadd.s32 s1, s0;
	s5 =	sadd.s32 $0x10, s1  }
0x28: {  	s6 =	sadd.s32 $0x20, s1;
	[smem:$0x7EC] =	sst s21;
	s22 =	sadd.s32 s0, s5  }
0x29: {  	s7 =	sadd.s32 $0x30, s1;
	s23 =	sadd.s32 s0, s6;
	[smem:$0x7ED] =	sst s22  }
0x2a: {  	s8 =	sadd.s32 $0x40, s1;
	s24 =	sadd.s32 s0, s7;
	[smem:$0x7EE] =	sst s23  }
0x2b: {  	s9 =	sadd.s32 $0x50, s1;
	s25 =	sadd.s32 s0, s8;
	[smem:$0x7EF] =	sst s24  }
0x2c: {  	s10 =	sadd.s32 $0x60, s1;
	s26 =	sadd.s32 s0, s9;
	[smem:$0x7F0] =	sst s25  }
0x2d: {  	s11 =	sadd.s32 $0x70, s1;
	s12 =	sadd.s32 s0, s10;
	[smem:$0x7F1] =	sst s26  }
0x2e: {  	s0 =	sadd.s32 s0, s11;
	[smem:$0x7F2] =	sst s12  }
0x2f: {  	s14 =	sadd.s32 s20, s5;
	[smem:$0x7F3] =	sst s0  }
0x30: {  	s15 =	sadd.s32 s20, s6;
	[smem:$0x7F5] =	sst s14  }
0x31: {  	s16 =	sadd.s32 s20, s7;
	[smem:$0x7F6] =	sst s15  }
0x32: {  	s17 =	sadd.s32 s20, s8;
	[smem:$0x7F7] =	sst s16  }
0x33: {  	s18 =	sadd.s32 s20, s9;
	[smem:$0x7F8] =	sst s17  }
0x34: {  	s4 =	smax.u32 s4, $0x1;
	s19 =	sadd.s32 s20, s10;
	[smem:$0x7F9] =	sst s18  }
0x35: {  	s13 =	sshll.u32 s13, $0xF;
	s3 =	sadd.s32 s20, s11;
	[smem:$0x7FA] =	sst s19  }
0x36: {  	s21 =	sadd.s32 s13, s6;
	s12 =	sadd.s32 s1, s20;
	[smem:$0x7FB] =	sst s3  }
0x37: {  	s20 =	sshll.u32 s2, $0xF;
	s25 =	sadd.s32 s1, s13;
	s26 =	sadd.s32 s13, s5  }
0x38: {  	s22 =	sadd.s32 s13, s7;
	s23 =	sadd.s32 s13, s8;
	s24 =	sadd.s32 s13, s9  }
0x39: {  	s14 =	simm.s32 $0x14000;
	s15 =	simm.s32 $0x4;
	[smem:$0x7F4] =	sst s12  }
0x3a: {  	s16 =	simm.s32 $0x5;
	s17 =	simm.s32 $0x0;
	[smem:$0x7FC] =	sst s25  }
0x3b: {  	[smem:$0x7FD] =	sst s26;
	s25 =	sadd.s32 s13, s10;
	s26 =	sadd.s32 s13, s11  }
0x3c: {  	s28 =	sadd.s32 s1, s20;
	s29 =	sadd.s32 s20, s5;
	s30 =	sadd.s32 s20, s6  }
0x3d: {  	s31 =	sadd.s32 s20, s7;
	s0 =	sadd.s32 s20, s8;
	s1 =	sadd.s32 s20, s9  }
0x3e: {  	s2 =	sadd.s32 s20, s10;
	s3 =	sadd.s32 s20, s11;
	s6 =	simm.s32 $0x80  }
0x3f: {  	s7 =	simm.s32 $0x400;
	s8 =	simm.s32 $0x4000;
	s9 =	simm.s32 $0x1  }
0x40: {  	s10 =	simm.s32 $0x8000;
	s11 =	simm.s32 $0x2;
	s12 =	simm.s32 $0xC000  }
0x41: {  	s13 =	simm.s32 $0x3;
	_ =	strace $0x80000047;
	s5 =	sadd.s32 $0x4070, s28  }
.LBB2_1:
0x42: {  	s18 =	simm.s32 $0x0;
	s19 =	rddreg [dreg:$0x1]  }
0x43: {  	[tilespmem:s18], [sflag:$0x1] =	stream.linear.gather [hbm4b:s19+s18], $0x4000, $0x38;
	[tilespmem:$0x1C000] =	vst v63  }
0x44: {  	s20 =	rddreg [dreg:$0x4]  }
0x45: {  	[tilespmem:s8], [sflag:$0x2] =	stream.strided.gather [hbm4b:s20+s6], $0x4000, s7, s6, $0x38;
	[tilespmem:$0x1C000] =	vst v63  }
0x46: {  	_ =	swait.ge [sflag:s9], $0x4000  }
0x47: {  	[sflag:s9] =	ssyncset.done $0x0  }
0x48: {  	s19 =	rddreg [dreg:$0x5];
	[sflag:s9] =	ssyncadd.s32 $0xFFFFC000  }
0x49: {  	[tilespmem:s10], [sflag:$0x3] =	stream.strided.gather [hbm4b:s19+s6], $0x4000, s7, s6, $0x38;
	[tilespmem:$0x1C000] =	vst v63  }
0x4a: {  	_ =	swait.ge [sflag:s11], $0x4000  }
0x4b: {  	[sflag:s11] =	ssyncset.done $0x0  }
0x4c: {  	s20 =	simm.s32 $0x40;
	[sflag:s11] =	ssyncadd.s32 $0xFFFFC000  }
0x4d: {  	v0 =	vld [tilespmem:s20+$0x30]  }
0x4e: {  	v1 =	vld [tilespmem:s20+$0xFFFFFFD0]  }
0x4f: {  	v2 =	vld [tilespmem:s20+$0xFFFFFFE0]  }
0x50: {  	v3 =	vld [tilespmem:s20+$0xFFFFFFF0]  }
0x51: {  	v4 =	vld [tilespmem:s20+$0x0]  }
0x52: {  	v5 =	vld [tilespmem:s20+$0x10];
	v6 =	vand.u32 $0xFFFF, v0  }
0x53: {  	v8 =	vld [tilespmem:s20+$0x20];
	v7 =	vand.u32 $0xFFFF, v1  }
0x54: {  	v10 =	vld [tilespmem:s20+$0xFFFFFFC0];
	v9 =	vand.u32 $0xFFFF, v2  }
0x55: {  	v11 =	vand.u32 $0xFFFF, v3  }
0x56: {  	v12 =	vand.u32 $0xFFFF, v4  }
0x57: {  	v13 =	vand.u32 $0xFFFF, v5;
	v6 =	vld.idx.msk [tilespmem:v6+s8+$0x0], $0xffff  }
0x58: {  	v14 =	vand.u32 $0xFFFF, v8;
	v7 =	vld.idx.msk [tilespmem:v7+s8+$0x0], $0xffff  }
0x59: {  	v15 =	vand.u32 $0xFFFF, v10;
	v9 =	vld.idx.msk [tilespmem:v9+s8+$0x0], $0xffff  }
0x5a: {  	v0 =	vshra.s32 v0, $0x10;
	v11 =	vld.idx.msk [tilespmem:v11+s8+$0x0], $0xffff  }
0x5b: {  	v1 =	vshra.s32 v1, $0x10;
	v12 =	vld.idx.msk [tilespmem:v12+s8+$0x0], $0xffff  }
0x5c: {  	s18 =	simm.s32 $0xC080;
	v16 =	vshra.s32 v2, $0x10;
	v13 =	vld.idx.msk [tilespmem:v13+s8+$0x0], $0xffff  }
0x5d: {  	v17 =	vshra.s32 v3, $0x10;
	v14 =	vld.idx.msk [tilespmem:v14+s8+$0x0], $0xffff;
	[tilespmem:s18+$0x60] =	vst v6  }
0x5e: {  	v2 =	vld.idx.msk [tilespmem:v15+s8+$0x0], $0xffff;
	v6 =	vshra.s32 v4, $0x10;
	[tilespmem:s18+$0xFFFFFFA0] =	vst v7  }
0x5f: {  	v7 =	vshra.s32 v5, $0x10;
	[tilespmem:s18+$0xFFFFFFC0] =	vst v9;
	v18 =	vld.idx.msk [tilespmem:v0+s8+$0x0], $0xffff  }
0x60: {  	[tilespmem:s18+$0xFFFFFFE0] =	vst v11;
	v3 =	vld.idx.msk [tilespmem:v1+s8+$0x0], $0xffff  }
0x61: {  	[tilespmem:s18+$0x0] =	vst v12;
	v4 =	vld.idx.msk [tilespmem:v16+s8+$0x0], $0xffff  }
0x62: {  	[tilespmem:s18+$0x20] =	vst v13;
	v5 =	vld.idx.msk [tilespmem:v17+s8+$0x0], $0xffff  }
0x63: {  	[tilespmem:s18+$0x40] =	vst v14;
	v6 =	vld.idx.msk [tilespmem:v6+s8+$0x0], $0xffff  }
0x64: {  	s19 =	simm.s32 $0x0;
	s20 =	simm.s32 $0xC0;
	v0 =	vshra.s32 v8, $0x10;
	v1 =	vshra.s32 v10, $0x10;
	v7 =	vld.idx.msk [tilespmem:v7+s8+$0x0], $0xffff;
	[tilespmem:s18+$0x70] =	vst v18  }
.LBB2_2:
0x65: {  	v8 =	vld [tilespmem:s20+$0x30];
	s19 =	sadd.s32 $0x80, s19;
	[tilespmem:s18+$0xFFFFFF80] =	vst v2  }
0x66: {  	v2 =	vld [tilespmem:s20+$0xFFFFFFD0];
	p0 =	slt.u32 s19, $0x3F80;
	[tilespmem:s18+$0xFFFFFFB0] =	vst v3  }
0x67: {  	v3 =	vld [tilespmem:s20+$0xFFFFFFE0];
	[tilespmem:s18+$0xFFFFFFD0] =	vst v4  }
0x68: {  	v4 =	vld [tilespmem:s20+$0xFFFFFFF0];
	[tilespmem:s18+$0xFFFFFFF0] =	vst v5  }
0x69: {  	v5 =	vld [tilespmem:s20+$0x0];
	[tilespmem:s18+$0x10] =	vst v6  }
0x6a: {  	v6 =	vld [tilespmem:s20+$0x10];
	v9 =	vand.u32 $0xFFFF, v8;
	[tilespmem:s18+$0x30] =	vst v7  }
0x6b: {  	v7 =	vshra.s32 v2, $0x10;
	v2 =	vand.u32 $0xFFFF, v2;
	v10 =	vld [tilespmem:s20+$0x20]  }
0x6c: {  	v11 =	vld [tilespmem:s20+$0xFFFFFFC0];
	v12 =	vshra.s32 v3, $0x10;
	v3 =	vand.u32 $0xFFFF, v3  }
0x6d: {  	v13 =	vshra.s32 v4, $0x10;
	v4 =	vand.u32 $0xFFFF, v4;
	v14 =	vld.idx.msk [tilespmem:v1+s8+$0x0], $0xffff  }
0x6e: {  	v15 =	vshra.s32 v5, $0x10;
	v5 =	vand.u32 $0xFFFF, v5;
	v16 =	vld.idx.msk [tilespmem:v0+s8+$0x0], $0xffff  }
0x6f: {  	v17 =	vshra.s32 v6, $0x10;
	v6 =	vand.u32 $0xFFFF, v6;
	v9 =	vld.idx.msk [tilespmem:v9+s8+$0x0], $0xffff  }
0x70: {  	v2 =	vld.idx.msk [tilespmem:v2+s8+$0x0], $0xffff;
	v0 =	vshra.s32 v10, $0x10;
	v10 =	vand.u32 $0xFFFF, v10  }
0x71: {  	v8 =	vshra.s32 v8, $0x10;
	v1 =	vshra.s32 v11, $0x10;
	v11 =	vand.u32 $0xFFFF, v11;
	v3 =	vld.idx.msk [tilespmem:v3+s8+$0x0], $0xffff  }
0x72: {  	v4 =	vld.idx.msk [tilespmem:v4+s8+$0x0], $0xffff  }
0x73: {  	v5 =	vld.idx.msk [tilespmem:v5+s8+$0x0], $0xffff;
	[tilespmem:s18+$0xFFFFFF90] =	vst v14  }
0x74: {  	v6 =	vld.idx.msk [tilespmem:v6+s8+$0x0], $0xffff;
	[tilespmem:s18+$0x50] =	vst v16;
	s18 =	sadd.s32 $0x100, s18  }
0x75: {  	v10 =	vld.idx.msk [tilespmem:v10+s8+$0x0], $0xffff;
	[tilespmem:s18+$0x60] =	vst v9  }
0x76: {  	[tilespmem:s18+$0xFFFFFFA0] =	vst v2;
	v8 =	vld.idx.msk [tilespmem:v8+s8+$0x0], $0xffff  }
0x77: {  	v2 =	vld.idx.msk [tilespmem:v11+s8+$0x0], $0xffff;
	[tilespmem:s18+$0xFFFFFFC0] =	vst v3  }
.Ltmp0:
0x78: {  	v3 =	vld.idx.msk [tilespmem:v7+s8+$0x0], $0xffff;
	[tilespmem:s18+$0xFFFFFFE0] =	vst v4;
	(pc) =	sbr.rel @p0 .LBB2_2-.Ltmp0, $4  }
0x79: {  	v4 =	vld.idx.msk [tilespmem:v12+s8+$0x0], $0xffff;
	[tilespmem:s18+$0x0] =	vst v5  }
0x7a: {  	v5 =	vld.idx.msk [tilespmem:v13+s8+$0x0], $0xffff;
	[tilespmem:s18+$0x20] =	vst v6  }
0x7b: {  	v6 =	vld.idx.msk [tilespmem:v15+s8+$0x0], $0xffff;
	[tilespmem:s18+$0x40] =	vst v10  }
0x7c: {  	s20 =	sadd.s32 $0x80, s20;
	v7 =	vld.idx.msk [tilespmem:v17+s8+$0x0], $0xffff;
	[tilespmem:s18+$0x70] =	vst v8  }
0x7d: {  	_ =	sdelay $0x2  }
0x7e: {  	[tilespmem:s18+$0xFFFFFF80] =	vst v2  }
0x7f: {  	[tilespmem:s18+$0xFFFFFFB0] =	vst v3;
	v0 =	vld.idx.msk [tilespmem:v0+s8+$0x0], $0xffff  }
0x80: {  	v1 =	vld.idx.msk [tilespmem:v1+s8+$0x0], $0xffff;
	[tilespmem:s18+$0xFFFFFFD0] =	vst v4  }
0x81: {  	[tilespmem:s18+$0xFFFFFFF0] =	vst v5  }
0x82: {  	[tilespmem:s18+$0x10] =	vst v6  }
0x83: {  	[tilespmem:s18+$0x30] =	vst v7  }
0x84: {  	[tilespmem:s18+$0x50] =	vst v0  }
0x85: {  	[tilespmem:s18+$0xFFFFFF90] =	vst v1  }
0x86: {  	s18 =	sld [smem:$0x7EC];
	_ =	sdelay $0x2  }
0x87: {  	[hbm4b:s18+s6] =	stream.strided.scatter [tilespmem:s12], [sflag:$0x4], $0x8000, s7, s6, $0x38;
	[tilespmem:$0x1C000] =	vst v63  }
0x88: {  	s19 =	rddreg [dreg:$0x6]  }
0x89: {  	[tilespmem:s8], [sflag:$0x2] =	stream.strided.gather [hbm4b:s19+s6], $0x4000, s7, s6, $0x38;
	[tilespmem:$0x1C000] =	vst v63  }
0x8a: {  	_ =	swait.ge [sflag:s13], $0x4000  }
0x8b: {  	[sflag:s13] =	ssyncset.done $0x0  }
0x8c: {  	s20 =	simm.s32 $0x40;
	[sflag:s13] =	ssyncadd.s32 $0xFFFFC000  }
0x8d: {  	v0 =	vld [tilespmem:s20+$0x30]  }
0x8e: {  	v1 =	vld [tilespmem:s20+$0xFFFFFFD0]  }
0x8f: {  	v2 =	vld [tilespmem:s20+$0xFFFFFFE0]  }
0x90: {  	v3 =	vld [tilespmem:s20+$0xFFFFFFF0]  }
0x91: {  	v4 =	vld [tilespmem:s20+$0x0]  }
0x92: {  	v5 =	vld [tilespmem:s20+$0x10];
	v6 =	vand.u32 $0xFFFF, v0  }
0x93: {  	v8 =	vld [tilespmem:s20+$0x20];
	v7 =	vand.u32 $0xFFFF, v1  }
0x94: {  	v10 =	vld [tilespmem:s20+$0xFFFFFFC0];
	v9 =	vand.u32 $0xFFFF, v2  }
0x95: {  	v11 =	vand.u32 $0xFFFF, v3  }
0x96: {  	v12 =	vand.u32 $0xFFFF, v4  }
0x97: {  	v13 =	vand.u32 $0xFFFF, v5;
	v6 =	vld.idx.msk [tilespmem:v6+s10+$0x0], $0xffff  }
0x98: {  	v14 =	vand.u32 $0xFFFF, v8;
	v7 =	vld.idx.msk [tilespmem:v7+s10+$0x0], $0xffff  }
0x99: {  	v15 =	vand.u32 $0xFFFF, v10;
	v9 =	vld.idx.msk [tilespmem:v9+s10+$0x0], $0xffff  }
0x9a: {  	v0 =	vshra.s32 v0, $0x10;
	v11 =	vld.idx.msk [tilespmem:v11+s10+$0x0], $0xffff  }
0x9b: {  	v1 =	vshra.s32 v1, $0x10;
	v12 =	vld.idx.msk [tilespmem:v12+s10+$0x0], $0xffff  }
0x9c: {  	s18 =	simm.s32 $0x14080;
	v16 =	vshra.s32 v2, $0x10;
	v13 =	vld.idx.msk [tilespmem:v13+s10+$0x0], $0xffff  }
0x9d: {  	v17 =	vshra.s32 v3, $0x10;
	v14 =	vld.idx.msk [tilespmem:v14+s10+$0x0], $0xffff;
	[tilespmem:s18+$0x60] =	vst v6  }
0x9e: {  	v2 =	vld.idx.msk [tilespmem:v15+s10+$0x0], $0xffff;
	v6 =	vshra.s32 v4, $0x10;
	[tilespmem:s18+$0xFFFFFFA0] =	vst v7  }
0x9f: {  	v7 =	vshra.s32 v5, $0x10;
	[tilespmem:s18+$0xFFFFFFC0] =	vst v9;
	v18 =	vld.idx.msk [tilespmem:v0+s10+$0x0], $0xffff  }
0xa0: {  	[tilespmem:s18+$0xFFFFFFE0] =	vst v11;
	v3 =	vld.idx.msk [tilespmem:v1+s10+$0x0], $0xffff  }
0xa1: {  	[tilespmem:s18+$0x0] =	vst v12;
	v4 =	vld.idx.msk [tilespmem:v16+s10+$0x0], $0xffff  }
0xa2: {  	[tilespmem:s18+$0x20] =	vst v13;
	v5 =	vld.idx.msk [tilespmem:v17+s10+$0x0], $0xffff  }
0xa3: {  	[tilespmem:s18+$0x40] =	vst v14;
	v6 =	vld.idx.msk [tilespmem:v6+s10+$0x0], $0xffff  }
0xa4: {  	s19 =	simm.s32 $0x0;
	s20 =	simm.s32 $0xC0;
	v0 =	vshra.s32 v8, $0x10;
	v1 =	vshra.s32 v10, $0x10;
	v7 =	vld.idx.msk [tilespmem:v7+s10+$0x0], $0xffff;
	[tilespmem:s18+$0x70] =	vst v18  }
.LBB2_4:
0xa5: {  	v8 =	vld [tilespmem:s20+$0x30];
	s19 =	sadd.s32 $0x80, s19;
	[tilespmem:s18+$0xFFFFFF80] =	vst v2  }
0xa6: {  	v2 =	vld [tilespmem:s20+$0xFFFFFFD0];
	p0 =	slt.u32 s19, $0x3F80;
	[tilespmem:s18+$0xFFFFFFB0] =	vst v3  }
0xa7: {  	v3 =	vld [tilespmem:s20+$0xFFFFFFE0];
	[tilespmem:s18+$0xFFFFFFD0] =	vst v4  }
0xa8: {  	v4 =	vld [tilespmem:s20+$0xFFFFFFF0];
	[tilespmem:s18+$0xFFFFFFF0] =	vst v5  }
0xa9: {  	v5 =	vld [tilespmem:s20+$0x0];
	[tilespmem:s18+$0x10] =	vst v6  }
0xaa: {  	v6 =	vld [tilespmem:s20+$0x10];
	v9 =	vand.u32 $0xFFFF, v8;
	[tilespmem:s18+$0x30] =	vst v7  }
0xab: {  	v7 =	vshra.s32 v2, $0x10;
	v2 =	vand.u32 $0xFFFF, v2;
	v10 =	vld [tilespmem:s20+$0x20]  }
0xac: {  	v11 =	vld [tilespmem:s20+$0xFFFFFFC0];
	v12 =	vshra.s32 v3, $0x10;
	v3 =	vand.u32 $0xFFFF, v3  }
0xad: {  	v13 =	vshra.s32 v4, $0x10;
	v4 =	vand.u32 $0xFFFF, v4;
	v14 =	vld.idx.msk [tilespmem:v1+s10+$0x0], $0xffff  }
0xae: {  	v15 =	vshra.s32 v5, $0x10;
	v5 =	vand.u32 $0xFFFF, v5;
	v16 =	vld.idx.msk [tilespmem:v0+s10+$0x0], $0xffff  }
0xaf: {  	v17 =	vshra.s32 v6, $0x10;
	v6 =	vand.u32 $0xFFFF, v6;
	v9 =	vld.idx.msk [tilespmem:v9+s10+$0x0], $0xffff  }
0xb0: {  	v2 =	vld.idx.msk [tilespmem:v2+s10+$0x0], $0xffff;
	v0 =	vshra.s32 v10, $0x10;
	v10 =	vand.u32 $0xFFFF, v10  }
0xb1: {  	v8 =	vshra.s32 v8, $0x10;
	v1 =	vshra.s32 v11, $0x10;
	v11 =	vand.u32 $0xFFFF, v11;
	v3 =	vld.idx.msk [tilespmem:v3+s10+$0x0], $0xffff  }
0xb2: {  	v4 =	vld.idx.msk [tilespmem:v4+s10+$0x0], $0xffff  }
0xb3: {  	v5 =	vld.idx.msk [tilespmem:v5+s10+$0x0], $0xffff;
	[tilespmem:s18+$0xFFFFFF90] =	vst v14  }
0xb4: {  	v6 =	vld.idx.msk [tilespmem:v6+s10+$0x0], $0xffff;
	[tilespmem:s18+$0x50] =	vst v16;
	s18 =	sadd.s32 $0x100, s18  }
0xb5: {  	v10 =	vld.idx.msk [tilespmem:v10+s10+$0x0], $0xffff;
	[tilespmem:s18+$0x60] =	vst v9  }
0xb6: {  	[tilespmem:s18+$0xFFFFFFA0] =	vst v2;
	v8 =	vld.idx.msk [tilespmem:v8+s10+$0x0], $0xffff  }
0xb7: {  	v2 =	vld.idx.msk [tilespmem:v11+s10+$0x0], $0xffff;
	[tilespmem:s18+$0xFFFFFFC0] =	vst v3  }
.Ltmp1:
0xb8: {  	v3 =	vld.idx.msk [tilespmem:v7+s10+$0x0], $0xffff;
	[tilespmem:s18+$0xFFFFFFE0] =	vst v4;
	(pc) =	sbr.rel @p0 .LBB2_4-.Ltmp1, $4  }
0xb9: {  	v4 =	vld.idx.msk [tilespmem:v12+s10+$0x0], $0xffff;
	[tilespmem:s18+$0x0] =	vst v5  }
0xba: {  	v5 =	vld.idx.msk [tilespmem:v13+s10+$0x0], $0xffff;
	[tilespmem:s18+$0x20] =	vst v6  }
0xbb: {  	v6 =	vld.idx.msk [tilespmem:v15+s10+$0x0], $0xffff;
	[tilespmem:s18+$0x40] =	vst v10  }
0xbc: {  	s20 =	sadd.s32 $0x80, s20;
	v7 =	vld.idx.msk [tilespmem:v17+s10+$0x0], $0xffff;
	[tilespmem:s18+$0x70] =	vst v8  }
0xbd: {  	_ =	sdelay $0x2  }
0xbe: {  	[tilespmem:s18+$0xFFFFFF80] =	vst v2  }
0xbf: {  	[tilespmem:s18+$0xFFFFFFB0] =	vst v3;
	v0 =	vld.idx.msk [tilespmem:v0+s10+$0x0], $0xffff  }
0xc0: {  	v1 =	vld.idx.msk [tilespmem:v1+s10+$0x0], $0xffff;
	[tilespmem:s18+$0xFFFFFFD0] =	vst v4  }
0xc1: {  	[tilespmem:s18+$0xFFFFFFF0] =	vst v5  }
0xc2: {  	[tilespmem:s18+$0x10] =	vst v6  }
0xc3: {  	[tilespmem:s18+$0x30] =	vst v7  }
0xc4: {  	[tilespmem:s18+$0x50] =	vst v0  }
0xc5: {  	[tilespmem:s18+$0xFFFFFF90] =	vst v1  }
0xc6: {  	s18 =	sld [smem:$0x7ED];
	_ =	sdelay $0x2  }
0xc7: {  	[hbm4b:s18+s6] =	stream.strided.scatter [tilespmem:s14], [sflag:$0x5], $0x8000, s7, s6, $0x38;
	[tilespmem:$0x1C000] =	vst v63  }
0xc8: {  	s19 =	rddreg [dreg:$0x7]  }
0xc9: {  	[tilespmem:s10], [sflag:$0x3] =	stream.strided.gather [hbm4b:s19+s6], $0x4000, s7, s6, $0x38;
	[tilespmem:$0x1C000] =	vst v63  }
0xca: {  	_ =	swait.ge [sflag:s11], $0x4000  }
0xcb: {  	[sflag:s11] =	ssyncset.done $0x0  }
0xcc: {  	[sflag:s11] =	ssyncadd.s32 $0xFFFFC000  }
0xcd: {  	_ =	swait.ge [sflag:s15], $0x8000  }
0xce: {  	[sflag:s15] =	ssyncset.done $0x0  }
0xcf: {  	s20 =	simm.s32 $0x40;
	[sflag:s15] =	ssyncadd.s32 $0xFFFF8000  }
0xd0: {  	v0 =	vld [tilespmem:s20+$0x30]  }
0xd1: {  	v1 =	vld [tilespmem:s20+$0xFFFFFFD0]  }
0xd2: {  	v2 =	vld [tilespmem:s20+$0xFFFFFFE0]  }
0xd3: {  	v3 =	vld [tilespmem:s20+$0xFFFFFFF0]  }
0xd4: {  	v4 =	vld [tilespmem:s20+$0x0]  }
0xd5: {  	v5 =	vld [tilespmem:s20+$0x10];
	v6 =	vand.u32 $0xFFFF, v0  }
0xd6: {  	v8 =	vld [tilespmem:s20+$0x20];
	v7 =	vand.u32 $0xFFFF, v1  }
0xd7: {  	v10 =	vld [tilespmem:s20+$0xFFFFFFC0];
	v9 =	vand.u32 $0xFFFF, v2  }
0xd8: {  	v11 =	vand.u32 $0xFFFF, v3  }
0xd9: {  	v12 =	vand.u32 $0xFFFF, v4  }
0xda: {  	v13 =	vand.u32 $0xFFFF, v5;
	v6 =	vld.idx.msk [tilespmem:v6+s8+$0x0], $0xffff  }
0xdb: {  	v14 =	vand.u32 $0xFFFF, v8;
	v7 =	vld.idx.msk [tilespmem:v7+s8+$0x0], $0xffff  }
0xdc: {  	v15 =	vand.u32 $0xFFFF, v10;
	v9 =	vld.idx.msk [tilespmem:v9+s8+$0x0], $0xffff  }
0xdd: {  	v0 =	vshra.s32 v0, $0x10;
	v11 =	vld.idx.msk [tilespmem:v11+s8+$0x0], $0xffff  }
0xde: {  	v1 =	vshra.s32 v1, $0x10;
	v12 =	vld.idx.msk [tilespmem:v12+s8+$0x0], $0xffff  }
0xdf: {  	s18 =	simm.s32 $0xC080;
	v16 =	vshra.s32 v2, $0x10;
	v13 =	vld.idx.msk [tilespmem:v13+s8+$0x0], $0xffff  }
0xe0: {  	v17 =	vshra.s32 v3, $0x10;
	v14 =	vld.idx.msk [tilespmem:v14+s8+$0x0], $0xffff;
	[tilespmem:s18+$0x60] =	vst v6  }
0xe1: {  	v2 =	vld.idx.msk [tilespmem:v15+s8+$0x0], $0xffff;
	v6 =	vshra.s32 v4, $0x10;
	[tilespmem:s18+$0xFFFFFFA0] =	vst v7  }
0xe2: {  	v7 =	vshra.s32 v5, $0x10;
	[tilespmem:s18+$0xFFFFFFC0] =	vst v9;
	v18 =	vld.idx.msk [tilespmem:v0+s8+$0x0], $0xffff  }
0xe3: {  	[tilespmem:s18+$0xFFFFFFE0] =	vst v11;
	v3 =	vld.idx.msk [tilespmem:v1+s8+$0x0], $0xffff  }
0xe4: {  	[tilespmem:s18+$0x0] =	vst v12;
	v4 =	vld.idx.msk [tilespmem:v16+s8+$0x0], $0xffff  }
0xe5: {  	[tilespmem:s18+$0x20] =	vst v13;
	v5 =	vld.idx.msk [tilespmem:v17+s8+$0x0], $0xffff  }
0xe6: {  	[tilespmem:s18+$0x40] =	vst v14;
	v6 =	vld.idx.msk [tilespmem:v6+s8+$0x0], $0xffff  }
0xe7: {  	s19 =	simm.s32 $0x0;
	s20 =	simm.s32 $0xC0;
	v0 =	vshra.s32 v8, $0x10;
	v1 =	vshra.s32 v10, $0x10;
	v7 =	vld.idx.msk [tilespmem:v7+s8+$0x0], $0xffff;
	[tilespmem:s18+$0x70] =	vst v18  }
.LBB2_6:
0xe8: {  	v8 =	vld [tilespmem:s20+$0x30];
	s19 =	sadd.s32 $0x80, s19;
	[tilespmem:s18+$0xFFFFFF80] =	vst v2  }
0xe9: {  	v2 =	vld [tilespmem:s20+$0xFFFFFFD0];
	p0 =	slt.u32 s19, $0x3F80;
	[tilespmem:s18+$0xFFFFFFB0] =	vst v3  }
0xea: {  	v3 =	vld [tilespmem:s20+$0xFFFFFFE0];
	[tilespmem:s18+$0xFFFFFFD0] =	vst v4  }
0xeb: {  	v4 =	vld [tilespmem:s20+$0xFFFFFFF0];
	[tilespmem:s18+$0xFFFFFFF0] =	vst v5  }
0xec: {  	v5 =	vld [tilespmem:s20+$0x0];
	[tilespmem:s18+$0x10] =	vst v6  }
0xed: {  	v6 =	vld [tilespmem:s20+$0x10];
	v9 =	vand.u32 $0xFFFF, v8;
	[tilespmem:s18+$0x30] =	vst v7  }
0xee: {  	v7 =	vshra.s32 v2, $0x10;
	v2 =	vand.u32 $0xFFFF, v2;
	v10 =	vld [tilespmem:s20+$0x20]  }
0xef: {  	v11 =	vld [tilespmem:s20+$0xFFFFFFC0];
	v12 =	vshra.s32 v3, $0x10;
	v3 =	vand.u32 $0xFFFF, v3  }
0xf0: {  	v13 =	vshra.s32 v4, $0x10;
	v4 =	vand.u32 $0xFFFF, v4;
	v14 =	vld.idx.msk [tilespmem:v1+s8+$0x0], $0xffff  }
0xf1: {  	v15 =	vshra.s32 v5, $0x10;
	v5 =	vand.u32 $0xFFFF, v5;
	v16 =	vld.idx.msk [tilespmem:v0+s8+$0x0], $0xffff  }
0xf2: {  	v17 =	vshra.s32 v6, $0x10;
	v6 =	vand.u32 $0xFFFF, v6;
	v9 =	vld.idx.msk [tilespmem:v9+s8+$0x0], $0xffff  }
0xf3: {  	v2 =	vld.idx.msk [tilespmem:v2+s8+$0x0], $0xffff;
	v0 =	vshra.s32 v10, $0x10;
	v10 =	vand.u32 $0xFFFF, v10  }
0xf4: {  	v8 =	vshra.s32 v8, $0x10;
	v1 =	vshra.s32 v11, $0x10;
	v11 =	vand.u32 $0xFFFF, v11;
	v3 =	vld.idx.msk [tilespmem:v3+s8+$0x0], $0xffff  }
0xf5: {  	v4 =	vld.idx.msk [tilespmem:v4+s8+$0x0], $0xffff  }
0xf6: {  	v5 =	vld.idx.msk [tilespmem:v5+s8+$0x0], $0xffff;
	[tilespmem:s18+$0xFFFFFF90] =	vst v14  }
0xf7: {  	v6 =	vld.idx.msk [tilespmem:v6+s8+$0x0], $0xffff;
	[tilespmem:s18+$0x50] =	vst v16;
	s18 =	sadd.s32 $0x100, s18  }
0xf8: {  	v10 =	vld.idx.msk [tilespmem:v10+s8+$0x0], $0xffff;
	[tilespmem:s18+$0x60] =	vst v9  }
0xf9: {  	[tilespmem:s18+$0xFFFFFFA0] =	vst v2;
	v8 =	vld.idx.msk [tilespmem:v8+s8+$0x0], $0xffff  }
0xfa: {  	v2 =	vld.idx.msk [tilespmem:v11+s8+$0x0], $0xffff;
	[tilespmem:s18+$0xFFFFFFC0] =	vst v3  }
.Ltmp2:
0xfb: {  	v3 =	vld.idx.msk [tilespmem:v7+s8+$0x0], $0xffff;
	[tilespmem:s18+$0xFFFFFFE0] =	vst v4;
	(pc) =	sbr.rel @p0 .LBB2_6-.Ltmp2, $4  }
0xfc: {  	v4 =	vld.idx.msk [tilespmem:v12+s8+$0x0], $0xffff;
	[tilespmem:s18+$0x0] =	vst v5  }
0xfd: {  	v5 =	vld.idx.msk [tilespmem:v13+s8+$0x0], $0xffff;
	[tilespmem:s18+$0x20] =	vst v6  }
0xfe: {  	v6 =	vld.idx.msk [tilespmem:v15+s8+$0x0], $0xffff;
	[tilespmem:s18+$0x40] =	vst v10  }
0xff: {  	s20 =	sadd.s32 $0x80, s20;
	v7 =	vld.idx.msk [tilespmem:v17+s8+$0x0], $0xffff;
	[tilespmem:s18+$0x70] =	vst v8  }
0x100: {  	_ =	sdelay $0x2  }
0x101: {  	[tilespmem:s18+$0xFFFFFF80] =	vst v2  }
0x102: {  	[tilespmem:s18+$0xFFFFFFB0] =	vst v3;
	v0 =	vld.idx.msk [tilespmem:v0+s8+$0x0], $0xffff  }
0x103: {  	v1 =	vld.idx.msk [tilespmem:v1+s8+$0x0], $0xffff;
	[tilespmem:s18+$0xFFFFFFD0] =	vst v4  }
0x104: {  	[tilespmem:s18+$0xFFFFFFF0] =	vst v5  }
0x105: {  	[tilespmem:s18+$0x10] =	vst v6  }
0x106: {  	[tilespmem:s18+$0x30] =	vst v7  }
0x107: {  	[tilespmem:s18+$0x50] =	vst v0  }
0x108: {  	[tilespmem:s18+$0xFFFFFF90] =	vst v1  }
0x109: {  	s18 =	sld [smem:$0x7EE];
	_ =	sdelay $0x2  }
0x10a: {  	[hbm4b:s18+s6] =	stream.strided.scatter [tilespmem:s12], [sflag:$0x4], $0x8000, s7, s6, $0x38;
	[tilespmem:$0x1C000] =	vst v63  }
0x10b: {  	s19 =	rddreg [dreg:$0x8]  }
0x10c: {  	[tilespmem:s8], [sflag:$0x2] =	stream.strided.gather [hbm4b:s19+s6], $0x4000, s7, s6, $0x38;
	[tilespmem:$0x1C000] =	vst v63  }
0x10d: {  	_ =	swait.ge [sflag:s13], $0x4000  }
0x10e: {  	[sflag:s13] =	ssyncset.done $0x0  }
0x10f: {  	[sflag:s13] =	ssyncadd.s32 $0xFFFFC000  }
0x110: {  	_ =	swait.ge [sflag:s16], $0x8000  }
0x111: {  	[sflag:s16] =	ssyncset.done $0x0  }
0x112: {  	s20 =	simm.s32 $0x40;
	[sflag:s16] =	ssyncadd.s32 $0xFFFF8000  }
0x113: {  	v0 =	vld [tilespmem:s20+$0x30]  }
0x114: {  	v1 =	vld [tilespmem:s20+$0xFFFFFFD0]  }
0x115: {  	v2 =	vld [tilespmem:s20+$0xFFFFFFE0]  }
0x116: {  	v3 =	vld [tilespmem:s20+$0xFFFFFFF0]  }
0x117: {  	v4 =	vld [tilespmem:s20+$0x0]  }
0x118: {  	v5 =	vld [tilespmem:s20+$0x10];
	v6 =	vand.u32 $0xFFFF, v0  }
0x119: {  	v8 =	vld [tilespmem:s20+$0x20];
	v7 =	vand.u32 $0xFFFF, v1  }
0x11a: {  	v10 =	vld [tilespmem:s20+$0xFFFFFFC0];
	v9 =	vand.u32 $0xFFFF, v2  }
0x11b: {  	v11 =	vand.u32 $0xFFFF, v3  }
0x11c: {  	v12 =	vand.u32 $0xFFFF, v4  }
0x11d: {  	v13 =	vand.u32 $0xFFFF, v5;
	v6 =	vld.idx.msk [tilespmem:v6+s10+$0x0], $0xffff  }
0x11e: {  	v14 =	vand.u32 $0xFFFF, v8;
	v7 =	vld.idx.msk [tilespmem:v7+s10+$0x0], $0xffff  }
0x11f: {  	v15 =	vand.u32 $0xFFFF, v10;
	v9 =	vld.idx.msk [tilespmem:v9+s10+$0x0], $0xffff  }
0x120: {  	v0 =	vshra.s32 v0, $0x10;
	v11 =	vld.idx.msk [tilespmem:v11+s10+$0x0], $0xffff  }
0x121: {  	v1 =	vshra.s32 v1, $0x10;
	v12 =	vld.idx.msk [tilespmem:v12+s10+$0x0], $0xffff  }
0x122: {  	s18 =	simm.s32 $0x14080;
	v16 =	vshra.s32 v2, $0x10;
	v13 =	vld.idx.msk [tilespmem:v13+s10+$0x0], $0xffff  }
0x123: {  	v17 =	vshra.s32 v3, $0x10;
	v14 =	vld.idx.msk [tilespmem:v14+s10+$0x0], $0xffff;
	[tilespmem:s18+$0x60] =	vst v6  }
0x124: {  	v2 =	vld.idx.msk [tilespmem:v15+s10+$0x0], $0xffff;
	v6 =	vshra.s32 v4, $0x10;
	[tilespmem:s18+$0xFFFFFFA0] =	vst v7  }
0x125: {  	v7 =	vshra.s32 v5, $0x10;
	[tilespmem:s18+$0xFFFFFFC0] =	vst v9;
	v18 =	vld.idx.msk [tilespmem:v0+s10+$0x0], $0xffff  }
0x126: {  	[tilespmem:s18+$0xFFFFFFE0] =	vst v11;
	v3 =	vld.idx.msk [tilespmem:v1+s10+$0x0], $0xffff  }
0x127: {  	[tilespmem:s18+$0x0] =	vst v12;
	v4 =	vld.idx.msk [tilespmem:v16+s10+$0x0], $0xffff  }
0x128: {  	[tilespmem:s18+$0x20] =	vst v13;
	v5 =	vld.idx.msk [tilespmem:v17+s10+$0x0], $0xffff  }
0x129: {  	[tilespmem:s18+$0x40] =	vst v14;
	v6 =	vld.idx.msk [tilespmem:v6+s10+$0x0], $0xffff  }
0x12a: {  	s19 =	simm.s32 $0x0;
	s20 =	simm.s32 $0xC0;
	v0 =	vshra.s32 v8, $0x10;
	v1 =	vshra.s32 v10, $0x10;
	v7 =	vld.idx.msk [tilespmem:v7+s10+$0x0], $0xffff;
	[tilespmem:s18+$0x70] =	vst v18  }
.LBB2_8:
0x12b: {  	v8 =	vld [tilespmem:s20+$0x30];
	s19 =	sadd.s32 $0x80, s19;
	[tilespmem:s18+$0xFFFFFF80] =	vst v2  }
0x12c: {  	v2 =	vld [tilespmem:s20+$0xFFFFFFD0];
	p0 =	slt.u32 s19, $0x3F80;
	[tilespmem:s18+$0xFFFFFFB0] =	vst v3  }
0x12d: {  	v3 =	vld [tilespmem:s20+$0xFFFFFFE0];
	[tilespmem:s18+$0xFFFFFFD0] =	vst v4  }
0x12e: {  	v4 =	vld [tilespmem:s20+$0xFFFFFFF0];
	[tilespmem:s18+$0xFFFFFFF0] =	vst v5  }
0x12f: {  	v5 =	vld [tilespmem:s20+$0x0];
	[tilespmem:s18+$0x10] =	vst v6  }
0x130: {  	v6 =	vld [tilespmem:s20+$0x10];
	v9 =	vand.u32 $0xFFFF, v8;
	[tilespmem:s18+$0x30] =	vst v7  }
0x131: {  	v7 =	vshra.s32 v2, $0x10;
	v2 =	vand.u32 $0xFFFF, v2;
	v10 =	vld [tilespmem:s20+$0x20]  }
0x132: {  	v11 =	vld [tilespmem:s20+$0xFFFFFFC0];
	v12 =	vshra.s32 v3, $0x10;
	v3 =	vand.u32 $0xFFFF, v3  }
0x133: {  	v13 =	vshra.s32 v4, $0x10;
	v4 =	vand.u32 $0xFFFF, v4;
	v14 =	vld.idx.msk [tilespmem:v1+s10+$0x0], $0xffff  }
0x134: {  	v15 =	vshra.s32 v5, $0x10;
	v5 =	vand.u32 $0xFFFF, v5;
	v16 =	vld.idx.msk [tilespmem:v0+s10+$0x0], $0xffff  }
0x135: {  	v17 =	vshra.s32 v6, $0x10;
	v6 =	vand.u32 $0xFFFF, v6;
	v9 =	vld.idx.msk [tilespmem:v9+s10+$0x0], $0xffff  }
0x136: {  	v2 =	vld.idx.msk [tilespmem:v2+s10+$0x0], $0xffff;
	v0 =	vshra.s32 v10, $0x10;
	v10 =	vand.u32 $0xFFFF, v10  }
0x137: {  	v8 =	vshra.s32 v8, $0x10;
	v1 =	vshra.s32 v11, $0x10;
	v11 =	vand.u32 $0xFFFF, v11;
	v3 =	vld.idx.msk [tilespmem:v3+s10+$0x0], $0xffff  }
0x138: {  	v4 =	vld.idx.msk [tilespmem:v4+s10+$0x0], $0xffff  }
0x139: {  	v5 =	vld.idx.msk [tilespmem:v5+s10+$0x0], $0xffff;
	[tilespmem:s18+$0xFFFFFF90] =	vst v14  }
0x13a: {  	v6 =	vld.idx.msk [tilespmem:v6+s10+$0x0], $0xffff;
	[tilespmem:s18+$0x50] =	vst v16;
	s18 =	sadd.s32 $0x100, s18  }
0x13b: {  	v10 =	vld.idx.msk [tilespmem:v10+s10+$0x0], $0xffff;
	[tilespmem:s18+$0x60] =	vst v9  }
0x13c: {  	[tilespmem:s18+$0xFFFFFFA0] =	vst v2;
	v8 =	vld.idx.msk [tilespmem:v8+s10+$0x0], $0xffff  }
0x13d: {  	v2 =	vld.idx.msk [tilespmem:v11+s10+$0x0], $0xffff;
	[tilespmem:s18+$0xFFFFFFC0] =	vst v3  }
.Ltmp3:
0x13e: {  	v3 =	vld.idx.msk [tilespmem:v7+s10+$0x0], $0xffff;
	[tilespmem:s18+$0xFFFFFFE0] =	vst v4;
	(pc) =	sbr.rel @p0 .LBB2_8-.Ltmp3, $4  }
0x13f: {  	v4 =	vld.idx.msk [tilespmem:v12+s10+$0x0], $0xffff;
	[tilespmem:s18+$0x0] =	vst v5  }
0x140: {  	v5 =	vld.idx.msk [tilespmem:v13+s10+$0x0], $0xffff;
	[tilespmem:s18+$0x20] =	vst v6  }
0x141: {  	v6 =	vld.idx.msk [tilespmem:v15+s10+$0x0], $0xffff;
	[tilespmem:s18+$0x40] =	vst v10  }
0x142: {  	s20 =	sadd.s32 $0x80, s20;
	v7 =	vld.idx.msk [tilespmem:v17+s10+$0x0], $0xffff;
	[tilespmem:s18+$0x70] =	vst v8  }
0x143: {  	_ =	sdelay $0x2  }
0x144: {  	[tilespmem:s18+$0xFFFFFF80] =	vst v2  }
0x145: {  	[tilespmem:s18+$0xFFFFFFB0] =	vst v3;
	v0 =	vld.idx.msk [tilespmem:v0+s10+$0x0], $0xffff  }
0x146: {  	v1 =	vld.idx.msk [tilespmem:v1+s10+$0x0], $0xffff;
	[tilespmem:s18+$0xFFFFFFD0] =	vst v4  }
0x147: {  	[tilespmem:s18+$0xFFFFFFF0] =	vst v5  }
0x148: {  	[tilespmem:s18+$0x10] =	vst v6  }
0x149: {  	[tilespmem:s18+$0x30] =	vst v7  }
0x14a: {  	[tilespmem:s18+$0x50] =	vst v0  }
0x14b: {  	[tilespmem:s18+$0xFFFFFF90] =	vst v1  }
0x14c: {  	s18 =	sld [smem:$0x7EF];
	_ =	sdelay $0x2  }
0x14d: {  	[hbm4b:s18+s6] =	stream.strided.scatter [tilespmem:s14], [sflag:$0x5], $0x8000, s7, s6, $0x38;
	[tilespmem:$0x1C000] =	vst v63  }
0x14e: {  	s19 =	rddreg [dreg:$0x9]  }
0x14f: {  	[tilespmem:s10], [sflag:$0x3] =	stream.strided.gather [hbm4b:s19+s6], $0x4000, s7, s6, $0x38;
	[tilespmem:$0x1C000] =	vst v63  }
0x150: {  	_ =	swait.ge [sflag:s11], $0x4000  }
0x151: {  	[sflag:s11] =	ssyncset.done $0x0  }
0x152: {  	[sflag:s11] =	ssyncadd.s32 $0xFFFFC000  }
0x153: {  	_ =	swait.ge [sflag:s15], $0x8000  }
0x154: {  	[sflag:s15] =	ssyncset.done $0x0  }
0x155: {  	s20 =	simm.s32 $0x40;
	[sflag:s15] =	ssyncadd.s32 $0xFFFF8000  }
0x156: {  	v0 =	vld [tilespmem:s20+$0x30]  }
0x157: {  	v1 =	vld [tilespmem:s20+$0xFFFFFFD0]  }
0x158: {  	v2 =	vld [tilespmem:s20+$0xFFFFFFE0]  }
0x159: {  	v3 =	vld [tilespmem:s20+$0xFFFFFFF0]  }
0x15a: {  	v4 =	vld [tilespmem:s20+$0x0]  }
0x15b: {  	v5 =	vld [tilespmem:s20+$0x10];
	v6 =	vand.u32 $0xFFFF, v0  }
0x15c: {  	v8 =	vld [tilespmem:s20+$0x20];
	v7 =	vand.u32 $0xFFFF, v1  }
0x15d: {  	v10 =	vld [tilespmem:s20+$0xFFFFFFC0];
	v9 =	vand.u32 $0xFFFF, v2  }
0x15e: {  	v11 =	vand.u32 $0xFFFF, v3  }
0x15f: {  	v12 =	vand.u32 $0xFFFF, v4  }
0x160: {  	v13 =	vand.u32 $0xFFFF, v5;
	v6 =	vld.idx.msk [tilespmem:v6+s8+$0x0], $0xffff  }
0x161: {  	v14 =	vand.u32 $0xFFFF, v8;
	v7 =	vld.idx.msk [tilespmem:v7+s8+$0x0], $0xffff  }
0x162: {  	v15 =	vand.u32 $0xFFFF, v10;
	v9 =	vld.idx.msk [tilespmem:v9+s8+$0x0], $0xffff  }
0x163: {  	v0 =	vshra.s32 v0, $0x10;
	v11 =	vld.idx.msk [tilespmem:v11+s8+$0x0], $0xffff  }
0x164: {  	v1 =	vshra.s32 v1, $0x10;
	v12 =	vld.idx.msk [tilespmem:v12+s8+$0x0], $0xffff  }
0x165: {  	s18 =	simm.s32 $0xC080;
	v16 =	vshra.s32 v2, $0x10;
	v13 =	vld.idx.msk [tilespmem:v13+s8+$0x0], $0xffff  }
0x166: {  	v17 =	vshra.s32 v3, $0x10;
	v14 =	vld.idx.msk [tilespmem:v14+s8+$0x0], $0xffff;
	[tilespmem:s18+$0x60] =	vst v6  }
0x167: {  	v2 =	vld.idx.msk [tilespmem:v15+s8+$0x0], $0xffff;
	v6 =	vshra.s32 v4, $0x10;
	[tilespmem:s18+$0xFFFFFFA0] =	vst v7  }
0x168: {  	v7 =	vshra.s32 v5, $0x10;
	[tilespmem:s18+$0xFFFFFFC0] =	vst v9;
	v18 =	vld.idx.msk [tilespmem:v0+s8+$0x0], $0xffff  }
0x169: {  	[tilespmem:s18+$0xFFFFFFE0] =	vst v11;
	v3 =	vld.idx.msk [tilespmem:v1+s8+$0x0], $0xffff  }
0x16a: {  	[tilespmem:s18+$0x0] =	vst v12;
	v4 =	vld.idx.msk [tilespmem:v16+s8+$0x0], $0xffff  }
0x16b: {  	[tilespmem:s18+$0x20] =	vst v13;
	v5 =	vld.idx.msk [tilespmem:v17+s8+$0x0], $0xffff  }
0x16c: {  	[tilespmem:s18+$0x40] =	vst v14;
	v6 =	vld.idx.msk [tilespmem:v6+s8+$0x0], $0xffff  }
0x16d: {  	s19 =	simm.s32 $0x0;
	s20 =	simm.s32 $0xC0;
	v0 =	vshra.s32 v8, $0x10;
	v1 =	vshra.s32 v10, $0x10;
	v7 =	vld.idx.msk [tilespmem:v7+s8+$0x0], $0xffff;
	[tilespmem:s18+$0x70] =	vst v18  }
.LBB2_10:
0x16e: {  	v8 =	vld [tilespmem:s20+$0x30];
	s19 =	sadd.s32 $0x80, s19;
	[tilespmem:s18+$0xFFFFFF80] =	vst v2  }
0x16f: {  	v2 =	vld [tilespmem:s20+$0xFFFFFFD0];
	p0 =	slt.u32 s19, $0x3F80;
	[tilespmem:s18+$0xFFFFFFB0] =	vst v3  }
0x170: {  	v3 =	vld [tilespmem:s20+$0xFFFFFFE0];
	[tilespmem:s18+$0xFFFFFFD0] =	vst v4  }
0x171: {  	v4 =	vld [tilespmem:s20+$0xFFFFFFF0];
	[tilespmem:s18+$0xFFFFFFF0] =	vst v5  }
0x172: {  	v5 =	vld [tilespmem:s20+$0x0];
	[tilespmem:s18+$0x10] =	vst v6  }
0x173: {  	v6 =	vld [tilespmem:s20+$0x10];
	v9 =	vand.u32 $0xFFFF, v8;
	[tilespmem:s18+$0x30] =	vst v7  }
0x174: {  	v7 =	vshra.s32 v2, $0x10;
	v2 =	vand.u32 $0xFFFF, v2;
	v10 =	vld [tilespmem:s20+$0x20]  }
0x175: {  	v11 =	vld [tilespmem:s20+$0xFFFFFFC0];
	v12 =	vshra.s32 v3, $0x10;
	v3 =	vand.u32 $0xFFFF, v3  }
0x176: {  	v13 =	vshra.s32 v4, $0x10;
	v4 =	vand.u32 $0xFFFF, v4;
	v14 =	vld.idx.msk [tilespmem:v1+s8+$0x0], $0xffff  }
0x177: {  	v15 =	vshra.s32 v5, $0x10;
	v5 =	vand.u32 $0xFFFF, v5;
	v16 =	vld.idx.msk [tilespmem:v0+s8+$0x0], $0xffff  }
0x178: {  	v17 =	vshra.s32 v6, $0x10;
	v6 =	vand.u32 $0xFFFF, v6;
	v9 =	vld.idx.msk [tilespmem:v9+s8+$0x0], $0xffff  }
0x179: {  	v2 =	vld.idx.msk [tilespmem:v2+s8+$0x0], $0xffff;
	v0 =	vshra.s32 v10, $0x10;
	v10 =	vand.u32 $0xFFFF, v10  }
0x17a: {  	v8 =	vshra.s32 v8, $0x10;
	v1 =	vshra.s32 v11, $0x10;
	v11 =	vand.u32 $0xFFFF, v11;
	v3 =	vld.idx.msk [tilespmem:v3+s8+$0x0], $0xffff  }
0x17b: {  	v4 =	vld.idx.msk [tilespmem:v4+s8+$0x0], $0xffff  }
0x17c: {  	v5 =	vld.idx.msk [tilespmem:v5+s8+$0x0], $0xffff;
	[tilespmem:s18+$0xFFFFFF90] =	vst v14  }
0x17d: {  	v6 =	vld.idx.msk [tilespmem:v6+s8+$0x0], $0xffff;
	[tilespmem:s18+$0x50] =	vst v16;
	s18 =	sadd.s32 $0x100, s18  }
0x17e: {  	v10 =	vld.idx.msk [tilespmem:v10+s8+$0x0], $0xffff;
	[tilespmem:s18+$0x60] =	vst v9  }
0x17f: {  	[tilespmem:s18+$0xFFFFFFA0] =	vst v2;
	v8 =	vld.idx.msk [tilespmem:v8+s8+$0x0], $0xffff  }
0x180: {  	v2 =	vld.idx.msk [tilespmem:v11+s8+$0x0], $0xffff;
	[tilespmem:s18+$0xFFFFFFC0] =	vst v3  }
.Ltmp4:
0x181: {  	v3 =	vld.idx.msk [tilespmem:v7+s8+$0x0], $0xffff;
	[tilespmem:s18+$0xFFFFFFE0] =	vst v4;
	(pc) =	sbr.rel @p0 .LBB2_10-.Ltmp4, $4  }
0x182: {  	v4 =	vld.idx.msk [tilespmem:v12+s8+$0x0], $0xffff;
	[tilespmem:s18+$0x0] =	vst v5  }
0x183: {  	v5 =	vld.idx.msk [tilespmem:v13+s8+$0x0], $0xffff;
	[tilespmem:s18+$0x20] =	vst v6  }
0x184: {  	v6 =	vld.idx.msk [tilespmem:v15+s8+$0x0], $0xffff;
	[tilespmem:s18+$0x40] =	vst v10  }
0x185: {  	s20 =	sadd.s32 $0x80, s20;
	v7 =	vld.idx.msk [tilespmem:v17+s8+$0x0], $0xffff;
	[tilespmem:s18+$0x70] =	vst v8  }
0x186: {  	_ =	sdelay $0x2  }
0x187: {  	[tilespmem:s18+$0xFFFFFF80] =	vst v2  }
0x188: {  	[tilespmem:s18+$0xFFFFFFB0] =	vst v3;
	v0 =	vld.idx.msk [tilespmem:v0+s8+$0x0], $0xffff  }
0x189: {  	v1 =	vld.idx.msk [tilespmem:v1+s8+$0x0], $0xffff;
	[tilespmem:s18+$0xFFFFFFD0] =	vst v4  }
0x18a: {  	[tilespmem:s18+$0xFFFFFFF0] =	vst v5  }
0x18b: {  	[tilespmem:s18+$0x10] =	vst v6  }
0x18c: {  	[tilespmem:s18+$0x30] =	vst v7  }
0x18d: {  	[tilespmem:s18+$0x50] =	vst v0  }
0x18e: {  	[tilespmem:s18+$0xFFFFFF90] =	vst v1  }
0x18f: {  	s18 =	sld [smem:$0x7F0];
	_ =	sdelay $0x2  }
0x190: {  	[hbm4b:s18+s6] =	stream.strided.scatter [tilespmem:s12], [sflag:$0x4], $0x8000, s7, s6, $0x38;
	[tilespmem:$0x1C000] =	vst v63  }
0x191: {  	s19 =	rddreg [dreg:$0xa]  }
0x192: {  	[tilespmem:s8], [sflag:$0x2] =	stream.strided.gather [hbm4b:s19+s6], $0x4000, s7, s6, $0x38;
	[tilespmem:$0x1C000] =	vst v63  }
0x193: {  	_ =	swait.ge [sflag:s13], $0x4000  }
0x194: {  	[sflag:s13] =	ssyncset.done $0x0  }
0x195: {  	[sflag:s13] =	ssyncadd.s32 $0xFFFFC000  }
0x196: {  	_ =	swait.ge [sflag:s16], $0x8000  }
0x197: {  	[sflag:s16] =	ssyncset.done $0x0  }
0x198: {  	s20 =	simm.s32 $0x40;
	[sflag:s16] =	ssyncadd.s32 $0xFFFF8000  }
0x199: {  	v0 =	vld [tilespmem:s20+$0x30]  }
0x19a: {  	v1 =	vld [tilespmem:s20+$0xFFFFFFD0]  }
0x19b: {  	v2 =	vld [tilespmem:s20+$0xFFFFFFE0]  }
0x19c: {  	v3 =	vld [tilespmem:s20+$0xFFFFFFF0]  }
0x19d: {  	v4 =	vld [tilespmem:s20+$0x0]  }
0x19e: {  	v5 =	vld [tilespmem:s20+$0x10];
	v6 =	vand.u32 $0xFFFF, v0  }
0x19f: {  	v8 =	vld [tilespmem:s20+$0x20];
	v7 =	vand.u32 $0xFFFF, v1  }
0x1a0: {  	v10 =	vld [tilespmem:s20+$0xFFFFFFC0];
	v9 =	vand.u32 $0xFFFF, v2  }
0x1a1: {  	v11 =	vand.u32 $0xFFFF, v3  }
0x1a2: {  	v12 =	vand.u32 $0xFFFF, v4  }
0x1a3: {  	v13 =	vand.u32 $0xFFFF, v5;
	v6 =	vld.idx.msk [tilespmem:v6+s10+$0x0], $0xffff  }
0x1a4: {  	v14 =	vand.u32 $0xFFFF, v8;
	v7 =	vld.idx.msk [tilespmem:v7+s10+$0x0], $0xffff  }
0x1a5: {  	v15 =	vand.u32 $0xFFFF, v10;
	v9 =	vld.idx.msk [tilespmem:v9+s10+$0x0], $0xffff  }
0x1a6: {  	v0 =	vshra.s32 v0, $0x10;
	v11 =	vld.idx.msk [tilespmem:v11+s10+$0x0], $0xffff  }
0x1a7: {  	v1 =	vshra.s32 v1, $0x10;
	v12 =	vld.idx.msk [tilespmem:v12+s10+$0x0], $0xffff  }
0x1a8: {  	s18 =	simm.s32 $0x14080;
	v16 =	vshra.s32 v2, $0x10;
	v13 =	vld.idx.msk [tilespmem:v13+s10+$0x0], $0xffff  }
0x1a9: {  	v17 =	vshra.s32 v3, $0x10;
	v14 =	vld.idx.msk [tilespmem:v14+s10+$0x0], $0xffff;
	[tilespmem:s18+$0x60] =	vst v6  }
0x1aa: {  	v2 =	vld.idx.msk [tilespmem:v15+s10+$0x0], $0xffff;
	v6 =	vshra.s32 v4, $0x10;
	[tilespmem:s18+$0xFFFFFFA0] =	vst v7  }
0x1ab: {  	v7 =	vshra.s32 v5, $0x10;
	[tilespmem:s18+$0xFFFFFFC0] =	vst v9;
	v18 =	vld.idx.msk [tilespmem:v0+s10+$0x0], $0xffff  }
0x1ac: {  	[tilespmem:s18+$0xFFFFFFE0] =	vst v11;
	v3 =	vld.idx.msk [tilespmem:v1+s10+$0x0], $0xffff  }
0x1ad: {  	[tilespmem:s18+$0x0] =	vst v12;
	v4 =	vld.idx.msk [tilespmem:v16+s10+$0x0], $0xffff  }
0x1ae: {  	[tilespmem:s18+$0x20] =	vst v13;
	v5 =	vld.idx.msk [tilespmem:v17+s10+$0x0], $0xffff  }
0x1af: {  	[tilespmem:s18+$0x40] =	vst v14;
	v6 =	vld.idx.msk [tilespmem:v6+s10+$0x0], $0xffff  }
0x1b0: {  	s19 =	simm.s32 $0x0;
	s20 =	simm.s32 $0xC0;
	v0 =	vshra.s32 v8, $0x10;
	v1 =	vshra.s32 v10, $0x10;
	v7 =	vld.idx.msk [tilespmem:v7+s10+$0x0], $0xffff;
	[tilespmem:s18+$0x70] =	vst v18  }
.LBB2_12:
0x1b1: {  	v8 =	vld [tilespmem:s20+$0x30];
	s19 =	sadd.s32 $0x80, s19;
	[tilespmem:s18+$0xFFFFFF80] =	vst v2  }
0x1b2: {  	v2 =	vld [tilespmem:s20+$0xFFFFFFD0];
	p0 =	slt.u32 s19, $0x3F80;
	[tilespmem:s18+$0xFFFFFFB0] =	vst v3  }
0x1b3: {  	v3 =	vld [tilespmem:s20+$0xFFFFFFE0];
	[tilespmem:s18+$0xFFFFFFD0] =	vst v4  }
0x1b4: {  	v4 =	vld [tilespmem:s20+$0xFFFFFFF0];
	[tilespmem:s18+$0xFFFFFFF0] =	vst v5  }
0x1b5: {  	v5 =	vld [tilespmem:s20+$0x0];
	[tilespmem:s18+$0x10] =	vst v6  }
0x1b6: {  	v6 =	vld [tilespmem:s20+$0x10];
	v9 =	vand.u32 $0xFFFF, v8;
	[tilespmem:s18+$0x30] =	vst v7  }
0x1b7: {  	v7 =	vshra.s32 v2, $0x10;
	v2 =	vand.u32 $0xFFFF, v2;
	v10 =	vld [tilespmem:s20+$0x20]  }
0x1b8: {  	v11 =	vld [tilespmem:s20+$0xFFFFFFC0];
	v12 =	vshra.s32 v3, $0x10;
	v3 =	vand.u32 $0xFFFF, v3  }
0x1b9: {  	v13 =	vshra.s32 v4, $0x10;
	v4 =	vand.u32 $0xFFFF, v4;
	v14 =	vld.idx.msk [tilespmem:v1+s10+$0x0], $0xffff  }
0x1ba: {  	v15 =	vshra.s32 v5, $0x10;
	v5 =	vand.u32 $0xFFFF, v5;
	v16 =	vld.idx.msk [tilespmem:v0+s10+$0x0], $0xffff  }
0x1bb: {  	v17 =	vshra.s32 v6, $0x10;
	v6 =	vand.u32 $0xFFFF, v6;
	v9 =	vld.idx.msk [tilespmem:v9+s10+$0x0], $0xffff  }
0x1bc: {  	v2 =	vld.idx.msk [tilespmem:v2+s10+$0x0], $0xffff;
	v0 =	vshra.s32 v10, $0x10;
	v10 =	vand.u32 $0xFFFF, v10  }
0x1bd: {  	v8 =	vshra.s32 v8, $0x10;
	v1 =	vshra.s32 v11, $0x10;
	v11 =	vand.u32 $0xFFFF, v11;
	v3 =	vld.idx.msk [tilespmem:v3+s10+$0x0], $0xffff  }
0x1be: {  	v4 =	vld.idx.msk [tilespmem:v4+s10+$0x0], $0xffff  }
0x1bf: {  	v5 =	vld.idx.msk [tilespmem:v5+s10+$0x0], $0xffff;
	[tilespmem:s18+$0xFFFFFF90] =	vst v14  }
0x1c0: {  	v6 =	vld.idx.msk [tilespmem:v6+s10+$0x0], $0xffff;
	[tilespmem:s18+$0x50] =	vst v16;
	s18 =	sadd.s32 $0x100, s18  }
0x1c1: {  	v10 =	vld.idx.msk [tilespmem:v10+s10+$0x0], $0xffff;
	[tilespmem:s18+$0x60] =	vst v9  }
0x1c2: {  	[tilespmem:s18+$0xFFFFFFA0] =	vst v2;
	v8 =	vld.idx.msk [tilespmem:v8+s10+$0x0], $0xffff  }
0x1c3: {  	v2 =	vld.idx.msk [tilespmem:v11+s10+$0x0], $0xffff;
	[tilespmem:s18+$0xFFFFFFC0] =	vst v3  }
.Ltmp5:
0x1c4: {  	v3 =	vld.idx.msk [tilespmem:v7+s10+$0x0], $0xffff;
	[tilespmem:s18+$0xFFFFFFE0] =	vst v4;
	(pc) =	sbr.rel @p0 .LBB2_12-.Ltmp5, $4  }
0x1c5: {  	v4 =	vld.idx.msk [tilespmem:v12+s10+$0x0], $0xffff;
	[tilespmem:s18+$0x0] =	vst v5  }
0x1c6: {  	v5 =	vld.idx.msk [tilespmem:v13+s10+$0x0], $0xffff;
	[tilespmem:s18+$0x20] =	vst v6  }
0x1c7: {  	v6 =	vld.idx.msk [tilespmem:v15+s10+$0x0], $0xffff;
	[tilespmem:s18+$0x40] =	vst v10  }
0x1c8: {  	s20 =	sadd.s32 $0x80, s20;
	v7 =	vld.idx.msk [tilespmem:v17+s10+$0x0], $0xffff;
	[tilespmem:s18+$0x70] =	vst v8  }
0x1c9: {  	_ =	sdelay $0x2  }
0x1ca: {  	[tilespmem:s18+$0xFFFFFF80] =	vst v2  }
0x1cb: {  	[tilespmem:s18+$0xFFFFFFB0] =	vst v3;
	v0 =	vld.idx.msk [tilespmem:v0+s10+$0x0], $0xffff  }
0x1cc: {  	v1 =	vld.idx.msk [tilespmem:v1+s10+$0x0], $0xffff;
	[tilespmem:s18+$0xFFFFFFD0] =	vst v4  }
0x1cd: {  	[tilespmem:s18+$0xFFFFFFF0] =	vst v5  }
0x1ce: {  	[tilespmem:s18+$0x10] =	vst v6  }
0x1cf: {  	[tilespmem:s18+$0x30] =	vst v7  }
0x1d0: {  	[tilespmem:s18+$0x50] =	vst v0  }
0x1d1: {  	[tilespmem:s18+$0xFFFFFF90] =	vst v1  }
0x1d2: {  	s18 =	sld [smem:$0x7F1];
	_ =	sdelay $0x2  }
0x1d3: {  	[hbm4b:s18+s6] =	stream.strided.scatter [tilespmem:s14], [sflag:$0x5], $0x8000, s7, s6, $0x38;
	[tilespmem:$0x1C000] =	vst v63  }
0x1d4: {  	s19 =	rddreg [dreg:$0xb]  }
0x1d5: {  	[tilespmem:s10], [sflag:$0x3] =	stream.strided.gather [hbm4b:s19+s6], $0x4000, s7, s6, $0x38;
	[tilespmem:$0x1C000] =	vst v63  }
0x1d6: {  	_ =	swait.ge [sflag:s11], $0x4000  }
0x1d7: {  	[sflag:s11] =	ssyncset.done $0x0  }
0x1d8: {  	[sflag:s11] =	ssyncadd.s32 $0xFFFFC000  }
0x1d9: {  	_ =	swait.ge [sflag:s15], $0x8000  }
0x1da: {  	[sflag:s15] =	ssyncset.done $0x0  }
0x1db: {  	s20 =	simm.s32 $0x40;
	[sflag:s15] =	ssyncadd.s32 $0xFFFF8000  }
0x1dc: {  	v0 =	vld [tilespmem:s20+$0x30]  }
0x1dd: {  	v1 =	vld [tilespmem:s20+$0xFFFFFFD0]  }
0x1de: {  	v2 =	vld [tilespmem:s20+$0xFFFFFFE0]  }
0x1df: {  	v3 =	vld [tilespmem:s20+$0xFFFFFFF0]  }
0x1e0: {  	v4 =	vld [tilespmem:s20+$0x0]  }
0x1e1: {  	v5 =	vld [tilespmem:s20+$0x10];
	v6 =	vand.u32 $0xFFFF, v0  }
0x1e2: {  	v8 =	vld [tilespmem:s20+$0x20];
	v7 =	vand.u32 $0xFFFF, v1  }
0x1e3: {  	v10 =	vld [tilespmem:s20+$0xFFFFFFC0];
	v9 =	vand.u32 $0xFFFF, v2  }
0x1e4: {  	v11 =	vand.u32 $0xFFFF, v3  }
0x1e5: {  	v12 =	vand.u32 $0xFFFF, v4  }
0x1e6: {  	v13 =	vand.u32 $0xFFFF, v5;
	v6 =	vld.idx.msk [tilespmem:v6+s8+$0x0], $0xffff  }
0x1e7: {  	v14 =	vand.u32 $0xFFFF, v8;
	v7 =	vld.idx.msk [tilespmem:v7+s8+$0x0], $0xffff  }
0x1e8: {  	v15 =	vand.u32 $0xFFFF, v10;
	v9 =	vld.idx.msk [tilespmem:v9+s8+$0x0], $0xffff  }
0x1e9: {  	v0 =	vshra.s32 v0, $0x10;
	v11 =	vld.idx.msk [tilespmem:v11+s8+$0x0], $0xffff  }
0x1ea: {  	v1 =	vshra.s32 v1, $0x10;
	v12 =	vld.idx.msk [tilespmem:v12+s8+$0x0], $0xffff  }
0x1eb: {  	s18 =	simm.s32 $0xC080;
	v16 =	vshra.s32 v2, $0x10;
	v13 =	vld.idx.msk [tilespmem:v13+s8+$0x0], $0xffff  }
0x1ec: {  	v17 =	vshra.s32 v3, $0x10;
	v14 =	vld.idx.msk [tilespmem:v14+s8+$0x0], $0xffff;
	[tilespmem:s18+$0x60] =	vst v6  }
0x1ed: {  	v2 =	vld.idx.msk [tilespmem:v15+s8+$0x0], $0xffff;
	v6 =	vshra.s32 v4, $0x10;
	[tilespmem:s18+$0xFFFFFFA0] =	vst v7  }
0x1ee: {  	v7 =	vshra.s32 v5, $0x10;
	[tilespmem:s18+$0xFFFFFFC0] =	vst v9;
	v18 =	vld.idx.msk [tilespmem:v0+s8+$0x0], $0xffff  }
0x1ef: {  	[tilespmem:s18+$0xFFFFFFE0] =	vst v11;
	v3 =	vld.idx.msk [tilespmem:v1+s8+$0x0], $0xffff  }
0x1f0: {  	[tilespmem:s18+$0x0] =	vst v12;
	v4 =	vld.idx.msk [tilespmem:v16+s8+$0x0], $0xffff  }
0x1f1: {  	[tilespmem:s18+$0x20] =	vst v13;
	v5 =	vld.idx.msk [tilespmem:v17+s8+$0x0], $0xffff  }
0x1f2: {  	[tilespmem:s18+$0x40] =	vst v14;
	v6 =	vld.idx.msk [tilespmem:v6+s8+$0x0], $0xffff  }
0x1f3: {  	s19 =	simm.s32 $0x0;
	s20 =	simm.s32 $0xC0;
	v0 =	vshra.s32 v8, $0x10;
	v1 =	vshra.s32 v10, $0x10;
	v7 =	vld.idx.msk [tilespmem:v7+s8+$0x0], $0xffff;
	[tilespmem:s18+$0x70] =	vst v18  }
.LBB2_14:
0x1f4: {  	v8 =	vld [tilespmem:s20+$0x30];
	s19 =	sadd.s32 $0x80, s19;
	[tilespmem:s18+$0xFFFFFF80] =	vst v2  }
0x1f5: {  	v2 =	vld [tilespmem:s20+$0xFFFFFFD0];
	p0 =	slt.u32 s19, $0x3F80;
	[tilespmem:s18+$0xFFFFFFB0] =	vst v3  }
0x1f6: {  	v3 =	vld [tilespmem:s20+$0xFFFFFFE0];
	[tilespmem:s18+$0xFFFFFFD0] =	vst v4  }
0x1f7: {  	v4 =	vld [tilespmem:s20+$0xFFFFFFF0];
	[tilespmem:s18+$0xFFFFFFF0] =	vst v5  }
0x1f8: {  	v5 =	vld [tilespmem:s20+$0x0];
	[tilespmem:s18+$0x10] =	vst v6  }
0x1f9: {  	v6 =	vld [tilespmem:s20+$0x10];
	v9 =	vand.u32 $0xFFFF, v8;
	[tilespmem:s18+$0x30] =	vst v7  }
0x1fa: {  	v7 =	vshra.s32 v2, $0x10;
	v2 =	vand.u32 $0xFFFF, v2;
	v10 =	vld [tilespmem:s20+$0x20]  }
0x1fb: {  	v11 =	vld [tilespmem:s20+$0xFFFFFFC0];
	v12 =	vshra.s32 v3, $0x10;
	v3 =	vand.u32 $0xFFFF, v3  }
0x1fc: {  	v13 =	vshra.s32 v4, $0x10;
	v4 =	vand.u32 $0xFFFF, v4;
	v14 =	vld.idx.msk [tilespmem:v1+s8+$0x0], $0xffff  }
0x1fd: {  	v15 =	vshra.s32 v5, $0x10;
	v5 =	vand.u32 $0xFFFF, v5;
	v16 =	vld.idx.msk [tilespmem:v0+s8+$0x0], $0xffff  }
0x1fe: {  	v17 =	vshra.s32 v6, $0x10;
	v6 =	vand.u32 $0xFFFF, v6;
	v9 =	vld.idx.msk [tilespmem:v9+s8+$0x0], $0xffff  }
0x1ff: {  	v2 =	vld.idx.msk [tilespmem:v2+s8+$0x0], $0xffff;
	v0 =	vshra.s32 v10, $0x10;
	v10 =	vand.u32 $0xFFFF, v10  }
0x200: {  	v8 =	vshra.s32 v8, $0x10;
	v1 =	vshra.s32 v11, $0x10;
	v11 =	vand.u32 $0xFFFF, v11;
	v3 =	vld.idx.msk [tilespmem:v3+s8+$0x0], $0xffff  }
0x201: {  	v4 =	vld.idx.msk [tilespmem:v4+s8+$0x0], $0xffff  }
0x202: {  	v5 =	vld.idx.msk [tilespmem:v5+s8+$0x0], $0xffff;
	[tilespmem:s18+$0xFFFFFF90] =	vst v14  }
0x203: {  	v6 =	vld.idx.msk [tilespmem:v6+s8+$0x0], $0xffff;
	[tilespmem:s18+$0x50] =	vst v16;
	s18 =	sadd.s32 $0x100, s18  }
0x204: {  	v10 =	vld.idx.msk [tilespmem:v10+s8+$0x0], $0xffff;
	[tilespmem:s18+$0x60] =	vst v9  }
0x205: {  	[tilespmem:s18+$0xFFFFFFA0] =	vst v2;
	v8 =	vld.idx.msk [tilespmem:v8+s8+$0x0], $0xffff  }
0x206: {  	v2 =	vld.idx.msk [tilespmem:v11+s8+$0x0], $0xffff;
	[tilespmem:s18+$0xFFFFFFC0] =	vst v3  }
.Ltmp6:
0x207: {  	v3 =	vld.idx.msk [tilespmem:v7+s8+$0x0], $0xffff;
	[tilespmem:s18+$0xFFFFFFE0] =	vst v4;
	(pc) =	sbr.rel @p0 .LBB2_14-.Ltmp6, $4  }
0x208: {  	v4 =	vld.idx.msk [tilespmem:v12+s8+$0x0], $0xffff;
	[tilespmem:s18+$0x0] =	vst v5  }
0x209: {  	v5 =	vld.idx.msk [tilespmem:v13+s8+$0x0], $0xffff;
	[tilespmem:s18+$0x20] =	vst v6  }
0x20a: {  	v6 =	vld.idx.msk [tilespmem:v15+s8+$0x0], $0xffff;
	[tilespmem:s18+$0x40] =	vst v10  }
0x20b: {  	s20 =	sadd.s32 $0x80, s20;
	v7 =	vld.idx.msk [tilespmem:v17+s8+$0x0], $0xffff;
	[tilespmem:s18+$0x70] =	vst v8  }
0x20c: {  	_ =	sdelay $0x2  }
0x20d: {  	[tilespmem:s18+$0xFFFFFF80] =	vst v2  }
0x20e: {  	[tilespmem:s18+$0xFFFFFFB0] =	vst v3;
	v0 =	vld.idx.msk [tilespmem:v0+s8+$0x0], $0xffff  }
0x20f: {  	v1 =	vld.idx.msk [tilespmem:v1+s8+$0x0], $0xffff;
	[tilespmem:s18+$0xFFFFFFD0] =	vst v4  }
0x210: {  	[tilespmem:s18+$0xFFFFFFF0] =	vst v5  }
0x211: {  	[tilespmem:s18+$0x10] =	vst v6  }
0x212: {  	[tilespmem:s18+$0x30] =	vst v7  }
0x213: {  	[tilespmem:s18+$0x50] =	vst v0  }
0x214: {  	[tilespmem:s18+$0xFFFFFF90] =	vst v1  }
0x215: {  	s18 =	sld [smem:$0x7F2];
	_ =	sdelay $0x2  }
0x216: {  	[hbm4b:s18+s6] =	stream.strided.scatter [tilespmem:s12], [sflag:$0x4], $0x8000, s7, s6, $0x38;
	[tilespmem:$0x1C000] =	vst v63  }
0x217: {  	s19 =	rddreg [dreg:$0xc]  }
0x218: {  	[tilespmem:s8], [sflag:$0x2] =	stream.strided.gather [hbm4b:s19+s6], $0x4000, s7, s6, $0x38;
	[tilespmem:$0x1C000] =	vst v63  }
0x219: {  	_ =	swait.ge [sflag:s13], $0x4000  }
0x21a: {  	[sflag:s13] =	ssyncset.done $0x0  }
0x21b: {  	[sflag:s13] =	ssyncadd.s32 $0xFFFFC000  }
0x21c: {  	_ =	swait.ge [sflag:s16], $0x8000  }
0x21d: {  	[sflag:s16] =	ssyncset.done $0x0  }
0x21e: {  	s20 =	simm.s32 $0x40;
	[sflag:s16] =	ssyncadd.s32 $0xFFFF8000  }
0x21f: {  	v0 =	vld [tilespmem:s20+$0x30]  }
0x220: {  	v1 =	vld [tilespmem:s20+$0xFFFFFFD0]  }
0x221: {  	v2 =	vld [tilespmem:s20+$0xFFFFFFE0]  }
0x222: {  	v3 =	vld [tilespmem:s20+$0xFFFFFFF0]  }
0x223: {  	v4 =	vld [tilespmem:s20+$0x0]  }
0x224: {  	v5 =	vld [tilespmem:s20+$0x10];
	v6 =	vand.u32 $0xFFFF, v0  }
0x225: {  	v8 =	vld [tilespmem:s20+$0x20];
	v7 =	vand.u32 $0xFFFF, v1  }
0x226: {  	v10 =	vld [tilespmem:s20+$0xFFFFFFC0];
	v9 =	vand.u32 $0xFFFF, v2  }
0x227: {  	v11 =	vand.u32 $0xFFFF, v3  }
0x228: {  	v12 =	vand.u32 $0xFFFF, v4  }
0x229: {  	v13 =	vand.u32 $0xFFFF, v5;
	v6 =	vld.idx.msk [tilespmem:v6+s10+$0x0], $0xffff  }
0x22a: {  	v14 =	vand.u32 $0xFFFF, v8;
	v7 =	vld.idx.msk [tilespmem:v7+s10+$0x0], $0xffff  }
0x22b: {  	v15 =	vand.u32 $0xFFFF, v10;
	v9 =	vld.idx.msk [tilespmem:v9+s10+$0x0], $0xffff  }
0x22c: {  	v0 =	vshra.s32 v0, $0x10;
	v11 =	vld.idx.msk [tilespmem:v11+s10+$0x0], $0xffff  }
0x22d: {  	v1 =	vshra.s32 v1, $0x10;
	v12 =	vld.idx.msk [tilespmem:v12+s10+$0x0], $0xffff  }
0x22e: {  	s18 =	simm.s32 $0x14080;
	v16 =	vshra.s32 v2, $0x10;
	v13 =	vld.idx.msk [tilespmem:v13+s10+$0x0], $0xffff  }
0x22f: {  	v17 =	vshra.s32 v3, $0x10;
	v14 =	vld.idx.msk [tilespmem:v14+s10+$0x0], $0xffff;
	[tilespmem:s18+$0x60] =	vst v6  }
0x230: {  	v2 =	vld.idx.msk [tilespmem:v15+s10+$0x0], $0xffff;
	v6 =	vshra.s32 v4, $0x10;
	[tilespmem:s18+$0xFFFFFFA0] =	vst v7  }
0x231: {  	v7 =	vshra.s32 v5, $0x10;
	[tilespmem:s18+$0xFFFFFFC0] =	vst v9;
	v18 =	vld.idx.msk [tilespmem:v0+s10+$0x0], $0xffff  }
0x232: {  	[tilespmem:s18+$0xFFFFFFE0] =	vst v11;
	v3 =	vld.idx.msk [tilespmem:v1+s10+$0x0], $0xffff  }
0x233: {  	[tilespmem:s18+$0x0] =	vst v12;
	v4 =	vld.idx.msk [tilespmem:v16+s10+$0x0], $0xffff  }
0x234: {  	[tilespmem:s18+$0x20] =	vst v13;
	v5 =	vld.idx.msk [tilespmem:v17+s10+$0x0], $0xffff  }
0x235: {  	[tilespmem:s18+$0x40] =	vst v14;
	v6 =	vld.idx.msk [tilespmem:v6+s10+$0x0], $0xffff  }
0x236: {  	s19 =	simm.s32 $0x0;
	s20 =	simm.s32 $0xC0;
	v0 =	vshra.s32 v8, $0x10;
	v1 =	vshra.s32 v10, $0x10;
	v7 =	vld.idx.msk [tilespmem:v7+s10+$0x0], $0xffff;
	[tilespmem:s18+$0x70] =	vst v18  }
.LBB2_16:
0x237: {  	v8 =	vld [tilespmem:s20+$0x30];
	s19 =	sadd.s32 $0x80, s19;
	[tilespmem:s18+$0xFFFFFF80] =	vst v2  }
0x238: {  	v2 =	vld [tilespmem:s20+$0xFFFFFFD0];
	p0 =	slt.u32 s19, $0x3F80;
	[tilespmem:s18+$0xFFFFFFB0] =	vst v3  }
0x239: {  	v3 =	vld [tilespmem:s20+$0xFFFFFFE0];
	[tilespmem:s18+$0xFFFFFFD0] =	vst v4  }
0x23a: {  	v4 =	vld [tilespmem:s20+$0xFFFFFFF0];
	[tilespmem:s18+$0xFFFFFFF0] =	vst v5  }
0x23b: {  	v5 =	vld [tilespmem:s20+$0x0];
	[tilespmem:s18+$0x10] =	vst v6  }
0x23c: {  	v6 =	vld [tilespmem:s20+$0x10];
	v9 =	vand.u32 $0xFFFF, v8;
	[tilespmem:s18+$0x30] =	vst v7  }
0x23d: {  	v7 =	vshra.s32 v2, $0x10;
	v2 =	vand.u32 $0xFFFF, v2;
	v10 =	vld [tilespmem:s20+$0x20]  }
0x23e: {  	v11 =	vld [tilespmem:s20+$0xFFFFFFC0];
	v12 =	vshra.s32 v3, $0x10;
	v3 =	vand.u32 $0xFFFF, v3  }
0x23f: {  	v13 =	vshra.s32 v4, $0x10;
	v4 =	vand.u32 $0xFFFF, v4;
	v14 =	vld.idx.msk [tilespmem:v1+s10+$0x0], $0xffff  }
0x240: {  	v15 =	vshra.s32 v5, $0x10;
	v5 =	vand.u32 $0xFFFF, v5;
	v16 =	vld.idx.msk [tilespmem:v0+s10+$0x0], $0xffff  }
0x241: {  	v17 =	vshra.s32 v6, $0x10;
	v6 =	vand.u32 $0xFFFF, v6;
	v9 =	vld.idx.msk [tilespmem:v9+s10+$0x0], $0xffff  }
0x242: {  	v2 =	vld.idx.msk [tilespmem:v2+s10+$0x0], $0xffff;
	v0 =	vshra.s32 v10, $0x10;
	v10 =	vand.u32 $0xFFFF, v10  }
0x243: {  	v8 =	vshra.s32 v8, $0x10;
	v1 =	vshra.s32 v11, $0x10;
	v11 =	vand.u32 $0xFFFF, v11;
	v3 =	vld.idx.msk [tilespmem:v3+s10+$0x0], $0xffff  }
0x244: {  	v4 =	vld.idx.msk [tilespmem:v4+s10+$0x0], $0xffff  }
0x245: {  	v5 =	vld.idx.msk [tilespmem:v5+s10+$0x0], $0xffff;
	[tilespmem:s18+$0xFFFFFF90] =	vst v14  }
0x246: {  	v6 =	vld.idx.msk [tilespmem:v6+s10+$0x0], $0xffff;
	[tilespmem:s18+$0x50] =	vst v16;
	s18 =	sadd.s32 $0x100, s18  }
0x247: {  	v10 =	vld.idx.msk [tilespmem:v10+s10+$0x0], $0xffff;
	[tilespmem:s18+$0x60] =	vst v9  }
0x248: {  	[tilespmem:s18+$0xFFFFFFA0] =	vst v2;
	v8 =	vld.idx.msk [tilespmem:v8+s10+$0x0], $0xffff  }
0x249: {  	v2 =	vld.idx.msk [tilespmem:v11+s10+$0x0], $0xffff;
	[tilespmem:s18+$0xFFFFFFC0] =	vst v3  }
.Ltmp7:
0x24a: {  	v3 =	vld.idx.msk [tilespmem:v7+s10+$0x0], $0xffff;
	[tilespmem:s18+$0xFFFFFFE0] =	vst v4;
	(pc) =	sbr.rel @p0 .LBB2_16-.Ltmp7, $4  }
0x24b: {  	v4 =	vld.idx.msk [tilespmem:v12+s10+$0x0], $0xffff;
	[tilespmem:s18+$0x0] =	vst v5  }
0x24c: {  	v5 =	vld.idx.msk [tilespmem:v13+s10+$0x0], $0xffff;
	[tilespmem:s18+$0x20] =	vst v6  }
0x24d: {  	v6 =	vld.idx.msk [tilespmem:v15+s10+$0x0], $0xffff;
	[tilespmem:s18+$0x40] =	vst v10  }
0x24e: {  	s20 =	sadd.s32 $0x80, s20;
	v7 =	vld.idx.msk [tilespmem:v17+s10+$0x0], $0xffff;
	[tilespmem:s18+$0x70] =	vst v8  }
0x24f: {  	_ =	sdelay $0x2  }
0x250: {  	[tilespmem:s18+$0xFFFFFF80] =	vst v2  }
0x251: {  	[tilespmem:s18+$0xFFFFFFB0] =	vst v3;
	v0 =	vld.idx.msk [tilespmem:v0+s10+$0x0], $0xffff  }
0x252: {  	v1 =	vld.idx.msk [tilespmem:v1+s10+$0x0], $0xffff;
	[tilespmem:s18+$0xFFFFFFD0] =	vst v4  }
0x253: {  	[tilespmem:s18+$0xFFFFFFF0] =	vst v5  }
0x254: {  	[tilespmem:s18+$0x10] =	vst v6  }
0x255: {  	[tilespmem:s18+$0x30] =	vst v7  }
0x256: {  	[tilespmem:s18+$0x50] =	vst v0  }
0x257: {  	[tilespmem:s18+$0xFFFFFF90] =	vst v1  }
0x258: {  	s18 =	sld [smem:$0x7F3];
	_ =	sdelay $0x2  }
0x259: {  	[hbm4b:s18+s6] =	stream.strided.scatter [tilespmem:s14], [sflag:$0x5], $0x8000, s7, s6, $0x38;
	[tilespmem:$0x1C000] =	vst v63  }
0x25a: {  	s19 =	rddreg [dreg:$0xd]  }
0x25b: {  	[tilespmem:s10], [sflag:$0x3] =	stream.strided.gather [hbm4b:s19+s6], $0x4000, s7, s6, $0x38;
	[tilespmem:$0x1C000] =	vst v63  }
0x25c: {  	_ =	swait.ge [sflag:s11], $0x4000  }
0x25d: {  	[sflag:s11] =	ssyncset.done $0x0  }
0x25e: {  	[sflag:s11] =	ssyncadd.s32 $0xFFFFC000  }
0x25f: {  	_ =	swait.ge [sflag:s15], $0x8000  }
0x260: {  	[sflag:s15] =	ssyncset.done $0x0  }
0x261: {  	s20 =	simm.s32 $0x40;
	[sflag:s15] =	ssyncadd.s32 $0xFFFF8000  }
0x262: {  	v0 =	vld [tilespmem:s20+$0x30]  }
0x263: {  	v1 =	vld [tilespmem:s20+$0xFFFFFFD0]  }
0x264: {  	v2 =	vld [tilespmem:s20+$0xFFFFFFE0]  }
0x265: {  	v3 =	vld [tilespmem:s20+$0xFFFFFFF0]  }
0x266: {  	v4 =	vld [tilespmem:s20+$0x0]  }
0x267: {  	v5 =	vld [tilespmem:s20+$0x10];
	v6 =	vand.u32 $0xFFFF, v0  }
0x268: {  	v8 =	vld [tilespmem:s20+$0x20];
	v7 =	vand.u32 $0xFFFF, v1  }
0x269: {  	v10 =	vld [tilespmem:s20+$0xFFFFFFC0];
	v9 =	vand.u32 $0xFFFF, v2  }
0x26a: {  	v11 =	vand.u32 $0xFFFF, v3  }
0x26b: {  	v12 =	vand.u32 $0xFFFF, v4  }
0x26c: {  	v13 =	vand.u32 $0xFFFF, v5;
	v6 =	vld.idx.msk [tilespmem:v6+s8+$0x0], $0xffff  }
0x26d: {  	v14 =	vand.u32 $0xFFFF, v8;
	v7 =	vld.idx.msk [tilespmem:v7+s8+$0x0], $0xffff  }
0x26e: {  	v15 =	vand.u32 $0xFFFF, v10;
	v9 =	vld.idx.msk [tilespmem:v9+s8+$0x0], $0xffff  }
0x26f: {  	v0 =	vshra.s32 v0, $0x10;
	v11 =	vld.idx.msk [tilespmem:v11+s8+$0x0], $0xffff  }
0x270: {  	v1 =	vshra.s32 v1, $0x10;
	v12 =	vld.idx.msk [tilespmem:v12+s8+$0x0], $0xffff  }
0x271: {  	s18 =	simm.s32 $0xC080;
	v16 =	vshra.s32 v2, $0x10;
	v13 =	vld.idx.msk [tilespmem:v13+s8+$0x0], $0xffff  }
0x272: {  	v17 =	vshra.s32 v3, $0x10;
	v14 =	vld.idx.msk [tilespmem:v14+s8+$0x0], $0xffff;
	[tilespmem:s18+$0x60] =	vst v6  }
0x273: {  	v2 =	vld.idx.msk [tilespmem:v15+s8+$0x0], $0xffff;
	v6 =	vshra.s32 v4, $0x10;
	[tilespmem:s18+$0xFFFFFFA0] =	vst v7  }
0x274: {  	v7 =	vshra.s32 v5, $0x10;
	[tilespmem:s18+$0xFFFFFFC0] =	vst v9;
	v18 =	vld.idx.msk [tilespmem:v0+s8+$0x0], $0xffff  }
0x275: {  	[tilespmem:s18+$0xFFFFFFE0] =	vst v11;
	v3 =	vld.idx.msk [tilespmem:v1+s8+$0x0], $0xffff  }
0x276: {  	[tilespmem:s18+$0x0] =	vst v12;
	v4 =	vld.idx.msk [tilespmem:v16+s8+$0x0], $0xffff  }
0x277: {  	[tilespmem:s18+$0x20] =	vst v13;
	v5 =	vld.idx.msk [tilespmem:v17+s8+$0x0], $0xffff  }
0x278: {  	[tilespmem:s18+$0x40] =	vst v14;
	v6 =	vld.idx.msk [tilespmem:v6+s8+$0x0], $0xffff  }
0x279: {  	s19 =	simm.s32 $0x0;
	s20 =	simm.s32 $0xC0;
	v0 =	vshra.s32 v8, $0x10;
	v1 =	vshra.s32 v10, $0x10;
	v7 =	vld.idx.msk [tilespmem:v7+s8+$0x0], $0xffff;
	[tilespmem:s18+$0x70] =	vst v18  }
.LBB2_18:
0x27a: {  	v8 =	vld [tilespmem:s20+$0x30];
	s19 =	sadd.s32 $0x80, s19;
	[tilespmem:s18+$0xFFFFFF80] =	vst v2  }
0x27b: {  	v2 =	vld [tilespmem:s20+$0xFFFFFFD0];
	p0 =	slt.u32 s19, $0x3F80;
	[tilespmem:s18+$0xFFFFFFB0] =	vst v3  }
0x27c: {  	v3 =	vld [tilespmem:s20+$0xFFFFFFE0];
	[tilespmem:s18+$0xFFFFFFD0] =	vst v4  }
0x27d: {  	v4 =	vld [tilespmem:s20+$0xFFFFFFF0];
	[tilespmem:s18+$0xFFFFFFF0] =	vst v5  }
0x27e: {  	v5 =	vld [tilespmem:s20+$0x0];
	[tilespmem:s18+$0x10] =	vst v6  }
0x27f: {  	v6 =	vld [tilespmem:s20+$0x10];
	v9 =	vand.u32 $0xFFFF, v8;
	[tilespmem:s18+$0x30] =	vst v7  }
0x280: {  	v7 =	vshra.s32 v2, $0x10;
	v2 =	vand.u32 $0xFFFF, v2;
	v10 =	vld [tilespmem:s20+$0x20]  }
0x281: {  	v11 =	vld [tilespmem:s20+$0xFFFFFFC0];
	v12 =	vshra.s32 v3, $0x10;
	v3 =	vand.u32 $0xFFFF, v3  }
0x282: {  	v13 =	vshra.s32 v4, $0x10;
	v4 =	vand.u32 $0xFFFF, v4;
	v14 =	vld.idx.msk [tilespmem:v1+s8+$0x0], $0xffff  }
0x283: {  	v15 =	vshra.s32 v5, $0x10;
	v5 =	vand.u32 $0xFFFF, v5;
	v16 =	vld.idx.msk [tilespmem:v0+s8+$0x0], $0xffff  }
0x284: {  	v17 =	vshra.s32 v6, $0x10;
	v6 =	vand.u32 $0xFFFF, v6;
	v9 =	vld.idx.msk [tilespmem:v9+s8+$0x0], $0xffff  }
0x285: {  	v2 =	vld.idx.msk [tilespmem:v2+s8+$0x0], $0xffff;
	v0 =	vshra.s32 v10, $0x10;
	v10 =	vand.u32 $0xFFFF, v10  }
0x286: {  	v8 =	vshra.s32 v8, $0x10;
	v1 =	vshra.s32 v11, $0x10;
	v11 =	vand.u32 $0xFFFF, v11;
	v3 =	vld.idx.msk [tilespmem:v3+s8+$0x0], $0xffff  }
0x287: {  	v4 =	vld.idx.msk [tilespmem:v4+s8+$0x0], $0xffff  }
0x288: {  	v5 =	vld.idx.msk [tilespmem:v5+s8+$0x0], $0xffff;
	[tilespmem:s18+$0xFFFFFF90] =	vst v14  }
0x289: {  	v6 =	vld.idx.msk [tilespmem:v6+s8+$0x0], $0xffff;
	[tilespmem:s18+$0x50] =	vst v16;
	s18 =	sadd.s32 $0x100, s18  }
0x28a: {  	v10 =	vld.idx.msk [tilespmem:v10+s8+$0x0], $0xffff;
	[tilespmem:s18+$0x60] =	vst v9  }
0x28b: {  	[tilespmem:s18+$0xFFFFFFA0] =	vst v2;
	v8 =	vld.idx.msk [tilespmem:v8+s8+$0x0], $0xffff  }
0x28c: {  	v2 =	vld.idx.msk [tilespmem:v11+s8+$0x0], $0xffff;
	[tilespmem:s18+$0xFFFFFFC0] =	vst v3  }
.Ltmp8:
0x28d: {  	v3 =	vld.idx.msk [tilespmem:v7+s8+$0x0], $0xffff;
	[tilespmem:s18+$0xFFFFFFE0] =	vst v4;
	(pc) =	sbr.rel @p0 .LBB2_18-.Ltmp8, $4  }
0x28e: {  	v4 =	vld.idx.msk [tilespmem:v12+s8+$0x0], $0xffff;
	[tilespmem:s18+$0x0] =	vst v5  }
0x28f: {  	v5 =	vld.idx.msk [tilespmem:v13+s8+$0x0], $0xffff;
	[tilespmem:s18+$0x20] =	vst v6  }
0x290: {  	v6 =	vld.idx.msk [tilespmem:v15+s8+$0x0], $0xffff;
	[tilespmem:s18+$0x40] =	vst v10  }
0x291: {  	s20 =	sadd.s32 $0x80, s20;
	v7 =	vld.idx.msk [tilespmem:v17+s8+$0x0], $0xffff;
	[tilespmem:s18+$0x70] =	vst v8  }
0x292: {  	_ =	sdelay $0x2  }
0x293: {  	[tilespmem:s18+$0xFFFFFF80] =	vst v2  }
0x294: {  	[tilespmem:s18+$0xFFFFFFB0] =	vst v3;
	v0 =	vld.idx.msk [tilespmem:v0+s8+$0x0], $0xffff  }
0x295: {  	v1 =	vld.idx.msk [tilespmem:v1+s8+$0x0], $0xffff;
	[tilespmem:s18+$0xFFFFFFD0] =	vst v4  }
0x296: {  	[tilespmem:s18+$0xFFFFFFF0] =	vst v5  }
0x297: {  	[tilespmem:s18+$0x10] =	vst v6  }
0x298: {  	[tilespmem:s18+$0x30] =	vst v7  }
0x299: {  	[tilespmem:s18+$0x50] =	vst v0  }
0x29a: {  	[tilespmem:s18+$0xFFFFFF90] =	vst v1  }
0x29b: {  	s18 =	sld [smem:$0x7F4];
	_ =	sdelay $0x2  }
0x29c: {  	[hbm4b:s18+s6] =	stream.strided.scatter [tilespmem:s12], [sflag:$0x4], $0x8000, s7, s6, $0x38;
	[tilespmem:$0x1C000] =	vst v63  }
0x29d: {  	s19 =	rddreg [dreg:$0xe]  }
0x29e: {  	[tilespmem:s8], [sflag:$0x2] =	stream.strided.gather [hbm4b:s19+s6], $0x4000, s7, s6, $0x38;
	[tilespmem:$0x1C000] =	vst v63  }
0x29f: {  	_ =	swait.ge [sflag:s13], $0x4000  }
0x2a0: {  	[sflag:s13] =	ssyncset.done $0x0  }
0x2a1: {  	[sflag:s13] =	ssyncadd.s32 $0xFFFFC000  }
0x2a2: {  	_ =	swait.ge [sflag:s16], $0x8000  }
0x2a3: {  	[sflag:s16] =	ssyncset.done $0x0  }
0x2a4: {  	s20 =	simm.s32 $0x40;
	[sflag:s16] =	ssyncadd.s32 $0xFFFF8000  }
0x2a5: {  	v0 =	vld [tilespmem:s20+$0x30]  }
0x2a6: {  	v1 =	vld [tilespmem:s20+$0xFFFFFFD0]  }
0x2a7: {  	v2 =	vld [tilespmem:s20+$0xFFFFFFE0]  }
0x2a8: {  	v3 =	vld [tilespmem:s20+$0xFFFFFFF0]  }
0x2a9: {  	v4 =	vld [tilespmem:s20+$0x0]  }
0x2aa: {  	v5 =	vld [tilespmem:s20+$0x10];
	v6 =	vand.u32 $0xFFFF, v0  }
0x2ab: {  	v8 =	vld [tilespmem:s20+$0x20];
	v7 =	vand.u32 $0xFFFF, v1  }
0x2ac: {  	v10 =	vld [tilespmem:s20+$0xFFFFFFC0];
	v9 =	vand.u32 $0xFFFF, v2  }
0x2ad: {  	v11 =	vand.u32 $0xFFFF, v3  }
0x2ae: {  	v12 =	vand.u32 $0xFFFF, v4  }
0x2af: {  	v13 =	vand.u32 $0xFFFF, v5;
	v6 =	vld.idx.msk [tilespmem:v6+s10+$0x0], $0xffff  }
0x2b0: {  	v14 =	vand.u32 $0xFFFF, v8;
	v7 =	vld.idx.msk [tilespmem:v7+s10+$0x0], $0xffff  }
0x2b1: {  	v15 =	vand.u32 $0xFFFF, v10;
	v9 =	vld.idx.msk [tilespmem:v9+s10+$0x0], $0xffff  }
0x2b2: {  	v0 =	vshra.s32 v0, $0x10;
	v11 =	vld.idx.msk [tilespmem:v11+s10+$0x0], $0xffff  }
0x2b3: {  	v1 =	vshra.s32 v1, $0x10;
	v12 =	vld.idx.msk [tilespmem:v12+s10+$0x0], $0xffff  }
0x2b4: {  	s18 =	simm.s32 $0x14080;
	v16 =	vshra.s32 v2, $0x10;
	v13 =	vld.idx.msk [tilespmem:v13+s10+$0x0], $0xffff  }
0x2b5: {  	v17 =	vshra.s32 v3, $0x10;
	v14 =	vld.idx.msk [tilespmem:v14+s10+$0x0], $0xffff;
	[tilespmem:s18+$0x60] =	vst v6  }
0x2b6: {  	v2 =	vld.idx.msk [tilespmem:v15+s10+$0x0], $0xffff;
	v6 =	vshra.s32 v4, $0x10;
	[tilespmem:s18+$0xFFFFFFA0] =	vst v7  }
0x2b7: {  	v7 =	vshra.s32 v5, $0x10;
	[tilespmem:s18+$0xFFFFFFC0] =	vst v9;
	v18 =	vld.idx.msk [tilespmem:v0+s10+$0x0], $0xffff  }
0x2b8: {  	[tilespmem:s18+$0xFFFFFFE0] =	vst v11;
	v3 =	vld.idx.msk [tilespmem:v1+s10+$0x0], $0xffff  }
0x2b9: {  	[tilespmem:s18+$0x0] =	vst v12;
	v4 =	vld.idx.msk [tilespmem:v16+s10+$0x0], $0xffff  }
0x2ba: {  	[tilespmem:s18+$0x20] =	vst v13;
	v5 =	vld.idx.msk [tilespmem:v17+s10+$0x0], $0xffff  }
0x2bb: {  	[tilespmem:s18+$0x40] =	vst v14;
	v6 =	vld.idx.msk [tilespmem:v6+s10+$0x0], $0xffff  }
0x2bc: {  	s19 =	simm.s32 $0x0;
	s20 =	simm.s32 $0xC0;
	v0 =	vshra.s32 v8, $0x10;
	v1 =	vshra.s32 v10, $0x10;
	v7 =	vld.idx.msk [tilespmem:v7+s10+$0x0], $0xffff;
	[tilespmem:s18+$0x70] =	vst v18  }
.LBB2_20:
0x2bd: {  	v8 =	vld [tilespmem:s20+$0x30];
	s19 =	sadd.s32 $0x80, s19;
	[tilespmem:s18+$0xFFFFFF80] =	vst v2  }
0x2be: {  	v2 =	vld [tilespmem:s20+$0xFFFFFFD0];
	p0 =	slt.u32 s19, $0x3F80;
	[tilespmem:s18+$0xFFFFFFB0] =	vst v3  }
0x2bf: {  	v3 =	vld [tilespmem:s20+$0xFFFFFFE0];
	[tilespmem:s18+$0xFFFFFFD0] =	vst v4  }
0x2c0: {  	v4 =	vld [tilespmem:s20+$0xFFFFFFF0];
	[tilespmem:s18+$0xFFFFFFF0] =	vst v5  }
0x2c1: {  	v5 =	vld [tilespmem:s20+$0x0];
	[tilespmem:s18+$0x10] =	vst v6  }
0x2c2: {  	v6 =	vld [tilespmem:s20+$0x10];
	v9 =	vand.u32 $0xFFFF, v8;
	[tilespmem:s18+$0x30] =	vst v7  }
0x2c3: {  	v7 =	vshra.s32 v2, $0x10;
	v2 =	vand.u32 $0xFFFF, v2;
	v10 =	vld [tilespmem:s20+$0x20]  }
0x2c4: {  	v11 =	vld [tilespmem:s20+$0xFFFFFFC0];
	v12 =	vshra.s32 v3, $0x10;
	v3 =	vand.u32 $0xFFFF, v3  }
0x2c5: {  	v13 =	vshra.s32 v4, $0x10;
	v4 =	vand.u32 $0xFFFF, v4;
	v14 =	vld.idx.msk [tilespmem:v1+s10+$0x0], $0xffff  }
0x2c6: {  	v15 =	vshra.s32 v5, $0x10;
	v5 =	vand.u32 $0xFFFF, v5;
	v16 =	vld.idx.msk [tilespmem:v0+s10+$0x0], $0xffff  }
0x2c7: {  	v17 =	vshra.s32 v6, $0x10;
	v6 =	vand.u32 $0xFFFF, v6;
	v9 =	vld.idx.msk [tilespmem:v9+s10+$0x0], $0xffff  }
0x2c8: {  	v2 =	vld.idx.msk [tilespmem:v2+s10+$0x0], $0xffff;
	v0 =	vshra.s32 v10, $0x10;
	v10 =	vand.u32 $0xFFFF, v10  }
0x2c9: {  	v8 =	vshra.s32 v8, $0x10;
	v1 =	vshra.s32 v11, $0x10;
	v11 =	vand.u32 $0xFFFF, v11;
	v3 =	vld.idx.msk [tilespmem:v3+s10+$0x0], $0xffff  }
0x2ca: {  	v4 =	vld.idx.msk [tilespmem:v4+s10+$0x0], $0xffff  }
0x2cb: {  	v5 =	vld.idx.msk [tilespmem:v5+s10+$0x0], $0xffff;
	[tilespmem:s18+$0xFFFFFF90] =	vst v14  }
0x2cc: {  	v6 =	vld.idx.msk [tilespmem:v6+s10+$0x0], $0xffff;
	[tilespmem:s18+$0x50] =	vst v16;
	s18 =	sadd.s32 $0x100, s18  }
0x2cd: {  	v10 =	vld.idx.msk [tilespmem:v10+s10+$0x0], $0xffff;
	[tilespmem:s18+$0x60] =	vst v9  }
0x2ce: {  	[tilespmem:s18+$0xFFFFFFA0] =	vst v2;
	v8 =	vld.idx.msk [tilespmem:v8+s10+$0x0], $0xffff  }
0x2cf: {  	v2 =	vld.idx.msk [tilespmem:v11+s10+$0x0], $0xffff;
	[tilespmem:s18+$0xFFFFFFC0] =	vst v3  }
.Ltmp9:
0x2d0: {  	v3 =	vld.idx.msk [tilespmem:v7+s10+$0x0], $0xffff;
	[tilespmem:s18+$0xFFFFFFE0] =	vst v4;
	(pc) =	sbr.rel @p0 .LBB2_20-.Ltmp9, $4  }
0x2d1: {  	v4 =	vld.idx.msk [tilespmem:v12+s10+$0x0], $0xffff;
	[tilespmem:s18+$0x0] =	vst v5  }
0x2d2: {  	v5 =	vld.idx.msk [tilespmem:v13+s10+$0x0], $0xffff;
	[tilespmem:s18+$0x20] =	vst v6  }
0x2d3: {  	v6 =	vld.idx.msk [tilespmem:v15+s10+$0x0], $0xffff;
	[tilespmem:s18+$0x40] =	vst v10  }
0x2d4: {  	s20 =	sadd.s32 $0x80, s20;
	v7 =	vld.idx.msk [tilespmem:v17+s10+$0x0], $0xffff;
	[tilespmem:s18+$0x70] =	vst v8  }
0x2d5: {  	_ =	sdelay $0x2  }
0x2d6: {  	[tilespmem:s18+$0xFFFFFF80] =	vst v2  }
0x2d7: {  	[tilespmem:s18+$0xFFFFFFB0] =	vst v3;
	v0 =	vld.idx.msk [tilespmem:v0+s10+$0x0], $0xffff  }
0x2d8: {  	v1 =	vld.idx.msk [tilespmem:v1+s10+$0x0], $0xffff;
	[tilespmem:s18+$0xFFFFFFD0] =	vst v4  }
0x2d9: {  	[tilespmem:s18+$0xFFFFFFF0] =	vst v5  }
0x2da: {  	[tilespmem:s18+$0x10] =	vst v6  }
0x2db: {  	[tilespmem:s18+$0x30] =	vst v7  }
0x2dc: {  	[tilespmem:s18+$0x50] =	vst v0  }
0x2dd: {  	[tilespmem:s18+$0xFFFFFF90] =	vst v1  }
0x2de: {  	s18 =	sld [smem:$0x7F5];
	_ =	sdelay $0x2  }
0x2df: {  	[hbm4b:s18+s6] =	stream.strided.scatter [tilespmem:s14], [sflag:$0x5], $0x8000, s7, s6, $0x38;
	[tilespmem:$0x1C000] =	vst v63  }
0x2e0: {  	s19 =	rddreg [dreg:$0xf]  }
0x2e1: {  	[tilespmem:s10], [sflag:$0x3] =	stream.strided.gather [hbm4b:s19+s6], $0x4000, s7, s6, $0x38;
	[tilespmem:$0x1C000] =	vst v63  }
0x2e2: {  	_ =	swait.ge [sflag:s11], $0x4000  }
0x2e3: {  	[sflag:s11] =	ssyncset.done $0x0  }
0x2e4: {  	[sflag:s11] =	ssyncadd.s32 $0xFFFFC000  }
0x2e5: {  	_ =	swait.ge [sflag:s15], $0x8000  }
0x2e6: {  	[sflag:s15] =	ssyncset.done $0x0  }
0x2e7: {  	s20 =	simm.s32 $0x40;
	[sflag:s15] =	ssyncadd.s32 $0xFFFF8000  }
0x2e8: {  	v0 =	vld [tilespmem:s20+$0x30]  }
0x2e9: {  	v1 =	vld [tilespmem:s20+$0xFFFFFFD0]  }
0x2ea: {  	v2 =	vld [tilespmem:s20+$0xFFFFFFE0]  }
0x2eb: {  	v3 =	vld [tilespmem:s20+$0xFFFFFFF0]  }
0x2ec: {  	v4 =	vld [tilespmem:s20+$0x0]  }
0x2ed: {  	v5 =	vld [tilespmem:s20+$0x10];
	v6 =	vand.u32 $0xFFFF, v0  }
0x2ee: {  	v8 =	vld [tilespmem:s20+$0x20];
	v7 =	vand.u32 $0xFFFF, v1  }
0x2ef: {  	v10 =	vld [tilespmem:s20+$0xFFFFFFC0];
	v9 =	vand.u32 $0xFFFF, v2  }
0x2f0: {  	v11 =	vand.u32 $0xFFFF, v3  }
0x2f1: {  	v12 =	vand.u32 $0xFFFF, v4  }
0x2f2: {  	v13 =	vand.u32 $0xFFFF, v5;
	v6 =	vld.idx.msk [tilespmem:v6+s8+$0x0], $0xffff  }
0x2f3: {  	v14 =	vand.u32 $0xFFFF, v8;
	v7 =	vld.idx.msk [tilespmem:v7+s8+$0x0], $0xffff  }
0x2f4: {  	v15 =	vand.u32 $0xFFFF, v10;
	v9 =	vld.idx.msk [tilespmem:v9+s8+$0x0], $0xffff  }
0x2f5: {  	v0 =	vshra.s32 v0, $0x10;
	v11 =	vld.idx.msk [tilespmem:v11+s8+$0x0], $0xffff  }
0x2f6: {  	v1 =	vshra.s32 v1, $0x10;
	v12 =	vld.idx.msk [tilespmem:v12+s8+$0x0], $0xffff  }
0x2f7: {  	s18 =	simm.s32 $0xC080;
	v16 =	vshra.s32 v2, $0x10;
	v13 =	vld.idx.msk [tilespmem:v13+s8+$0x0], $0xffff  }
0x2f8: {  	v17 =	vshra.s32 v3, $0x10;
	v14 =	vld.idx.msk [tilespmem:v14+s8+$0x0], $0xffff;
	[tilespmem:s18+$0x60] =	vst v6  }
0x2f9: {  	v2 =	vld.idx.msk [tilespmem:v15+s8+$0x0], $0xffff;
	v6 =	vshra.s32 v4, $0x10;
	[tilespmem:s18+$0xFFFFFFA0] =	vst v7  }
0x2fa: {  	v7 =	vshra.s32 v5, $0x10;
	[tilespmem:s18+$0xFFFFFFC0] =	vst v9;
	v18 =	vld.idx.msk [tilespmem:v0+s8+$0x0], $0xffff  }
0x2fb: {  	[tilespmem:s18+$0xFFFFFFE0] =	vst v11;
	v3 =	vld.idx.msk [tilespmem:v1+s8+$0x0], $0xffff  }
0x2fc: {  	[tilespmem:s18+$0x0] =	vst v12;
	v4 =	vld.idx.msk [tilespmem:v16+s8+$0x0], $0xffff  }
0x2fd: {  	[tilespmem:s18+$0x20] =	vst v13;
	v5 =	vld.idx.msk [tilespmem:v17+s8+$0x0], $0xffff  }
0x2fe: {  	[tilespmem:s18+$0x40] =	vst v14;
	v6 =	vld.idx.msk [tilespmem:v6+s8+$0x0], $0xffff  }
0x2ff: {  	s19 =	simm.s32 $0x0;
	s20 =	simm.s32 $0xC0;
	v0 =	vshra.s32 v8, $0x10;
	v1 =	vshra.s32 v10, $0x10;
	v7 =	vld.idx.msk [tilespmem:v7+s8+$0x0], $0xffff;
	[tilespmem:s18+$0x70] =	vst v18  }
.LBB2_22:
0x300: {  	v8 =	vld [tilespmem:s20+$0x30];
	s19 =	sadd.s32 $0x80, s19;
	[tilespmem:s18+$0xFFFFFF80] =	vst v2  }
0x301: {  	v2 =	vld [tilespmem:s20+$0xFFFFFFD0];
	p0 =	slt.u32 s19, $0x3F80;
	[tilespmem:s18+$0xFFFFFFB0] =	vst v3  }
0x302: {  	v3 =	vld [tilespmem:s20+$0xFFFFFFE0];
	[tilespmem:s18+$0xFFFFFFD0] =	vst v4  }
0x303: {  	v4 =	vld [tilespmem:s20+$0xFFFFFFF0];
	[tilespmem:s18+$0xFFFFFFF0] =	vst v5  }
0x304: {  	v5 =	vld [tilespmem:s20+$0x0];
	[tilespmem:s18+$0x10] =	vst v6  }
0x305: {  	v6 =	vld [tilespmem:s20+$0x10];
	v9 =	vand.u32 $0xFFFF, v8;
	[tilespmem:s18+$0x30] =	vst v7  }
0x306: {  	v7 =	vshra.s32 v2, $0x10;
	v2 =	vand.u32 $0xFFFF, v2;
	v10 =	vld [tilespmem:s20+$0x20]  }
0x307: {  	v11 =	vld [tilespmem:s20+$0xFFFFFFC0];
	v12 =	vshra.s32 v3, $0x10;
	v3 =	vand.u32 $0xFFFF, v3  }
0x308: {  	v13 =	vshra.s32 v4, $0x10;
	v4 =	vand.u32 $0xFFFF, v4;
	v14 =	vld.idx.msk [tilespmem:v1+s8+$0x0], $0xffff  }
0x309: {  	v15 =	vshra.s32 v5, $0x10;
	v5 =	vand.u32 $0xFFFF, v5;
	v16 =	vld.idx.msk [tilespmem:v0+s8+$0x0], $0xffff  }
0x30a: {  	v17 =	vshra.s32 v6, $0x10;
	v6 =	vand.u32 $0xFFFF, v6;
	v9 =	vld.idx.msk [tilespmem:v9+s8+$0x0], $0xffff  }
0x30b: {  	v2 =	vld.idx.msk [tilespmem:v2+s8+$0x0], $0xffff;
	v0 =	vshra.s32 v10, $0x10;
	v10 =	vand.u32 $0xFFFF, v10  }
0x30c: {  	v8 =	vshra.s32 v8, $0x10;
	v1 =	vshra.s32 v11, $0x10;
	v11 =	vand.u32 $0xFFFF, v11;
	v3 =	vld.idx.msk [tilespmem:v3+s8+$0x0], $0xffff  }
0x30d: {  	v4 =	vld.idx.msk [tilespmem:v4+s8+$0x0], $0xffff  }
0x30e: {  	v5 =	vld.idx.msk [tilespmem:v5+s8+$0x0], $0xffff;
	[tilespmem:s18+$0xFFFFFF90] =	vst v14  }
0x30f: {  	v6 =	vld.idx.msk [tilespmem:v6+s8+$0x0], $0xffff;
	[tilespmem:s18+$0x50] =	vst v16;
	s18 =	sadd.s32 $0x100, s18  }
0x310: {  	v10 =	vld.idx.msk [tilespmem:v10+s8+$0x0], $0xffff;
	[tilespmem:s18+$0x60] =	vst v9  }
0x311: {  	[tilespmem:s18+$0xFFFFFFA0] =	vst v2;
	v8 =	vld.idx.msk [tilespmem:v8+s8+$0x0], $0xffff  }
0x312: {  	v2 =	vld.idx.msk [tilespmem:v11+s8+$0x0], $0xffff;
	[tilespmem:s18+$0xFFFFFFC0] =	vst v3  }
.Ltmp10:
0x313: {  	v3 =	vld.idx.msk [tilespmem:v7+s8+$0x0], $0xffff;
	[tilespmem:s18+$0xFFFFFFE0] =	vst v4;
	(pc) =	sbr.rel @p0 .LBB2_22-.Ltmp10, $4  }
0x314: {  	v4 =	vld.idx.msk [tilespmem:v12+s8+$0x0], $0xffff;
	[tilespmem:s18+$0x0] =	vst v5  }
0x315: {  	v5 =	vld.idx.msk [tilespmem:v13+s8+$0x0], $0xffff;
	[tilespmem:s18+$0x20] =	vst v6  }
0x316: {  	v6 =	vld.idx.msk [tilespmem:v15+s8+$0x0], $0xffff;
	[tilespmem:s18+$0x40] =	vst v10  }
0x317: {  	s20 =	sadd.s32 $0x80, s20;
	v7 =	vld.idx.msk [tilespmem:v17+s8+$0x0], $0xffff;
	[tilespmem:s18+$0x70] =	vst v8  }
0x318: {  	_ =	sdelay $0x2  }
0x319: {  	[tilespmem:s18+$0xFFFFFF80] =	vst v2  }
0x31a: {  	[tilespmem:s18+$0xFFFFFFB0] =	vst v3;
	v0 =	vld.idx.msk [tilespmem:v0+s8+$0x0], $0xffff  }
0x31b: {  	v1 =	vld.idx.msk [tilespmem:v1+s8+$0x0], $0xffff;
	[tilespmem:s18+$0xFFFFFFD0] =	vst v4  }
0x31c: {  	[tilespmem:s18+$0xFFFFFFF0] =	vst v5  }
0x31d: {  	[tilespmem:s18+$0x10] =	vst v6  }
0x31e: {  	[tilespmem:s18+$0x30] =	vst v7  }
0x31f: {  	[tilespmem:s18+$0x50] =	vst v0  }
0x320: {  	[tilespmem:s18+$0xFFFFFF90] =	vst v1  }
0x321: {  	s18 =	sld [smem:$0x7F6];
	_ =	sdelay $0x2  }
0x322: {  	[hbm4b:s18+s6] =	stream.strided.scatter [tilespmem:s12], [sflag:$0x4], $0x8000, s7, s6, $0x38;
	[tilespmem:$0x1C000] =	vst v63  }
0x323: {  	s19 =	rddreg [dreg:$0x10]  }
0x324: {  	[tilespmem:s8], [sflag:$0x2] =	stream.strided.gather [hbm4b:s19+s6], $0x4000, s7, s6, $0x38;
	[tilespmem:$0x1C000] =	vst v63  }
0x325: {  	_ =	swait.ge [sflag:s13], $0x4000  }
0x326: {  	[sflag:s13] =	ssyncset.done $0x0  }
0x327: {  	[sflag:s13] =	ssyncadd.s32 $0xFFFFC000  }
0x328: {  	_ =	swait.ge [sflag:s16], $0x8000  }
0x329: {  	[sflag:s16] =	ssyncset.done $0x0  }
0x32a: {  	s20 =	simm.s32 $0x40;
	[sflag:s16] =	ssyncadd.s32 $0xFFFF8000  }
0x32b: {  	v0 =	vld [tilespmem:s20+$0x30]  }
0x32c: {  	v1 =	vld [tilespmem:s20+$0xFFFFFFD0]  }
0x32d: {  	v2 =	vld [tilespmem:s20+$0xFFFFFFE0]  }
0x32e: {  	v3 =	vld [tilespmem:s20+$0xFFFFFFF0]  }
0x32f: {  	v4 =	vld [tilespmem:s20+$0x0]  }
0x330: {  	v5 =	vld [tilespmem:s20+$0x10];
	v6 =	vand.u32 $0xFFFF, v0  }
0x331: {  	v8 =	vld [tilespmem:s20+$0x20];
	v7 =	vand.u32 $0xFFFF, v1  }
0x332: {  	v10 =	vld [tilespmem:s20+$0xFFFFFFC0];
	v9 =	vand.u32 $0xFFFF, v2  }
0x333: {  	v11 =	vand.u32 $0xFFFF, v3  }
0x334: {  	v12 =	vand.u32 $0xFFFF, v4  }
0x335: {  	v13 =	vand.u32 $0xFFFF, v5;
	v6 =	vld.idx.msk [tilespmem:v6+s10+$0x0], $0xffff  }
0x336: {  	v14 =	vand.u32 $0xFFFF, v8;
	v7 =	vld.idx.msk [tilespmem:v7+s10+$0x0], $0xffff  }
0x337: {  	v15 =	vand.u32 $0xFFFF, v10;
	v9 =	vld.idx.msk [tilespmem:v9+s10+$0x0], $0xffff  }
0x338: {  	v0 =	vshra.s32 v0, $0x10;
	v11 =	vld.idx.msk [tilespmem:v11+s10+$0x0], $0xffff  }
0x339: {  	v1 =	vshra.s32 v1, $0x10;
	v12 =	vld.idx.msk [tilespmem:v12+s10+$0x0], $0xffff  }
0x33a: {  	s18 =	simm.s32 $0x14080;
	v16 =	vshra.s32 v2, $0x10;
	v13 =	vld.idx.msk [tilespmem:v13+s10+$0x0], $0xffff  }
0x33b: {  	v17 =	vshra.s32 v3, $0x10;
	v14 =	vld.idx.msk [tilespmem:v14+s10+$0x0], $0xffff;
	[tilespmem:s18+$0x60] =	vst v6  }
0x33c: {  	v2 =	vld.idx.msk [tilespmem:v15+s10+$0x0], $0xffff;
	v6 =	vshra.s32 v4, $0x10;
	[tilespmem:s18+$0xFFFFFFA0] =	vst v7  }
0x33d: {  	v7 =	vshra.s32 v5, $0x10;
	[tilespmem:s18+$0xFFFFFFC0] =	vst v9;
	v18 =	vld.idx.msk [tilespmem:v0+s10+$0x0], $0xffff  }
0x33e: {  	[tilespmem:s18+$0xFFFFFFE0] =	vst v11;
	v3 =	vld.idx.msk [tilespmem:v1+s10+$0x0], $0xffff  }
0x33f: {  	[tilespmem:s18+$0x0] =	vst v12;
	v4 =	vld.idx.msk [tilespmem:v16+s10+$0x0], $0xffff  }
0x340: {  	[tilespmem:s18+$0x20] =	vst v13;
	v5 =	vld.idx.msk [tilespmem:v17+s10+$0x0], $0xffff  }
0x341: {  	[tilespmem:s18+$0x40] =	vst v14;
	v6 =	vld.idx.msk [tilespmem:v6+s10+$0x0], $0xffff  }
0x342: {  	s19 =	simm.s32 $0x0;
	s20 =	simm.s32 $0xC0;
	v0 =	vshra.s32 v8, $0x10;
	v1 =	vshra.s32 v10, $0x10;
	v7 =	vld.idx.msk [tilespmem:v7+s10+$0x0], $0xffff;
	[tilespmem:s18+$0x70] =	vst v18  }
.LBB2_24:
0x343: {  	v8 =	vld [tilespmem:s20+$0x30];
	s19 =	sadd.s32 $0x80, s19;
	[tilespmem:s18+$0xFFFFFF80] =	vst v2  }
0x344: {  	v2 =	vld [tilespmem:s20+$0xFFFFFFD0];
	p0 =	slt.u32 s19, $0x3F80;
	[tilespmem:s18+$0xFFFFFFB0] =	vst v3  }
0x345: {  	v3 =	vld [tilespmem:s20+$0xFFFFFFE0];
	[tilespmem:s18+$0xFFFFFFD0] =	vst v4  }
0x346: {  	v4 =	vld [tilespmem:s20+$0xFFFFFFF0];
	[tilespmem:s18+$0xFFFFFFF0] =	vst v5  }
0x347: {  	v5 =	vld [tilespmem:s20+$0x0];
	[tilespmem:s18+$0x10] =	vst v6  }
0x348: {  	v6 =	vld [tilespmem:s20+$0x10];
	v9 =	vand.u32 $0xFFFF, v8;
	[tilespmem:s18+$0x30] =	vst v7  }
0x349: {  	v7 =	vshra.s32 v2, $0x10;
	v2 =	vand.u32 $0xFFFF, v2;
	v10 =	vld [tilespmem:s20+$0x20]  }
0x34a: {  	v11 =	vld [tilespmem:s20+$0xFFFFFFC0];
	v12 =	vshra.s32 v3, $0x10;
	v3 =	vand.u32 $0xFFFF, v3  }
0x34b: {  	v13 =	vshra.s32 v4, $0x10;
	v4 =	vand.u32 $0xFFFF, v4;
	v14 =	vld.idx.msk [tilespmem:v1+s10+$0x0], $0xffff  }
0x34c: {  	v15 =	vshra.s32 v5, $0x10;
	v5 =	vand.u32 $0xFFFF, v5;
	v16 =	vld.idx.msk [tilespmem:v0+s10+$0x0], $0xffff  }
0x34d: {  	v17 =	vshra.s32 v6, $0x10;
	v6 =	vand.u32 $0xFFFF, v6;
	v9 =	vld.idx.msk [tilespmem:v9+s10+$0x0], $0xffff  }
0x34e: {  	v2 =	vld.idx.msk [tilespmem:v2+s10+$0x0], $0xffff;
	v0 =	vshra.s32 v10, $0x10;
	v10 =	vand.u32 $0xFFFF, v10  }
0x34f: {  	v8 =	vshra.s32 v8, $0x10;
	v1 =	vshra.s32 v11, $0x10;
	v11 =	vand.u32 $0xFFFF, v11;
	v3 =	vld.idx.msk [tilespmem:v3+s10+$0x0], $0xffff  }
0x350: {  	v4 =	vld.idx.msk [tilespmem:v4+s10+$0x0], $0xffff  }
0x351: {  	v5 =	vld.idx.msk [tilespmem:v5+s10+$0x0], $0xffff;
	[tilespmem:s18+$0xFFFFFF90] =	vst v14  }
0x352: {  	v6 =	vld.idx.msk [tilespmem:v6+s10+$0x0], $0xffff;
	[tilespmem:s18+$0x50] =	vst v16;
	s18 =	sadd.s32 $0x100, s18  }
0x353: {  	v10 =	vld.idx.msk [tilespmem:v10+s10+$0x0], $0xffff;
	[tilespmem:s18+$0x60] =	vst v9  }
0x354: {  	[tilespmem:s18+$0xFFFFFFA0] =	vst v2;
	v8 =	vld.idx.msk [tilespmem:v8+s10+$0x0], $0xffff  }
0x355: {  	v2 =	vld.idx.msk [tilespmem:v11+s10+$0x0], $0xffff;
	[tilespmem:s18+$0xFFFFFFC0] =	vst v3  }
.Ltmp11:
0x356: {  	v3 =	vld.idx.msk [tilespmem:v7+s10+$0x0], $0xffff;
	[tilespmem:s18+$0xFFFFFFE0] =	vst v4;
	(pc) =	sbr.rel @p0 .LBB2_24-.Ltmp11, $4  }
0x357: {  	v4 =	vld.idx.msk [tilespmem:v12+s10+$0x0], $0xffff;
	[tilespmem:s18+$0x0] =	vst v5  }
0x358: {  	v5 =	vld.idx.msk [tilespmem:v13+s10+$0x0], $0xffff;
	[tilespmem:s18+$0x20] =	vst v6  }
0x359: {  	v6 =	vld.idx.msk [tilespmem:v15+s10+$0x0], $0xffff;
	[tilespmem:s18+$0x40] =	vst v10  }
0x35a: {  	s20 =	sadd.s32 $0x80, s20;
	v7 =	vld.idx.msk [tilespmem:v17+s10+$0x0], $0xffff;
	[tilespmem:s18+$0x70] =	vst v8  }
0x35b: {  	_ =	sdelay $0x2  }
0x35c: {  	[tilespmem:s18+$0xFFFFFF80] =	vst v2  }
0x35d: {  	[tilespmem:s18+$0xFFFFFFB0] =	vst v3;
	v0 =	vld.idx.msk [tilespmem:v0+s10+$0x0], $0xffff  }
0x35e: {  	v1 =	vld.idx.msk [tilespmem:v1+s10+$0x0], $0xffff;
	[tilespmem:s18+$0xFFFFFFD0] =	vst v4  }
0x35f: {  	[tilespmem:s18+$0xFFFFFFF0] =	vst v5  }
0x360: {  	[tilespmem:s18+$0x10] =	vst v6  }
0x361: {  	[tilespmem:s18+$0x30] =	vst v7  }
0x362: {  	[tilespmem:s18+$0x50] =	vst v0  }
0x363: {  	[tilespmem:s18+$0xFFFFFF90] =	vst v1  }
0x364: {  	s18 =	sld [smem:$0x7F7];
	_ =	sdelay $0x2  }
0x365: {  	[hbm4b:s18+s6] =	stream.strided.scatter [tilespmem:s14], [sflag:$0x5], $0x8000, s7, s6, $0x38;
	[tilespmem:$0x1C000] =	vst v63  }
0x366: {  	s19 =	rddreg [dreg:$0x11]  }
0x367: {  	[tilespmem:s10], [sflag:$0x3] =	stream.strided.gather [hbm4b:s19+s6], $0x4000, s7, s6, $0x38;
	[tilespmem:$0x1C000] =	vst v63  }
0x368: {  	_ =	swait.ge [sflag:s11], $0x4000  }
0x369: {  	[sflag:s11] =	ssyncset.done $0x0  }
0x36a: {  	[sflag:s11] =	ssyncadd.s32 $0xFFFFC000  }
0x36b: {  	_ =	swait.ge [sflag:s15], $0x8000  }
0x36c: {  	[sflag:s15] =	ssyncset.done $0x0  }
0x36d: {  	s20 =	simm.s32 $0x40;
	[sflag:s15] =	ssyncadd.s32 $0xFFFF8000  }
0x36e: {  	v0 =	vld [tilespmem:s20+$0x30]  }
0x36f: {  	v1 =	vld [tilespmem:s20+$0xFFFFFFD0]  }
0x370: {  	v2 =	vld [tilespmem:s20+$0xFFFFFFE0]  }
0x371: {  	v3 =	vld [tilespmem:s20+$0xFFFFFFF0]  }
0x372: {  	v4 =	vld [tilespmem:s20+$0x0]  }
0x373: {  	v5 =	vld [tilespmem:s20+$0x10];
	v6 =	vand.u32 $0xFFFF, v0  }
0x374: {  	v8 =	vld [tilespmem:s20+$0x20];
	v7 =	vand.u32 $0xFFFF, v1  }
0x375: {  	v10 =	vld [tilespmem:s20+$0xFFFFFFC0];
	v9 =	vand.u32 $0xFFFF, v2  }
0x376: {  	v11 =	vand.u32 $0xFFFF, v3  }
0x377: {  	v12 =	vand.u32 $0xFFFF, v4  }
0x378: {  	v13 =	vand.u32 $0xFFFF, v5;
	v6 =	vld.idx.msk [tilespmem:v6+s8+$0x0], $0xffff  }
0x379: {  	v14 =	vand.u32 $0xFFFF, v8;
	v7 =	vld.idx.msk [tilespmem:v7+s8+$0x0], $0xffff  }
0x37a: {  	v15 =	vand.u32 $0xFFFF, v10;
	v9 =	vld.idx.msk [tilespmem:v9+s8+$0x0], $0xffff  }
0x37b: {  	v0 =	vshra.s32 v0, $0x10;
	v11 =	vld.idx.msk [tilespmem:v11+s8+$0x0], $0xffff  }
0x37c: {  	v1 =	vshra.s32 v1, $0x10;
	v12 =	vld.idx.msk [tilespmem:v12+s8+$0x0], $0xffff  }
0x37d: {  	s18 =	simm.s32 $0xC080;
	v16 =	vshra.s32 v2, $0x10;
	v13 =	vld.idx.msk [tilespmem:v13+s8+$0x0], $0xffff  }
0x37e: {  	v17 =	vshra.s32 v3, $0x10;
	v14 =	vld.idx.msk [tilespmem:v14+s8+$0x0], $0xffff;
	[tilespmem:s18+$0x60] =	vst v6  }
0x37f: {  	v2 =	vld.idx.msk [tilespmem:v15+s8+$0x0], $0xffff;
	v6 =	vshra.s32 v4, $0x10;
	[tilespmem:s18+$0xFFFFFFA0] =	vst v7  }
0x380: {  	v7 =	vshra.s32 v5, $0x10;
	[tilespmem:s18+$0xFFFFFFC0] =	vst v9;
	v18 =	vld.idx.msk [tilespmem:v0+s8+$0x0], $0xffff  }
0x381: {  	[tilespmem:s18+$0xFFFFFFE0] =	vst v11;
	v3 =	vld.idx.msk [tilespmem:v1+s8+$0x0], $0xffff  }
0x382: {  	[tilespmem:s18+$0x0] =	vst v12;
	v4 =	vld.idx.msk [tilespmem:v16+s8+$0x0], $0xffff  }
0x383: {  	[tilespmem:s18+$0x20] =	vst v13;
	v5 =	vld.idx.msk [tilespmem:v17+s8+$0x0], $0xffff  }
0x384: {  	[tilespmem:s18+$0x40] =	vst v14;
	v6 =	vld.idx.msk [tilespmem:v6+s8+$0x0], $0xffff  }
0x385: {  	s19 =	simm.s32 $0x0;
	s20 =	simm.s32 $0xC0;
	v0 =	vshra.s32 v8, $0x10;
	v1 =	vshra.s32 v10, $0x10;
	v7 =	vld.idx.msk [tilespmem:v7+s8+$0x0], $0xffff;
	[tilespmem:s18+$0x70] =	vst v18  }
.LBB2_26:
0x386: {  	v8 =	vld [tilespmem:s20+$0x30];
	s19 =	sadd.s32 $0x80, s19;
	[tilespmem:s18+$0xFFFFFF80] =	vst v2  }
0x387: {  	v2 =	vld [tilespmem:s20+$0xFFFFFFD0];
	p0 =	slt.u32 s19, $0x3F80;
	[tilespmem:s18+$0xFFFFFFB0] =	vst v3  }
0x388: {  	v3 =	vld [tilespmem:s20+$0xFFFFFFE0];
	[tilespmem:s18+$0xFFFFFFD0] =	vst v4  }
0x389: {  	v4 =	vld [tilespmem:s20+$0xFFFFFFF0];
	[tilespmem:s18+$0xFFFFFFF0] =	vst v5  }
0x38a: {  	v5 =	vld [tilespmem:s20+$0x0];
	[tilespmem:s18+$0x10] =	vst v6  }
0x38b: {  	v6 =	vld [tilespmem:s20+$0x10];
	v9 =	vand.u32 $0xFFFF, v8;
	[tilespmem:s18+$0x30] =	vst v7  }
0x38c: {  	v7 =	vshra.s32 v2, $0x10;
	v2 =	vand.u32 $0xFFFF, v2;
	v10 =	vld [tilespmem:s20+$0x20]  }
0x38d: {  	v11 =	vld [tilespmem:s20+$0xFFFFFFC0];
	v12 =	vshra.s32 v3, $0x10;
	v3 =	vand.u32 $0xFFFF, v3  }
0x38e: {  	v13 =	vshra.s32 v4, $0x10;
	v4 =	vand.u32 $0xFFFF, v4;
	v14 =	vld.idx.msk [tilespmem:v1+s8+$0x0], $0xffff  }
0x38f: {  	v15 =	vshra.s32 v5, $0x10;
	v5 =	vand.u32 $0xFFFF, v5;
	v16 =	vld.idx.msk [tilespmem:v0+s8+$0x0], $0xffff  }
0x390: {  	v17 =	vshra.s32 v6, $0x10;
	v6 =	vand.u32 $0xFFFF, v6;
	v9 =	vld.idx.msk [tilespmem:v9+s8+$0x0], $0xffff  }
0x391: {  	v2 =	vld.idx.msk [tilespmem:v2+s8+$0x0], $0xffff;
	v0 =	vshra.s32 v10, $0x10;
	v10 =	vand.u32 $0xFFFF, v10  }
0x392: {  	v8 =	vshra.s32 v8, $0x10;
	v1 =	vshra.s32 v11, $0x10;
	v11 =	vand.u32 $0xFFFF, v11;
	v3 =	vld.idx.msk [tilespmem:v3+s8+$0x0], $0xffff  }
0x393: {  	v4 =	vld.idx.msk [tilespmem:v4+s8+$0x0], $0xffff  }
0x394: {  	v5 =	vld.idx.msk [tilespmem:v5+s8+$0x0], $0xffff;
	[tilespmem:s18+$0xFFFFFF90] =	vst v14  }
0x395: {  	v6 =	vld.idx.msk [tilespmem:v6+s8+$0x0], $0xffff;
	[tilespmem:s18+$0x50] =	vst v16;
	s18 =	sadd.s32 $0x100, s18  }
0x396: {  	v10 =	vld.idx.msk [tilespmem:v10+s8+$0x0], $0xffff;
	[tilespmem:s18+$0x60] =	vst v9  }
0x397: {  	[tilespmem:s18+$0xFFFFFFA0] =	vst v2;
	v8 =	vld.idx.msk [tilespmem:v8+s8+$0x0], $0xffff  }
0x398: {  	v2 =	vld.idx.msk [tilespmem:v11+s8+$0x0], $0xffff;
	[tilespmem:s18+$0xFFFFFFC0] =	vst v3  }
.Ltmp12:
0x399: {  	v3 =	vld.idx.msk [tilespmem:v7+s8+$0x0], $0xffff;
	[tilespmem:s18+$0xFFFFFFE0] =	vst v4;
	(pc) =	sbr.rel @p0 .LBB2_26-.Ltmp12, $4  }
0x39a: {  	v4 =	vld.idx.msk [tilespmem:v12+s8+$0x0], $0xffff;
	[tilespmem:s18+$0x0] =	vst v5  }
0x39b: {  	v5 =	vld.idx.msk [tilespmem:v13+s8+$0x0], $0xffff;
	[tilespmem:s18+$0x20] =	vst v6  }
0x39c: {  	v6 =	vld.idx.msk [tilespmem:v15+s8+$0x0], $0xffff;
	[tilespmem:s18+$0x40] =	vst v10  }
0x39d: {  	s20 =	sadd.s32 $0x80, s20;
	v7 =	vld.idx.msk [tilespmem:v17+s8+$0x0], $0xffff;
	[tilespmem:s18+$0x70] =	vst v8  }
0x39e: {  	_ =	sdelay $0x2  }
0x39f: {  	[tilespmem:s18+$0xFFFFFF80] =	vst v2  }
0x3a0: {  	[tilespmem:s18+$0xFFFFFFB0] =	vst v3;
	v0 =	vld.idx.msk [tilespmem:v0+s8+$0x0], $0xffff  }
0x3a1: {  	v1 =	vld.idx.msk [tilespmem:v1+s8+$0x0], $0xffff;
	[tilespmem:s18+$0xFFFFFFD0] =	vst v4  }
0x3a2: {  	[tilespmem:s18+$0xFFFFFFF0] =	vst v5  }
0x3a3: {  	[tilespmem:s18+$0x10] =	vst v6  }
0x3a4: {  	[tilespmem:s18+$0x30] =	vst v7  }
0x3a5: {  	[tilespmem:s18+$0x50] =	vst v0  }
0x3a6: {  	[tilespmem:s18+$0xFFFFFF90] =	vst v1  }
0x3a7: {  	s18 =	sld [smem:$0x7F8];
	_ =	sdelay $0x2  }
0x3a8: {  	[hbm4b:s18+s6] =	stream.strided.scatter [tilespmem:s12], [sflag:$0x4], $0x8000, s7, s6, $0x38;
	[tilespmem:$0x1C000] =	vst v63  }
0x3a9: {  	s19 =	rddreg [dreg:$0x12]  }
0x3aa: {  	[tilespmem:s8], [sflag:$0x2] =	stream.strided.gather [hbm4b:s19+s6], $0x4000, s7, s6, $0x38;
	[tilespmem:$0x1C000] =	vst v63  }
0x3ab: {  	_ =	swait.ge [sflag:s13], $0x4000  }
0x3ac: {  	[sflag:s13] =	ssyncset.done $0x0  }
0x3ad: {  	[sflag:s13] =	ssyncadd.s32 $0xFFFFC000  }
0x3ae: {  	_ =	swait.ge [sflag:s16], $0x8000  }
0x3af: {  	[sflag:s16] =	ssyncset.done $0x0  }
0x3b0: {  	s20 =	simm.s32 $0x40;
	[sflag:s16] =	ssyncadd.s32 $0xFFFF8000  }
0x3b1: {  	v0 =	vld [tilespmem:s20+$0x30]  }
0x3b2: {  	v1 =	vld [tilespmem:s20+$0xFFFFFFD0]  }
0x3b3: {  	v2 =	vld [tilespmem:s20+$0xFFFFFFE0]  }
0x3b4: {  	v3 =	vld [tilespmem:s20+$0xFFFFFFF0]  }
0x3b5: {  	v4 =	vld [tilespmem:s20+$0x0]  }
0x3b6: {  	v5 =	vld [tilespmem:s20+$0x10];
	v6 =	vand.u32 $0xFFFF, v0  }
0x3b7: {  	v8 =	vld [tilespmem:s20+$0x20];
	v7 =	vand.u32 $0xFFFF, v1  }
0x3b8: {  	v10 =	vld [tilespmem:s20+$0xFFFFFFC0];
	v9 =	vand.u32 $0xFFFF, v2  }
0x3b9: {  	v11 =	vand.u32 $0xFFFF, v3  }
0x3ba: {  	v12 =	vand.u32 $0xFFFF, v4  }
0x3bb: {  	v13 =	vand.u32 $0xFFFF, v5;
	v6 =	vld.idx.msk [tilespmem:v6+s10+$0x0], $0xffff  }
0x3bc: {  	v14 =	vand.u32 $0xFFFF, v8;
	v7 =	vld.idx.msk [tilespmem:v7+s10+$0x0], $0xffff  }
0x3bd: {  	v15 =	vand.u32 $0xFFFF, v10;
	v9 =	vld.idx.msk [tilespmem:v9+s10+$0x0], $0xffff  }
0x3be: {  	v0 =	vshra.s32 v0, $0x10;
	v11 =	vld.idx.msk [tilespmem:v11+s10+$0x0], $0xffff  }
0x3bf: {  	v1 =	vshra.s32 v1, $0x10;
	v12 =	vld.idx.msk [tilespmem:v12+s10+$0x0], $0xffff  }
0x3c0: {  	s18 =	simm.s32 $0x14080;
	v16 =	vshra.s32 v2, $0x10;
	v13 =	vld.idx.msk [tilespmem:v13+s10+$0x0], $0xffff  }
0x3c1: {  	v17 =	vshra.s32 v3, $0x10;
	v14 =	vld.idx.msk [tilespmem:v14+s10+$0x0], $0xffff;
	[tilespmem:s18+$0x60] =	vst v6  }
0x3c2: {  	v2 =	vld.idx.msk [tilespmem:v15+s10+$0x0], $0xffff;
	v6 =	vshra.s32 v4, $0x10;
	[tilespmem:s18+$0xFFFFFFA0] =	vst v7  }
0x3c3: {  	v7 =	vshra.s32 v5, $0x10;
	[tilespmem:s18+$0xFFFFFFC0] =	vst v9;
	v18 =	vld.idx.msk [tilespmem:v0+s10+$0x0], $0xffff  }
0x3c4: {  	[tilespmem:s18+$0xFFFFFFE0] =	vst v11;
	v3 =	vld.idx.msk [tilespmem:v1+s10+$0x0], $0xffff  }
0x3c5: {  	[tilespmem:s18+$0x0] =	vst v12;
	v4 =	vld.idx.msk [tilespmem:v16+s10+$0x0], $0xffff  }
0x3c6: {  	[tilespmem:s18+$0x20] =	vst v13;
	v5 =	vld.idx.msk [tilespmem:v17+s10+$0x0], $0xffff  }
0x3c7: {  	[tilespmem:s18+$0x40] =	vst v14;
	v6 =	vld.idx.msk [tilespmem:v6+s10+$0x0], $0xffff  }
0x3c8: {  	s19 =	simm.s32 $0x0;
	s20 =	simm.s32 $0xC0;
	v0 =	vshra.s32 v8, $0x10;
	v1 =	vshra.s32 v10, $0x10;
	v7 =	vld.idx.msk [tilespmem:v7+s10+$0x0], $0xffff;
	[tilespmem:s18+$0x70] =	vst v18  }
.LBB2_28:
0x3c9: {  	v8 =	vld [tilespmem:s20+$0x30];
	s19 =	sadd.s32 $0x80, s19;
	[tilespmem:s18+$0xFFFFFF80] =	vst v2  }
0x3ca: {  	v2 =	vld [tilespmem:s20+$0xFFFFFFD0];
	p0 =	slt.u32 s19, $0x3F80;
	[tilespmem:s18+$0xFFFFFFB0] =	vst v3  }
0x3cb: {  	v3 =	vld [tilespmem:s20+$0xFFFFFFE0];
	[tilespmem:s18+$0xFFFFFFD0] =	vst v4  }
0x3cc: {  	v4 =	vld [tilespmem:s20+$0xFFFFFFF0];
	[tilespmem:s18+$0xFFFFFFF0] =	vst v5  }
0x3cd: {  	v5 =	vld [tilespmem:s20+$0x0];
	[tilespmem:s18+$0x10] =	vst v6  }
0x3ce: {  	v6 =	vld [tilespmem:s20+$0x10];
	v9 =	vand.u32 $0xFFFF, v8;
	[tilespmem:s18+$0x30] =	vst v7  }
0x3cf: {  	v7 =	vshra.s32 v2, $0x10;
	v2 =	vand.u32 $0xFFFF, v2;
	v10 =	vld [tilespmem:s20+$0x20]  }
0x3d0: {  	v11 =	vld [tilespmem:s20+$0xFFFFFFC0];
	v12 =	vshra.s32 v3, $0x10;
	v3 =	vand.u32 $0xFFFF, v3  }
0x3d1: {  	v13 =	vshra.s32 v4, $0x10;
	v4 =	vand.u32 $0xFFFF, v4;
	v14 =	vld.idx.msk [tilespmem:v1+s10+$0x0], $0xffff  }
0x3d2: {  	v15 =	vshra.s32 v5, $0x10;
	v5 =	vand.u32 $0xFFFF, v5;
	v16 =	vld.idx.msk [tilespmem:v0+s10+$0x0], $0xffff  }
0x3d3: {  	v17 =	vshra.s32 v6, $0x10;
	v6 =	vand.u32 $0xFFFF, v6;
	v9 =	vld.idx.msk [tilespmem:v9+s10+$0x0], $0xffff  }
0x3d4: {  	v2 =	vld.idx.msk [tilespmem:v2+s10+$0x0], $0xffff;
	v0 =	vshra.s32 v10, $0x10;
	v10 =	vand.u32 $0xFFFF, v10  }
0x3d5: {  	v8 =	vshra.s32 v8, $0x10;
	v1 =	vshra.s32 v11, $0x10;
	v11 =	vand.u32 $0xFFFF, v11;
	v3 =	vld.idx.msk [tilespmem:v3+s10+$0x0], $0xffff  }
0x3d6: {  	v4 =	vld.idx.msk [tilespmem:v4+s10+$0x0], $0xffff  }
0x3d7: {  	v5 =	vld.idx.msk [tilespmem:v5+s10+$0x0], $0xffff;
	[tilespmem:s18+$0xFFFFFF90] =	vst v14  }
0x3d8: {  	v6 =	vld.idx.msk [tilespmem:v6+s10+$0x0], $0xffff;
	[tilespmem:s18+$0x50] =	vst v16;
	s18 =	sadd.s32 $0x100, s18  }
0x3d9: {  	v10 =	vld.idx.msk [tilespmem:v10+s10+$0x0], $0xffff;
	[tilespmem:s18+$0x60] =	vst v9  }
0x3da: {  	[tilespmem:s18+$0xFFFFFFA0] =	vst v2;
	v8 =	vld.idx.msk [tilespmem:v8+s10+$0x0], $0xffff  }
0x3db: {  	v2 =	vld.idx.msk [tilespmem:v11+s10+$0x0], $0xffff;
	[tilespmem:s18+$0xFFFFFFC0] =	vst v3  }
.Ltmp13:
0x3dc: {  	v3 =	vld.idx.msk [tilespmem:v7+s10+$0x0], $0xffff;
	[tilespmem:s18+$0xFFFFFFE0] =	vst v4;
	(pc) =	sbr.rel @p0 .LBB2_28-.Ltmp13, $4  }
0x3dd: {  	v4 =	vld.idx.msk [tilespmem:v12+s10+$0x0], $0xffff;
	[tilespmem:s18+$0x0] =	vst v5  }
0x3de: {  	v5 =	vld.idx.msk [tilespmem:v13+s10+$0x0], $0xffff;
	[tilespmem:s18+$0x20] =	vst v6  }
0x3df: {  	v6 =	vld.idx.msk [tilespmem:v15+s10+$0x0], $0xffff;
	[tilespmem:s18+$0x40] =	vst v10  }
0x3e0: {  	s20 =	sadd.s32 $0x80, s20;
	v7 =	vld.idx.msk [tilespmem:v17+s10+$0x0], $0xffff;
	[tilespmem:s18+$0x70] =	vst v8  }
0x3e1: {  	_ =	sdelay $0x2  }
0x3e2: {  	[tilespmem:s18+$0xFFFFFF80] =	vst v2  }
0x3e3: {  	[tilespmem:s18+$0xFFFFFFB0] =	vst v3;
	v0 =	vld.idx.msk [tilespmem:v0+s10+$0x0], $0xffff  }
0x3e4: {  	v1 =	vld.idx.msk [tilespmem:v1+s10+$0x0], $0xffff;
	[tilespmem:s18+$0xFFFFFFD0] =	vst v4  }
0x3e5: {  	[tilespmem:s18+$0xFFFFFFF0] =	vst v5  }
0x3e6: {  	[tilespmem:s18+$0x10] =	vst v6  }
0x3e7: {  	[tilespmem:s18+$0x30] =	vst v7  }
0x3e8: {  	[tilespmem:s18+$0x50] =	vst v0  }
0x3e9: {  	[tilespmem:s18+$0xFFFFFF90] =	vst v1  }
0x3ea: {  	s18 =	sld [smem:$0x7F9];
	_ =	sdelay $0x2  }
0x3eb: {  	[hbm4b:s18+s6] =	stream.strided.scatter [tilespmem:s14], [sflag:$0x5], $0x8000, s7, s6, $0x38;
	[tilespmem:$0x1C000] =	vst v63  }
0x3ec: {  	s19 =	rddreg [dreg:$0x13]  }
0x3ed: {  	[tilespmem:s10], [sflag:$0x3] =	stream.strided.gather [hbm4b:s19+s6], $0x4000, s7, s6, $0x38;
	[tilespmem:$0x1C000] =	vst v63  }
0x3ee: {  	_ =	swait.ge [sflag:s11], $0x4000  }
0x3ef: {  	[sflag:s11] =	ssyncset.done $0x0  }
0x3f0: {  	[sflag:s11] =	ssyncadd.s32 $0xFFFFC000  }
0x3f1: {  	_ =	swait.ge [sflag:s15], $0x8000  }
0x3f2: {  	[sflag:s15] =	ssyncset.done $0x0  }
0x3f3: {  	s20 =	simm.s32 $0x40;
	[sflag:s15] =	ssyncadd.s32 $0xFFFF8000  }
0x3f4: {  	v0 =	vld [tilespmem:s20+$0x30]  }
0x3f5: {  	v1 =	vld [tilespmem:s20+$0xFFFFFFD0]  }
0x3f6: {  	v2 =	vld [tilespmem:s20+$0xFFFFFFE0]  }
0x3f7: {  	v3 =	vld [tilespmem:s20+$0xFFFFFFF0]  }
0x3f8: {  	v4 =	vld [tilespmem:s20+$0x0]  }
0x3f9: {  	v5 =	vld [tilespmem:s20+$0x10];
	v6 =	vand.u32 $0xFFFF, v0  }
0x3fa: {  	v8 =	vld [tilespmem:s20+$0x20];
	v7 =	vand.u32 $0xFFFF, v1  }
0x3fb: {  	v10 =	vld [tilespmem:s20+$0xFFFFFFC0];
	v9 =	vand.u32 $0xFFFF, v2  }
0x3fc: {  	v11 =	vand.u32 $0xFFFF, v3  }
0x3fd: {  	v12 =	vand.u32 $0xFFFF, v4  }
0x3fe: {  	v13 =	vand.u32 $0xFFFF, v5;
	v6 =	vld.idx.msk [tilespmem:v6+s8+$0x0], $0xffff  }
0x3ff: {  	v14 =	vand.u32 $0xFFFF, v8;
	v7 =	vld.idx.msk [tilespmem:v7+s8+$0x0], $0xffff  }
0x400: {  	v15 =	vand.u32 $0xFFFF, v10;
	v9 =	vld.idx.msk [tilespmem:v9+s8+$0x0], $0xffff  }
0x401: {  	v0 =	vshra.s32 v0, $0x10;
	v11 =	vld.idx.msk [tilespmem:v11+s8+$0x0], $0xffff  }
0x402: {  	v1 =	vshra.s32 v1, $0x10;
	v12 =	vld.idx.msk [tilespmem:v12+s8+$0x0], $0xffff  }
0x403: {  	s18 =	simm.s32 $0xC080;
	v16 =	vshra.s32 v2, $0x10;
	v13 =	vld.idx.msk [tilespmem:v13+s8+$0x0], $0xffff  }
0x404: {  	v17 =	vshra.s32 v3, $0x10;
	v14 =	vld.idx.msk [tilespmem:v14+s8+$0x0], $0xffff;
	[tilespmem:s18+$0x60] =	vst v6  }
0x405: {  	v2 =	vld.idx.msk [tilespmem:v15+s8+$0x0], $0xffff;
	v6 =	vshra.s32 v4, $0x10;
	[tilespmem:s18+$0xFFFFFFA0] =	vst v7  }
0x406: {  	v7 =	vshra.s32 v5, $0x10;
	[tilespmem:s18+$0xFFFFFFC0] =	vst v9;
	v18 =	vld.idx.msk [tilespmem:v0+s8+$0x0], $0xffff  }
0x407: {  	[tilespmem:s18+$0xFFFFFFE0] =	vst v11;
	v3 =	vld.idx.msk [tilespmem:v1+s8+$0x0], $0xffff  }
0x408: {  	[tilespmem:s18+$0x0] =	vst v12;
	v4 =	vld.idx.msk [tilespmem:v16+s8+$0x0], $0xffff  }
0x409: {  	[tilespmem:s18+$0x20] =	vst v13;
	v5 =	vld.idx.msk [tilespmem:v17+s8+$0x0], $0xffff  }
0x40a: {  	[tilespmem:s18+$0x40] =	vst v14;
	v6 =	vld.idx.msk [tilespmem:v6+s8+$0x0], $0xffff  }
0x40b: {  	s19 =	simm.s32 $0x0;
	s20 =	simm.s32 $0xC0;
	v0 =	vshra.s32 v8, $0x10;
	v1 =	vshra.s32 v10, $0x10;
	v7 =	vld.idx.msk [tilespmem:v7+s8+$0x0], $0xffff;
	[tilespmem:s18+$0x70] =	vst v18  }
.LBB2_30:
0x40c: {  	v8 =	vld [tilespmem:s20+$0x30];
	s19 =	sadd.s32 $0x80, s19;
	[tilespmem:s18+$0xFFFFFF80] =	vst v2  }
0x40d: {  	v2 =	vld [tilespmem:s20+$0xFFFFFFD0];
	p0 =	slt.u32 s19, $0x3F80;
	[tilespmem:s18+$0xFFFFFFB0] =	vst v3  }
0x40e: {  	v3 =	vld [tilespmem:s20+$0xFFFFFFE0];
	[tilespmem:s18+$0xFFFFFFD0] =	vst v4  }
0x40f: {  	v4 =	vld [tilespmem:s20+$0xFFFFFFF0];
	[tilespmem:s18+$0xFFFFFFF0] =	vst v5  }
0x410: {  	v5 =	vld [tilespmem:s20+$0x0];
	[tilespmem:s18+$0x10] =	vst v6  }
0x411: {  	v6 =	vld [tilespmem:s20+$0x10];
	v9 =	vand.u32 $0xFFFF, v8;
	[tilespmem:s18+$0x30] =	vst v7  }
0x412: {  	v7 =	vshra.s32 v2, $0x10;
	v2 =	vand.u32 $0xFFFF, v2;
	v10 =	vld [tilespmem:s20+$0x20]  }
0x413: {  	v11 =	vld [tilespmem:s20+$0xFFFFFFC0];
	v12 =	vshra.s32 v3, $0x10;
	v3 =	vand.u32 $0xFFFF, v3  }
0x414: {  	v13 =	vshra.s32 v4, $0x10;
	v4 =	vand.u32 $0xFFFF, v4;
	v14 =	vld.idx.msk [tilespmem:v1+s8+$0x0], $0xffff  }
0x415: {  	v15 =	vshra.s32 v5, $0x10;
	v5 =	vand.u32 $0xFFFF, v5;
	v16 =	vld.idx.msk [tilespmem:v0+s8+$0x0], $0xffff  }
0x416: {  	v17 =	vshra.s32 v6, $0x10;
	v6 =	vand.u32 $0xFFFF, v6;
	v9 =	vld.idx.msk [tilespmem:v9+s8+$0x0], $0xffff  }
0x417: {  	v2 =	vld.idx.msk [tilespmem:v2+s8+$0x0], $0xffff;
	v0 =	vshra.s32 v10, $0x10;
	v10 =	vand.u32 $0xFFFF, v10  }
0x418: {  	v8 =	vshra.s32 v8, $0x10;
	v1 =	vshra.s32 v11, $0x10;
	v11 =	vand.u32 $0xFFFF, v11;
	v3 =	vld.idx.msk [tilespmem:v3+s8+$0x0], $0xffff  }
0x419: {  	v4 =	vld.idx.msk [tilespmem:v4+s8+$0x0], $0xffff  }
0x41a: {  	v5 =	vld.idx.msk [tilespmem:v5+s8+$0x0], $0xffff;
	[tilespmem:s18+$0xFFFFFF90] =	vst v14  }
0x41b: {  	v6 =	vld.idx.msk [tilespmem:v6+s8+$0x0], $0xffff;
	[tilespmem:s18+$0x50] =	vst v16;
	s18 =	sadd.s32 $0x100, s18  }
0x41c: {  	v10 =	vld.idx.msk [tilespmem:v10+s8+$0x0], $0xffff;
	[tilespmem:s18+$0x60] =	vst v9  }
0x41d: {  	[tilespmem:s18+$0xFFFFFFA0] =	vst v2;
	v8 =	vld.idx.msk [tilespmem:v8+s8+$0x0], $0xffff  }
0x41e: {  	v2 =	vld.idx.msk [tilespmem:v11+s8+$0x0], $0xffff;
	[tilespmem:s18+$0xFFFFFFC0] =	vst v3  }
.Ltmp14:
0x41f: {  	v3 =	vld.idx.msk [tilespmem:v7+s8+$0x0], $0xffff;
	[tilespmem:s18+$0xFFFFFFE0] =	vst v4;
	(pc) =	sbr.rel @p0 .LBB2_30-.Ltmp14, $4  }
0x420: {  	v4 =	vld.idx.msk [tilespmem:v12+s8+$0x0], $0xffff;
	[tilespmem:s18+$0x0] =	vst v5  }
0x421: {  	v5 =	vld.idx.msk [tilespmem:v13+s8+$0x0], $0xffff;
	[tilespmem:s18+$0x20] =	vst v6  }
0x422: {  	v6 =	vld.idx.msk [tilespmem:v15+s8+$0x0], $0xffff;
	[tilespmem:s18+$0x40] =	vst v10  }
0x423: {  	s20 =	sadd.s32 $0x80, s20;
	v7 =	vld.idx.msk [tilespmem:v17+s8+$0x0], $0xffff;
	[tilespmem:s18+$0x70] =	vst v8  }
0x424: {  	_ =	sdelay $0x2  }
0x425: {  	[tilespmem:s18+$0xFFFFFF80] =	vst v2  }
0x426: {  	[tilespmem:s18+$0xFFFFFFB0] =	vst v3;
	v0 =	vld.idx.msk [tilespmem:v0+s8+$0x0], $0xffff  }
0x427: {  	v1 =	vld.idx.msk [tilespmem:v1+s8+$0x0], $0xffff;
	[tilespmem:s18+$0xFFFFFFD0] =	vst v4  }
0x428: {  	[tilespmem:s18+$0xFFFFFFF0] =	vst v5  }
0x429: {  	[tilespmem:s18+$0x10] =	vst v6  }
0x42a: {  	[tilespmem:s18+$0x30] =	vst v7  }
0x42b: {  	[tilespmem:s18+$0x50] =	vst v0  }
0x42c: {  	[tilespmem:s18+$0xFFFFFF90] =	vst v1  }
0x42d: {  	s18 =	sld [smem:$0x7FA];
	_ =	sdelay $0x2  }
0x42e: {  	[hbm4b:s18+s6] =	stream.strided.scatter [tilespmem:s12], [sflag:$0x4], $0x8000, s7, s6, $0x38;
	[tilespmem:$0x1C000] =	vst v63  }
0x42f: {  	s19 =	rddreg [dreg:$0x14]  }
0x430: {  	[tilespmem:s8], [sflag:$0x2] =	stream.strided.gather [hbm4b:s19+s6], $0x4000, s7, s6, $0x38;
	[tilespmem:$0x1C000] =	vst v63  }
0x431: {  	_ =	swait.ge [sflag:s13], $0x4000  }
0x432: {  	[sflag:s13] =	ssyncset.done $0x0  }
0x433: {  	[sflag:s13] =	ssyncadd.s32 $0xFFFFC000  }
0x434: {  	_ =	swait.ge [sflag:s16], $0x8000  }
0x435: {  	[sflag:s16] =	ssyncset.done $0x0  }
0x436: {  	s20 =	simm.s32 $0x40;
	[sflag:s16] =	ssyncadd.s32 $0xFFFF8000  }
0x437: {  	v0 =	vld [tilespmem:s20+$0x30]  }
0x438: {  	v1 =	vld [tilespmem:s20+$0xFFFFFFD0]  }
0x439: {  	v2 =	vld [tilespmem:s20+$0xFFFFFFE0]  }
0x43a: {  	v3 =	vld [tilespmem:s20+$0xFFFFFFF0]  }
0x43b: {  	v4 =	vld [tilespmem:s20+$0x0]  }
0x43c: {  	v5 =	vld [tilespmem:s20+$0x10];
	v6 =	vand.u32 $0xFFFF, v0  }
0x43d: {  	v8 =	vld [tilespmem:s20+$0x20];
	v7 =	vand.u32 $0xFFFF, v1  }
0x43e: {  	v10 =	vld [tilespmem:s20+$0xFFFFFFC0];
	v9 =	vand.u32 $0xFFFF, v2  }
0x43f: {  	v11 =	vand.u32 $0xFFFF, v3  }
0x440: {  	v12 =	vand.u32 $0xFFFF, v4  }
0x441: {  	v13 =	vand.u32 $0xFFFF, v5;
	v6 =	vld.idx.msk [tilespmem:v6+s10+$0x0], $0xffff  }
0x442: {  	v14 =	vand.u32 $0xFFFF, v8;
	v7 =	vld.idx.msk [tilespmem:v7+s10+$0x0], $0xffff  }
0x443: {  	v15 =	vand.u32 $0xFFFF, v10;
	v9 =	vld.idx.msk [tilespmem:v9+s10+$0x0], $0xffff  }
0x444: {  	v0 =	vshra.s32 v0, $0x10;
	v11 =	vld.idx.msk [tilespmem:v11+s10+$0x0], $0xffff  }
0x445: {  	v1 =	vshra.s32 v1, $0x10;
	v12 =	vld.idx.msk [tilespmem:v12+s10+$0x0], $0xffff  }
0x446: {  	s18 =	simm.s32 $0x14080;
	v16 =	vshra.s32 v2, $0x10;
	v13 =	vld.idx.msk [tilespmem:v13+s10+$0x0], $0xffff  }
0x447: {  	v17 =	vshra.s32 v3, $0x10;
	v14 =	vld.idx.msk [tilespmem:v14+s10+$0x0], $0xffff;
	[tilespmem:s18+$0x60] =	vst v6  }
0x448: {  	v2 =	vld.idx.msk [tilespmem:v15+s10+$0x0], $0xffff;
	v6 =	vshra.s32 v4, $0x10;
	[tilespmem:s18+$0xFFFFFFA0] =	vst v7  }
0x449: {  	v7 =	vshra.s32 v5, $0x10;
	[tilespmem:s18+$0xFFFFFFC0] =	vst v9;
	v18 =	vld.idx.msk [tilespmem:v0+s10+$0x0], $0xffff  }
0x44a: {  	[tilespmem:s18+$0xFFFFFFE0] =	vst v11;
	v3 =	vld.idx.msk [tilespmem:v1+s10+$0x0], $0xffff  }
0x44b: {  	[tilespmem:s18+$0x0] =	vst v12;
	v4 =	vld.idx.msk [tilespmem:v16+s10+$0x0], $0xffff  }
0x44c: {  	[tilespmem:s18+$0x20] =	vst v13;
	v5 =	vld.idx.msk [tilespmem:v17+s10+$0x0], $0xffff  }
0x44d: {  	[tilespmem:s18+$0x40] =	vst v14;
	v6 =	vld.idx.msk [tilespmem:v6+s10+$0x0], $0xffff  }
0x44e: {  	s19 =	simm.s32 $0x0;
	s20 =	simm.s32 $0xC0;
	v0 =	vshra.s32 v8, $0x10;
	v1 =	vshra.s32 v10, $0x10;
	v7 =	vld.idx.msk [tilespmem:v7+s10+$0x0], $0xffff;
	[tilespmem:s18+$0x70] =	vst v18  }
.LBB2_32:
0x44f: {  	v8 =	vld [tilespmem:s20+$0x30];
	s19 =	sadd.s32 $0x80, s19;
	[tilespmem:s18+$0xFFFFFF80] =	vst v2  }
0x450: {  	v2 =	vld [tilespmem:s20+$0xFFFFFFD0];
	p0 =	slt.u32 s19, $0x3F80;
	[tilespmem:s18+$0xFFFFFFB0] =	vst v3  }
0x451: {  	v3 =	vld [tilespmem:s20+$0xFFFFFFE0];
	[tilespmem:s18+$0xFFFFFFD0] =	vst v4  }
0x452: {  	v4 =	vld [tilespmem:s20+$0xFFFFFFF0];
	[tilespmem:s18+$0xFFFFFFF0] =	vst v5  }
0x453: {  	v5 =	vld [tilespmem:s20+$0x0];
	[tilespmem:s18+$0x10] =	vst v6  }
0x454: {  	v6 =	vld [tilespmem:s20+$0x10];
	v9 =	vand.u32 $0xFFFF, v8;
	[tilespmem:s18+$0x30] =	vst v7  }
0x455: {  	v7 =	vshra.s32 v2, $0x10;
	v2 =	vand.u32 $0xFFFF, v2;
	v10 =	vld [tilespmem:s20+$0x20]  }
0x456: {  	v11 =	vld [tilespmem:s20+$0xFFFFFFC0];
	v12 =	vshra.s32 v3, $0x10;
	v3 =	vand.u32 $0xFFFF, v3  }
0x457: {  	v13 =	vshra.s32 v4, $0x10;
	v4 =	vand.u32 $0xFFFF, v4;
	v14 =	vld.idx.msk [tilespmem:v1+s10+$0x0], $0xffff  }
0x458: {  	v15 =	vshra.s32 v5, $0x10;
	v5 =	vand.u32 $0xFFFF, v5;
	v16 =	vld.idx.msk [tilespmem:v0+s10+$0x0], $0xffff  }
0x459: {  	v17 =	vshra.s32 v6, $0x10;
	v6 =	vand.u32 $0xFFFF, v6;
	v9 =	vld.idx.msk [tilespmem:v9+s10+$0x0], $0xffff  }
0x45a: {  	v2 =	vld.idx.msk [tilespmem:v2+s10+$0x0], $0xffff;
	v0 =	vshra.s32 v10, $0x10;
	v10 =	vand.u32 $0xFFFF, v10  }
0x45b: {  	v8 =	vshra.s32 v8, $0x10;
	v1 =	vshra.s32 v11, $0x10;
	v11 =	vand.u32 $0xFFFF, v11;
	v3 =	vld.idx.msk [tilespmem:v3+s10+$0x0], $0xffff  }
0x45c: {  	v4 =	vld.idx.msk [tilespmem:v4+s10+$0x0], $0xffff  }
0x45d: {  	v5 =	vld.idx.msk [tilespmem:v5+s10+$0x0], $0xffff;
	[tilespmem:s18+$0xFFFFFF90] =	vst v14  }
0x45e: {  	v6 =	vld.idx.msk [tilespmem:v6+s10+$0x0], $0xffff;
	[tilespmem:s18+$0x50] =	vst v16;
	s18 =	sadd.s32 $0x100, s18  }
0x45f: {  	v10 =	vld.idx.msk [tilespmem:v10+s10+$0x0], $0xffff;
	[tilespmem:s18+$0x60] =	vst v9  }
0x460: {  	[tilespmem:s18+$0xFFFFFFA0] =	vst v2;
	v8 =	vld.idx.msk [tilespmem:v8+s10+$0x0], $0xffff  }
0x461: {  	v2 =	vld.idx.msk [tilespmem:v11+s10+$0x0], $0xffff;
	[tilespmem:s18+$0xFFFFFFC0] =	vst v3  }
.Ltmp15:
0x462: {  	v3 =	vld.idx.msk [tilespmem:v7+s10+$0x0], $0xffff;
	[tilespmem:s18+$0xFFFFFFE0] =	vst v4;
	(pc) =	sbr.rel @p0 .LBB2_32-.Ltmp15, $4  }
0x463: {  	v4 =	vld.idx.msk [tilespmem:v12+s10+$0x0], $0xffff;
	[tilespmem:s18+$0x0] =	vst v5  }
0x464: {  	v5 =	vld.idx.msk [tilespmem:v13+s10+$0x0], $0xffff;
	[tilespmem:s18+$0x20] =	vst v6  }
0x465: {  	v6 =	vld.idx.msk [tilespmem:v15+s10+$0x0], $0xffff;
	[tilespmem:s18+$0x40] =	vst v10  }
0x466: {  	s20 =	sadd.s32 $0x80, s20;
	v7 =	vld.idx.msk [tilespmem:v17+s10+$0x0], $0xffff;
	[tilespmem:s18+$0x70] =	vst v8  }
0x467: {  	_ =	sdelay $0x2  }
0x468: {  	[tilespmem:s18+$0xFFFFFF80] =	vst v2  }
0x469: {  	[tilespmem:s18+$0xFFFFFFB0] =	vst v3;
	v0 =	vld.idx.msk [tilespmem:v0+s10+$0x0], $0xffff  }
0x46a: {  	v1 =	vld.idx.msk [tilespmem:v1+s10+$0x0], $0xffff;
	[tilespmem:s18+$0xFFFFFFD0] =	vst v4  }
0x46b: {  	[tilespmem:s18+$0xFFFFFFF0] =	vst v5  }
0x46c: {  	[tilespmem:s18+$0x10] =	vst v6  }
0x46d: {  	[tilespmem:s18+$0x30] =	vst v7  }
0x46e: {  	[tilespmem:s18+$0x50] =	vst v0  }
0x46f: {  	[tilespmem:s18+$0xFFFFFF90] =	vst v1  }
0x470: {  	s18 =	sld [smem:$0x7FB];
	_ =	sdelay $0x2  }
0x471: {  	[hbm4b:s18+s6] =	stream.strided.scatter [tilespmem:s14], [sflag:$0x5], $0x8000, s7, s6, $0x38;
	[tilespmem:$0x1C000] =	vst v63  }
0x472: {  	s19 =	rddreg [dreg:$0x15]  }
0x473: {  	[tilespmem:s10], [sflag:$0x3] =	stream.strided.gather [hbm4b:s19+s6], $0x4000, s7, s6, $0x38;
	[tilespmem:$0x1C000] =	vst v63  }
0x474: {  	_ =	swait.ge [sflag:s11], $0x4000  }
0x475: {  	[sflag:s11] =	ssyncset.done $0x0  }
0x476: {  	[sflag:s11] =	ssyncadd.s32 $0xFFFFC000  }
0x477: {  	_ =	swait.ge [sflag:s15], $0x8000  }
0x478: {  	[sflag:s15] =	ssyncset.done $0x0  }
0x479: {  	s20 =	simm.s32 $0x40;
	[sflag:s15] =	ssyncadd.s32 $0xFFFF8000  }
0x47a: {  	v0 =	vld [tilespmem:s20+$0x30]  }
0x47b: {  	v1 =	vld [tilespmem:s20+$0xFFFFFFD0]  }
0x47c: {  	v2 =	vld [tilespmem:s20+$0xFFFFFFE0]  }
0x47d: {  	v3 =	vld [tilespmem:s20+$0xFFFFFFF0]  }
0x47e: {  	v4 =	vld [tilespmem:s20+$0x0]  }
0x47f: {  	v5 =	vld [tilespmem:s20+$0x10];
	v6 =	vand.u32 $0xFFFF, v0  }
0x480: {  	v8 =	vld [tilespmem:s20+$0x20];
	v7 =	vand.u32 $0xFFFF, v1  }
0x481: {  	v10 =	vld [tilespmem:s20+$0xFFFFFFC0];
	v9 =	vand.u32 $0xFFFF, v2  }
0x482: {  	v11 =	vand.u32 $0xFFFF, v3  }
0x483: {  	v12 =	vand.u32 $0xFFFF, v4  }
0x484: {  	v13 =	vand.u32 $0xFFFF, v5;
	v6 =	vld.idx.msk [tilespmem:v6+s8+$0x0], $0xffff  }
0x485: {  	v14 =	vand.u32 $0xFFFF, v8;
	v7 =	vld.idx.msk [tilespmem:v7+s8+$0x0], $0xffff  }
0x486: {  	v15 =	vand.u32 $0xFFFF, v10;
	v9 =	vld.idx.msk [tilespmem:v9+s8+$0x0], $0xffff  }
0x487: {  	v0 =	vshra.s32 v0, $0x10;
	v11 =	vld.idx.msk [tilespmem:v11+s8+$0x0], $0xffff  }
0x488: {  	v1 =	vshra.s32 v1, $0x10;
	v12 =	vld.idx.msk [tilespmem:v12+s8+$0x0], $0xffff  }
0x489: {  	s18 =	simm.s32 $0xC080;
	v16 =	vshra.s32 v2, $0x10;
	v13 =	vld.idx.msk [tilespmem:v13+s8+$0x0], $0xffff  }
0x48a: {  	v17 =	vshra.s32 v3, $0x10;
	v14 =	vld.idx.msk [tilespmem:v14+s8+$0x0], $0xffff;
	[tilespmem:s18+$0x60] =	vst v6  }
0x48b: {  	v2 =	vld.idx.msk [tilespmem:v15+s8+$0x0], $0xffff;
	v6 =	vshra.s32 v4, $0x10;
	[tilespmem:s18+$0xFFFFFFA0] =	vst v7  }
0x48c: {  	v7 =	vshra.s32 v5, $0x10;
	[tilespmem:s18+$0xFFFFFFC0] =	vst v9;
	v18 =	vld.idx.msk [tilespmem:v0+s8+$0x0], $0xffff  }
0x48d: {  	[tilespmem:s18+$0xFFFFFFE0] =	vst v11;
	v3 =	vld.idx.msk [tilespmem:v1+s8+$0x0], $0xffff  }
0x48e: {  	[tilespmem:s18+$0x0] =	vst v12;
	v4 =	vld.idx.msk [tilespmem:v16+s8+$0x0], $0xffff  }
0x48f: {  	[tilespmem:s18+$0x20] =	vst v13;
	v5 =	vld.idx.msk [tilespmem:v17+s8+$0x0], $0xffff  }
0x490: {  	[tilespmem:s18+$0x40] =	vst v14;
	v6 =	vld.idx.msk [tilespmem:v6+s8+$0x0], $0xffff  }
0x491: {  	s19 =	simm.s32 $0x0;
	s20 =	simm.s32 $0xC0;
	v0 =	vshra.s32 v8, $0x10;
	v1 =	vshra.s32 v10, $0x10;
	v7 =	vld.idx.msk [tilespmem:v7+s8+$0x0], $0xffff;
	[tilespmem:s18+$0x70] =	vst v18  }
.LBB2_34:
0x492: {  	v8 =	vld [tilespmem:s20+$0x30];
	s19 =	sadd.s32 $0x80, s19;
	[tilespmem:s18+$0xFFFFFF80] =	vst v2  }
0x493: {  	v2 =	vld [tilespmem:s20+$0xFFFFFFD0];
	p0 =	slt.u32 s19, $0x3F80;
	[tilespmem:s18+$0xFFFFFFB0] =	vst v3  }
0x494: {  	v3 =	vld [tilespmem:s20+$0xFFFFFFE0];
	[tilespmem:s18+$0xFFFFFFD0] =	vst v4  }
0x495: {  	v4 =	vld [tilespmem:s20+$0xFFFFFFF0];
	[tilespmem:s18+$0xFFFFFFF0] =	vst v5  }
0x496: {  	v5 =	vld [tilespmem:s20+$0x0];
	[tilespmem:s18+$0x10] =	vst v6  }
0x497: {  	v6 =	vld [tilespmem:s20+$0x10];
	v9 =	vand.u32 $0xFFFF, v8;
	[tilespmem:s18+$0x30] =	vst v7  }
0x498: {  	v7 =	vshra.s32 v2, $0x10;
	v2 =	vand.u32 $0xFFFF, v2;
	v10 =	vld [tilespmem:s20+$0x20]  }
0x499: {  	v11 =	vld [tilespmem:s20+$0xFFFFFFC0];
	v12 =	vshra.s32 v3, $0x10;
	v3 =	vand.u32 $0xFFFF, v3  }
0x49a: {  	v13 =	vshra.s32 v4, $0x10;
	v4 =	vand.u32 $0xFFFF, v4;
	v14 =	vld.idx.msk [tilespmem:v1+s8+$0x0], $0xffff  }
0x49b: {  	v15 =	vshra.s32 v5, $0x10;
	v5 =	vand.u32 $0xFFFF, v5;
	v16 =	vld.idx.msk [tilespmem:v0+s8+$0x0], $0xffff  }
0x49c: {  	v17 =	vshra.s32 v6, $0x10;
	v6 =	vand.u32 $0xFFFF, v6;
	v9 =	vld.idx.msk [tilespmem:v9+s8+$0x0], $0xffff  }
0x49d: {  	v2 =	vld.idx.msk [tilespmem:v2+s8+$0x0], $0xffff;
	v0 =	vshra.s32 v10, $0x10;
	v10 =	vand.u32 $0xFFFF, v10  }
0x49e: {  	v8 =	vshra.s32 v8, $0x10;
	v1 =	vshra.s32 v11, $0x10;
	v11 =	vand.u32 $0xFFFF, v11;
	v3 =	vld.idx.msk [tilespmem:v3+s8+$0x0], $0xffff  }
0x49f: {  	v4 =	vld.idx.msk [tilespmem:v4+s8+$0x0], $0xffff  }
0x4a0: {  	v5 =	vld.idx.msk [tilespmem:v5+s8+$0x0], $0xffff;
	[tilespmem:s18+$0xFFFFFF90] =	vst v14  }
0x4a1: {  	v6 =	vld.idx.msk [tilespmem:v6+s8+$0x0], $0xffff;
	[tilespmem:s18+$0x50] =	vst v16;
	s18 =	sadd.s32 $0x100, s18  }
0x4a2: {  	v10 =	vld.idx.msk [tilespmem:v10+s8+$0x0], $0xffff;
	[tilespmem:s18+$0x60] =	vst v9  }
0x4a3: {  	[tilespmem:s18+$0xFFFFFFA0] =	vst v2;
	v8 =	vld.idx.msk [tilespmem:v8+s8+$0x0], $0xffff  }
0x4a4: {  	v2 =	vld.idx.msk [tilespmem:v11+s8+$0x0], $0xffff;
	[tilespmem:s18+$0xFFFFFFC0] =	vst v3  }
.Ltmp16:
0x4a5: {  	v3 =	vld.idx.msk [tilespmem:v7+s8+$0x0], $0xffff;
	[tilespmem:s18+$0xFFFFFFE0] =	vst v4;
	(pc) =	sbr.rel @p0 .LBB2_34-.Ltmp16, $4  }
0x4a6: {  	v4 =	vld.idx.msk [tilespmem:v12+s8+$0x0], $0xffff;
	[tilespmem:s18+$0x0] =	vst v5  }
0x4a7: {  	v5 =	vld.idx.msk [tilespmem:v13+s8+$0x0], $0xffff;
	[tilespmem:s18+$0x20] =	vst v6  }
0x4a8: {  	v6 =	vld.idx.msk [tilespmem:v15+s8+$0x0], $0xffff;
	[tilespmem:s18+$0x40] =	vst v10  }
0x4a9: {  	s20 =	sadd.s32 $0x80, s20;
	v7 =	vld.idx.msk [tilespmem:v17+s8+$0x0], $0xffff;
	[tilespmem:s18+$0x70] =	vst v8  }
0x4aa: {  	_ =	sdelay $0x2  }
0x4ab: {  	[tilespmem:s18+$0xFFFFFF80] =	vst v2  }
0x4ac: {  	[tilespmem:s18+$0xFFFFFFB0] =	vst v3;
	v0 =	vld.idx.msk [tilespmem:v0+s8+$0x0], $0xffff  }
0x4ad: {  	v1 =	vld.idx.msk [tilespmem:v1+s8+$0x0], $0xffff;
	[tilespmem:s18+$0xFFFFFFD0] =	vst v4  }
0x4ae: {  	[tilespmem:s18+$0xFFFFFFF0] =	vst v5  }
0x4af: {  	[tilespmem:s18+$0x10] =	vst v6  }
0x4b0: {  	[tilespmem:s18+$0x30] =	vst v7  }
0x4b1: {  	[tilespmem:s18+$0x50] =	vst v0  }
0x4b2: {  	[tilespmem:s18+$0xFFFFFF90] =	vst v1  }
0x4b3: {  	s18 =	sld [smem:$0x7FC];
	_ =	sdelay $0x2  }
0x4b4: {  	[hbm4b:s18+s6] =	stream.strided.scatter [tilespmem:s12], [sflag:$0x4], $0x8000, s7, s6, $0x38;
	[tilespmem:$0x1C000] =	vst v63  }
0x4b5: {  	s19 =	rddreg [dreg:$0x16]  }
0x4b6: {  	[tilespmem:s8], [sflag:$0x2] =	stream.strided.gather [hbm4b:s19+s6], $0x4000, s7, s6, $0x38;
	[tilespmem:$0x1C000] =	vst v63  }
0x4b7: {  	_ =	swait.ge [sflag:s13], $0x4000  }
0x4b8: {  	[sflag:s13] =	ssyncset.done $0x0  }
0x4b9: {  	[sflag:s13] =	ssyncadd.s32 $0xFFFFC000  }
0x4ba: {  	_ =	swait.ge [sflag:s16], $0x8000  }
0x4bb: {  	[sflag:s16] =	ssyncset.done $0x0  }
0x4bc: {  	s20 =	simm.s32 $0x40;
	[sflag:s16] =	ssyncadd.s32 $0xFFFF8000  }
0x4bd: {  	v0 =	vld [tilespmem:s20+$0x30]  }
0x4be: {  	v1 =	vld [tilespmem:s20+$0xFFFFFFD0]  }
0x4bf: {  	v2 =	vld [tilespmem:s20+$0xFFFFFFE0]  }
0x4c0: {  	v3 =	vld [tilespmem:s20+$0xFFFFFFF0]  }
0x4c1: {  	v4 =	vld [tilespmem:s20+$0x0]  }
0x4c2: {  	v5 =	vld [tilespmem:s20+$0x10];
	v6 =	vand.u32 $0xFFFF, v0  }
0x4c3: {  	v8 =	vld [tilespmem:s20+$0x20];
	v7 =	vand.u32 $0xFFFF, v1  }
0x4c4: {  	v10 =	vld [tilespmem:s20+$0xFFFFFFC0];
	v9 =	vand.u32 $0xFFFF, v2  }
0x4c5: {  	v11 =	vand.u32 $0xFFFF, v3  }
0x4c6: {  	v12 =	vand.u32 $0xFFFF, v4  }
0x4c7: {  	v13 =	vand.u32 $0xFFFF, v5;
	v6 =	vld.idx.msk [tilespmem:v6+s10+$0x0], $0xffff  }
0x4c8: {  	v14 =	vand.u32 $0xFFFF, v8;
	v7 =	vld.idx.msk [tilespmem:v7+s10+$0x0], $0xffff  }
0x4c9: {  	v15 =	vand.u32 $0xFFFF, v10;
	v9 =	vld.idx.msk [tilespmem:v9+s10+$0x0], $0xffff  }
0x4ca: {  	v0 =	vshra.s32 v0, $0x10;
	v11 =	vld.idx.msk [tilespmem:v11+s10+$0x0], $0xffff  }
0x4cb: {  	v1 =	vshra.s32 v1, $0x10;
	v12 =	vld.idx.msk [tilespmem:v12+s10+$0x0], $0xffff  }
0x4cc: {  	s18 =	simm.s32 $0x14080;
	v16 =	vshra.s32 v2, $0x10;
	v13 =	vld.idx.msk [tilespmem:v13+s10+$0x0], $0xffff  }
0x4cd: {  	v17 =	vshra.s32 v3, $0x10;
	v14 =	vld.idx.msk [tilespmem:v14+s10+$0x0], $0xffff;
	[tilespmem:s18+$0x60] =	vst v6  }
0x4ce: {  	v2 =	vld.idx.msk [tilespmem:v15+s10+$0x0], $0xffff;
	v6 =	vshra.s32 v4, $0x10;
	[tilespmem:s18+$0xFFFFFFA0] =	vst v7  }
0x4cf: {  	v7 =	vshra.s32 v5, $0x10;
	[tilespmem:s18+$0xFFFFFFC0] =	vst v9;
	v18 =	vld.idx.msk [tilespmem:v0+s10+$0x0], $0xffff  }
0x4d0: {  	[tilespmem:s18+$0xFFFFFFE0] =	vst v11;
	v3 =	vld.idx.msk [tilespmem:v1+s10+$0x0], $0xffff  }
0x4d1: {  	[tilespmem:s18+$0x0] =	vst v12;
	v4 =	vld.idx.msk [tilespmem:v16+s10+$0x0], $0xffff  }
0x4d2: {  	[tilespmem:s18+$0x20] =	vst v13;
	v5 =	vld.idx.msk [tilespmem:v17+s10+$0x0], $0xffff  }
0x4d3: {  	[tilespmem:s18+$0x40] =	vst v14;
	v6 =	vld.idx.msk [tilespmem:v6+s10+$0x0], $0xffff  }
0x4d4: {  	s19 =	simm.s32 $0x0;
	s20 =	simm.s32 $0xC0;
	v0 =	vshra.s32 v8, $0x10;
	v1 =	vshra.s32 v10, $0x10;
	v7 =	vld.idx.msk [tilespmem:v7+s10+$0x0], $0xffff;
	[tilespmem:s18+$0x70] =	vst v18  }
.LBB2_36:
0x4d5: {  	v8 =	vld [tilespmem:s20+$0x30];
	s19 =	sadd.s32 $0x80, s19;
	[tilespmem:s18+$0xFFFFFF80] =	vst v2  }
0x4d6: {  	v2 =	vld [tilespmem:s20+$0xFFFFFFD0];
	p0 =	slt.u32 s19, $0x3F80;
	[tilespmem:s18+$0xFFFFFFB0] =	vst v3  }
0x4d7: {  	v3 =	vld [tilespmem:s20+$0xFFFFFFE0];
	[tilespmem:s18+$0xFFFFFFD0] =	vst v4  }
0x4d8: {  	v4 =	vld [tilespmem:s20+$0xFFFFFFF0];
	[tilespmem:s18+$0xFFFFFFF0] =	vst v5  }
0x4d9: {  	v5 =	vld [tilespmem:s20+$0x0];
	[tilespmem:s18+$0x10] =	vst v6  }
0x4da: {  	v6 =	vld [tilespmem:s20+$0x10];
	v9 =	vand.u32 $0xFFFF, v8;
	[tilespmem:s18+$0x30] =	vst v7  }
0x4db: {  	v7 =	vshra.s32 v2, $0x10;
	v2 =	vand.u32 $0xFFFF, v2;
	v10 =	vld [tilespmem:s20+$0x20]  }
0x4dc: {  	v11 =	vld [tilespmem:s20+$0xFFFFFFC0];
	v12 =	vshra.s32 v3, $0x10;
	v3 =	vand.u32 $0xFFFF, v3  }
0x4dd: {  	v13 =	vshra.s32 v4, $0x10;
	v4 =	vand.u32 $0xFFFF, v4;
	v14 =	vld.idx.msk [tilespmem:v1+s10+$0x0], $0xffff  }
0x4de: {  	v15 =	vshra.s32 v5, $0x10;
	v5 =	vand.u32 $0xFFFF, v5;
	v16 =	vld.idx.msk [tilespmem:v0+s10+$0x0], $0xffff  }
0x4df: {  	v17 =	vshra.s32 v6, $0x10;
	v6 =	vand.u32 $0xFFFF, v6;
	v9 =	vld.idx.msk [tilespmem:v9+s10+$0x0], $0xffff  }
0x4e0: {  	v2 =	vld.idx.msk [tilespmem:v2+s10+$0x0], $0xffff;
	v0 =	vshra.s32 v10, $0x10;
	v10 =	vand.u32 $0xFFFF, v10  }
0x4e1: {  	v8 =	vshra.s32 v8, $0x10;
	v1 =	vshra.s32 v11, $0x10;
	v11 =	vand.u32 $0xFFFF, v11;
	v3 =	vld.idx.msk [tilespmem:v3+s10+$0x0], $0xffff  }
0x4e2: {  	v4 =	vld.idx.msk [tilespmem:v4+s10+$0x0], $0xffff  }
0x4e3: {  	v5 =	vld.idx.msk [tilespmem:v5+s10+$0x0], $0xffff;
	[tilespmem:s18+$0xFFFFFF90] =	vst v14  }
0x4e4: {  	v6 =	vld.idx.msk [tilespmem:v6+s10+$0x0], $0xffff;
	[tilespmem:s18+$0x50] =	vst v16;
	s18 =	sadd.s32 $0x100, s18  }
0x4e5: {  	v10 =	vld.idx.msk [tilespmem:v10+s10+$0x0], $0xffff;
	[tilespmem:s18+$0x60] =	vst v9  }
0x4e6: {  	[tilespmem:s18+$0xFFFFFFA0] =	vst v2;
	v8 =	vld.idx.msk [tilespmem:v8+s10+$0x0], $0xffff  }
0x4e7: {  	v2 =	vld.idx.msk [tilespmem:v11+s10+$0x0], $0xffff;
	[tilespmem:s18+$0xFFFFFFC0] =	vst v3  }
.Ltmp17:
0x4e8: {  	v3 =	vld.idx.msk [tilespmem:v7+s10+$0x0], $0xffff;
	[tilespmem:s18+$0xFFFFFFE0] =	vst v4;
	(pc) =	sbr.rel @p0 .LBB2_36-.Ltmp17, $4  }
0x4e9: {  	v4 =	vld.idx.msk [tilespmem:v12+s10+$0x0], $0xffff;
	[tilespmem:s18+$0x0] =	vst v5  }
0x4ea: {  	v5 =	vld.idx.msk [tilespmem:v13+s10+$0x0], $0xffff;
	[tilespmem:s18+$0x20] =	vst v6  }
0x4eb: {  	v6 =	vld.idx.msk [tilespmem:v15+s10+$0x0], $0xffff;
	[tilespmem:s18+$0x40] =	vst v10  }
0x4ec: {  	s20 =	sadd.s32 $0x80, s20;
	v7 =	vld.idx.msk [tilespmem:v17+s10+$0x0], $0xffff;
	[tilespmem:s18+$0x70] =	vst v8  }
0x4ed: {  	_ =	sdelay $0x2  }
0x4ee: {  	[tilespmem:s18+$0xFFFFFF80] =	vst v2  }
0x4ef: {  	[tilespmem:s18+$0xFFFFFFB0] =	vst v3;
	v0 =	vld.idx.msk [tilespmem:v0+s10+$0x0], $0xffff  }
0x4f0: {  	v1 =	vld.idx.msk [tilespmem:v1+s10+$0x0], $0xffff;
	[tilespmem:s18+$0xFFFFFFD0] =	vst v4  }
0x4f1: {  	[tilespmem:s18+$0xFFFFFFF0] =	vst v5  }
0x4f2: {  	[tilespmem:s18+$0x10] =	vst v6  }
0x4f3: {  	[tilespmem:s18+$0x30] =	vst v7  }
0x4f4: {  	[tilespmem:s18+$0x50] =	vst v0  }
0x4f5: {  	[tilespmem:s18+$0xFFFFFF90] =	vst v1  }
0x4f6: {  	s18 =	sld [smem:$0x7FD];
	_ =	sdelay $0x2  }
0x4f7: {  	[hbm4b:s18+s6] =	stream.strided.scatter [tilespmem:s14], [sflag:$0x5], $0x8000, s7, s6, $0x38;
	[tilespmem:$0x1C000] =	vst v63  }
0x4f8: {  	s19 =	rddreg [dreg:$0x17]  }
0x4f9: {  	[tilespmem:s10], [sflag:$0x3] =	stream.strided.gather [hbm4b:s19+s6], $0x4000, s7, s6, $0x38;
	[tilespmem:$0x1C000] =	vst v63  }
0x4fa: {  	_ =	swait.ge [sflag:s11], $0x4000  }
0x4fb: {  	[sflag:s11] =	ssyncset.done $0x0  }
0x4fc: {  	[sflag:s11] =	ssyncadd.s32 $0xFFFFC000  }
0x4fd: {  	_ =	swait.ge [sflag:s15], $0x8000  }
0x4fe: {  	[sflag:s15] =	ssyncset.done $0x0  }
0x4ff: {  	s20 =	simm.s32 $0x40;
	[sflag:s15] =	ssyncadd.s32 $0xFFFF8000  }
0x500: {  	v0 =	vld [tilespmem:s20+$0x30]  }
0x501: {  	v1 =	vld [tilespmem:s20+$0xFFFFFFD0]  }
0x502: {  	v2 =	vld [tilespmem:s20+$0xFFFFFFE0]  }
0x503: {  	v3 =	vld [tilespmem:s20+$0xFFFFFFF0]  }
0x504: {  	v4 =	vld [tilespmem:s20+$0x0]  }
0x505: {  	v5 =	vld [tilespmem:s20+$0x10];
	v6 =	vand.u32 $0xFFFF, v0  }
0x506: {  	v8 =	vld [tilespmem:s20+$0x20];
	v7 =	vand.u32 $0xFFFF, v1  }
0x507: {  	v10 =	vld [tilespmem:s20+$0xFFFFFFC0];
	v9 =	vand.u32 $0xFFFF, v2  }
0x508: {  	v11 =	vand.u32 $0xFFFF, v3  }
0x509: {  	v12 =	vand.u32 $0xFFFF, v4  }
0x50a: {  	v13 =	vand.u32 $0xFFFF, v5;
	v6 =	vld.idx.msk [tilespmem:v6+s8+$0x0], $0xffff  }
0x50b: {  	v14 =	vand.u32 $0xFFFF, v8;
	v7 =	vld.idx.msk [tilespmem:v7+s8+$0x0], $0xffff  }
0x50c: {  	v15 =	vand.u32 $0xFFFF, v10;
	v9 =	vld.idx.msk [tilespmem:v9+s8+$0x0], $0xffff  }
0x50d: {  	v0 =	vshra.s32 v0, $0x10;
	v11 =	vld.idx.msk [tilespmem:v11+s8+$0x0], $0xffff  }
0x50e: {  	v1 =	vshra.s32 v1, $0x10;
	v12 =	vld.idx.msk [tilespmem:v12+s8+$0x0], $0xffff  }
0x50f: {  	s18 =	simm.s32 $0xC080;
	v16 =	vshra.s32 v2, $0x10;
	v13 =	vld.idx.msk [tilespmem:v13+s8+$0x0], $0xffff  }
0x510: {  	v17 =	vshra.s32 v3, $0x10;
	v14 =	vld.idx.msk [tilespmem:v14+s8+$0x0], $0xffff;
	[tilespmem:s18+$0x60] =	vst v6  }
0x511: {  	v2 =	vld.idx.msk [tilespmem:v15+s8+$0x0], $0xffff;
	v6 =	vshra.s32 v4, $0x10;
	[tilespmem:s18+$0xFFFFFFA0] =	vst v7  }
0x512: {  	v7 =	vshra.s32 v5, $0x10;
	[tilespmem:s18+$0xFFFFFFC0] =	vst v9;
	v18 =	vld.idx.msk [tilespmem:v0+s8+$0x0], $0xffff  }
0x513: {  	[tilespmem:s18+$0xFFFFFFE0] =	vst v11;
	v3 =	vld.idx.msk [tilespmem:v1+s8+$0x0], $0xffff  }
0x514: {  	[tilespmem:s18+$0x0] =	vst v12;
	v4 =	vld.idx.msk [tilespmem:v16+s8+$0x0], $0xffff  }
0x515: {  	[tilespmem:s18+$0x20] =	vst v13;
	v5 =	vld.idx.msk [tilespmem:v17+s8+$0x0], $0xffff  }
0x516: {  	[tilespmem:s18+$0x40] =	vst v14;
	v6 =	vld.idx.msk [tilespmem:v6+s8+$0x0], $0xffff  }
0x517: {  	s19 =	simm.s32 $0x0;
	s20 =	simm.s32 $0xC0;
	v0 =	vshra.s32 v8, $0x10;
	v1 =	vshra.s32 v10, $0x10;
	v7 =	vld.idx.msk [tilespmem:v7+s8+$0x0], $0xffff;
	[tilespmem:s18+$0x70] =	vst v18  }
.LBB2_38:
0x518: {  	v8 =	vld [tilespmem:s20+$0x30];
	s19 =	sadd.s32 $0x80, s19;
	[tilespmem:s18+$0xFFFFFF80] =	vst v2  }
0x519: {  	v2 =	vld [tilespmem:s20+$0xFFFFFFD0];
	p0 =	slt.u32 s19, $0x3F80;
	[tilespmem:s18+$0xFFFFFFB0] =	vst v3  }
0x51a: {  	v3 =	vld [tilespmem:s20+$0xFFFFFFE0];
	[tilespmem:s18+$0xFFFFFFD0] =	vst v4  }
0x51b: {  	v4 =	vld [tilespmem:s20+$0xFFFFFFF0];
	[tilespmem:s18+$0xFFFFFFF0] =	vst v5  }
0x51c: {  	v5 =	vld [tilespmem:s20+$0x0];
	[tilespmem:s18+$0x10] =	vst v6  }
0x51d: {  	v6 =	vld [tilespmem:s20+$0x10];
	v9 =	vand.u32 $0xFFFF, v8;
	[tilespmem:s18+$0x30] =	vst v7  }
0x51e: {  	v7 =	vshra.s32 v2, $0x10;
	v2 =	vand.u32 $0xFFFF, v2;
	v10 =	vld [tilespmem:s20+$0x20]  }
0x51f: {  	v11 =	vld [tilespmem:s20+$0xFFFFFFC0];
	v12 =	vshra.s32 v3, $0x10;
	v3 =	vand.u32 $0xFFFF, v3  }
0x520: {  	v13 =	vshra.s32 v4, $0x10;
	v4 =	vand.u32 $0xFFFF, v4;
	v14 =	vld.idx.msk [tilespmem:v1+s8+$0x0], $0xffff  }
0x521: {  	v15 =	vshra.s32 v5, $0x10;
	v5 =	vand.u32 $0xFFFF, v5;
	v16 =	vld.idx.msk [tilespmem:v0+s8+$0x0], $0xffff  }
0x522: {  	v17 =	vshra.s32 v6, $0x10;
	v6 =	vand.u32 $0xFFFF, v6;
	v9 =	vld.idx.msk [tilespmem:v9+s8+$0x0], $0xffff  }
0x523: {  	v2 =	vld.idx.msk [tilespmem:v2+s8+$0x0], $0xffff;
	v0 =	vshra.s32 v10, $0x10;
	v10 =	vand.u32 $0xFFFF, v10  }
0x524: {  	v8 =	vshra.s32 v8, $0x10;
	v1 =	vshra.s32 v11, $0x10;
	v11 =	vand.u32 $0xFFFF, v11;
	v3 =	vld.idx.msk [tilespmem:v3+s8+$0x0], $0xffff  }
0x525: {  	v4 =	vld.idx.msk [tilespmem:v4+s8+$0x0], $0xffff  }
0x526: {  	v5 =	vld.idx.msk [tilespmem:v5+s8+$0x0], $0xffff;
	[tilespmem:s18+$0xFFFFFF90] =	vst v14  }
0x527: {  	v6 =	vld.idx.msk [tilespmem:v6+s8+$0x0], $0xffff;
	[tilespmem:s18+$0x50] =	vst v16;
	s18 =	sadd.s32 $0x100, s18  }
0x528: {  	v10 =	vld.idx.msk [tilespmem:v10+s8+$0x0], $0xffff;
	[tilespmem:s18+$0x60] =	vst v9  }
0x529: {  	[tilespmem:s18+$0xFFFFFFA0] =	vst v2;
	v8 =	vld.idx.msk [tilespmem:v8+s8+$0x0], $0xffff  }
0x52a: {  	v2 =	vld.idx.msk [tilespmem:v11+s8+$0x0], $0xffff;
	[tilespmem:s18+$0xFFFFFFC0] =	vst v3  }
.Ltmp18:
0x52b: {  	v3 =	vld.idx.msk [tilespmem:v7+s8+$0x0], $0xffff;
	[tilespmem:s18+$0xFFFFFFE0] =	vst v4;
	(pc) =	sbr.rel @p0 .LBB2_38-.Ltmp18, $4  }
0x52c: {  	v4 =	vld.idx.msk [tilespmem:v12+s8+$0x0], $0xffff;
	[tilespmem:s18+$0x0] =	vst v5  }
0x52d: {  	v5 =	vld.idx.msk [tilespmem:v13+s8+$0x0], $0xffff;
	[tilespmem:s18+$0x20] =	vst v6  }
0x52e: {  	v6 =	vld.idx.msk [tilespmem:v15+s8+$0x0], $0xffff;
	[tilespmem:s18+$0x40] =	vst v10  }
0x52f: {  	s20 =	sadd.s32 $0x80, s20;
	v7 =	vld.idx.msk [tilespmem:v17+s8+$0x0], $0xffff;
	[tilespmem:s18+$0x70] =	vst v8  }
0x530: {  	_ =	sdelay $0x2  }
0x531: {  	[tilespmem:s18+$0xFFFFFF80] =	vst v2  }
0x532: {  	[tilespmem:s18+$0xFFFFFFB0] =	vst v3;
	v0 =	vld.idx.msk [tilespmem:v0+s8+$0x0], $0xffff  }
0x533: {  	v1 =	vld.idx.msk [tilespmem:v1+s8+$0x0], $0xffff;
	[tilespmem:s18+$0xFFFFFFD0] =	vst v4  }
0x534: {  	[tilespmem:s18+$0xFFFFFFF0] =	vst v5  }
0x535: {  	[tilespmem:s18+$0x10] =	vst v6  }
0x536: {  	[tilespmem:s18+$0x30] =	vst v7  }
0x537: {  	[tilespmem:s18+$0x50] =	vst v0  }
0x538: {  	[tilespmem:s18+$0xFFFFFF90] =	vst v1  }
0x539: {  	[hbm4b:s21+s6] =	stream.strided.scatter [tilespmem:s12], [sflag:$0x4], $0x8000, s7, s6, $0x38;
	[tilespmem:$0x1C000] =	vst v63  }
0x53a: {  	s18 =	rddreg [dreg:$0x18]  }
0x53b: {  	[tilespmem:s8], [sflag:$0x2] =	stream.strided.gather [hbm4b:s18+s6], $0x4000, s7, s6, $0x38;
	[tilespmem:$0x1C000] =	vst v63  }
0x53c: {  	_ =	swait.ge [sflag:s13], $0x4000  }
0x53d: {  	[sflag:s13] =	ssyncset.done $0x0  }
0x53e: {  	[sflag:s13] =	ssyncadd.s32 $0xFFFFC000  }
0x53f: {  	_ =	swait.ge [sflag:s16], $0x8000  }
0x540: {  	[sflag:s16] =	ssyncset.done $0x0  }
0x541: {  	s20 =	simm.s32 $0x40;
	[sflag:s16] =	ssyncadd.s32 $0xFFFF8000  }
0x542: {  	v0 =	vld [tilespmem:s20+$0x30]  }
0x543: {  	v1 =	vld [tilespmem:s20+$0xFFFFFFD0]  }
0x544: {  	v2 =	vld [tilespmem:s20+$0xFFFFFFE0]  }
0x545: {  	v3 =	vld [tilespmem:s20+$0xFFFFFFF0]  }
0x546: {  	v4 =	vld [tilespmem:s20+$0x0]  }
0x547: {  	v5 =	vld [tilespmem:s20+$0x10];
	v6 =	vand.u32 $0xFFFF, v0  }
0x548: {  	v8 =	vld [tilespmem:s20+$0x20];
	v7 =	vand.u32 $0xFFFF, v1  }
0x549: {  	v10 =	vld [tilespmem:s20+$0xFFFFFFC0];
	v9 =	vand.u32 $0xFFFF, v2  }
0x54a: {  	v11 =	vand.u32 $0xFFFF, v3  }
0x54b: {  	v12 =	vand.u32 $0xFFFF, v4  }
0x54c: {  	v13 =	vand.u32 $0xFFFF, v5;
	v6 =	vld.idx.msk [tilespmem:v6+s10+$0x0], $0xffff  }
0x54d: {  	v14 =	vand.u32 $0xFFFF, v8;
	v7 =	vld.idx.msk [tilespmem:v7+s10+$0x0], $0xffff  }
0x54e: {  	v15 =	vand.u32 $0xFFFF, v10;
	v9 =	vld.idx.msk [tilespmem:v9+s10+$0x0], $0xffff  }
0x54f: {  	v0 =	vshra.s32 v0, $0x10;
	v11 =	vld.idx.msk [tilespmem:v11+s10+$0x0], $0xffff  }
0x550: {  	v1 =	vshra.s32 v1, $0x10;
	v12 =	vld.idx.msk [tilespmem:v12+s10+$0x0], $0xffff  }
0x551: {  	s18 =	simm.s32 $0x14080;
	v16 =	vshra.s32 v2, $0x10;
	v13 =	vld.idx.msk [tilespmem:v13+s10+$0x0], $0xffff  }
0x552: {  	v17 =	vshra.s32 v3, $0x10;
	v14 =	vld.idx.msk [tilespmem:v14+s10+$0x0], $0xffff;
	[tilespmem:s18+$0x60] =	vst v6  }
0x553: {  	v2 =	vld.idx.msk [tilespmem:v15+s10+$0x0], $0xffff;
	v6 =	vshra.s32 v4, $0x10;
	[tilespmem:s18+$0xFFFFFFA0] =	vst v7  }
0x554: {  	v7 =	vshra.s32 v5, $0x10;
	[tilespmem:s18+$0xFFFFFFC0] =	vst v9;
	v18 =	vld.idx.msk [tilespmem:v0+s10+$0x0], $0xffff  }
0x555: {  	[tilespmem:s18+$0xFFFFFFE0] =	vst v11;
	v3 =	vld.idx.msk [tilespmem:v1+s10+$0x0], $0xffff  }
0x556: {  	[tilespmem:s18+$0x0] =	vst v12;
	v4 =	vld.idx.msk [tilespmem:v16+s10+$0x0], $0xffff  }
0x557: {  	[tilespmem:s18+$0x20] =	vst v13;
	v5 =	vld.idx.msk [tilespmem:v17+s10+$0x0], $0xffff  }
0x558: {  	[tilespmem:s18+$0x40] =	vst v14;
	v6 =	vld.idx.msk [tilespmem:v6+s10+$0x0], $0xffff  }
0x559: {  	s19 =	simm.s32 $0x0;
	s20 =	simm.s32 $0xC0;
	v0 =	vshra.s32 v8, $0x10;
	v1 =	vshra.s32 v10, $0x10;
	v7 =	vld.idx.msk [tilespmem:v7+s10+$0x0], $0xffff;
	[tilespmem:s18+$0x70] =	vst v18  }
.LBB2_40:
0x55a: {  	v8 =	vld [tilespmem:s20+$0x30];
	s19 =	sadd.s32 $0x80, s19;
	[tilespmem:s18+$0xFFFFFF80] =	vst v2  }
0x55b: {  	v2 =	vld [tilespmem:s20+$0xFFFFFFD0];
	p0 =	slt.u32 s19, $0x3F80;
	[tilespmem:s18+$0xFFFFFFB0] =	vst v3  }
0x55c: {  	v3 =	vld [tilespmem:s20+$0xFFFFFFE0];
	[tilespmem:s18+$0xFFFFFFD0] =	vst v4  }
0x55d: {  	v4 =	vld [tilespmem:s20+$0xFFFFFFF0];
	[tilespmem:s18+$0xFFFFFFF0] =	vst v5  }
0x55e: {  	v5 =	vld [tilespmem:s20+$0x0];
	[tilespmem:s18+$0x10] =	vst v6  }
0x55f: {  	v6 =	vld [tilespmem:s20+$0x10];
	v9 =	vand.u32 $0xFFFF, v8;
	[tilespmem:s18+$0x30] =	vst v7  }
0x560: {  	v7 =	vshra.s32 v2, $0x10;
	v2 =	vand.u32 $0xFFFF, v2;
	v10 =	vld [tilespmem:s20+$0x20]  }
0x561: {  	v11 =	vld [tilespmem:s20+$0xFFFFFFC0];
	v12 =	vshra.s32 v3, $0x10;
	v3 =	vand.u32 $0xFFFF, v3  }
0x562: {  	v13 =	vshra.s32 v4, $0x10;
	v4 =	vand.u32 $0xFFFF, v4;
	v14 =	vld.idx.msk [tilespmem:v1+s10+$0x0], $0xffff  }
0x563: {  	v15 =	vshra.s32 v5, $0x10;
	v5 =	vand.u32 $0xFFFF, v5;
	v16 =	vld.idx.msk [tilespmem:v0+s10+$0x0], $0xffff  }
0x564: {  	v17 =	vshra.s32 v6, $0x10;
	v6 =	vand.u32 $0xFFFF, v6;
	v9 =	vld.idx.msk [tilespmem:v9+s10+$0x0], $0xffff  }
0x565: {  	v2 =	vld.idx.msk [tilespmem:v2+s10+$0x0], $0xffff;
	v0 =	vshra.s32 v10, $0x10;
	v10 =	vand.u32 $0xFFFF, v10  }
0x566: {  	v8 =	vshra.s32 v8, $0x10;
	v1 =	vshra.s32 v11, $0x10;
	v11 =	vand.u32 $0xFFFF, v11;
	v3 =	vld.idx.msk [tilespmem:v3+s10+$0x0], $0xffff  }
0x567: {  	v4 =	vld.idx.msk [tilespmem:v4+s10+$0x0], $0xffff  }
0x568: {  	v5 =	vld.idx.msk [tilespmem:v5+s10+$0x0], $0xffff;
	[tilespmem:s18+$0xFFFFFF90] =	vst v14  }
0x569: {  	v6 =	vld.idx.msk [tilespmem:v6+s10+$0x0], $0xffff;
	[tilespmem:s18+$0x50] =	vst v16;
	s18 =	sadd.s32 $0x100, s18  }
0x56a: {  	v10 =	vld.idx.msk [tilespmem:v10+s10+$0x0], $0xffff;
	[tilespmem:s18+$0x60] =	vst v9  }
0x56b: {  	[tilespmem:s18+$0xFFFFFFA0] =	vst v2;
	v8 =	vld.idx.msk [tilespmem:v8+s10+$0x0], $0xffff  }
0x56c: {  	v2 =	vld.idx.msk [tilespmem:v11+s10+$0x0], $0xffff;
	[tilespmem:s18+$0xFFFFFFC0] =	vst v3  }
.Ltmp19:
0x56d: {  	v3 =	vld.idx.msk [tilespmem:v7+s10+$0x0], $0xffff;
	[tilespmem:s18+$0xFFFFFFE0] =	vst v4;
	(pc) =	sbr.rel @p0 .LBB2_40-.Ltmp19, $4  }
0x56e: {  	v4 =	vld.idx.msk [tilespmem:v12+s10+$0x0], $0xffff;
	[tilespmem:s18+$0x0] =	vst v5  }
0x56f: {  	v5 =	vld.idx.msk [tilespmem:v13+s10+$0x0], $0xffff;
	[tilespmem:s18+$0x20] =	vst v6  }
0x570: {  	v6 =	vld.idx.msk [tilespmem:v15+s10+$0x0], $0xffff;
	[tilespmem:s18+$0x40] =	vst v10  }
0x571: {  	s20 =	sadd.s32 $0x80, s20;
	v7 =	vld.idx.msk [tilespmem:v17+s10+$0x0], $0xffff;
	[tilespmem:s18+$0x70] =	vst v8  }
0x572: {  	_ =	sdelay $0x2  }
0x573: {  	[tilespmem:s18+$0xFFFFFF80] =	vst v2  }
0x574: {  	[tilespmem:s18+$0xFFFFFFB0] =	vst v3;
	v0 =	vld.idx.msk [tilespmem:v0+s10+$0x0], $0xffff  }
0x575: {  	v1 =	vld.idx.msk [tilespmem:v1+s10+$0x0], $0xffff;
	[tilespmem:s18+$0xFFFFFFD0] =	vst v4  }
0x576: {  	[tilespmem:s18+$0xFFFFFFF0] =	vst v5  }
0x577: {  	[tilespmem:s18+$0x10] =	vst v6  }
0x578: {  	[tilespmem:s18+$0x30] =	vst v7  }
0x579: {  	[tilespmem:s18+$0x50] =	vst v0  }
0x57a: {  	[tilespmem:s18+$0xFFFFFF90] =	vst v1  }
0x57b: {  	[hbm4b:s22+s6] =	stream.strided.scatter [tilespmem:s14], [sflag:$0x5], $0x8000, s7, s6, $0x38;
	[tilespmem:$0x1C000] =	vst v63  }
0x57c: {  	s18 =	rddreg [dreg:$0x19]  }
0x57d: {  	[tilespmem:s10], [sflag:$0x3] =	stream.strided.gather [hbm4b:s18+s6], $0x4000, s7, s6, $0x38;
	[tilespmem:$0x1C000] =	vst v63  }
0x57e: {  	_ =	swait.ge [sflag:s11], $0x4000  }
0x57f: {  	[sflag:s11] =	ssyncset.done $0x0  }
0x580: {  	[sflag:s11] =	ssyncadd.s32 $0xFFFFC000  }
0x581: {  	_ =	swait.ge [sflag:s15], $0x8000  }
0x582: {  	[sflag:s15] =	ssyncset.done $0x0  }
0x583: {  	s20 =	simm.s32 $0x40;
	[sflag:s15] =	ssyncadd.s32 $0xFFFF8000  }
0x584: {  	v0 =	vld [tilespmem:s20+$0x30]  }
0x585: {  	v1 =	vld [tilespmem:s20+$0xFFFFFFD0]  }
0x586: {  	v2 =	vld [tilespmem:s20+$0xFFFFFFE0]  }
0x587: {  	v3 =	vld [tilespmem:s20+$0xFFFFFFF0]  }
0x588: {  	v4 =	vld [tilespmem:s20+$0x0]  }
0x589: {  	v5 =	vld [tilespmem:s20+$0x10];
	v6 =	vand.u32 $0xFFFF, v0  }
0x58a: {  	v8 =	vld [tilespmem:s20+$0x20];
	v7 =	vand.u32 $0xFFFF, v1  }
0x58b: {  	v10 =	vld [tilespmem:s20+$0xFFFFFFC0];
	v9 =	vand.u32 $0xFFFF, v2  }
0x58c: {  	v11 =	vand.u32 $0xFFFF, v3  }
0x58d: {  	v12 =	vand.u32 $0xFFFF, v4  }
0x58e: {  	v13 =	vand.u32 $0xFFFF, v5;
	v6 =	vld.idx.msk [tilespmem:v6+s8+$0x0], $0xffff  }
0x58f: {  	v14 =	vand.u32 $0xFFFF, v8;
	v7 =	vld.idx.msk [tilespmem:v7+s8+$0x0], $0xffff  }
0x590: {  	v15 =	vand.u32 $0xFFFF, v10;
	v9 =	vld.idx.msk [tilespmem:v9+s8+$0x0], $0xffff  }
0x591: {  	v0 =	vshra.s32 v0, $0x10;
	v11 =	vld.idx.msk [tilespmem:v11+s8+$0x0], $0xffff  }
0x592: {  	v1 =	vshra.s32 v1, $0x10;
	v12 =	vld.idx.msk [tilespmem:v12+s8+$0x0], $0xffff  }
0x593: {  	s18 =	simm.s32 $0xC080;
	v16 =	vshra.s32 v2, $0x10;
	v13 =	vld.idx.msk [tilespmem:v13+s8+$0x0], $0xffff  }
0x594: {  	v17 =	vshra.s32 v3, $0x10;
	v14 =	vld.idx.msk [tilespmem:v14+s8+$0x0], $0xffff;
	[tilespmem:s18+$0x60] =	vst v6  }
0x595: {  	v2 =	vld.idx.msk [tilespmem:v15+s8+$0x0], $0xffff;
	v6 =	vshra.s32 v4, $0x10;
	[tilespmem:s18+$0xFFFFFFA0] =	vst v7  }
0x596: {  	v7 =	vshra.s32 v5, $0x10;
	[tilespmem:s18+$0xFFFFFFC0] =	vst v9;
	v18 =	vld.idx.msk [tilespmem:v0+s8+$0x0], $0xffff  }
0x597: {  	[tilespmem:s18+$0xFFFFFFE0] =	vst v11;
	v3 =	vld.idx.msk [tilespmem:v1+s8+$0x0], $0xffff  }
0x598: {  	[tilespmem:s18+$0x0] =	vst v12;
	v4 =	vld.idx.msk [tilespmem:v16+s8+$0x0], $0xffff  }
0x599: {  	[tilespmem:s18+$0x20] =	vst v13;
	v5 =	vld.idx.msk [tilespmem:v17+s8+$0x0], $0xffff  }
0x59a: {  	[tilespmem:s18+$0x40] =	vst v14;
	v6 =	vld.idx.msk [tilespmem:v6+s8+$0x0], $0xffff  }
0x59b: {  	s19 =	simm.s32 $0x0;
	s20 =	simm.s32 $0xC0;
	v0 =	vshra.s32 v8, $0x10;
	v1 =	vshra.s32 v10, $0x10;
	v7 =	vld.idx.msk [tilespmem:v7+s8+$0x0], $0xffff;
	[tilespmem:s18+$0x70] =	vst v18  }
.LBB2_42:
0x59c: {  	v8 =	vld [tilespmem:s20+$0x30];
	s19 =	sadd.s32 $0x80, s19;
	[tilespmem:s18+$0xFFFFFF80] =	vst v2  }
0x59d: {  	v2 =	vld [tilespmem:s20+$0xFFFFFFD0];
	p0 =	slt.u32 s19, $0x3F80;
	[tilespmem:s18+$0xFFFFFFB0] =	vst v3  }
0x59e: {  	v3 =	vld [tilespmem:s20+$0xFFFFFFE0];
	[tilespmem:s18+$0xFFFFFFD0] =	vst v4  }
0x59f: {  	v4 =	vld [tilespmem:s20+$0xFFFFFFF0];
	[tilespmem:s18+$0xFFFFFFF0] =	vst v5  }
0x5a0: {  	v5 =	vld [tilespmem:s20+$0x0];
	[tilespmem:s18+$0x10] =	vst v6  }
0x5a1: {  	v6 =	vld [tilespmem:s20+$0x10];
	v9 =	vand.u32 $0xFFFF, v8;
	[tilespmem:s18+$0x30] =	vst v7  }
0x5a2: {  	v7 =	vshra.s32 v2, $0x10;
	v2 =	vand.u32 $0xFFFF, v2;
	v10 =	vld [tilespmem:s20+$0x20]  }
0x5a3: {  	v11 =	vld [tilespmem:s20+$0xFFFFFFC0];
	v12 =	vshra.s32 v3, $0x10;
	v3 =	vand.u32 $0xFFFF, v3  }
0x5a4: {  	v13 =	vshra.s32 v4, $0x10;
	v4 =	vand.u32 $0xFFFF, v4;
	v14 =	vld.idx.msk [tilespmem:v1+s8+$0x0], $0xffff  }
0x5a5: {  	v15 =	vshra.s32 v5, $0x10;
	v5 =	vand.u32 $0xFFFF, v5;
	v16 =	vld.idx.msk [tilespmem:v0+s8+$0x0], $0xffff  }
0x5a6: {  	v17 =	vshra.s32 v6, $0x10;
	v6 =	vand.u32 $0xFFFF, v6;
	v9 =	vld.idx.msk [tilespmem:v9+s8+$0x0], $0xffff  }
0x5a7: {  	v2 =	vld.idx.msk [tilespmem:v2+s8+$0x0], $0xffff;
	v0 =	vshra.s32 v10, $0x10;
	v10 =	vand.u32 $0xFFFF, v10  }
0x5a8: {  	v8 =	vshra.s32 v8, $0x10;
	v1 =	vshra.s32 v11, $0x10;
	v11 =	vand.u32 $0xFFFF, v11;
	v3 =	vld.idx.msk [tilespmem:v3+s8+$0x0], $0xffff  }
0x5a9: {  	v4 =	vld.idx.msk [tilespmem:v4+s8+$0x0], $0xffff  }
0x5aa: {  	v5 =	vld.idx.msk [tilespmem:v5+s8+$0x0], $0xffff;
	[tilespmem:s18+$0xFFFFFF90] =	vst v14  }
0x5ab: {  	v6 =	vld.idx.msk [tilespmem:v6+s8+$0x0], $0xffff;
	[tilespmem:s18+$0x50] =	vst v16;
	s18 =	sadd.s32 $0x100, s18  }
0x5ac: {  	v10 =	vld.idx.msk [tilespmem:v10+s8+$0x0], $0xffff;
	[tilespmem:s18+$0x60] =	vst v9  }
0x5ad: {  	[tilespmem:s18+$0xFFFFFFA0] =	vst v2;
	v8 =	vld.idx.msk [tilespmem:v8+s8+$0x0], $0xffff  }
0x5ae: {  	v2 =	vld.idx.msk [tilespmem:v11+s8+$0x0], $0xffff;
	[tilespmem:s18+$0xFFFFFFC0] =	vst v3  }
.Ltmp20:
0x5af: {  	v3 =	vld.idx.msk [tilespmem:v7+s8+$0x0], $0xffff;
	[tilespmem:s18+$0xFFFFFFE0] =	vst v4;
	(pc) =	sbr.rel @p0 .LBB2_42-.Ltmp20, $4  }
0x5b0: {  	v4 =	vld.idx.msk [tilespmem:v12+s8+$0x0], $0xffff;
	[tilespmem:s18+$0x0] =	vst v5  }
0x5b1: {  	v5 =	vld.idx.msk [tilespmem:v13+s8+$0x0], $0xffff;
	[tilespmem:s18+$0x20] =	vst v6  }
0x5b2: {  	v6 =	vld.idx.msk [tilespmem:v15+s8+$0x0], $0xffff;
	[tilespmem:s18+$0x40] =	vst v10  }
0x5b3: {  	s20 =	sadd.s32 $0x80, s20;
	v7 =	vld.idx.msk [tilespmem:v17+s8+$0x0], $0xffff;
	[tilespmem:s18+$0x70] =	vst v8  }
0x5b4: {  	_ =	sdelay $0x2  }
0x5b5: {  	[tilespmem:s18+$0xFFFFFF80] =	vst v2  }
0x5b6: {  	[tilespmem:s18+$0xFFFFFFB0] =	vst v3;
	v0 =	vld.idx.msk [tilespmem:v0+s8+$0x0], $0xffff  }
0x5b7: {  	v1 =	vld.idx.msk [tilespmem:v1+s8+$0x0], $0xffff;
	[tilespmem:s18+$0xFFFFFFD0] =	vst v4  }
0x5b8: {  	[tilespmem:s18+$0xFFFFFFF0] =	vst v5  }
0x5b9: {  	[tilespmem:s18+$0x10] =	vst v6  }
0x5ba: {  	[tilespmem:s18+$0x30] =	vst v7  }
0x5bb: {  	[tilespmem:s18+$0x50] =	vst v0  }
0x5bc: {  	[tilespmem:s18+$0xFFFFFF90] =	vst v1  }
0x5bd: {  	[hbm4b:s23+s6] =	stream.strided.scatter [tilespmem:s12], [sflag:$0x4], $0x8000, s7, s6, $0x38;
	[tilespmem:$0x1C000] =	vst v63  }
0x5be: {  	s18 =	rddreg [dreg:$0x1a]  }
0x5bf: {  	[tilespmem:s8], [sflag:$0x2] =	stream.strided.gather [hbm4b:s18+s6], $0x4000, s7, s6, $0x38;
	[tilespmem:$0x1C000] =	vst v63  }
0x5c0: {  	_ =	swait.ge [sflag:s13], $0x4000  }
0x5c1: {  	[sflag:s13] =	ssyncset.done $0x0  }
0x5c2: {  	[sflag:s13] =	ssyncadd.s32 $0xFFFFC000  }
0x5c3: {  	_ =	swait.ge [sflag:s16], $0x8000  }
0x5c4: {  	[sflag:s16] =	ssyncset.done $0x0  }
0x5c5: {  	s20 =	simm.s32 $0x40;
	[sflag:s16] =	ssyncadd.s32 $0xFFFF8000  }
0x5c6: {  	v0 =	vld [tilespmem:s20+$0x30]  }
0x5c7: {  	v1 =	vld [tilespmem:s20+$0xFFFFFFD0]  }
0x5c8: {  	v2 =	vld [tilespmem:s20+$0xFFFFFFE0]  }
0x5c9: {  	v3 =	vld [tilespmem:s20+$0xFFFFFFF0]  }
0x5ca: {  	v4 =	vld [tilespmem:s20+$0x0]  }
0x5cb: {  	v5 =	vld [tilespmem:s20+$0x10];
	v6 =	vand.u32 $0xFFFF, v0  }
0x5cc: {  	v8 =	vld [tilespmem:s20+$0x20];
	v7 =	vand.u32 $0xFFFF, v1  }
0x5cd: {  	v10 =	vld [tilespmem:s20+$0xFFFFFFC0];
	v9 =	vand.u32 $0xFFFF, v2  }
0x5ce: {  	v11 =	vand.u32 $0xFFFF, v3  }
0x5cf: {  	v12 =	vand.u32 $0xFFFF, v4  }
0x5d0: {  	v13 =	vand.u32 $0xFFFF, v5;
	v6 =	vld.idx.msk [tilespmem:v6+s10+$0x0], $0xffff  }
0x5d1: {  	v14 =	vand.u32 $0xFFFF, v8;
	v7 =	vld.idx.msk [tilespmem:v7+s10+$0x0], $0xffff  }
0x5d2: {  	v15 =	vand.u32 $0xFFFF, v10;
	v9 =	vld.idx.msk [tilespmem:v9+s10+$0x0], $0xffff  }
0x5d3: {  	v0 =	vshra.s32 v0, $0x10;
	v11 =	vld.idx.msk [tilespmem:v11+s10+$0x0], $0xffff  }
0x5d4: {  	v1 =	vshra.s32 v1, $0x10;
	v12 =	vld.idx.msk [tilespmem:v12+s10+$0x0], $0xffff  }
0x5d5: {  	s18 =	simm.s32 $0x14080;
	v16 =	vshra.s32 v2, $0x10;
	v13 =	vld.idx.msk [tilespmem:v13+s10+$0x0], $0xffff  }
0x5d6: {  	v17 =	vshra.s32 v3, $0x10;
	v14 =	vld.idx.msk [tilespmem:v14+s10+$0x0], $0xffff;
	[tilespmem:s18+$0x60] =	vst v6  }
0x5d7: {  	v2 =	vld.idx.msk [tilespmem:v15+s10+$0x0], $0xffff;
	v6 =	vshra.s32 v4, $0x10;
	[tilespmem:s18+$0xFFFFFFA0] =	vst v7  }
0x5d8: {  	v7 =	vshra.s32 v5, $0x10;
	[tilespmem:s18+$0xFFFFFFC0] =	vst v9;
	v18 =	vld.idx.msk [tilespmem:v0+s10+$0x0], $0xffff  }
0x5d9: {  	[tilespmem:s18+$0xFFFFFFE0] =	vst v11;
	v3 =	vld.idx.msk [tilespmem:v1+s10+$0x0], $0xffff  }
0x5da: {  	[tilespmem:s18+$0x0] =	vst v12;
	v4 =	vld.idx.msk [tilespmem:v16+s10+$0x0], $0xffff  }
0x5db: {  	[tilespmem:s18+$0x20] =	vst v13;
	v5 =	vld.idx.msk [tilespmem:v17+s10+$0x0], $0xffff  }
0x5dc: {  	[tilespmem:s18+$0x40] =	vst v14;
	v6 =	vld.idx.msk [tilespmem:v6+s10+$0x0], $0xffff  }
0x5dd: {  	s19 =	simm.s32 $0x0;
	s20 =	simm.s32 $0xC0;
	v0 =	vshra.s32 v8, $0x10;
	v1 =	vshra.s32 v10, $0x10;
	v7 =	vld.idx.msk [tilespmem:v7+s10+$0x0], $0xffff;
	[tilespmem:s18+$0x70] =	vst v18  }
.LBB2_44:
0x5de: {  	v8 =	vld [tilespmem:s20+$0x30];
	s19 =	sadd.s32 $0x80, s19;
	[tilespmem:s18+$0xFFFFFF80] =	vst v2  }
0x5df: {  	v2 =	vld [tilespmem:s20+$0xFFFFFFD0];
	p0 =	slt.u32 s19, $0x3F80;
	[tilespmem:s18+$0xFFFFFFB0] =	vst v3  }
0x5e0: {  	v3 =	vld [tilespmem:s20+$0xFFFFFFE0];
	[tilespmem:s18+$0xFFFFFFD0] =	vst v4  }
0x5e1: {  	v4 =	vld [tilespmem:s20+$0xFFFFFFF0];
	[tilespmem:s18+$0xFFFFFFF0] =	vst v5  }
0x5e2: {  	v5 =	vld [tilespmem:s20+$0x0];
	[tilespmem:s18+$0x10] =	vst v6  }
0x5e3: {  	v6 =	vld [tilespmem:s20+$0x10];
	v9 =	vand.u32 $0xFFFF, v8;
	[tilespmem:s18+$0x30] =	vst v7  }
0x5e4: {  	v7 =	vshra.s32 v2, $0x10;
	v2 =	vand.u32 $0xFFFF, v2;
	v10 =	vld [tilespmem:s20+$0x20]  }
0x5e5: {  	v11 =	vld [tilespmem:s20+$0xFFFFFFC0];
	v12 =	vshra.s32 v3, $0x10;
	v3 =	vand.u32 $0xFFFF, v3  }
0x5e6: {  	v13 =	vshra.s32 v4, $0x10;
	v4 =	vand.u32 $0xFFFF, v4;
	v14 =	vld.idx.msk [tilespmem:v1+s10+$0x0], $0xffff  }
0x5e7: {  	v15 =	vshra.s32 v5, $0x10;
	v5 =	vand.u32 $0xFFFF, v5;
	v16 =	vld.idx.msk [tilespmem:v0+s10+$0x0], $0xffff  }
0x5e8: {  	v17 =	vshra.s32 v6, $0x10;
	v6 =	vand.u32 $0xFFFF, v6;
	v9 =	vld.idx.msk [tilespmem:v9+s10+$0x0], $0xffff  }
0x5e9: {  	v2 =	vld.idx.msk [tilespmem:v2+s10+$0x0], $0xffff;
	v0 =	vshra.s32 v10, $0x10;
	v10 =	vand.u32 $0xFFFF, v10  }
0x5ea: {  	v8 =	vshra.s32 v8, $0x10;
	v1 =	vshra.s32 v11, $0x10;
	v11 =	vand.u32 $0xFFFF, v11;
	v3 =	vld.idx.msk [tilespmem:v3+s10+$0x0], $0xffff  }
0x5eb: {  	v4 =	vld.idx.msk [tilespmem:v4+s10+$0x0], $0xffff  }
0x5ec: {  	v5 =	vld.idx.msk [tilespmem:v5+s10+$0x0], $0xffff;
	[tilespmem:s18+$0xFFFFFF90] =	vst v14  }
0x5ed: {  	v6 =	vld.idx.msk [tilespmem:v6+s10+$0x0], $0xffff;
	[tilespmem:s18+$0x50] =	vst v16;
	s18 =	sadd.s32 $0x100, s18  }
0x5ee: {  	v10 =	vld.idx.msk [tilespmem:v10+s10+$0x0], $0xffff;
	[tilespmem:s18+$0x60] =	vst v9  }
0x5ef: {  	[tilespmem:s18+$0xFFFFFFA0] =	vst v2;
	v8 =	vld.idx.msk [tilespmem:v8+s10+$0x0], $0xffff  }
0x5f0: {  	v2 =	vld.idx.msk [tilespmem:v11+s10+$0x0], $0xffff;
	[tilespmem:s18+$0xFFFFFFC0] =	vst v3  }
.Ltmp21:
0x5f1: {  	v3 =	vld.idx.msk [tilespmem:v7+s10+$0x0], $0xffff;
	[tilespmem:s18+$0xFFFFFFE0] =	vst v4;
	(pc) =	sbr.rel @p0 .LBB2_44-.Ltmp21, $4  }
0x5f2: {  	v4 =	vld.idx.msk [tilespmem:v12+s10+$0x0], $0xffff;
	[tilespmem:s18+$0x0] =	vst v5  }
0x5f3: {  	v5 =	vld.idx.msk [tilespmem:v13+s10+$0x0], $0xffff;
	[tilespmem:s18+$0x20] =	vst v6  }
0x5f4: {  	v6 =	vld.idx.msk [tilespmem:v15+s10+$0x0], $0xffff;
	[tilespmem:s18+$0x40] =	vst v10  }
0x5f5: {  	s20 =	sadd.s32 $0x80, s20;
	v7 =	vld.idx.msk [tilespmem:v17+s10+$0x0], $0xffff;
	[tilespmem:s18+$0x70] =	vst v8  }
0x5f6: {  	_ =	sdelay $0x2  }
0x5f7: {  	[tilespmem:s18+$0xFFFFFF80] =	vst v2  }
0x5f8: {  	[tilespmem:s18+$0xFFFFFFB0] =	vst v3;
	v0 =	vld.idx.msk [tilespmem:v0+s10+$0x0], $0xffff  }
0x5f9: {  	v1 =	vld.idx.msk [tilespmem:v1+s10+$0x0], $0xffff;
	[tilespmem:s18+$0xFFFFFFD0] =	vst v4  }
0x5fa: {  	[tilespmem:s18+$0xFFFFFFF0] =	vst v5  }
0x5fb: {  	[tilespmem:s18+$0x10] =	vst v6  }
0x5fc: {  	[tilespmem:s18+$0x30] =	vst v7  }
0x5fd: {  	[tilespmem:s18+$0x50] =	vst v0  }
0x5fe: {  	[tilespmem:s18+$0xFFFFFF90] =	vst v1  }
0x5ff: {  	[hbm4b:s24+s6] =	stream.strided.scatter [tilespmem:s14], [sflag:$0x5], $0x8000, s7, s6, $0x38;
	[tilespmem:$0x1C000] =	vst v63  }
0x600: {  	s18 =	rddreg [dreg:$0x1b]  }
0x601: {  	[tilespmem:s10], [sflag:$0x3] =	stream.strided.gather [hbm4b:s18+s6], $0x4000, s7, s6, $0x38;
	[tilespmem:$0x1C000] =	vst v63  }
0x602: {  	_ =	swait.ge [sflag:s11], $0x4000  }
0x603: {  	[sflag:s11] =	ssyncset.done $0x0  }
0x604: {  	[sflag:s11] =	ssyncadd.s32 $0xFFFFC000  }
0x605: {  	_ =	swait.ge [sflag:s15], $0x8000  }
0x606: {  	[sflag:s15] =	ssyncset.done $0x0  }
0x607: {  	s20 =	simm.s32 $0x40;
	[sflag:s15] =	ssyncadd.s32 $0xFFFF8000  }
0x608: {  	v0 =	vld [tilespmem:s20+$0x30]  }
0x609: {  	v1 =	vld [tilespmem:s20+$0xFFFFFFD0]  }
0x60a: {  	v2 =	vld [tilespmem:s20+$0xFFFFFFE0]  }
0x60b: {  	v3 =	vld [tilespmem:s20+$0xFFFFFFF0]  }
0x60c: {  	v4 =	vld [tilespmem:s20+$0x0]  }
0x60d: {  	v5 =	vld [tilespmem:s20+$0x10];
	v6 =	vand.u32 $0xFFFF, v0  }
0x60e: {  	v8 =	vld [tilespmem:s20+$0x20];
	v7 =	vand.u32 $0xFFFF, v1  }
0x60f: {  	v10 =	vld [tilespmem:s20+$0xFFFFFFC0];
	v9 =	vand.u32 $0xFFFF, v2  }
0x610: {  	v11 =	vand.u32 $0xFFFF, v3  }
0x611: {  	v12 =	vand.u32 $0xFFFF, v4  }
0x612: {  	v13 =	vand.u32 $0xFFFF, v5;
	v6 =	vld.idx.msk [tilespmem:v6+s8+$0x0], $0xffff  }
0x613: {  	v14 =	vand.u32 $0xFFFF, v8;
	v7 =	vld.idx.msk [tilespmem:v7+s8+$0x0], $0xffff  }
0x614: {  	v15 =	vand.u32 $0xFFFF, v10;
	v9 =	vld.idx.msk [tilespmem:v9+s8+$0x0], $0xffff  }
0x615: {  	v0 =	vshra.s32 v0, $0x10;
	v11 =	vld.idx.msk [tilespmem:v11+s8+$0x0], $0xffff  }
0x616: {  	v1 =	vshra.s32 v1, $0x10;
	v12 =	vld.idx.msk [tilespmem:v12+s8+$0x0], $0xffff  }
0x617: {  	s18 =	simm.s32 $0xC080;
	v16 =	vshra.s32 v2, $0x10;
	v13 =	vld.idx.msk [tilespmem:v13+s8+$0x0], $0xffff  }
0x618: {  	v17 =	vshra.s32 v3, $0x10;
	v14 =	vld.idx.msk [tilespmem:v14+s8+$0x0], $0xffff;
	[tilespmem:s18+$0x60] =	vst v6  }
0x619: {  	v2 =	vld.idx.msk [tilespmem:v15+s8+$0x0], $0xffff;
	v6 =	vshra.s32 v4, $0x10;
	[tilespmem:s18+$0xFFFFFFA0] =	vst v7  }
0x61a: {  	v7 =	vshra.s32 v5, $0x10;
	[tilespmem:s18+$0xFFFFFFC0] =	vst v9;
	v18 =	vld.idx.msk [tilespmem:v0+s8+$0x0], $0xffff  }
0x61b: {  	[tilespmem:s18+$0xFFFFFFE0] =	vst v11;
	v3 =	vld.idx.msk [tilespmem:v1+s8+$0x0], $0xffff  }
0x61c: {  	[tilespmem:s18+$0x0] =	vst v12;
	v4 =	vld.idx.msk [tilespmem:v16+s8+$0x0], $0xffff  }
0x61d: {  	[tilespmem:s18+$0x20] =	vst v13;
	v5 =	vld.idx.msk [tilespmem:v17+s8+$0x0], $0xffff  }
0x61e: {  	[tilespmem:s18+$0x40] =	vst v14;
	v6 =	vld.idx.msk [tilespmem:v6+s8+$0x0], $0xffff  }
0x61f: {  	s19 =	simm.s32 $0x0;
	s20 =	simm.s32 $0xC0;
	v0 =	vshra.s32 v8, $0x10;
	v1 =	vshra.s32 v10, $0x10;
	v7 =	vld.idx.msk [tilespmem:v7+s8+$0x0], $0xffff;
	[tilespmem:s18+$0x70] =	vst v18  }
.LBB2_46:
0x620: {  	v8 =	vld [tilespmem:s20+$0x30];
	s19 =	sadd.s32 $0x80, s19;
	[tilespmem:s18+$0xFFFFFF80] =	vst v2  }
0x621: {  	v2 =	vld [tilespmem:s20+$0xFFFFFFD0];
	p0 =	slt.u32 s19, $0x3F80;
	[tilespmem:s18+$0xFFFFFFB0] =	vst v3  }
0x622: {  	v3 =	vld [tilespmem:s20+$0xFFFFFFE0];
	[tilespmem:s18+$0xFFFFFFD0] =	vst v4  }
0x623: {  	v4 =	vld [tilespmem:s20+$0xFFFFFFF0];
	[tilespmem:s18+$0xFFFFFFF0] =	vst v5  }
0x624: {  	v5 =	vld [tilespmem:s20+$0x0];
	[tilespmem:s18+$0x10] =	vst v6  }
0x625: {  	v6 =	vld [tilespmem:s20+$0x10];
	v9 =	vand.u32 $0xFFFF, v8;
	[tilespmem:s18+$0x30] =	vst v7  }
0x626: {  	v7 =	vshra.s32 v2, $0x10;
	v2 =	vand.u32 $0xFFFF, v2;
	v10 =	vld [tilespmem:s20+$0x20]  }
0x627: {  	v11 =	vld [tilespmem:s20+$0xFFFFFFC0];
	v12 =	vshra.s32 v3, $0x10;
	v3 =	vand.u32 $0xFFFF, v3  }
0x628: {  	v13 =	vshra.s32 v4, $0x10;
	v4 =	vand.u32 $0xFFFF, v4;
	v14 =	vld.idx.msk [tilespmem:v1+s8+$0x0], $0xffff  }
0x629: {  	v15 =	vshra.s32 v5, $0x10;
	v5 =	vand.u32 $0xFFFF, v5;
	v16 =	vld.idx.msk [tilespmem:v0+s8+$0x0], $0xffff  }
0x62a: {  	v17 =	vshra.s32 v6, $0x10;
	v6 =	vand.u32 $0xFFFF, v6;
	v9 =	vld.idx.msk [tilespmem:v9+s8+$0x0], $0xffff  }
0x62b: {  	v2 =	vld.idx.msk [tilespmem:v2+s8+$0x0], $0xffff;
	v0 =	vshra.s32 v10, $0x10;
	v10 =	vand.u32 $0xFFFF, v10  }
0x62c: {  	v8 =	vshra.s32 v8, $0x10;
	v1 =	vshra.s32 v11, $0x10;
	v11 =	vand.u32 $0xFFFF, v11;
	v3 =	vld.idx.msk [tilespmem:v3+s8+$0x0], $0xffff  }
0x62d: {  	v4 =	vld.idx.msk [tilespmem:v4+s8+$0x0], $0xffff  }
0x62e: {  	v5 =	vld.idx.msk [tilespmem:v5+s8+$0x0], $0xffff;
	[tilespmem:s18+$0xFFFFFF90] =	vst v14  }
0x62f: {  	v6 =	vld.idx.msk [tilespmem:v6+s8+$0x0], $0xffff;
	[tilespmem:s18+$0x50] =	vst v16;
	s18 =	sadd.s32 $0x100, s18  }
0x630: {  	v10 =	vld.idx.msk [tilespmem:v10+s8+$0x0], $0xffff;
	[tilespmem:s18+$0x60] =	vst v9  }
0x631: {  	[tilespmem:s18+$0xFFFFFFA0] =	vst v2;
	v8 =	vld.idx.msk [tilespmem:v8+s8+$0x0], $0xffff  }
0x632: {  	v2 =	vld.idx.msk [tilespmem:v11+s8+$0x0], $0xffff;
	[tilespmem:s18+$0xFFFFFFC0] =	vst v3  }
.Ltmp22:
0x633: {  	v3 =	vld.idx.msk [tilespmem:v7+s8+$0x0], $0xffff;
	[tilespmem:s18+$0xFFFFFFE0] =	vst v4;
	(pc) =	sbr.rel @p0 .LBB2_46-.Ltmp22, $4  }
0x634: {  	v4 =	vld.idx.msk [tilespmem:v12+s8+$0x0], $0xffff;
	[tilespmem:s18+$0x0] =	vst v5  }
0x635: {  	v5 =	vld.idx.msk [tilespmem:v13+s8+$0x0], $0xffff;
	[tilespmem:s18+$0x20] =	vst v6  }
0x636: {  	v6 =	vld.idx.msk [tilespmem:v15+s8+$0x0], $0xffff;
	[tilespmem:s18+$0x40] =	vst v10  }
0x637: {  	s20 =	sadd.s32 $0x80, s20;
	v7 =	vld.idx.msk [tilespmem:v17+s8+$0x0], $0xffff;
	[tilespmem:s18+$0x70] =	vst v8  }
0x638: {  	_ =	sdelay $0x2  }
0x639: {  	[tilespmem:s18+$0xFFFFFF80] =	vst v2  }
0x63a: {  	[tilespmem:s18+$0xFFFFFFB0] =	vst v3;
	v0 =	vld.idx.msk [tilespmem:v0+s8+$0x0], $0xffff  }
0x63b: {  	v1 =	vld.idx.msk [tilespmem:v1+s8+$0x0], $0xffff;
	[tilespmem:s18+$0xFFFFFFD0] =	vst v4  }
0x63c: {  	[tilespmem:s18+$0xFFFFFFF0] =	vst v5  }
0x63d: {  	[tilespmem:s18+$0x10] =	vst v6  }
0x63e: {  	[tilespmem:s18+$0x30] =	vst v7  }
0x63f: {  	[tilespmem:s18+$0x50] =	vst v0  }
0x640: {  	[tilespmem:s18+$0xFFFFFF90] =	vst v1  }
0x641: {  	[hbm4b:s25+s6] =	stream.strided.scatter [tilespmem:s12], [sflag:$0x4], $0x8000, s7, s6, $0x38;
	[tilespmem:$0x1C000] =	vst v63  }
0x642: {  	s18 =	rddreg [dreg:$0x1c]  }
0x643: {  	[tilespmem:s8], [sflag:$0x2] =	stream.strided.gather [hbm4b:s18+s6], $0x4000, s7, s6, $0x38;
	[tilespmem:$0x1C000] =	vst v63  }
0x644: {  	_ =	swait.ge [sflag:s13], $0x4000  }
0x645: {  	[sflag:s13] =	ssyncset.done $0x0  }
0x646: {  	[sflag:s13] =	ssyncadd.s32 $0xFFFFC000  }
0x647: {  	_ =	swait.ge [sflag:s16], $0x8000  }
0x648: {  	[sflag:s16] =	ssyncset.done $0x0  }
0x649: {  	s20 =	simm.s32 $0x40;
	[sflag:s16] =	ssyncadd.s32 $0xFFFF8000  }
0x64a: {  	v0 =	vld [tilespmem:s20+$0x30]  }
0x64b: {  	v1 =	vld [tilespmem:s20+$0xFFFFFFD0]  }
0x64c: {  	v2 =	vld [tilespmem:s20+$0xFFFFFFE0]  }
0x64d: {  	v3 =	vld [tilespmem:s20+$0xFFFFFFF0]  }
0x64e: {  	v4 =	vld [tilespmem:s20+$0x0]  }
0x64f: {  	v5 =	vld [tilespmem:s20+$0x10];
	v6 =	vand.u32 $0xFFFF, v0  }
0x650: {  	v8 =	vld [tilespmem:s20+$0x20];
	v7 =	vand.u32 $0xFFFF, v1  }
0x651: {  	v10 =	vld [tilespmem:s20+$0xFFFFFFC0];
	v9 =	vand.u32 $0xFFFF, v2  }
0x652: {  	v11 =	vand.u32 $0xFFFF, v3  }
0x653: {  	v12 =	vand.u32 $0xFFFF, v4  }
0x654: {  	v13 =	vand.u32 $0xFFFF, v5;
	v6 =	vld.idx.msk [tilespmem:v6+s10+$0x0], $0xffff  }
0x655: {  	v14 =	vand.u32 $0xFFFF, v8;
	v7 =	vld.idx.msk [tilespmem:v7+s10+$0x0], $0xffff  }
0x656: {  	v15 =	vand.u32 $0xFFFF, v10;
	v9 =	vld.idx.msk [tilespmem:v9+s10+$0x0], $0xffff  }
0x657: {  	v0 =	vshra.s32 v0, $0x10;
	v11 =	vld.idx.msk [tilespmem:v11+s10+$0x0], $0xffff  }
0x658: {  	v1 =	vshra.s32 v1, $0x10;
	v12 =	vld.idx.msk [tilespmem:v12+s10+$0x0], $0xffff  }
0x659: {  	s18 =	simm.s32 $0x14080;
	v16 =	vshra.s32 v2, $0x10;
	v13 =	vld.idx.msk [tilespmem:v13+s10+$0x0], $0xffff  }
0x65a: {  	v17 =	vshra.s32 v3, $0x10;
	v14 =	vld.idx.msk [tilespmem:v14+s10+$0x0], $0xffff;
	[tilespmem:s18+$0x60] =	vst v6  }
0x65b: {  	v2 =	vld.idx.msk [tilespmem:v15+s10+$0x0], $0xffff;
	v6 =	vshra.s32 v4, $0x10;
	[tilespmem:s18+$0xFFFFFFA0] =	vst v7  }
0x65c: {  	v7 =	vshra.s32 v5, $0x10;
	[tilespmem:s18+$0xFFFFFFC0] =	vst v9;
	v18 =	vld.idx.msk [tilespmem:v0+s10+$0x0], $0xffff  }
0x65d: {  	[tilespmem:s18+$0xFFFFFFE0] =	vst v11;
	v3 =	vld.idx.msk [tilespmem:v1+s10+$0x0], $0xffff  }
0x65e: {  	[tilespmem:s18+$0x0] =	vst v12;
	v4 =	vld.idx.msk [tilespmem:v16+s10+$0x0], $0xffff  }
0x65f: {  	[tilespmem:s18+$0x20] =	vst v13;
	v5 =	vld.idx.msk [tilespmem:v17+s10+$0x0], $0xffff  }
0x660: {  	[tilespmem:s18+$0x40] =	vst v14;
	v6 =	vld.idx.msk [tilespmem:v6+s10+$0x0], $0xffff  }
0x661: {  	s19 =	simm.s32 $0x0;
	s20 =	simm.s32 $0xC0;
	v0 =	vshra.s32 v8, $0x10;
	v1 =	vshra.s32 v10, $0x10;
	v7 =	vld.idx.msk [tilespmem:v7+s10+$0x0], $0xffff;
	[tilespmem:s18+$0x70] =	vst v18  }
.LBB2_48:
0x662: {  	v8 =	vld [tilespmem:s20+$0x30];
	s19 =	sadd.s32 $0x80, s19;
	[tilespmem:s18+$0xFFFFFF80] =	vst v2  }
0x663: {  	v2 =	vld [tilespmem:s20+$0xFFFFFFD0];
	p0 =	slt.u32 s19, $0x3F80;
	[tilespmem:s18+$0xFFFFFFB0] =	vst v3  }
0x664: {  	v3 =	vld [tilespmem:s20+$0xFFFFFFE0];
	[tilespmem:s18+$0xFFFFFFD0] =	vst v4  }
0x665: {  	v4 =	vld [tilespmem:s20+$0xFFFFFFF0];
	[tilespmem:s18+$0xFFFFFFF0] =	vst v5  }
0x666: {  	v5 =	vld [tilespmem:s20+$0x0];
	[tilespmem:s18+$0x10] =	vst v6  }
0x667: {  	v6 =	vld [tilespmem:s20+$0x10];
	v9 =	vand.u32 $0xFFFF, v8;
	[tilespmem:s18+$0x30] =	vst v7  }
0x668: {  	v7 =	vshra.s32 v2, $0x10;
	v2 =	vand.u32 $0xFFFF, v2;
	v10 =	vld [tilespmem:s20+$0x20]  }
0x669: {  	v11 =	vld [tilespmem:s20+$0xFFFFFFC0];
	v12 =	vshra.s32 v3, $0x10;
	v3 =	vand.u32 $0xFFFF, v3  }
0x66a: {  	v13 =	vshra.s32 v4, $0x10;
	v4 =	vand.u32 $0xFFFF, v4;
	v14 =	vld.idx.msk [tilespmem:v1+s10+$0x0], $0xffff  }
0x66b: {  	v15 =	vshra.s32 v5, $0x10;
	v5 =	vand.u32 $0xFFFF, v5;
	v16 =	vld.idx.msk [tilespmem:v0+s10+$0x0], $0xffff  }
0x66c: {  	v17 =	vshra.s32 v6, $0x10;
	v6 =	vand.u32 $0xFFFF, v6;
	v9 =	vld.idx.msk [tilespmem:v9+s10+$0x0], $0xffff  }
0x66d: {  	v2 =	vld.idx.msk [tilespmem:v2+s10+$0x0], $0xffff;
	v0 =	vshra.s32 v10, $0x10;
	v10 =	vand.u32 $0xFFFF, v10  }
0x66e: {  	v8 =	vshra.s32 v8, $0x10;
	v1 =	vshra.s32 v11, $0x10;
	v11 =	vand.u32 $0xFFFF, v11;
	v3 =	vld.idx.msk [tilespmem:v3+s10+$0x0], $0xffff  }
0x66f: {  	v4 =	vld.idx.msk [tilespmem:v4+s10+$0x0], $0xffff  }
0x670: {  	v5 =	vld.idx.msk [tilespmem:v5+s10+$0x0], $0xffff;
	[tilespmem:s18+$0xFFFFFF90] =	vst v14  }
0x671: {  	v6 =	vld.idx.msk [tilespmem:v6+s10+$0x0], $0xffff;
	[tilespmem:s18+$0x50] =	vst v16;
	s18 =	sadd.s32 $0x100, s18  }
0x672: {  	v10 =	vld.idx.msk [tilespmem:v10+s10+$0x0], $0xffff;
	[tilespmem:s18+$0x60] =	vst v9  }
0x673: {  	[tilespmem:s18+$0xFFFFFFA0] =	vst v2;
	v8 =	vld.idx.msk [tilespmem:v8+s10+$0x0], $0xffff  }
0x674: {  	v2 =	vld.idx.msk [tilespmem:v11+s10+$0x0], $0xffff;
	[tilespmem:s18+$0xFFFFFFC0] =	vst v3  }
.Ltmp23:
0x675: {  	v3 =	vld.idx.msk [tilespmem:v7+s10+$0x0], $0xffff;
	[tilespmem:s18+$0xFFFFFFE0] =	vst v4;
	(pc) =	sbr.rel @p0 .LBB2_48-.Ltmp23, $4  }
0x676: {  	v4 =	vld.idx.msk [tilespmem:v12+s10+$0x0], $0xffff;
	[tilespmem:s18+$0x0] =	vst v5  }
0x677: {  	v5 =	vld.idx.msk [tilespmem:v13+s10+$0x0], $0xffff;
	[tilespmem:s18+$0x20] =	vst v6  }
0x678: {  	v6 =	vld.idx.msk [tilespmem:v15+s10+$0x0], $0xffff;
	[tilespmem:s18+$0x40] =	vst v10  }
0x679: {  	s20 =	sadd.s32 $0x80, s20;
	v7 =	vld.idx.msk [tilespmem:v17+s10+$0x0], $0xffff;
	[tilespmem:s18+$0x70] =	vst v8  }
0x67a: {  	_ =	sdelay $0x2  }
0x67b: {  	[tilespmem:s18+$0xFFFFFF80] =	vst v2  }
0x67c: {  	[tilespmem:s18+$0xFFFFFFB0] =	vst v3;
	v0 =	vld.idx.msk [tilespmem:v0+s10+$0x0], $0xffff  }
0x67d: {  	v1 =	vld.idx.msk [tilespmem:v1+s10+$0x0], $0xffff;
	[tilespmem:s18+$0xFFFFFFD0] =	vst v4  }
0x67e: {  	[tilespmem:s18+$0xFFFFFFF0] =	vst v5  }
0x67f: {  	[tilespmem:s18+$0x10] =	vst v6  }
0x680: {  	[tilespmem:s18+$0x30] =	vst v7  }
0x681: {  	[tilespmem:s18+$0x50] =	vst v0  }
0x682: {  	[tilespmem:s18+$0xFFFFFF90] =	vst v1  }
0x683: {  	[hbm4b:s26+s6] =	stream.strided.scatter [tilespmem:s14], [sflag:$0x5], $0x8000, s7, s6, $0x38;
	[tilespmem:$0x1C000] =	vst v63  }
0x684: {  	s18 =	rddreg [dreg:$0x1d]  }
0x685: {  	[tilespmem:s10], [sflag:$0x3] =	stream.strided.gather [hbm4b:s18+s6], $0x4000, s7, s6, $0x38;
	[tilespmem:$0x1C000] =	vst v63  }
0x686: {  	_ =	swait.ge [sflag:s11], $0x4000  }
0x687: {  	[sflag:s11] =	ssyncset.done $0x0  }
0x688: {  	[sflag:s11] =	ssyncadd.s32 $0xFFFFC000  }
0x689: {  	_ =	swait.ge [sflag:s15], $0x8000  }
0x68a: {  	[sflag:s15] =	ssyncset.done $0x0  }
0x68b: {  	s20 =	simm.s32 $0x40;
	[sflag:s15] =	ssyncadd.s32 $0xFFFF8000  }
0x68c: {  	v0 =	vld [tilespmem:s20+$0x30]  }
0x68d: {  	v1 =	vld [tilespmem:s20+$0xFFFFFFD0]  }
0x68e: {  	v2 =	vld [tilespmem:s20+$0xFFFFFFE0]  }
0x68f: {  	v3 =	vld [tilespmem:s20+$0xFFFFFFF0]  }
0x690: {  	v4 =	vld [tilespmem:s20+$0x0]  }
0x691: {  	v5 =	vld [tilespmem:s20+$0x10];
	v6 =	vand.u32 $0xFFFF, v0  }
0x692: {  	v8 =	vld [tilespmem:s20+$0x20];
	v7 =	vand.u32 $0xFFFF, v1  }
0x693: {  	v10 =	vld [tilespmem:s20+$0xFFFFFFC0];
	v9 =	vand.u32 $0xFFFF, v2  }
0x694: {  	v11 =	vand.u32 $0xFFFF, v3  }
0x695: {  	v12 =	vand.u32 $0xFFFF, v4  }
0x696: {  	v13 =	vand.u32 $0xFFFF, v5;
	v6 =	vld.idx.msk [tilespmem:v6+s8+$0x0], $0xffff  }
0x697: {  	v14 =	vand.u32 $0xFFFF, v8;
	v7 =	vld.idx.msk [tilespmem:v7+s8+$0x0], $0xffff  }
0x698: {  	v15 =	vand.u32 $0xFFFF, v10;
	v9 =	vld.idx.msk [tilespmem:v9+s8+$0x0], $0xffff  }
0x699: {  	v0 =	vshra.s32 v0, $0x10;
	v11 =	vld.idx.msk [tilespmem:v11+s8+$0x0], $0xffff  }
0x69a: {  	v1 =	vshra.s32 v1, $0x10;
	v12 =	vld.idx.msk [tilespmem:v12+s8+$0x0], $0xffff  }
0x69b: {  	s18 =	simm.s32 $0xC080;
	v16 =	vshra.s32 v2, $0x10;
	v13 =	vld.idx.msk [tilespmem:v13+s8+$0x0], $0xffff  }
0x69c: {  	v17 =	vshra.s32 v3, $0x10;
	v14 =	vld.idx.msk [tilespmem:v14+s8+$0x0], $0xffff;
	[tilespmem:s18+$0x60] =	vst v6  }
0x69d: {  	v2 =	vld.idx.msk [tilespmem:v15+s8+$0x0], $0xffff;
	v6 =	vshra.s32 v4, $0x10;
	[tilespmem:s18+$0xFFFFFFA0] =	vst v7  }
0x69e: {  	v7 =	vshra.s32 v5, $0x10;
	[tilespmem:s18+$0xFFFFFFC0] =	vst v9;
	v18 =	vld.idx.msk [tilespmem:v0+s8+$0x0], $0xffff  }
0x69f: {  	[tilespmem:s18+$0xFFFFFFE0] =	vst v11;
	v3 =	vld.idx.msk [tilespmem:v1+s8+$0x0], $0xffff  }
0x6a0: {  	[tilespmem:s18+$0x0] =	vst v12;
	v4 =	vld.idx.msk [tilespmem:v16+s8+$0x0], $0xffff  }
0x6a1: {  	[tilespmem:s18+$0x20] =	vst v13;
	v5 =	vld.idx.msk [tilespmem:v17+s8+$0x0], $0xffff  }
0x6a2: {  	[tilespmem:s18+$0x40] =	vst v14;
	v6 =	vld.idx.msk [tilespmem:v6+s8+$0x0], $0xffff  }
0x6a3: {  	s19 =	simm.s32 $0x0;
	s20 =	simm.s32 $0xC0;
	v0 =	vshra.s32 v8, $0x10;
	v1 =	vshra.s32 v10, $0x10;
	v7 =	vld.idx.msk [tilespmem:v7+s8+$0x0], $0xffff;
	[tilespmem:s18+$0x70] =	vst v18  }
.LBB2_50:
0x6a4: {  	v8 =	vld [tilespmem:s20+$0x30];
	s19 =	sadd.s32 $0x80, s19;
	[tilespmem:s18+$0xFFFFFF80] =	vst v2  }
0x6a5: {  	v2 =	vld [tilespmem:s20+$0xFFFFFFD0];
	p0 =	slt.u32 s19, $0x3F80;
	[tilespmem:s18+$0xFFFFFFB0] =	vst v3  }
0x6a6: {  	v3 =	vld [tilespmem:s20+$0xFFFFFFE0];
	[tilespmem:s18+$0xFFFFFFD0] =	vst v4  }
0x6a7: {  	v4 =	vld [tilespmem:s20+$0xFFFFFFF0];
	[tilespmem:s18+$0xFFFFFFF0] =	vst v5  }
0x6a8: {  	v5 =	vld [tilespmem:s20+$0x0];
	[tilespmem:s18+$0x10] =	vst v6  }
0x6a9: {  	v6 =	vld [tilespmem:s20+$0x10];
	v9 =	vand.u32 $0xFFFF, v8;
	[tilespmem:s18+$0x30] =	vst v7  }
0x6aa: {  	v7 =	vshra.s32 v2, $0x10;
	v2 =	vand.u32 $0xFFFF, v2;
	v10 =	vld [tilespmem:s20+$0x20]  }
0x6ab: {  	v11 =	vld [tilespmem:s20+$0xFFFFFFC0];
	v12 =	vshra.s32 v3, $0x10;
	v3 =	vand.u32 $0xFFFF, v3  }
0x6ac: {  	v13 =	vshra.s32 v4, $0x10;
	v4 =	vand.u32 $0xFFFF, v4;
	v14 =	vld.idx.msk [tilespmem:v1+s8+$0x0], $0xffff  }
0x6ad: {  	v15 =	vshra.s32 v5, $0x10;
	v5 =	vand.u32 $0xFFFF, v5;
	v16 =	vld.idx.msk [tilespmem:v0+s8+$0x0], $0xffff  }
0x6ae: {  	v17 =	vshra.s32 v6, $0x10;
	v6 =	vand.u32 $0xFFFF, v6;
	v9 =	vld.idx.msk [tilespmem:v9+s8+$0x0], $0xffff  }
0x6af: {  	v2 =	vld.idx.msk [tilespmem:v2+s8+$0x0], $0xffff;
	v0 =	vshra.s32 v10, $0x10;
	v10 =	vand.u32 $0xFFFF, v10  }
0x6b0: {  	v8 =	vshra.s32 v8, $0x10;
	v1 =	vshra.s32 v11, $0x10;
	v11 =	vand.u32 $0xFFFF, v11;
	v3 =	vld.idx.msk [tilespmem:v3+s8+$0x0], $0xffff  }
0x6b1: {  	v4 =	vld.idx.msk [tilespmem:v4+s8+$0x0], $0xffff  }
0x6b2: {  	v5 =	vld.idx.msk [tilespmem:v5+s8+$0x0], $0xffff;
	[tilespmem:s18+$0xFFFFFF90] =	vst v14  }
0x6b3: {  	v6 =	vld.idx.msk [tilespmem:v6+s8+$0x0], $0xffff;
	[tilespmem:s18+$0x50] =	vst v16;
	s18 =	sadd.s32 $0x100, s18  }
0x6b4: {  	v10 =	vld.idx.msk [tilespmem:v10+s8+$0x0], $0xffff;
	[tilespmem:s18+$0x60] =	vst v9  }
0x6b5: {  	[tilespmem:s18+$0xFFFFFFA0] =	vst v2;
	v8 =	vld.idx.msk [tilespmem:v8+s8+$0x0], $0xffff  }
0x6b6: {  	v2 =	vld.idx.msk [tilespmem:v11+s8+$0x0], $0xffff;
	[tilespmem:s18+$0xFFFFFFC0] =	vst v3  }
.Ltmp24:
0x6b7: {  	v3 =	vld.idx.msk [tilespmem:v7+s8+$0x0], $0xffff;
	[tilespmem:s18+$0xFFFFFFE0] =	vst v4;
	(pc) =	sbr.rel @p0 .LBB2_50-.Ltmp24, $4  }
0x6b8: {  	v4 =	vld.idx.msk [tilespmem:v12+s8+$0x0], $0xffff;
	[tilespmem:s18+$0x0] =	vst v5  }
0x6b9: {  	v5 =	vld.idx.msk [tilespmem:v13+s8+$0x0], $0xffff;
	[tilespmem:s18+$0x20] =	vst v6  }
0x6ba: {  	v6 =	vld.idx.msk [tilespmem:v15+s8+$0x0], $0xffff;
	[tilespmem:s18+$0x40] =	vst v10  }
0x6bb: {  	s20 =	sadd.s32 $0x80, s20;
	v7 =	vld.idx.msk [tilespmem:v17+s8+$0x0], $0xffff;
	[tilespmem:s18+$0x70] =	vst v8  }
0x6bc: {  	_ =	sdelay $0x2  }
0x6bd: {  	[tilespmem:s18+$0xFFFFFF80] =	vst v2  }
0x6be: {  	[tilespmem:s18+$0xFFFFFFB0] =	vst v3;
	v0 =	vld.idx.msk [tilespmem:v0+s8+$0x0], $0xffff  }
0x6bf: {  	v1 =	vld.idx.msk [tilespmem:v1+s8+$0x0], $0xffff;
	[tilespmem:s18+$0xFFFFFFD0] =	vst v4  }
0x6c0: {  	[tilespmem:s18+$0xFFFFFFF0] =	vst v5  }
0x6c1: {  	[tilespmem:s18+$0x10] =	vst v6  }
0x6c2: {  	[tilespmem:s18+$0x30] =	vst v7  }
0x6c3: {  	[tilespmem:s18+$0x50] =	vst v0  }
0x6c4: {  	[tilespmem:s18+$0xFFFFFF90] =	vst v1  }
0x6c5: {  	[hbm4b:s28+s6] =	stream.strided.scatter [tilespmem:s12], [sflag:$0x4], $0x8000, s7, s6, $0x38;
	[tilespmem:$0x1C000] =	vst v63  }
0x6c6: {  	s18 =	rddreg [dreg:$0x1e]  }
0x6c7: {  	[tilespmem:s8], [sflag:$0x2] =	stream.strided.gather [hbm4b:s18+s6], $0x4000, s7, s6, $0x38;
	[tilespmem:$0x1C000] =	vst v63  }
0x6c8: {  	_ =	swait.ge [sflag:s13], $0x4000  }
0x6c9: {  	[sflag:s13] =	ssyncset.done $0x0  }
0x6ca: {  	[sflag:s13] =	ssyncadd.s32 $0xFFFFC000  }
0x6cb: {  	_ =	swait.ge [sflag:s16], $0x8000  }
0x6cc: {  	[sflag:s16] =	ssyncset.done $0x0  }
0x6cd: {  	s20 =	simm.s32 $0x40;
	[sflag:s16] =	ssyncadd.s32 $0xFFFF8000  }
0x6ce: {  	v0 =	vld [tilespmem:s20+$0x30]  }
0x6cf: {  	v1 =	vld [tilespmem:s20+$0xFFFFFFD0]  }
0x6d0: {  	v2 =	vld [tilespmem:s20+$0xFFFFFFE0]  }
0x6d1: {  	v3 =	vld [tilespmem:s20+$0xFFFFFFF0]  }
0x6d2: {  	v4 =	vld [tilespmem:s20+$0x0]  }
0x6d3: {  	v5 =	vld [tilespmem:s20+$0x10];
	v6 =	vand.u32 $0xFFFF, v0  }
0x6d4: {  	v8 =	vld [tilespmem:s20+$0x20];
	v7 =	vand.u32 $0xFFFF, v1  }
0x6d5: {  	v10 =	vld [tilespmem:s20+$0xFFFFFFC0];
	v9 =	vand.u32 $0xFFFF, v2  }
0x6d6: {  	v11 =	vand.u32 $0xFFFF, v3  }
0x6d7: {  	v12 =	vand.u32 $0xFFFF, v4  }
0x6d8: {  	v13 =	vand.u32 $0xFFFF, v5;
	v6 =	vld.idx.msk [tilespmem:v6+s10+$0x0], $0xffff  }
0x6d9: {  	v14 =	vand.u32 $0xFFFF, v8;
	v7 =	vld.idx.msk [tilespmem:v7+s10+$0x0], $0xffff  }
0x6da: {  	v15 =	vand.u32 $0xFFFF, v10;
	v9 =	vld.idx.msk [tilespmem:v9+s10+$0x0], $0xffff  }
0x6db: {  	v0 =	vshra.s32 v0, $0x10;
	v11 =	vld.idx.msk [tilespmem:v11+s10+$0x0], $0xffff  }
0x6dc: {  	v1 =	vshra.s32 v1, $0x10;
	v12 =	vld.idx.msk [tilespmem:v12+s10+$0x0], $0xffff  }
0x6dd: {  	s18 =	simm.s32 $0x14080;
	v16 =	vshra.s32 v2, $0x10;
	v13 =	vld.idx.msk [tilespmem:v13+s10+$0x0], $0xffff  }
0x6de: {  	v17 =	vshra.s32 v3, $0x10;
	v14 =	vld.idx.msk [tilespmem:v14+s10+$0x0], $0xffff;
	[tilespmem:s18+$0x60] =	vst v6  }
0x6df: {  	v2 =	vld.idx.msk [tilespmem:v15+s10+$0x0], $0xffff;
	v6 =	vshra.s32 v4, $0x10;
	[tilespmem:s18+$0xFFFFFFA0] =	vst v7  }
0x6e0: {  	v7 =	vshra.s32 v5, $0x10;
	[tilespmem:s18+$0xFFFFFFC0] =	vst v9;
	v18 =	vld.idx.msk [tilespmem:v0+s10+$0x0], $0xffff  }
0x6e1: {  	[tilespmem:s18+$0xFFFFFFE0] =	vst v11;
	v3 =	vld.idx.msk [tilespmem:v1+s10+$0x0], $0xffff  }
0x6e2: {  	[tilespmem:s18+$0x0] =	vst v12;
	v4 =	vld.idx.msk [tilespmem:v16+s10+$0x0], $0xffff  }
0x6e3: {  	[tilespmem:s18+$0x20] =	vst v13;
	v5 =	vld.idx.msk [tilespmem:v17+s10+$0x0], $0xffff  }
0x6e4: {  	[tilespmem:s18+$0x40] =	vst v14;
	v6 =	vld.idx.msk [tilespmem:v6+s10+$0x0], $0xffff  }
0x6e5: {  	s19 =	simm.s32 $0x0;
	s20 =	simm.s32 $0xC0;
	v0 =	vshra.s32 v8, $0x10;
	v1 =	vshra.s32 v10, $0x10;
	v7 =	vld.idx.msk [tilespmem:v7+s10+$0x0], $0xffff;
	[tilespmem:s18+$0x70] =	vst v18  }
.LBB2_52:
0x6e6: {  	v8 =	vld [tilespmem:s20+$0x30];
	s19 =	sadd.s32 $0x80, s19;
	[tilespmem:s18+$0xFFFFFF80] =	vst v2  }
0x6e7: {  	v2 =	vld [tilespmem:s20+$0xFFFFFFD0];
	p0 =	slt.u32 s19, $0x3F80;
	[tilespmem:s18+$0xFFFFFFB0] =	vst v3  }
0x6e8: {  	v3 =	vld [tilespmem:s20+$0xFFFFFFE0];
	[tilespmem:s18+$0xFFFFFFD0] =	vst v4  }
0x6e9: {  	v4 =	vld [tilespmem:s20+$0xFFFFFFF0];
	[tilespmem:s18+$0xFFFFFFF0] =	vst v5  }
0x6ea: {  	v5 =	vld [tilespmem:s20+$0x0];
	[tilespmem:s18+$0x10] =	vst v6  }
0x6eb: {  	v6 =	vld [tilespmem:s20+$0x10];
	v9 =	vand.u32 $0xFFFF, v8;
	[tilespmem:s18+$0x30] =	vst v7  }
0x6ec: {  	v7 =	vshra.s32 v2, $0x10;
	v2 =	vand.u32 $0xFFFF, v2;
	v10 =	vld [tilespmem:s20+$0x20]  }
0x6ed: {  	v11 =	vld [tilespmem:s20+$0xFFFFFFC0];
	v12 =	vshra.s32 v3, $0x10;
	v3 =	vand.u32 $0xFFFF, v3  }
0x6ee: {  	v13 =	vshra.s32 v4, $0x10;
	v4 =	vand.u32 $0xFFFF, v4;
	v14 =	vld.idx.msk [tilespmem:v1+s10+$0x0], $0xffff  }
0x6ef: {  	v15 =	vshra.s32 v5, $0x10;
	v5 =	vand.u32 $0xFFFF, v5;
	v16 =	vld.idx.msk [tilespmem:v0+s10+$0x0], $0xffff  }
0x6f0: {  	v17 =	vshra.s32 v6, $0x10;
	v6 =	vand.u32 $0xFFFF, v6;
	v9 =	vld.idx.msk [tilespmem:v9+s10+$0x0], $0xffff  }
0x6f1: {  	v2 =	vld.idx.msk [tilespmem:v2+s10+$0x0], $0xffff;
	v0 =	vshra.s32 v10, $0x10;
	v10 =	vand.u32 $0xFFFF, v10  }
0x6f2: {  	v8 =	vshra.s32 v8, $0x10;
	v1 =	vshra.s32 v11, $0x10;
	v11 =	vand.u32 $0xFFFF, v11;
	v3 =	vld.idx.msk [tilespmem:v3+s10+$0x0], $0xffff  }
0x6f3: {  	v4 =	vld.idx.msk [tilespmem:v4+s10+$0x0], $0xffff  }
0x6f4: {  	v5 =	vld.idx.msk [tilespmem:v5+s10+$0x0], $0xffff;
	[tilespmem:s18+$0xFFFFFF90] =	vst v14  }
0x6f5: {  	v6 =	vld.idx.msk [tilespmem:v6+s10+$0x0], $0xffff;
	[tilespmem:s18+$0x50] =	vst v16;
	s18 =	sadd.s32 $0x100, s18  }
0x6f6: {  	v10 =	vld.idx.msk [tilespmem:v10+s10+$0x0], $0xffff;
	[tilespmem:s18+$0x60] =	vst v9  }
0x6f7: {  	[tilespmem:s18+$0xFFFFFFA0] =	vst v2;
	v8 =	vld.idx.msk [tilespmem:v8+s10+$0x0], $0xffff  }
0x6f8: {  	v2 =	vld.idx.msk [tilespmem:v11+s10+$0x0], $0xffff;
	[tilespmem:s18+$0xFFFFFFC0] =	vst v3  }
.Ltmp25:
0x6f9: {  	v3 =	vld.idx.msk [tilespmem:v7+s10+$0x0], $0xffff;
	[tilespmem:s18+$0xFFFFFFE0] =	vst v4;
	(pc) =	sbr.rel @p0 .LBB2_52-.Ltmp25, $4  }
0x6fa: {  	v4 =	vld.idx.msk [tilespmem:v12+s10+$0x0], $0xffff;
	[tilespmem:s18+$0x0] =	vst v5  }
0x6fb: {  	v5 =	vld.idx.msk [tilespmem:v13+s10+$0x0], $0xffff;
	[tilespmem:s18+$0x20] =	vst v6  }
0x6fc: {  	v6 =	vld.idx.msk [tilespmem:v15+s10+$0x0], $0xffff;
	[tilespmem:s18+$0x40] =	vst v10  }
0x6fd: {  	s20 =	sadd.s32 $0x80, s20;
	v7 =	vld.idx.msk [tilespmem:v17+s10+$0x0], $0xffff;
	[tilespmem:s18+$0x70] =	vst v8  }
0x6fe: {  	_ =	sdelay $0x2  }
0x6ff: {  	[tilespmem:s18+$0xFFFFFF80] =	vst v2  }
0x700: {  	[tilespmem:s18+$0xFFFFFFB0] =	vst v3;
	v0 =	vld.idx.msk [tilespmem:v0+s10+$0x0], $0xffff  }
0x701: {  	v1 =	vld.idx.msk [tilespmem:v1+s10+$0x0], $0xffff;
	[tilespmem:s18+$0xFFFFFFD0] =	vst v4  }
0x702: {  	[tilespmem:s18+$0xFFFFFFF0] =	vst v5  }
0x703: {  	[tilespmem:s18+$0x10] =	vst v6  }
0x704: {  	[tilespmem:s18+$0x30] =	vst v7  }
0x705: {  	[tilespmem:s18+$0x50] =	vst v0  }
0x706: {  	[tilespmem:s18+$0xFFFFFF90] =	vst v1  }
0x707: {  	[hbm4b:s29+s6] =	stream.strided.scatter [tilespmem:s14], [sflag:$0x5], $0x8000, s7, s6, $0x38;
	[tilespmem:$0x1C000] =	vst v63  }
0x708: {  	s18 =	rddreg [dreg:$0x1f]  }
0x709: {  	[tilespmem:s10], [sflag:$0x3] =	stream.strided.gather [hbm4b:s18+s6], $0x4000, s7, s6, $0x38;
	[tilespmem:$0x1C000] =	vst v63  }
0x70a: {  	_ =	swait.ge [sflag:s11], $0x4000  }
0x70b: {  	[sflag:s11] =	ssyncset.done $0x0  }
0x70c: {  	[sflag:s11] =	ssyncadd.s32 $0xFFFFC000  }
0x70d: {  	_ =	swait.ge [sflag:s15], $0x8000  }
0x70e: {  	[sflag:s15] =	ssyncset.done $0x0  }
0x70f: {  	s20 =	simm.s32 $0x40;
	[sflag:s15] =	ssyncadd.s32 $0xFFFF8000  }
0x710: {  	v0 =	vld [tilespmem:s20+$0x30]  }
0x711: {  	v1 =	vld [tilespmem:s20+$0xFFFFFFD0]  }
0x712: {  	v2 =	vld [tilespmem:s20+$0xFFFFFFE0]  }
0x713: {  	v3 =	vld [tilespmem:s20+$0xFFFFFFF0]  }
0x714: {  	v4 =	vld [tilespmem:s20+$0x0]  }
0x715: {  	v5 =	vld [tilespmem:s20+$0x10];
	v6 =	vand.u32 $0xFFFF, v0  }
0x716: {  	v8 =	vld [tilespmem:s20+$0x20];
	v7 =	vand.u32 $0xFFFF, v1  }
0x717: {  	v10 =	vld [tilespmem:s20+$0xFFFFFFC0];
	v9 =	vand.u32 $0xFFFF, v2  }
0x718: {  	v11 =	vand.u32 $0xFFFF, v3  }
0x719: {  	v12 =	vand.u32 $0xFFFF, v4  }
0x71a: {  	v13 =	vand.u32 $0xFFFF, v5;
	v6 =	vld.idx.msk [tilespmem:v6+s8+$0x0], $0xffff  }
0x71b: {  	v14 =	vand.u32 $0xFFFF, v8;
	v7 =	vld.idx.msk [tilespmem:v7+s8+$0x0], $0xffff  }
0x71c: {  	v15 =	vand.u32 $0xFFFF, v10;
	v9 =	vld.idx.msk [tilespmem:v9+s8+$0x0], $0xffff  }
0x71d: {  	v0 =	vshra.s32 v0, $0x10;
	v11 =	vld.idx.msk [tilespmem:v11+s8+$0x0], $0xffff  }
0x71e: {  	v1 =	vshra.s32 v1, $0x10;
	v12 =	vld.idx.msk [tilespmem:v12+s8+$0x0], $0xffff  }
0x71f: {  	s18 =	simm.s32 $0xC080;
	v16 =	vshra.s32 v2, $0x10;
	v13 =	vld.idx.msk [tilespmem:v13+s8+$0x0], $0xffff  }
0x720: {  	v17 =	vshra.s32 v3, $0x10;
	v14 =	vld.idx.msk [tilespmem:v14+s8+$0x0], $0xffff;
	[tilespmem:s18+$0x60] =	vst v6  }
0x721: {  	v2 =	vld.idx.msk [tilespmem:v15+s8+$0x0], $0xffff;
	v6 =	vshra.s32 v4, $0x10;
	[tilespmem:s18+$0xFFFFFFA0] =	vst v7  }
0x722: {  	v7 =	vshra.s32 v5, $0x10;
	[tilespmem:s18+$0xFFFFFFC0] =	vst v9;
	v18 =	vld.idx.msk [tilespmem:v0+s8+$0x0], $0xffff  }
0x723: {  	[tilespmem:s18+$0xFFFFFFE0] =	vst v11;
	v3 =	vld.idx.msk [tilespmem:v1+s8+$0x0], $0xffff  }
0x724: {  	[tilespmem:s18+$0x0] =	vst v12;
	v4 =	vld.idx.msk [tilespmem:v16+s8+$0x0], $0xffff  }
0x725: {  	[tilespmem:s18+$0x20] =	vst v13;
	v5 =	vld.idx.msk [tilespmem:v17+s8+$0x0], $0xffff  }
0x726: {  	[tilespmem:s18+$0x40] =	vst v14;
	v6 =	vld.idx.msk [tilespmem:v6+s8+$0x0], $0xffff  }
0x727: {  	s19 =	simm.s32 $0x0;
	s20 =	simm.s32 $0xC0;
	v0 =	vshra.s32 v8, $0x10;
	v1 =	vshra.s32 v10, $0x10;
	v7 =	vld.idx.msk [tilespmem:v7+s8+$0x0], $0xffff;
	[tilespmem:s18+$0x70] =	vst v18  }
.LBB2_54:
0x728: {  	v8 =	vld [tilespmem:s20+$0x30];
	s19 =	sadd.s32 $0x80, s19;
	[tilespmem:s18+$0xFFFFFF80] =	vst v2  }
0x729: {  	v2 =	vld [tilespmem:s20+$0xFFFFFFD0];
	p0 =	slt.u32 s19, $0x3F80;
	[tilespmem:s18+$0xFFFFFFB0] =	vst v3  }
0x72a: {  	v3 =	vld [tilespmem:s20+$0xFFFFFFE0];
	[tilespmem:s18+$0xFFFFFFD0] =	vst v4  }
0x72b: {  	v4 =	vld [tilespmem:s20+$0xFFFFFFF0];
	[tilespmem:s18+$0xFFFFFFF0] =	vst v5  }
0x72c: {  	v5 =	vld [tilespmem:s20+$0x0];
	[tilespmem:s18+$0x10] =	vst v6  }
0x72d: {  	v6 =	vld [tilespmem:s20+$0x10];
	v9 =	vand.u32 $0xFFFF, v8;
	[tilespmem:s18+$0x30] =	vst v7  }
0x72e: {  	v7 =	vshra.s32 v2, $0x10;
	v2 =	vand.u32 $0xFFFF, v2;
	v10 =	vld [tilespmem:s20+$0x20]  }
0x72f: {  	v11 =	vld [tilespmem:s20+$0xFFFFFFC0];
	v12 =	vshra.s32 v3, $0x10;
	v3 =	vand.u32 $0xFFFF, v3  }
0x730: {  	v13 =	vshra.s32 v4, $0x10;
	v4 =	vand.u32 $0xFFFF, v4;
	v14 =	vld.idx.msk [tilespmem:v1+s8+$0x0], $0xffff  }
0x731: {  	v15 =	vshra.s32 v5, $0x10;
	v5 =	vand.u32 $0xFFFF, v5;
	v16 =	vld.idx.msk [tilespmem:v0+s8+$0x0], $0xffff  }
0x732: {  	v17 =	vshra.s32 v6, $0x10;
	v6 =	vand.u32 $0xFFFF, v6;
	v9 =	vld.idx.msk [tilespmem:v9+s8+$0x0], $0xffff  }
0x733: {  	v2 =	vld.idx.msk [tilespmem:v2+s8+$0x0], $0xffff;
	v0 =	vshra.s32 v10, $0x10;
	v10 =	vand.u32 $0xFFFF, v10  }
0x734: {  	v8 =	vshra.s32 v8, $0x10;
	v1 =	vshra.s32 v11, $0x10;
	v11 =	vand.u32 $0xFFFF, v11;
	v3 =	vld.idx.msk [tilespmem:v3+s8+$0x0], $0xffff  }
0x735: {  	v4 =	vld.idx.msk [tilespmem:v4+s8+$0x0], $0xffff  }
0x736: {  	v5 =	vld.idx.msk [tilespmem:v5+s8+$0x0], $0xffff;
	[tilespmem:s18+$0xFFFFFF90] =	vst v14  }
0x737: {  	v6 =	vld.idx.msk [tilespmem:v6+s8+$0x0], $0xffff;
	[tilespmem:s18+$0x50] =	vst v16;
	s18 =	sadd.s32 $0x100, s18  }
0x738: {  	v10 =	vld.idx.msk [tilespmem:v10+s8+$0x0], $0xffff;
	[tilespmem:s18+$0x60] =	vst v9  }
0x739: {  	[tilespmem:s18+$0xFFFFFFA0] =	vst v2;
	v8 =	vld.idx.msk [tilespmem:v8+s8+$0x0], $0xffff  }
0x73a: {  	v2 =	vld.idx.msk [tilespmem:v11+s8+$0x0], $0xffff;
	[tilespmem:s18+$0xFFFFFFC0] =	vst v3  }
.Ltmp26:
0x73b: {  	v3 =	vld.idx.msk [tilespmem:v7+s8+$0x0], $0xffff;
	[tilespmem:s18+$0xFFFFFFE0] =	vst v4;
	(pc) =	sbr.rel @p0 .LBB2_54-.Ltmp26, $4  }
0x73c: {  	v4 =	vld.idx.msk [tilespmem:v12+s8+$0x0], $0xffff;
	[tilespmem:s18+$0x0] =	vst v5  }
0x73d: {  	v5 =	vld.idx.msk [tilespmem:v13+s8+$0x0], $0xffff;
	[tilespmem:s18+$0x20] =	vst v6  }
0x73e: {  	v6 =	vld.idx.msk [tilespmem:v15+s8+$0x0], $0xffff;
	[tilespmem:s18+$0x40] =	vst v10  }
0x73f: {  	s20 =	sadd.s32 $0x80, s20;
	v7 =	vld.idx.msk [tilespmem:v17+s8+$0x0], $0xffff;
	[tilespmem:s18+$0x70] =	vst v8  }
0x740: {  	_ =	sdelay $0x2  }
0x741: {  	[tilespmem:s18+$0xFFFFFF80] =	vst v2  }
0x742: {  	[tilespmem:s18+$0xFFFFFFB0] =	vst v3;
	v0 =	vld.idx.msk [tilespmem:v0+s8+$0x0], $0xffff  }
0x743: {  	v1 =	vld.idx.msk [tilespmem:v1+s8+$0x0], $0xffff;
	[tilespmem:s18+$0xFFFFFFD0] =	vst v4  }
0x744: {  	[tilespmem:s18+$0xFFFFFFF0] =	vst v5  }
0x745: {  	[tilespmem:s18+$0x10] =	vst v6  }
0x746: {  	[tilespmem:s18+$0x30] =	vst v7  }
0x747: {  	[tilespmem:s18+$0x50] =	vst v0  }
0x748: {  	[tilespmem:s18+$0xFFFFFF90] =	vst v1  }
0x749: {  	s18 =	sld [smem:$0x7E8]  }
0x74a: {  	[hbm4b:s30+s6] =	stream.strided.scatter [tilespmem:s12], [sflag:$0x4], $0x8000, s7, s6, $0x38;
	[tilespmem:$0x1C000] =	vst v63  }
0x74b: {  	_ = 	snop  }
0x74c: {  	[tilespmem:s8], [sflag:$0x2] =	stream.strided.gather [hbm4b:s18+s6], $0x4000, s7, s6, $0x38;
	[tilespmem:$0x1C000] =	vst v63  }
0x74d: {  	_ =	swait.ge [sflag:s13], $0x4000  }
0x74e: {  	[sflag:s13] =	ssyncset.done $0x0  }
0x74f: {  	[sflag:s13] =	ssyncadd.s32 $0xFFFFC000  }
0x750: {  	_ =	swait.ge [sflag:s16], $0x8000  }
0x751: {  	[sflag:s16] =	ssyncset.done $0x0  }
0x752: {  	s20 =	simm.s32 $0x40;
	[sflag:s16] =	ssyncadd.s32 $0xFFFF8000  }
0x753: {  	v0 =	vld [tilespmem:s20+$0x30]  }
0x754: {  	v1 =	vld [tilespmem:s20+$0xFFFFFFD0]  }
0x755: {  	v2 =	vld [tilespmem:s20+$0xFFFFFFE0]  }
0x756: {  	v3 =	vld [tilespmem:s20+$0xFFFFFFF0]  }
0x757: {  	v4 =	vld [tilespmem:s20+$0x0]  }
0x758: {  	v5 =	vld [tilespmem:s20+$0x10];
	v6 =	vand.u32 $0xFFFF, v0  }
0x759: {  	v8 =	vld [tilespmem:s20+$0x20];
	v7 =	vand.u32 $0xFFFF, v1  }
0x75a: {  	v10 =	vld [tilespmem:s20+$0xFFFFFFC0];
	v9 =	vand.u32 $0xFFFF, v2  }
0x75b: {  	v11 =	vand.u32 $0xFFFF, v3  }
0x75c: {  	v12 =	vand.u32 $0xFFFF, v4  }
0x75d: {  	v13 =	vand.u32 $0xFFFF, v5;
	v6 =	vld.idx.msk [tilespmem:v6+s10+$0x0], $0xffff  }
0x75e: {  	v14 =	vand.u32 $0xFFFF, v8;
	v7 =	vld.idx.msk [tilespmem:v7+s10+$0x0], $0xffff  }
0x75f: {  	v15 =	vand.u32 $0xFFFF, v10;
	v9 =	vld.idx.msk [tilespmem:v9+s10+$0x0], $0xffff  }
0x760: {  	v0 =	vshra.s32 v0, $0x10;
	v11 =	vld.idx.msk [tilespmem:v11+s10+$0x0], $0xffff  }
0x761: {  	v1 =	vshra.s32 v1, $0x10;
	v12 =	vld.idx.msk [tilespmem:v12+s10+$0x0], $0xffff  }
0x762: {  	s18 =	simm.s32 $0x14080;
	v16 =	vshra.s32 v2, $0x10;
	v13 =	vld.idx.msk [tilespmem:v13+s10+$0x0], $0xffff  }
0x763: {  	v17 =	vshra.s32 v3, $0x10;
	v14 =	vld.idx.msk [tilespmem:v14+s10+$0x0], $0xffff;
	[tilespmem:s18+$0x60] =	vst v6  }
0x764: {  	v2 =	vld.idx.msk [tilespmem:v15+s10+$0x0], $0xffff;
	v6 =	vshra.s32 v4, $0x10;
	[tilespmem:s18+$0xFFFFFFA0] =	vst v7  }
0x765: {  	v7 =	vshra.s32 v5, $0x10;
	[tilespmem:s18+$0xFFFFFFC0] =	vst v9;
	v18 =	vld.idx.msk [tilespmem:v0+s10+$0x0], $0xffff  }
0x766: {  	[tilespmem:s18+$0xFFFFFFE0] =	vst v11;
	v3 =	vld.idx.msk [tilespmem:v1+s10+$0x0], $0xffff  }
0x767: {  	[tilespmem:s18+$0x0] =	vst v12;
	v4 =	vld.idx.msk [tilespmem:v16+s10+$0x0], $0xffff  }
0x768: {  	[tilespmem:s18+$0x20] =	vst v13;
	v5 =	vld.idx.msk [tilespmem:v17+s10+$0x0], $0xffff  }
0x769: {  	[tilespmem:s18+$0x40] =	vst v14;
	v6 =	vld.idx.msk [tilespmem:v6+s10+$0x0], $0xffff  }
0x76a: {  	s19 =	simm.s32 $0x0;
	s20 =	simm.s32 $0xC0;
	v0 =	vshra.s32 v8, $0x10;
	v1 =	vshra.s32 v10, $0x10;
	v7 =	vld.idx.msk [tilespmem:v7+s10+$0x0], $0xffff;
	[tilespmem:s18+$0x70] =	vst v18  }
.LBB2_56:
0x76b: {  	v8 =	vld [tilespmem:s20+$0x30];
	s19 =	sadd.s32 $0x80, s19;
	[tilespmem:s18+$0xFFFFFF80] =	vst v2  }
0x76c: {  	v2 =	vld [tilespmem:s20+$0xFFFFFFD0];
	p0 =	slt.u32 s19, $0x3F80;
	[tilespmem:s18+$0xFFFFFFB0] =	vst v3  }
0x76d: {  	v3 =	vld [tilespmem:s20+$0xFFFFFFE0];
	[tilespmem:s18+$0xFFFFFFD0] =	vst v4  }
0x76e: {  	v4 =	vld [tilespmem:s20+$0xFFFFFFF0];
	[tilespmem:s18+$0xFFFFFFF0] =	vst v5  }
0x76f: {  	v5 =	vld [tilespmem:s20+$0x0];
	[tilespmem:s18+$0x10] =	vst v6  }
0x770: {  	v6 =	vld [tilespmem:s20+$0x10];
	v9 =	vand.u32 $0xFFFF, v8;
	[tilespmem:s18+$0x30] =	vst v7  }
0x771: {  	v7 =	vshra.s32 v2, $0x10;
	v2 =	vand.u32 $0xFFFF, v2;
	v10 =	vld [tilespmem:s20+$0x20]  }
0x772: {  	v11 =	vld [tilespmem:s20+$0xFFFFFFC0];
	v12 =	vshra.s32 v3, $0x10;
	v3 =	vand.u32 $0xFFFF, v3  }
0x773: {  	v13 =	vshra.s32 v4, $0x10;
	v4 =	vand.u32 $0xFFFF, v4;
	v14 =	vld.idx.msk [tilespmem:v1+s10+$0x0], $0xffff  }
0x774: {  	v15 =	vshra.s32 v5, $0x10;
	v5 =	vand.u32 $0xFFFF, v5;
	v16 =	vld.idx.msk [tilespmem:v0+s10+$0x0], $0xffff  }
0x775: {  	v17 =	vshra.s32 v6, $0x10;
	v6 =	vand.u32 $0xFFFF, v6;
	v9 =	vld.idx.msk [tilespmem:v9+s10+$0x0], $0xffff  }
0x776: {  	v2 =	vld.idx.msk [tilespmem:v2+s10+$0x0], $0xffff;
	v0 =	vshra.s32 v10, $0x10;
	v10 =	vand.u32 $0xFFFF, v10  }
0x777: {  	v8 =	vshra.s32 v8, $0x10;
	v1 =	vshra.s32 v11, $0x10;
	v11 =	vand.u32 $0xFFFF, v11;
	v3 =	vld.idx.msk [tilespmem:v3+s10+$0x0], $0xffff  }
0x778: {  	v4 =	vld.idx.msk [tilespmem:v4+s10+$0x0], $0xffff  }
0x779: {  	v5 =	vld.idx.msk [tilespmem:v5+s10+$0x0], $0xffff;
	[tilespmem:s18+$0xFFFFFF90] =	vst v14  }
0x77a: {  	v6 =	vld.idx.msk [tilespmem:v6+s10+$0x0], $0xffff;
	[tilespmem:s18+$0x50] =	vst v16;
	s18 =	sadd.s32 $0x100, s18  }
0x77b: {  	v10 =	vld.idx.msk [tilespmem:v10+s10+$0x0], $0xffff;
	[tilespmem:s18+$0x60] =	vst v9  }
0x77c: {  	[tilespmem:s18+$0xFFFFFFA0] =	vst v2;
	v8 =	vld.idx.msk [tilespmem:v8+s10+$0x0], $0xffff  }
0x77d: {  	v2 =	vld.idx.msk [tilespmem:v11+s10+$0x0], $0xffff;
	[tilespmem:s18+$0xFFFFFFC0] =	vst v3  }
.Ltmp27:
0x77e: {  	v3 =	vld.idx.msk [tilespmem:v7+s10+$0x0], $0xffff;
	[tilespmem:s18+$0xFFFFFFE0] =	vst v4;
	(pc) =	sbr.rel @p0 .LBB2_56-.Ltmp27, $4  }
0x77f: {  	v4 =	vld.idx.msk [tilespmem:v12+s10+$0x0], $0xffff;
	[tilespmem:s18+$0x0] =	vst v5  }
0x780: {  	v5 =	vld.idx.msk [tilespmem:v13+s10+$0x0], $0xffff;
	[tilespmem:s18+$0x20] =	vst v6  }
0x781: {  	v6 =	vld.idx.msk [tilespmem:v15+s10+$0x0], $0xffff;
	[tilespmem:s18+$0x40] =	vst v10  }
0x782: {  	s20 =	sadd.s32 $0x80, s20;
	v7 =	vld.idx.msk [tilespmem:v17+s10+$0x0], $0xffff;
	[tilespmem:s18+$0x70] =	vst v8  }
0x783: {  	_ =	sdelay $0x2  }
0x784: {  	[tilespmem:s18+$0xFFFFFF80] =	vst v2  }
0x785: {  	[tilespmem:s18+$0xFFFFFFB0] =	vst v3;
	v0 =	vld.idx.msk [tilespmem:v0+s10+$0x0], $0xffff  }
0x786: {  	v1 =	vld.idx.msk [tilespmem:v1+s10+$0x0], $0xffff;
	[tilespmem:s18+$0xFFFFFFD0] =	vst v4  }
0x787: {  	[tilespmem:s18+$0xFFFFFFF0] =	vst v5  }
0x788: {  	[tilespmem:s18+$0x10] =	vst v6  }
0x789: {  	[tilespmem:s18+$0x30] =	vst v7  }
0x78a: {  	[tilespmem:s18+$0x50] =	vst v0  }
0x78b: {  	[tilespmem:s18+$0xFFFFFF90] =	vst v1  }
0x78c: {  	s18 =	sld [smem:$0x7E9]  }
0x78d: {  	[hbm4b:s31+s6] =	stream.strided.scatter [tilespmem:s14], [sflag:$0x5], $0x8000, s7, s6, $0x38;
	[tilespmem:$0x1C000] =	vst v63  }
0x78e: {  	_ = 	snop  }
0x78f: {  	[tilespmem:s10], [sflag:$0x3] =	stream.strided.gather [hbm4b:s18+s6], $0x4000, s7, s6, $0x38;
	[tilespmem:$0x1C000] =	vst v63  }
0x790: {  	_ =	swait.ge [sflag:s11], $0x4000  }
0x791: {  	[sflag:s11] =	ssyncset.done $0x0  }
0x792: {  	[sflag:s11] =	ssyncadd.s32 $0xFFFFC000  }
0x793: {  	_ =	swait.ge [sflag:s15], $0x8000  }
0x794: {  	[sflag:s15] =	ssyncset.done $0x0  }
0x795: {  	s20 =	simm.s32 $0x40;
	[sflag:s15] =	ssyncadd.s32 $0xFFFF8000  }
0x796: {  	v0 =	vld [tilespmem:s20+$0x30]  }
0x797: {  	v1 =	vld [tilespmem:s20+$0xFFFFFFD0]  }
0x798: {  	v2 =	vld [tilespmem:s20+$0xFFFFFFE0]  }
0x799: {  	v3 =	vld [tilespmem:s20+$0xFFFFFFF0]  }
0x79a: {  	v4 =	vld [tilespmem:s20+$0x0]  }
0x79b: {  	v5 =	vld [tilespmem:s20+$0x10];
	v6 =	vand.u32 $0xFFFF, v0  }
0x79c: {  	v8 =	vld [tilespmem:s20+$0x20];
	v7 =	vand.u32 $0xFFFF, v1  }
0x79d: {  	v10 =	vld [tilespmem:s20+$0xFFFFFFC0];
	v9 =	vand.u32 $0xFFFF, v2  }
0x79e: {  	v11 =	vand.u32 $0xFFFF, v3  }
0x79f: {  	v12 =	vand.u32 $0xFFFF, v4  }
0x7a0: {  	v13 =	vand.u32 $0xFFFF, v5;
	v6 =	vld.idx.msk [tilespmem:v6+s8+$0x0], $0xffff  }
0x7a1: {  	v14 =	vand.u32 $0xFFFF, v8;
	v7 =	vld.idx.msk [tilespmem:v7+s8+$0x0], $0xffff  }
0x7a2: {  	v15 =	vand.u32 $0xFFFF, v10;
	v9 =	vld.idx.msk [tilespmem:v9+s8+$0x0], $0xffff  }
0x7a3: {  	v0 =	vshra.s32 v0, $0x10;
	v11 =	vld.idx.msk [tilespmem:v11+s8+$0x0], $0xffff  }
0x7a4: {  	v1 =	vshra.s32 v1, $0x10;
	v12 =	vld.idx.msk [tilespmem:v12+s8+$0x0], $0xffff  }
0x7a5: {  	s18 =	simm.s32 $0xC080;
	v16 =	vshra.s32 v2, $0x10;
	v13 =	vld.idx.msk [tilespmem:v13+s8+$0x0], $0xffff  }
0x7a6: {  	v17 =	vshra.s32 v3, $0x10;
	v14 =	vld.idx.msk [tilespmem:v14+s8+$0x0], $0xffff;
	[tilespmem:s18+$0x60] =	vst v6  }
0x7a7: {  	v2 =	vld.idx.msk [tilespmem:v15+s8+$0x0], $0xffff;
	v6 =	vshra.s32 v4, $0x10;
	[tilespmem:s18+$0xFFFFFFA0] =	vst v7  }
0x7a8: {  	v7 =	vshra.s32 v5, $0x10;
	[tilespmem:s18+$0xFFFFFFC0] =	vst v9;
	v18 =	vld.idx.msk [tilespmem:v0+s8+$0x0], $0xffff  }
0x7a9: {  	[tilespmem:s18+$0xFFFFFFE0] =	vst v11;
	v3 =	vld.idx.msk [tilespmem:v1+s8+$0x0], $0xffff  }
0x7aa: {  	[tilespmem:s18+$0x0] =	vst v12;
	v4 =	vld.idx.msk [tilespmem:v16+s8+$0x0], $0xffff  }
0x7ab: {  	[tilespmem:s18+$0x20] =	vst v13;
	v5 =	vld.idx.msk [tilespmem:v17+s8+$0x0], $0xffff  }
0x7ac: {  	[tilespmem:s18+$0x40] =	vst v14;
	v6 =	vld.idx.msk [tilespmem:v6+s8+$0x0], $0xffff  }
0x7ad: {  	s19 =	simm.s32 $0x0;
	s20 =	simm.s32 $0xC0;
	v0 =	vshra.s32 v8, $0x10;
	v1 =	vshra.s32 v10, $0x10;
	v7 =	vld.idx.msk [tilespmem:v7+s8+$0x0], $0xffff;
	[tilespmem:s18+$0x70] =	vst v18  }
.LBB2_58:
0x7ae: {  	v8 =	vld [tilespmem:s20+$0x30];
	s19 =	sadd.s32 $0x80, s19;
	[tilespmem:s18+$0xFFFFFF80] =	vst v2  }
0x7af: {  	v2 =	vld [tilespmem:s20+$0xFFFFFFD0];
	p0 =	slt.u32 s19, $0x3F80;
	[tilespmem:s18+$0xFFFFFFB0] =	vst v3  }
0x7b0: {  	v3 =	vld [tilespmem:s20+$0xFFFFFFE0];
	[tilespmem:s18+$0xFFFFFFD0] =	vst v4  }
0x7b1: {  	v4 =	vld [tilespmem:s20+$0xFFFFFFF0];
	[tilespmem:s18+$0xFFFFFFF0] =	vst v5  }
0x7b2: {  	v5 =	vld [tilespmem:s20+$0x0];
	[tilespmem:s18+$0x10] =	vst v6  }
0x7b3: {  	v6 =	vld [tilespmem:s20+$0x10];
	v9 =	vand.u32 $0xFFFF, v8;
	[tilespmem:s18+$0x30] =	vst v7  }
0x7b4: {  	v7 =	vshra.s32 v2, $0x10;
	v2 =	vand.u32 $0xFFFF, v2;
	v10 =	vld [tilespmem:s20+$0x20]  }
0x7b5: {  	v11 =	vld [tilespmem:s20+$0xFFFFFFC0];
	v12 =	vshra.s32 v3, $0x10;
	v3 =	vand.u32 $0xFFFF, v3  }
0x7b6: {  	v13 =	vshra.s32 v4, $0x10;
	v4 =	vand.u32 $0xFFFF, v4;
	v14 =	vld.idx.msk [tilespmem:v1+s8+$0x0], $0xffff  }
0x7b7: {  	v15 =	vshra.s32 v5, $0x10;
	v5 =	vand.u32 $0xFFFF, v5;
	v16 =	vld.idx.msk [tilespmem:v0+s8+$0x0], $0xffff  }
0x7b8: {  	v17 =	vshra.s32 v6, $0x10;
	v6 =	vand.u32 $0xFFFF, v6;
	v9 =	vld.idx.msk [tilespmem:v9+s8+$0x0], $0xffff  }
0x7b9: {  	v2 =	vld.idx.msk [tilespmem:v2+s8+$0x0], $0xffff;
	v0 =	vshra.s32 v10, $0x10;
	v10 =	vand.u32 $0xFFFF, v10  }
0x7ba: {  	v8 =	vshra.s32 v8, $0x10;
	v1 =	vshra.s32 v11, $0x10;
	v11 =	vand.u32 $0xFFFF, v11;
	v3 =	vld.idx.msk [tilespmem:v3+s8+$0x0], $0xffff  }
0x7bb: {  	v4 =	vld.idx.msk [tilespmem:v4+s8+$0x0], $0xffff  }
0x7bc: {  	v5 =	vld.idx.msk [tilespmem:v5+s8+$0x0], $0xffff;
	[tilespmem:s18+$0xFFFFFF90] =	vst v14  }
0x7bd: {  	v6 =	vld.idx.msk [tilespmem:v6+s8+$0x0], $0xffff;
	[tilespmem:s18+$0x50] =	vst v16;
	s18 =	sadd.s32 $0x100, s18  }
0x7be: {  	v10 =	vld.idx.msk [tilespmem:v10+s8+$0x0], $0xffff;
	[tilespmem:s18+$0x60] =	vst v9  }
0x7bf: {  	[tilespmem:s18+$0xFFFFFFA0] =	vst v2;
	v8 =	vld.idx.msk [tilespmem:v8+s8+$0x0], $0xffff  }
0x7c0: {  	v2 =	vld.idx.msk [tilespmem:v11+s8+$0x0], $0xffff;
	[tilespmem:s18+$0xFFFFFFC0] =	vst v3  }
.Ltmp28:
0x7c1: {  	v3 =	vld.idx.msk [tilespmem:v7+s8+$0x0], $0xffff;
	[tilespmem:s18+$0xFFFFFFE0] =	vst v4;
	(pc) =	sbr.rel @p0 .LBB2_58-.Ltmp28, $4  }
0x7c2: {  	v4 =	vld.idx.msk [tilespmem:v12+s8+$0x0], $0xffff;
	[tilespmem:s18+$0x0] =	vst v5  }
0x7c3: {  	v5 =	vld.idx.msk [tilespmem:v13+s8+$0x0], $0xffff;
	[tilespmem:s18+$0x20] =	vst v6  }
0x7c4: {  	v6 =	vld.idx.msk [tilespmem:v15+s8+$0x0], $0xffff;
	[tilespmem:s18+$0x40] =	vst v10  }
0x7c5: {  	s20 =	sadd.s32 $0x80, s20;
	v7 =	vld.idx.msk [tilespmem:v17+s8+$0x0], $0xffff;
	[tilespmem:s18+$0x70] =	vst v8  }
0x7c6: {  	_ =	sdelay $0x2  }
0x7c7: {  	[tilespmem:s18+$0xFFFFFF80] =	vst v2  }
0x7c8: {  	[tilespmem:s18+$0xFFFFFFB0] =	vst v3;
	v0 =	vld.idx.msk [tilespmem:v0+s8+$0x0], $0xffff  }
0x7c9: {  	v1 =	vld.idx.msk [tilespmem:v1+s8+$0x0], $0xffff;
	[tilespmem:s18+$0xFFFFFFD0] =	vst v4  }
0x7ca: {  	[tilespmem:s18+$0xFFFFFFF0] =	vst v5  }
0x7cb: {  	[tilespmem:s18+$0x10] =	vst v6  }
0x7cc: {  	[tilespmem:s18+$0x30] =	vst v7  }
0x7cd: {  	[tilespmem:s18+$0x50] =	vst v0  }
0x7ce: {  	[tilespmem:s18+$0xFFFFFF90] =	vst v1  }
0x7cf: {  	s18 =	sld [smem:$0x7EA]  }
0x7d0: {  	[hbm4b:s0+s6] =	stream.strided.scatter [tilespmem:s12], [sflag:$0x4], $0x8000, s7, s6, $0x38;
	[tilespmem:$0x1C000] =	vst v63  }
0x7d1: {  	_ = 	snop  }
0x7d2: {  	[tilespmem:s8], [sflag:$0x2] =	stream.strided.gather [hbm4b:s18+s6], $0x4000, s7, s6, $0x38;
	[tilespmem:$0x1C000] =	vst v63  }
0x7d3: {  	_ =	swait.ge [sflag:s13], $0x4000  }
0x7d4: {  	[sflag:s13] =	ssyncset.done $0x0  }
0x7d5: {  	[sflag:s13] =	ssyncadd.s32 $0xFFFFC000  }
0x7d6: {  	_ =	swait.ge [sflag:s16], $0x8000  }
0x7d7: {  	[sflag:s16] =	ssyncset.done $0x0  }
0x7d8: {  	s20 =	simm.s32 $0x40;
	[sflag:s16] =	ssyncadd.s32 $0xFFFF8000  }
0x7d9: {  	v0 =	vld [tilespmem:s20+$0x30]  }
0x7da: {  	v1 =	vld [tilespmem:s20+$0xFFFFFFD0]  }
0x7db: {  	v2 =	vld [tilespmem:s20+$0xFFFFFFE0]  }
0x7dc: {  	v3 =	vld [tilespmem:s20+$0xFFFFFFF0]  }
0x7dd: {  	v4 =	vld [tilespmem:s20+$0x0]  }
0x7de: {  	v5 =	vld [tilespmem:s20+$0x10];
	v6 =	vand.u32 $0xFFFF, v0  }
0x7df: {  	v8 =	vld [tilespmem:s20+$0x20];
	v7 =	vand.u32 $0xFFFF, v1  }
0x7e0: {  	v10 =	vld [tilespmem:s20+$0xFFFFFFC0];
	v9 =	vand.u32 $0xFFFF, v2  }
0x7e1: {  	v11 =	vand.u32 $0xFFFF, v3  }
0x7e2: {  	v12 =	vand.u32 $0xFFFF, v4  }
0x7e3: {  	v13 =	vand.u32 $0xFFFF, v5;
	v6 =	vld.idx.msk [tilespmem:v6+s10+$0x0], $0xffff  }
0x7e4: {  	v14 =	vand.u32 $0xFFFF, v8;
	v7 =	vld.idx.msk [tilespmem:v7+s10+$0x0], $0xffff  }
0x7e5: {  	v15 =	vand.u32 $0xFFFF, v10;
	v9 =	vld.idx.msk [tilespmem:v9+s10+$0x0], $0xffff  }
0x7e6: {  	v0 =	vshra.s32 v0, $0x10;
	v11 =	vld.idx.msk [tilespmem:v11+s10+$0x0], $0xffff  }
0x7e7: {  	v1 =	vshra.s32 v1, $0x10;
	v12 =	vld.idx.msk [tilespmem:v12+s10+$0x0], $0xffff  }
0x7e8: {  	s18 =	simm.s32 $0x14080;
	v16 =	vshra.s32 v2, $0x10;
	v13 =	vld.idx.msk [tilespmem:v13+s10+$0x0], $0xffff  }
0x7e9: {  	v17 =	vshra.s32 v3, $0x10;
	v14 =	vld.idx.msk [tilespmem:v14+s10+$0x0], $0xffff;
	[tilespmem:s18+$0x60] =	vst v6  }
0x7ea: {  	v2 =	vld.idx.msk [tilespmem:v15+s10+$0x0], $0xffff;
	v6 =	vshra.s32 v4, $0x10;
	[tilespmem:s18+$0xFFFFFFA0] =	vst v7  }
0x7eb: {  	v7 =	vshra.s32 v5, $0x10;
	[tilespmem:s18+$0xFFFFFFC0] =	vst v9;
	v18 =	vld.idx.msk [tilespmem:v0+s10+$0x0], $0xffff  }
0x7ec: {  	[tilespmem:s18+$0xFFFFFFE0] =	vst v11;
	v3 =	vld.idx.msk [tilespmem:v1+s10+$0x0], $0xffff  }
0x7ed: {  	[tilespmem:s18+$0x0] =	vst v12;
	v4 =	vld.idx.msk [tilespmem:v16+s10+$0x0], $0xffff  }
0x7ee: {  	[tilespmem:s18+$0x20] =	vst v13;
	v5 =	vld.idx.msk [tilespmem:v17+s10+$0x0], $0xffff  }
0x7ef: {  	[tilespmem:s18+$0x40] =	vst v14;
	v6 =	vld.idx.msk [tilespmem:v6+s10+$0x0], $0xffff  }
0x7f0: {  	s19 =	simm.s32 $0x0;
	s20 =	simm.s32 $0xC0;
	v0 =	vshra.s32 v8, $0x10;
	v1 =	vshra.s32 v10, $0x10;
	v7 =	vld.idx.msk [tilespmem:v7+s10+$0x0], $0xffff;
	[tilespmem:s18+$0x70] =	vst v18  }
.LBB2_60:
0x7f1: {  	v8 =	vld [tilespmem:s20+$0x30];
	s19 =	sadd.s32 $0x80, s19;
	[tilespmem:s18+$0xFFFFFF80] =	vst v2  }
0x7f2: {  	v2 =	vld [tilespmem:s20+$0xFFFFFFD0];
	p0 =	slt.u32 s19, $0x3F80;
	[tilespmem:s18+$0xFFFFFFB0] =	vst v3  }
0x7f3: {  	v3 =	vld [tilespmem:s20+$0xFFFFFFE0];
	[tilespmem:s18+$0xFFFFFFD0] =	vst v4  }
0x7f4: {  	v4 =	vld [tilespmem:s20+$0xFFFFFFF0];
	[tilespmem:s18+$0xFFFFFFF0] =	vst v5  }
0x7f5: {  	v5 =	vld [tilespmem:s20+$0x0];
	[tilespmem:s18+$0x10] =	vst v6  }
0x7f6: {  	v6 =	vld [tilespmem:s20+$0x10];
	v9 =	vand.u32 $0xFFFF, v8;
	[tilespmem:s18+$0x30] =	vst v7  }
0x7f7: {  	v7 =	vshra.s32 v2, $0x10;
	v2 =	vand.u32 $0xFFFF, v2;
	v10 =	vld [tilespmem:s20+$0x20]  }
0x7f8: {  	v11 =	vld [tilespmem:s20+$0xFFFFFFC0];
	v12 =	vshra.s32 v3, $0x10;
	v3 =	vand.u32 $0xFFFF, v3  }
0x7f9: {  	v13 =	vshra.s32 v4, $0x10;
	v4 =	vand.u32 $0xFFFF, v4;
	v14 =	vld.idx.msk [tilespmem:v1+s10+$0x0], $0xffff  }
0x7fa: {  	v15 =	vshra.s32 v5, $0x10;
	v5 =	vand.u32 $0xFFFF, v5;
	v16 =	vld.idx.msk [tilespmem:v0+s10+$0x0], $0xffff  }
0x7fb: {  	v17 =	vshra.s32 v6, $0x10;
	v6 =	vand.u32 $0xFFFF, v6;
	v9 =	vld.idx.msk [tilespmem:v9+s10+$0x0], $0xffff  }
0x7fc: {  	v2 =	vld.idx.msk [tilespmem:v2+s10+$0x0], $0xffff;
	v0 =	vshra.s32 v10, $0x10;
	v10 =	vand.u32 $0xFFFF, v10  }
0x7fd: {  	v8 =	vshra.s32 v8, $0x10;
	v1 =	vshra.s32 v11, $0x10;
	v11 =	vand.u32 $0xFFFF, v11;
	v3 =	vld.idx.msk [tilespmem:v3+s10+$0x0], $0xffff  }
0x7fe: {  	v4 =	vld.idx.msk [tilespmem:v4+s10+$0x0], $0xffff  }
0x7ff: {  	v5 =	vld.idx.msk [tilespmem:v5+s10+$0x0], $0xffff;
	[tilespmem:s18+$0xFFFFFF90] =	vst v14  }
0x800: {  	v6 =	vld.idx.msk [tilespmem:v6+s10+$0x0], $0xffff;
	[tilespmem:s18+$0x50] =	vst v16;
	s18 =	sadd.s32 $0x100, s18  }
0x801: {  	v10 =	vld.idx.msk [tilespmem:v10+s10+$0x0], $0xffff;
	[tilespmem:s18+$0x60] =	vst v9  }
0x802: {  	[tilespmem:s18+$0xFFFFFFA0] =	vst v2;
	v8 =	vld.idx.msk [tilespmem:v8+s10+$0x0], $0xffff  }
0x803: {  	v2 =	vld.idx.msk [tilespmem:v11+s10+$0x0], $0xffff;
	[tilespmem:s18+$0xFFFFFFC0] =	vst v3  }
.Ltmp29:
0x804: {  	v3 =	vld.idx.msk [tilespmem:v7+s10+$0x0], $0xffff;
	[tilespmem:s18+$0xFFFFFFE0] =	vst v4;
	(pc) =	sbr.rel @p0 .LBB2_60-.Ltmp29, $4  }
0x805: {  	v4 =	vld.idx.msk [tilespmem:v12+s10+$0x0], $0xffff;
	[tilespmem:s18+$0x0] =	vst v5  }
0x806: {  	v5 =	vld.idx.msk [tilespmem:v13+s10+$0x0], $0xffff;
	[tilespmem:s18+$0x20] =	vst v6  }
0x807: {  	v6 =	vld.idx.msk [tilespmem:v15+s10+$0x0], $0xffff;
	[tilespmem:s18+$0x40] =	vst v10  }
0x808: {  	s20 =	sadd.s32 $0x80, s20;
	v7 =	vld.idx.msk [tilespmem:v17+s10+$0x0], $0xffff;
	[tilespmem:s18+$0x70] =	vst v8  }
0x809: {  	_ =	sdelay $0x2  }
0x80a: {  	[tilespmem:s18+$0xFFFFFF80] =	vst v2  }
0x80b: {  	[tilespmem:s18+$0xFFFFFFB0] =	vst v3;
	v0 =	vld.idx.msk [tilespmem:v0+s10+$0x0], $0xffff  }
0x80c: {  	v1 =	vld.idx.msk [tilespmem:v1+s10+$0x0], $0xffff;
	[tilespmem:s18+$0xFFFFFFD0] =	vst v4  }
0x80d: {  	[tilespmem:s18+$0xFFFFFFF0] =	vst v5  }
0x80e: {  	[tilespmem:s18+$0x10] =	vst v6  }
0x80f: {  	[tilespmem:s18+$0x30] =	vst v7  }
0x810: {  	[tilespmem:s18+$0x50] =	vst v0  }
0x811: {  	[tilespmem:s18+$0xFFFFFF90] =	vst v1  }
0x812: {  	s18 =	sld [smem:$0x7EB]  }
0x813: {  	[hbm4b:s1+s6] =	stream.strided.scatter [tilespmem:s14], [sflag:$0x5], $0x8000, s7, s6, $0x38;
	[tilespmem:$0x1C000] =	vst v63  }
0x814: {  	_ = 	snop  }
0x815: {  	[tilespmem:s10], [sflag:$0x3] =	stream.strided.gather [hbm4b:s18+s6], $0x4000, s7, s6, $0x38;
	[tilespmem:$0x1C000] =	vst v63  }
0x816: {  	_ =	swait.ge [sflag:s11], $0x4000  }
0x817: {  	[sflag:s11] =	ssyncset.done $0x0  }
0x818: {  	[sflag:s11] =	ssyncadd.s32 $0xFFFFC000  }
0x819: {  	_ =	swait.ge [sflag:s15], $0x8000  }
0x81a: {  	[sflag:s15] =	ssyncset.done $0x0  }
0x81b: {  	s20 =	simm.s32 $0x40;
	[sflag:s15] =	ssyncadd.s32 $0xFFFF8000  }
0x81c: {  	v0 =	vld [tilespmem:s20+$0x30]  }
0x81d: {  	v1 =	vld [tilespmem:s20+$0xFFFFFFD0]  }
0x81e: {  	v2 =	vld [tilespmem:s20+$0xFFFFFFE0]  }
0x81f: {  	v3 =	vld [tilespmem:s20+$0xFFFFFFF0]  }
0x820: {  	v4 =	vld [tilespmem:s20+$0x0]  }
0x821: {  	v5 =	vld [tilespmem:s20+$0x10];
	v6 =	vand.u32 $0xFFFF, v0  }
0x822: {  	v8 =	vld [tilespmem:s20+$0x20];
	v7 =	vand.u32 $0xFFFF, v1  }
0x823: {  	v10 =	vld [tilespmem:s20+$0xFFFFFFC0];
	v9 =	vand.u32 $0xFFFF, v2  }
0x824: {  	v11 =	vand.u32 $0xFFFF, v3  }
0x825: {  	v12 =	vand.u32 $0xFFFF, v4  }
0x826: {  	v13 =	vand.u32 $0xFFFF, v5;
	v6 =	vld.idx.msk [tilespmem:v6+s8+$0x0], $0xffff  }
0x827: {  	v14 =	vand.u32 $0xFFFF, v8;
	v7 =	vld.idx.msk [tilespmem:v7+s8+$0x0], $0xffff  }
0x828: {  	v15 =	vand.u32 $0xFFFF, v10;
	v9 =	vld.idx.msk [tilespmem:v9+s8+$0x0], $0xffff  }
0x829: {  	v0 =	vshra.s32 v0, $0x10;
	v11 =	vld.idx.msk [tilespmem:v11+s8+$0x0], $0xffff  }
0x82a: {  	v1 =	vshra.s32 v1, $0x10;
	v12 =	vld.idx.msk [tilespmem:v12+s8+$0x0], $0xffff  }
0x82b: {  	s18 =	simm.s32 $0xC080;
	v16 =	vshra.s32 v2, $0x10;
	v13 =	vld.idx.msk [tilespmem:v13+s8+$0x0], $0xffff  }
0x82c: {  	v17 =	vshra.s32 v3, $0x10;
	v14 =	vld.idx.msk [tilespmem:v14+s8+$0x0], $0xffff;
	[tilespmem:s18+$0x60] =	vst v6  }
0x82d: {  	v2 =	vld.idx.msk [tilespmem:v15+s8+$0x0], $0xffff;
	v6 =	vshra.s32 v4, $0x10;
	[tilespmem:s18+$0xFFFFFFA0] =	vst v7  }
0x82e: {  	v7 =	vshra.s32 v5, $0x10;
	[tilespmem:s18+$0xFFFFFFC0] =	vst v9;
	v18 =	vld.idx.msk [tilespmem:v0+s8+$0x0], $0xffff  }
0x82f: {  	[tilespmem:s18+$0xFFFFFFE0] =	vst v11;
	v3 =	vld.idx.msk [tilespmem:v1+s8+$0x0], $0xffff  }
0x830: {  	[tilespmem:s18+$0x0] =	vst v12;
	v4 =	vld.idx.msk [tilespmem:v16+s8+$0x0], $0xffff  }
0x831: {  	[tilespmem:s18+$0x20] =	vst v13;
	v5 =	vld.idx.msk [tilespmem:v17+s8+$0x0], $0xffff  }
0x832: {  	[tilespmem:s18+$0x40] =	vst v14;
	v6 =	vld.idx.msk [tilespmem:v6+s8+$0x0], $0xffff  }
0x833: {  	s19 =	simm.s32 $0x0;
	s20 =	simm.s32 $0xC0;
	v0 =	vshra.s32 v8, $0x10;
	v1 =	vshra.s32 v10, $0x10;
	v7 =	vld.idx.msk [tilespmem:v7+s8+$0x0], $0xffff;
	[tilespmem:s18+$0x70] =	vst v18  }
.LBB2_62:
0x834: {  	v8 =	vld [tilespmem:s20+$0x30];
	s19 =	sadd.s32 $0x80, s19;
	[tilespmem:s18+$0xFFFFFF80] =	vst v2  }
0x835: {  	v2 =	vld [tilespmem:s20+$0xFFFFFFD0];
	p0 =	slt.u32 s19, $0x3F80;
	[tilespmem:s18+$0xFFFFFFB0] =	vst v3  }
0x836: {  	v3 =	vld [tilespmem:s20+$0xFFFFFFE0];
	[tilespmem:s18+$0xFFFFFFD0] =	vst v4  }
0x837: {  	v4 =	vld [tilespmem:s20+$0xFFFFFFF0];
	[tilespmem:s18+$0xFFFFFFF0] =	vst v5  }
0x838: {  	v5 =	vld [tilespmem:s20+$0x0];
	[tilespmem:s18+$0x10] =	vst v6  }
0x839: {  	v6 =	vld [tilespmem:s20+$0x10];
	v9 =	vand.u32 $0xFFFF, v8;
	[tilespmem:s18+$0x30] =	vst v7  }
0x83a: {  	v7 =	vshra.s32 v2, $0x10;
	v2 =	vand.u32 $0xFFFF, v2;
	v10 =	vld [tilespmem:s20+$0x20]  }
0x83b: {  	v11 =	vld [tilespmem:s20+$0xFFFFFFC0];
	v12 =	vshra.s32 v3, $0x10;
	v3 =	vand.u32 $0xFFFF, v3  }
0x83c: {  	v13 =	vshra.s32 v4, $0x10;
	v4 =	vand.u32 $0xFFFF, v4;
	v14 =	vld.idx.msk [tilespmem:v1+s8+$0x0], $0xffff  }
0x83d: {  	v15 =	vshra.s32 v5, $0x10;
	v5 =	vand.u32 $0xFFFF, v5;
	v16 =	vld.idx.msk [tilespmem:v0+s8+$0x0], $0xffff  }
0x83e: {  	v17 =	vshra.s32 v6, $0x10;
	v6 =	vand.u32 $0xFFFF, v6;
	v9 =	vld.idx.msk [tilespmem:v9+s8+$0x0], $0xffff  }
0x83f: {  	v2 =	vld.idx.msk [tilespmem:v2+s8+$0x0], $0xffff;
	v0 =	vshra.s32 v10, $0x10;
	v10 =	vand.u32 $0xFFFF, v10  }
0x840: {  	v8 =	vshra.s32 v8, $0x10;
	v1 =	vshra.s32 v11, $0x10;
	v11 =	vand.u32 $0xFFFF, v11;
	v3 =	vld.idx.msk [tilespmem:v3+s8+$0x0], $0xffff  }
0x841: {  	v4 =	vld.idx.msk [tilespmem:v4+s8+$0x0], $0xffff  }
0x842: {  	v5 =	vld.idx.msk [tilespmem:v5+s8+$0x0], $0xffff;
	[tilespmem:s18+$0xFFFFFF90] =	vst v14  }
0x843: {  	v6 =	vld.idx.msk [tilespmem:v6+s8+$0x0], $0xffff;
	[tilespmem:s18+$0x50] =	vst v16;
	s18 =	sadd.s32 $0x100, s18  }
0x844: {  	v10 =	vld.idx.msk [tilespmem:v10+s8+$0x0], $0xffff;
	[tilespmem:s18+$0x60] =	vst v9  }
0x845: {  	[tilespmem:s18+$0xFFFFFFA0] =	vst v2;
	v8 =	vld.idx.msk [tilespmem:v8+s8+$0x0], $0xffff  }
0x846: {  	v2 =	vld.idx.msk [tilespmem:v11+s8+$0x0], $0xffff;
	[tilespmem:s18+$0xFFFFFFC0] =	vst v3  }
.Ltmp30:
0x847: {  	v3 =	vld.idx.msk [tilespmem:v7+s8+$0x0], $0xffff;
	[tilespmem:s18+$0xFFFFFFE0] =	vst v4;
	(pc) =	sbr.rel @p0 .LBB2_62-.Ltmp30, $4  }
0x848: {  	v4 =	vld.idx.msk [tilespmem:v12+s8+$0x0], $0xffff;
	[tilespmem:s18+$0x0] =	vst v5  }
0x849: {  	v5 =	vld.idx.msk [tilespmem:v13+s8+$0x0], $0xffff;
	[tilespmem:s18+$0x20] =	vst v6  }
0x84a: {  	v6 =	vld.idx.msk [tilespmem:v15+s8+$0x0], $0xffff;
	[tilespmem:s18+$0x40] =	vst v10  }
0x84b: {  	s20 =	sadd.s32 $0x80, s20;
	v7 =	vld.idx.msk [tilespmem:v17+s8+$0x0], $0xffff;
	[tilespmem:s18+$0x70] =	vst v8  }
0x84c: {  	_ =	sdelay $0x2  }
0x84d: {  	[tilespmem:s18+$0xFFFFFF80] =	vst v2  }
0x84e: {  	[tilespmem:s18+$0xFFFFFFB0] =	vst v3;
	v0 =	vld.idx.msk [tilespmem:v0+s8+$0x0], $0xffff  }
0x84f: {  	v1 =	vld.idx.msk [tilespmem:v1+s8+$0x0], $0xffff;
	[tilespmem:s18+$0xFFFFFFD0] =	vst v4  }
0x850: {  	[tilespmem:s18+$0xFFFFFFF0] =	vst v5  }
0x851: {  	[tilespmem:s18+$0x10] =	vst v6  }
0x852: {  	[tilespmem:s18+$0x30] =	vst v7  }
0x853: {  	[tilespmem:s18+$0x50] =	vst v0  }
0x854: {  	[tilespmem:s18+$0xFFFFFF90] =	vst v1  }
0x855: {  	[hbm4b:s2+s6] =	stream.strided.scatter [tilespmem:s12], [sflag:$0x4], $0x8000, s7, s6, $0x38;
	[tilespmem:$0x1C000] =	vst v63  }
0x856: {  	_ =	swait.ge [sflag:s13], $0x4000  }
0x857: {  	[sflag:s13] =	ssyncset.done $0x0  }
0x858: {  	[sflag:s13] =	ssyncadd.s32 $0xFFFFC000  }
0x859: {  	_ =	swait.ge [sflag:s16], $0x8000  }
0x85a: {  	[sflag:s16] =	ssyncset.done $0x0  }
0x85b: {  	s20 =	simm.s32 $0x40;
	[sflag:s16] =	ssyncadd.s32 $0xFFFF8000  }
0x85c: {  	v0 =	vld [tilespmem:s20+$0x30]  }
0x85d: {  	v1 =	vld [tilespmem:s20+$0xFFFFFFD0]  }
0x85e: {  	v2 =	vld [tilespmem:s20+$0xFFFFFFE0]  }
0x85f: {  	v3 =	vld [tilespmem:s20+$0xFFFFFFF0]  }
0x860: {  	v4 =	vld [tilespmem:s20+$0x0]  }
0x861: {  	v5 =	vld [tilespmem:s20+$0x10];
	v6 =	vand.u32 $0xFFFF, v0  }
0x862: {  	v8 =	vld [tilespmem:s20+$0x20];
	v7 =	vand.u32 $0xFFFF, v1  }
0x863: {  	v10 =	vld [tilespmem:s20+$0xFFFFFFC0];
	v9 =	vand.u32 $0xFFFF, v2  }
0x864: {  	v11 =	vand.u32 $0xFFFF, v3  }
0x865: {  	v12 =	vand.u32 $0xFFFF, v4  }
0x866: {  	v13 =	vand.u32 $0xFFFF, v5;
	v6 =	vld.idx.msk [tilespmem:v6+s10+$0x0], $0xffff  }
0x867: {  	v14 =	vand.u32 $0xFFFF, v8;
	v7 =	vld.idx.msk [tilespmem:v7+s10+$0x0], $0xffff  }
0x868: {  	v15 =	vand.u32 $0xFFFF, v10;
	v9 =	vld.idx.msk [tilespmem:v9+s10+$0x0], $0xffff  }
0x869: {  	v0 =	vshra.s32 v0, $0x10;
	v11 =	vld.idx.msk [tilespmem:v11+s10+$0x0], $0xffff  }
0x86a: {  	v1 =	vshra.s32 v1, $0x10;
	v12 =	vld.idx.msk [tilespmem:v12+s10+$0x0], $0xffff  }
0x86b: {  	s18 =	simm.s32 $0x14080;
	v16 =	vshra.s32 v2, $0x10;
	v13 =	vld.idx.msk [tilespmem:v13+s10+$0x0], $0xffff  }
0x86c: {  	v17 =	vshra.s32 v3, $0x10;
	v14 =	vld.idx.msk [tilespmem:v14+s10+$0x0], $0xffff;
	[tilespmem:s18+$0x60] =	vst v6  }
0x86d: {  	v2 =	vld.idx.msk [tilespmem:v15+s10+$0x0], $0xffff;
	v6 =	vshra.s32 v4, $0x10;
	[tilespmem:s18+$0xFFFFFFA0] =	vst v7  }
0x86e: {  	v7 =	vshra.s32 v5, $0x10;
	[tilespmem:s18+$0xFFFFFFC0] =	vst v9;
	v18 =	vld.idx.msk [tilespmem:v0+s10+$0x0], $0xffff  }
0x86f: {  	[tilespmem:s18+$0xFFFFFFE0] =	vst v11;
	v3 =	vld.idx.msk [tilespmem:v1+s10+$0x0], $0xffff  }
0x870: {  	[tilespmem:s18+$0x0] =	vst v12;
	v4 =	vld.idx.msk [tilespmem:v16+s10+$0x0], $0xffff  }
0x871: {  	[tilespmem:s18+$0x20] =	vst v13;
	v5 =	vld.idx.msk [tilespmem:v17+s10+$0x0], $0xffff  }
0x872: {  	[tilespmem:s18+$0x40] =	vst v14;
	v6 =	vld.idx.msk [tilespmem:v6+s10+$0x0], $0xffff  }
0x873: {  	s19 =	simm.s32 $0x0;
	s20 =	simm.s32 $0xC0;
	v0 =	vshra.s32 v8, $0x10;
	v1 =	vshra.s32 v10, $0x10;
	v7 =	vld.idx.msk [tilespmem:v7+s10+$0x0], $0xffff;
	[tilespmem:s18+$0x70] =	vst v18  }
.LBB2_64:
0x874: {  	v8 =	vld [tilespmem:s20+$0x30];
	s19 =	sadd.s32 $0x80, s19;
	[tilespmem:s18+$0xFFFFFF80] =	vst v2  }
0x875: {  	v2 =	vld [tilespmem:s20+$0xFFFFFFD0];
	p0 =	slt.u32 s19, $0x1F80;
	[tilespmem:s18+$0xFFFFFFB0] =	vst v3  }
0x876: {  	v3 =	vld [tilespmem:s20+$0xFFFFFFE0];
	[tilespmem:s18+$0xFFFFFFD0] =	vst v4  }
0x877: {  	v4 =	vld [tilespmem:s20+$0xFFFFFFF0];
	[tilespmem:s18+$0xFFFFFFF0] =	vst v5  }
0x878: {  	v5 =	vld [tilespmem:s20+$0x0];
	[tilespmem:s18+$0x10] =	vst v6  }
0x879: {  	v6 =	vld [tilespmem:s20+$0x10];
	v9 =	vand.u32 $0xFFFF, v8;
	[tilespmem:s18+$0x30] =	vst v7  }
0x87a: {  	v7 =	vshra.s32 v2, $0x10;
	v2 =	vand.u32 $0xFFFF, v2;
	v10 =	vld [tilespmem:s20+$0x20]  }
0x87b: {  	v11 =	vld [tilespmem:s20+$0xFFFFFFC0];
	v12 =	vshra.s32 v3, $0x10;
	v3 =	vand.u32 $0xFFFF, v3  }
0x87c: {  	v13 =	vshra.s32 v4, $0x10;
	v4 =	vand.u32 $0xFFFF, v4;
	v14 =	vld.idx.msk [tilespmem:v1+s10+$0x0], $0xffff  }
0x87d: {  	v15 =	vshra.s32 v5, $0x10;
	v5 =	vand.u32 $0xFFFF, v5;
	v16 =	vld.idx.msk [tilespmem:v0+s10+$0x0], $0xffff  }
0x87e: {  	v17 =	vshra.s32 v6, $0x10;
	v6 =	vand.u32 $0xFFFF, v6;
	v9 =	vld.idx.msk [tilespmem:v9+s10+$0x0], $0xffff  }
0x87f: {  	v2 =	vld.idx.msk [tilespmem:v2+s10+$0x0], $0xffff;
	v0 =	vshra.s32 v10, $0x10;
	v10 =	vand.u32 $0xFFFF, v10  }
0x880: {  	v8 =	vshra.s32 v8, $0x10;
	v1 =	vshra.s32 v11, $0x10;
	v11 =	vand.u32 $0xFFFF, v11;
	v3 =	vld.idx.msk [tilespmem:v3+s10+$0x0], $0xffff  }
0x881: {  	v4 =	vld.idx.msk [tilespmem:v4+s10+$0x0], $0xffff  }
0x882: {  	v5 =	vld.idx.msk [tilespmem:v5+s10+$0x0], $0xffff;
	[tilespmem:s18+$0xFFFFFF90] =	vst v14  }
0x883: {  	v6 =	vld.idx.msk [tilespmem:v6+s10+$0x0], $0xffff;
	[tilespmem:s18+$0x50] =	vst v16;
	s18 =	sadd.s32 $0x100, s18  }
0x884: {  	v10 =	vld.idx.msk [tilespmem:v10+s10+$0x0], $0xffff;
	[tilespmem:s18+$0x60] =	vst v9  }
0x885: {  	[tilespmem:s18+$0xFFFFFFA0] =	vst v2;
	v8 =	vld.idx.msk [tilespmem:v8+s10+$0x0], $0xffff  }
0x886: {  	v2 =	vld.idx.msk [tilespmem:v11+s10+$0x0], $0xffff;
	[tilespmem:s18+$0xFFFFFFC0] =	vst v3  }
.Ltmp31:
0x887: {  	v3 =	vld.idx.msk [tilespmem:v7+s10+$0x0], $0xffff;
	[tilespmem:s18+$0xFFFFFFE0] =	vst v4;
	(pc) =	sbr.rel @p0 .LBB2_64-.Ltmp31, $4  }
0x888: {  	v4 =	vld.idx.msk [tilespmem:v12+s10+$0x0], $0xffff;
	[tilespmem:s18+$0x0] =	vst v5  }
0x889: {  	v5 =	vld.idx.msk [tilespmem:v13+s10+$0x0], $0xffff;
	[tilespmem:s18+$0x20] =	vst v6  }
0x88a: {  	v6 =	vld.idx.msk [tilespmem:v15+s10+$0x0], $0xffff;
	[tilespmem:s18+$0x40] =	vst v10  }
0x88b: {  	s20 =	sadd.s32 $0x80, s20;
	v7 =	vld.idx.msk [tilespmem:v17+s10+$0x0], $0xffff;
	[tilespmem:s18+$0x70] =	vst v8  }
0x88c: {  	_ =	sdelay $0x2  }
0x88d: {  	[tilespmem:s18+$0xFFFFFF80] =	vst v2  }
0x88e: {  	[tilespmem:s18+$0xFFFFFFB0] =	vst v3;
	v0 =	vld.idx.msk [tilespmem:v0+s10+$0x0], $0xffff  }
0x88f: {  	v1 =	vld.idx.msk [tilespmem:v1+s10+$0x0], $0xffff;
	[tilespmem:s18+$0xFFFFFFD0] =	vst v4  }
0x890: {  	[tilespmem:s18+$0xFFFFFFF0] =	vst v5  }
0x891: {  	[tilespmem:s18+$0x10] =	vst v6  }
0x892: {  	[tilespmem:s18+$0x30] =	vst v7  }
0x893: {  	[tilespmem:s18+$0x50] =	vst v0  }
0x894: {  	s20 =	simm.s32 $0x2070;
	[tilespmem:s18+$0xFFFFFF90] =	vst v1  }
0x895: {  	[hbm4b:s3+s6] =	stream.strided.scatter [tilespmem:s14], [sflag:$0x5], $0x4000, s7, s6, $0x38;
	[tilespmem:$0x1C000] =	vst v63  }
0x896: {  	v0 =	vld [tilespmem:s20+$0x0]  }
0x897: {  	v1 =	vld [tilespmem:s20+$0xFFFFFFA0]  }
0x898: {  	v2 =	vld [tilespmem:s20+$0xFFFFFFB0]  }
0x899: {  	v3 =	vld [tilespmem:s20+$0xFFFFFFC0]  }
0x89a: {  	v4 =	vld [tilespmem:s20+$0xFFFFFFD0]  }
0x89b: {  	v5 =	vld [tilespmem:s20+$0xFFFFFFE0];
	v6 =	vand.u32 $0xFFFF, v0  }
0x89c: {  	v8 =	vld [tilespmem:s20+$0xFFFFFFF0];
	v7 =	vand.u32 $0xFFFF, v1  }
0x89d: {  	v10 =	vld [tilespmem:s20+$0xFFFFFF90];
	v9 =	vand.u32 $0xFFFF, v2  }
0x89e: {  	v11 =	vand.u32 $0xFFFF, v3  }
0x89f: {  	v12 =	vand.u32 $0xFFFF, v4  }
0x8a0: {  	v13 =	vand.u32 $0xFFFF, v5;
	v6 =	vld.idx.msk [tilespmem:v6+s10+$0x0], $0xffff  }
0x8a1: {  	v14 =	vand.u32 $0xFFFF, v8;
	v7 =	vld.idx.msk [tilespmem:v7+s10+$0x0], $0xffff  }
0x8a2: {  	v15 =	vand.u32 $0xFFFF, v10;
	v9 =	vld.idx.msk [tilespmem:v9+s10+$0x0], $0xffff  }
0x8a3: {  	v0 =	vshra.s32 v0, $0x10;
	v11 =	vld.idx.msk [tilespmem:v11+s10+$0x0], $0xffff  }
0x8a4: {  	v1 =	vshra.s32 v1, $0x10;
	v12 =	vld.idx.msk [tilespmem:v12+s10+$0x0], $0xffff  }
0x8a5: {  	s18 =	simm.s32 $0x18000;
	v16 =	vshra.s32 v2, $0x10;
	v13 =	vld.idx.msk [tilespmem:v13+s10+$0x0], $0xffff  }
0x8a6: {  	v17 =	vshra.s32 v3, $0x10;
	v14 =	vld.idx.msk [tilespmem:v14+s10+$0x0], $0xffff;
	[tilespmem:s18+$0xE0] =	vst v6  }
0x8a7: {  	v2 =	vld.idx.msk [tilespmem:v15+s10+$0x0], $0xffff;
	v6 =	vshra.s32 v4, $0x10;
	[tilespmem:s18+$0x20] =	vst v7  }
0x8a8: {  	v7 =	vshra.s32 v5, $0x10;
	[tilespmem:s18+$0x40] =	vst v9;
	v18 =	vld.idx.msk [tilespmem:v0+s10+$0x0], $0xffff  }
0x8a9: {  	[tilespmem:s18+$0x60] =	vst v11;
	v3 =	vld.idx.msk [tilespmem:v1+s10+$0x0], $0xffff  }
0x8aa: {  	[tilespmem:s18+$0x80] =	vst v12;
	v4 =	vld.idx.msk [tilespmem:v16+s10+$0x0], $0xffff  }
0x8ab: {  	[tilespmem:s18+$0xA0] =	vst v13;
	v5 =	vld.idx.msk [tilespmem:v17+s10+$0x0], $0xffff  }
0x8ac: {  	[tilespmem:s18+$0xC0] =	vst v14;
	v6 =	vld.idx.msk [tilespmem:v6+s10+$0x0], $0xffff  }
0x8ad: {  	s19 =	simm.s32 $0x2000;
	s20 =	simm.s32 $0x20F0;
	v0 =	vshra.s32 v8, $0x10;
	v1 =	vshra.s32 v10, $0x10;
	v7 =	vld.idx.msk [tilespmem:v7+s10+$0x0], $0xffff;
	[tilespmem:s18+$0xF0] =	vst v18  }
.LBB2_66:
0x8ae: {  	v8 =	vld [tilespmem:s20+$0x0];
	s19 =	sadd.s32 $0x80, s19;
	[tilespmem:s18+$0x0] =	vst v2  }
0x8af: {  	v2 =	vld [tilespmem:s20+$0xFFFFFFA0];
	p0 =	slt.u32 s19, $0x3F80;
	[tilespmem:s18+$0x30] =	vst v3  }
0x8b0: {  	v3 =	vld [tilespmem:s20+$0xFFFFFFB0];
	[tilespmem:s18+$0x50] =	vst v4  }
0x8b1: {  	v4 =	vld [tilespmem:s20+$0xFFFFFFC0];
	[tilespmem:s18+$0x70] =	vst v5  }
0x8b2: {  	v5 =	vld [tilespmem:s20+$0xFFFFFFD0];
	[tilespmem:s18+$0x90] =	vst v6  }
0x8b3: {  	v6 =	vld [tilespmem:s20+$0xFFFFFFE0];
	v9 =	vand.u32 $0xFFFF, v8;
	[tilespmem:s18+$0xB0] =	vst v7  }
0x8b4: {  	v7 =	vshra.s32 v2, $0x10;
	v2 =	vand.u32 $0xFFFF, v2;
	v10 =	vld [tilespmem:s20+$0xFFFFFFF0]  }
0x8b5: {  	v11 =	vld [tilespmem:s20+$0xFFFFFF90];
	v12 =	vshra.s32 v3, $0x10;
	v3 =	vand.u32 $0xFFFF, v3  }
0x8b6: {  	v13 =	vshra.s32 v4, $0x10;
	v4 =	vand.u32 $0xFFFF, v4;
	v14 =	vld.idx.msk [tilespmem:v1+s10+$0x0], $0xffff  }
0x8b7: {  	v15 =	vshra.s32 v5, $0x10;
	v5 =	vand.u32 $0xFFFF, v5;
	v16 =	vld.idx.msk [tilespmem:v0+s10+$0x0], $0xffff  }
0x8b8: {  	v17 =	vshra.s32 v6, $0x10;
	v6 =	vand.u32 $0xFFFF, v6;
	v9 =	vld.idx.msk [tilespmem:v9+s10+$0x0], $0xffff  }
0x8b9: {  	v2 =	vld.idx.msk [tilespmem:v2+s10+$0x0], $0xffff;
	v0 =	vshra.s32 v10, $0x10;
	v10 =	vand.u32 $0xFFFF, v10  }
0x8ba: {  	v8 =	vshra.s32 v8, $0x10;
	v1 =	vshra.s32 v11, $0x10;
	v11 =	vand.u32 $0xFFFF, v11;
	v3 =	vld.idx.msk [tilespmem:v3+s10+$0x0], $0xffff  }
0x8bb: {  	v4 =	vld.idx.msk [tilespmem:v4+s10+$0x0], $0xffff  }
0x8bc: {  	v5 =	vld.idx.msk [tilespmem:v5+s10+$0x0], $0xffff;
	[tilespmem:s18+$0x10] =	vst v14  }
0x8bd: {  	v6 =	vld.idx.msk [tilespmem:v6+s10+$0x0], $0xffff;
	[tilespmem:s18+$0xD0] =	vst v16;
	s18 =	sadd.s32 $0x100, s18  }
0x8be: {  	v10 =	vld.idx.msk [tilespmem:v10+s10+$0x0], $0xffff;
	[tilespmem:s18+$0xE0] =	vst v9  }
0x8bf: {  	[tilespmem:s18+$0x20] =	vst v2;
	v8 =	vld.idx.msk [tilespmem:v8+s10+$0x0], $0xffff  }
0x8c0: {  	v2 =	vld.idx.msk [tilespmem:v11+s10+$0x0], $0xffff;
	[tilespmem:s18+$0x40] =	vst v3  }
.Ltmp32:
0x8c1: {  	v3 =	vld.idx.msk [tilespmem:v7+s10+$0x0], $0xffff;
	[tilespmem:s18+$0x60] =	vst v4;
	(pc) =	sbr.rel @p0 .LBB2_66-.Ltmp32, $4  }
0x8c2: {  	v4 =	vld.idx.msk [tilespmem:v12+s10+$0x0], $0xffff;
	[tilespmem:s18+$0x80] =	vst v5  }
0x8c3: {  	v5 =	vld.idx.msk [tilespmem:v13+s10+$0x0], $0xffff;
	[tilespmem:s18+$0xA0] =	vst v6  }
0x8c4: {  	v6 =	vld.idx.msk [tilespmem:v15+s10+$0x0], $0xffff;
	[tilespmem:s18+$0xC0] =	vst v10  }
0x8c5: {  	s20 =	sadd.s32 $0x80, s20;
	v7 =	vld.idx.msk [tilespmem:v17+s10+$0x0], $0xffff;
	[tilespmem:s18+$0xF0] =	vst v8  }
0x8c6: {  	_ =	sdelay $0x2  }
0x8c7: {  	[tilespmem:s18+$0x0] =	vst v2  }
0x8c8: {  	[tilespmem:s18+$0x30] =	vst v3;
	v0 =	vld.idx.msk [tilespmem:v0+s10+$0x0], $0xffff  }
0x8c9: {  	v1 =	vld.idx.msk [tilespmem:v1+s10+$0x0], $0xffff;
	[tilespmem:s18+$0x50] =	vst v4  }
0x8ca: {  	[tilespmem:s18+$0x70] =	vst v5  }
0x8cb: {  	[tilespmem:s18+$0x90] =	vst v6  }
0x8cc: {  	[tilespmem:s18+$0xB0] =	vst v7  }
0x8cd: {  	[tilespmem:s18+$0xD0] =	vst v0  }
0x8ce: {  	s20 =	simm.s32 $0x18000;
	[tilespmem:s18+$0x10] =	vst v1  }
0x8cf: {  	[hbm4b:s5+s6] =	stream.strided.scatter [tilespmem:s20], [sflag:$0x5], $0x4000, s7, s6, $0x38;
	[tilespmem:$0x1C000] =	vst v63  }
0x8d0: {  	_ =	swait.ge [sflag:s15], $0x8000  }
0x8d1: {  	[sflag:s15] =	ssyncset.done $0x0  }
0x8d2: {  	s17 =	sadd.s32 $0x1, s17;
	[sflag:s15] =	ssyncadd.s32 $0xFFFF8000  }
0x8d3: {  	p0 =	sne.s32 s17, s4;
	_ =	swait.ge [sflag:s16], $0x4000  }
.Ltmp33:
0x8d4: {  	[sflag:s16] =	ssyncset.done $0x0;
	(pc) =	sbr.rel @p0 .LBB2_1-.Ltmp33, $4  }
0x8d5: {  	[sflag:s16] =	ssyncadd.s32 $0xFFFFC000  }
0x8d6: {  	_ =	swait.ge [sflag:s16], $0x4000  }
0x8d7: {  	[sflag:s16] =	ssyncset.done $0x0  }
0x8d8: {  	[sflag:s16] =	ssyncadd.s32 $0xFFFFC000  }
0x8d9: {  	_ =	sfence.sel $0x180000  }
0x8da: {  	[bflag:$0x0] =	sbarrier.arrive $0xFFFF  }
0x8db: {  	_ =	strace $0x90000047  }
0x8dc: {  	s0 =	stileid.u32;
	[bflag:$0x2] =	sbarrier.arrive $0xFFFF  }
0x8dd: {  	p0 =	sne.s32 s0, $0x0;
	s0 =	rddreg [dreg:$0x3]  }
0x8de: {  	s0 =	sadd.s32 @!p0 $0x100000, s0  }
0x8df: {  	[sflag:s0] =	ssyncadd.tile.s32 @!p0 $0x1;
	_ =	shalt  }
.Lfunc_end2:
_tile_overlayer_lowered:
.L_overlay_start_2:
0x8e0: {  	(tag) =	ssettag $0x2  }
0x8e1: {  	s0 =	rddreg [dreg:$0x0];
	s2 =	stileid.u32  }
0x8e2: {  	s1 =	rddreg [dreg:$0x1];
	p0 =	sne.s32 s2, $0x0  }
0x8e3: {  	s3 =	rddreg [dreg:$0x2];
	[bflag:$0x3] =	sbarrier.arrive $0xFFFF;
	s2 =	simm.s32 @!p0 $0x1C06  }
0x8e4: {  	[timem:s3], [sflag:s2] =	dma.local @!p0 [hbm:s0], s1  }
0x8e5: {  	s0 =	simm.s32 @!p0 $0x6  }
0x8e6: {  	_ =	swait.ge @!p0 [sflag:s0], s1  }
0x8e7: {  	s1 =	ssub.s32 @!p0 $0x0, s1;
	[sflag:s0] =	ssyncset.done @!p0 $0x0  }
0x8e8: {  	[sflag:s0] =	ssyncadd.s32 @!p0 s1  }
0x8e9: {  	[bflag:$0x3] =	sbarrier.arrive $0xFFFF  }
0x8ea: {  	_ =	shalt  }

</sc_bundles>
